<compile_context>
chip_gen: v7x
topology: tpu7x:2x2x1
jax: 0.10.2.dev20260603
libtpu: 0.0.44.dev20260713+nightly
codegen_flags: <defaults>
</compile_context>

<pallas_src>
import jax
import jax.numpy as jnp
from jax import lax
from jax.experimental import pallas as pl
from jax.experimental.pallas import tpu as pltpu
from jax.experimental.pallas import tpu_sc as plsc

N_NODES = 10000
N_EDGES = 320000
D_NODE = 128
D_EDGE = 16

NC = 2
NS = 16
NW = NC * NS
EPAD = 327680
NCHUNK = 2
HALF = EPAD // NCHUNK
EPWH = HALF // NW
NPAD = 10112
KB = 10
BLK = KB * 128
RPT = NPAD // NS
EBLK = 8192



def _node_proj_body(x_ref, w_ref, ps_ref, pd_ref):
    p = jnp.dot(x_ref[...], w_ref[...], preferred_element_type=jnp.float32)
    ps_ref[...] = p[:, :D_EDGE]
    pd_ref[...] = p[:, D_EDGE:]


def _node_proj(x_pad, w_sd):
    return pl.pallas_call(
        _node_proj_body,
        out_shape=(
            jax.ShapeDtypeStruct((NPAD, D_EDGE), jnp.float32),
            jax.ShapeDtypeStruct((NPAD, D_EDGE), jnp.float32),
        ),
    )(x_pad, w_sd)


def _edge_proj_packed_body(a_ref, w_ref, b_ref, o_ref):
    o_ref[...] = (
        jnp.dot(a_ref[...], w_ref[...], preferred_element_type=jnp.float32)
        + b_ref[...]
    )


def _edge_proj_packed(a_p, w_blk, b_tiled):
    rows = a_p.shape[0]
    return pl.pallas_call(
        _edge_proj_packed_body,
        grid=(rows // (EBLK // 8),),
        in_specs=[
            pl.BlockSpec((EBLK // 8, 128), lambda i: (i, 0)),
            pl.BlockSpec((128, 128), lambda i: (0, 0)),
            pl.BlockSpec((1, 128), lambda i: (0, 0)),
        ],
        out_specs=pl.BlockSpec((EBLK // 8, 128), lambda i: (i, 0)),
        out_shape=jax.ShapeDtypeStruct((rows, 128), jnp.float32),
    )(a_p, w_blk, b_tiled.reshape(1, 128))


def _layer1_prep_body(*refs):
    agg_refs = refs[:NCHUNK]
    x_ref, wnx_ref, wna_ref, bn_ref, wsd_ref, ps_ref, pd_ref = refs[NCHUNK:]
    agg = sum(r[0] + r[1] for r in agg_refs)
    x1 = jnp.maximum(
        jnp.dot(x_ref[...], wnx_ref[...], preferred_element_type=jnp.float32)
        + jnp.dot(agg, wna_ref[...], preferred_element_type=jnp.float32)
        + bn_ref[...],
        0.0,
    )
    p = jnp.dot(x1, wsd_ref[...], preferred_element_type=jnp.float32)
    ps_ref[...] = p[:, :D_EDGE]
    pd_ref[...] = p[:, D_EDGE:]


def _layer1_prep(agg2s, x_pad, wnx, wna, bn, w_sd):
    return pl.pallas_call(
        _layer1_prep_body,
        out_shape=(
            jax.ShapeDtypeStruct((NPAD, D_EDGE), jnp.float32),
            jax.ShapeDtypeStruct((NPAD, D_EDGE), jnp.float32),
        ),
    )(*agg2s, x_pad, wnx, wna, bn.reshape(1, D_NODE), w_sd)


def _mlp_body(e_ref, m0_ref, b0_ref, m1_ref, b1_ref, m2_ref, b2_ref, o_ref):
    h = jnp.maximum(
        jnp.dot(e_ref[...], m0_ref[...], preferred_element_type=jnp.float32)
        + b0_ref[...], 0.0)
    h = jnp.maximum(
        jnp.dot(h, m1_ref[...], preferred_element_type=jnp.float32)
        + b1_ref[...], 0.0)
    o_ref[...] = (
        jnp.dot(h, m2_ref[...], preferred_element_type=jnp.float32)
        + b2_ref[...]
    )


def _mlp_head(e2_p, m0_blk, b0_t, m1_blk, b1_t, m2_blk, b2_t):
    rows = e2_p.shape[0]
    return pl.pallas_call(
        _mlp_body,
        grid=(rows // (EBLK // 8),),
        in_specs=[
            pl.BlockSpec((EBLK // 8, 128), lambda i: (i, 0)),
            pl.BlockSpec((128, 128), lambda i: (0, 0)),
            pl.BlockSpec((1, 128), lambda i: (0, 0)),
            pl.BlockSpec((128, 128), lambda i: (0, 0)),
            pl.BlockSpec((1, 128), lambda i: (0, 0)),
            pl.BlockSpec((128, 8), lambda i: (0, 0)),
            pl.BlockSpec((1, 8), lambda i: (0, 0)),
        ],
        out_specs=pl.BlockSpec((EBLK // 8, 8), lambda i: (i, 0)),
        out_shape=jax.ShapeDtypeStruct((rows, 8), jnp.float32),
    )(e2_p, m0_blk, b0_t.reshape(1, 128), m1_blk, b1_t.reshape(1, 128),
      m2_blk, b2_t.reshape(1, 8))



_MESH = plsc.VectorSubcoreMesh(core_axis_name="c", subcore_axis_name="s")


def _edge_sweep(wid, src_hbm, dst_hbm, ps_sh, pd_sh, ea_hbm, out_hbm,
                idx_s, idx_d, rows_s, rows_d, acc, sem, agg_sh=None):
    idx_row0 = wid * (EPWH // 128)

    def _step(t, carry):
        r0 = idx_row0 + t * KB
        pltpu.sync_copy(src_hbm.at[pl.ds(r0, KB)], idx_s)
        pltpu.sync_copy(dst_hbm.at[pl.ds(r0, KB)], idx_d)
        cps = []
        for j in range(KB):
            cps.append(pltpu.async_copy(
                ps_sh.at[idx_s.at[j]], rows_s.at[pl.ds(j * 128, 128)], sem))
            cps.append(pltpu.async_copy(
                pd_sh.at[idx_d.at[j]], rows_d.at[pl.ds(j * 128, 128)], sem))
        ebase = wid * EPWH + t * BLK
        pltpu.sync_copy(ea_hbm.at[pl.ds(ebase, BLK)], acc)
        for c in cps:
            c.wait()

        def _compute(i, carry2):
            acc[i] = jnp.maximum(acc[i] + rows_s[i] + rows_d[i], 0.0)
            return carry2
        lax.fori_loop(0, BLK, _compute, 0, unroll=4)

        pltpu.sync_copy(acc, out_hbm.at[pl.ds(ebase, BLK)])
        if agg_sh is not None:
            sts = [pltpu.async_copy(acc.at[pl.ds(j * 128, 128)],
                                    agg_sh.at[idx_d.at[j]], sem, add=True)
                   for j in range(KB)]
            for d in sts:
                d.wait()
        return carry
    lax.fori_loop(0, EPWH // BLK, _step, 0)


def _sc_phase1_body(src_hbm, dst_hbm, ps_hbm, pd_hbm, ea_hbm,
                    e1_hbm, agg2_hbm,
                    idx_s, idx_d, rows_s, rows_d, acc,
                    ps_sh, pd_sh, agg_sh, sem):
    cid = lax.axis_index("c")
    sid = lax.axis_index("s")
    wid = sid * NC + cid

    pltpu.sync_copy(ps_hbm.at[pl.ds(sid * RPT, RPT)],
                    ps_sh.at[pl.ds(sid * RPT, RPT)])
    pltpu.sync_copy(pd_hbm.at[pl.ds(sid * RPT, RPT)],
                    pd_sh.at[pl.ds(sid * RPT, RPT)])
    def _zero(i, carry):
        acc[i] = jnp.zeros((16,), jnp.float32)
        return carry
    lax.fori_loop(0, RPT, _zero, 0, unroll=4)
    pltpu.sync_copy(acc.at[pl.ds(0, RPT)], agg_sh.at[pl.ds(sid * RPT, RPT)])
    plsc.subcore_barrier()

    _edge_sweep(wid, src_hbm, dst_hbm, ps_sh, pd_sh, ea_hbm, e1_hbm,
                idx_s, idx_d, rows_s, rows_d, acc, sem, agg_sh=agg_sh)

    plsc.subcore_barrier()
    pltpu.sync_copy(agg_sh.at[pl.ds(sid * RPT, RPT)], acc.at[pl.ds(0, RPT)])
    pltpu.sync_copy(acc.at[pl.ds(0, RPT)],
                    agg2_hbm.at[cid, pl.ds(sid * RPT, RPT)])


_sc_phase1 = pl.kernel(
    _sc_phase1_body,
    out_type=(
        jax.ShapeDtypeStruct((HALF, D_EDGE), jnp.float32),
        jax.ShapeDtypeStruct((NC, NPAD, D_EDGE), jnp.float32),
    ),
    mesh=_MESH,
    scratch_types=[
        pltpu.VMEM((KB, 128), jnp.int32),
        pltpu.VMEM((KB, 128), jnp.int32),
        pltpu.VMEM((BLK, D_EDGE), jnp.float32),
        pltpu.VMEM((BLK, D_EDGE), jnp.float32),
        pltpu.VMEM((BLK, D_EDGE), jnp.float32),
        pltpu.VMEM_SHARED((NPAD, D_EDGE), jnp.float32),
        pltpu.VMEM_SHARED((NPAD, D_EDGE), jnp.float32),
        pltpu.VMEM_SHARED((NPAD, D_EDGE), jnp.float32),
        pltpu.SemaphoreType.DMA,
    ],
    compiler_params=pltpu.CompilerParams(use_tc_tiling_on_sc=False),
)


def _sc_phase2_body(src_hbm, dst_hbm, ps_hbm, pd_hbm, ee_hbm, e2_hbm,
                    idx_s, idx_d, rows_s, rows_d, acc, ps_sh, pd_sh, sem):
    cid = lax.axis_index("c")
    sid = lax.axis_index("s")
    wid = sid * NC + cid
    pltpu.sync_copy(ps_hbm.at[pl.ds(sid * RPT, RPT)],
                    ps_sh.at[pl.ds(sid * RPT, RPT)])
    pltpu.sync_copy(pd_hbm.at[pl.ds(sid * RPT, RPT)],
                    pd_sh.at[pl.ds(sid * RPT, RPT)])
    plsc.subcore_barrier()

    _edge_sweep(wid, src_hbm, dst_hbm, ps_sh, pd_sh, ee_hbm, e2_hbm,
                idx_s, idx_d, rows_s, rows_d, acc, sem)


_sc_phase2 = pl.kernel(
    _sc_phase2_body,
    out_type=jax.ShapeDtypeStruct((HALF, D_EDGE), jnp.float32),
    mesh=_MESH,
    scratch_types=[
        pltpu.VMEM((KB, 128), jnp.int32),
        pltpu.VMEM((KB, 128), jnp.int32),
        pltpu.VMEM((BLK, D_EDGE), jnp.float32),
        pltpu.VMEM((BLK, D_EDGE), jnp.float32),
        pltpu.VMEM((BLK, D_EDGE), jnp.float32),
        pltpu.VMEM_SHARED((NPAD, D_EDGE), jnp.float32),
        pltpu.VMEM_SHARED((NPAD, D_EDGE), jnp.float32),
        pltpu.SemaphoreType.DMA,
    ],
    compiler_params=pltpu.CompilerParams(use_tc_tiling_on_sc=False),
)



@jax.jit
def kernel(edge_index, x, edge_attr,
           We0, be0, Wn0, bn0, We1, be1, Wn1, bn1,
           M0, bm0, M1, bm1, M2, bm2):
    x = x.astype(jnp.float32)
    pad_e = EPAD - N_EDGES
    src = jnp.concatenate(
        [edge_index[0], jnp.full((pad_e,), N_NODES, jnp.int32)]
    ).reshape(EPAD // 128, 128)
    dst = jnp.concatenate(
        [edge_index[1], jnp.full((pad_e,), N_NODES, jnp.int32)]
    ).reshape(EPAD // 128, 128)
    hr = HALF // 128
    srch = tuple(src[k * hr:(k + 1) * hr] for k in range(NCHUNK))
    dsth = tuple(dst[k * hr:(k + 1) * hr] for k in range(NCHUNK))
    x_pad = jnp.pad(x, ((0, NPAD - N_NODES), (0, 0)))
    ea_ph = tuple(
        edge_attr[k * HALF:(k + 1) * HALF].reshape(HALF // 8, 128)
        if (k + 1) * HALF <= N_EDGES else
        jnp.pad(edge_attr[k * HALF:].reshape((N_EDGES - k * HALF) // 8, 128),
                ((0, ((k + 1) * HALF - N_EDGES) // 8), (0, 0)))
        for k in range(NCHUNK)
    )

    w0sd = jnp.concatenate([We0[:D_NODE], We0[D_NODE:2 * D_NODE]], axis=1)
    w1sd = jnp.concatenate([We1[:D_NODE], We1[D_NODE:2 * D_NODE]], axis=1)
    eye8 = jnp.eye(8, dtype=jnp.float32)
    w0e = jnp.kron(eye8, We0[2 * D_NODE:])
    b0e = jnp.tile(be0, 8)
    w1e = jnp.kron(eye8, We1[2 * D_NODE:])
    b1e = jnp.tile(be1, 8)

    km0 = jnp.kron(eye8, M0)
    km1 = jnp.kron(eye8, M1)
    km2 = jnp.kron(eye8, M2)
    bt0 = jnp.tile(bm0, 8)
    bt1 = jnp.tile(bm1, 8)
    bt2 = jnp.tile(bm2, 8)

    p0s, p0d = _node_proj(x_pad, w0sd)
    ea0_h = [_edge_proj_packed(ea_ph[k], w0e, b0e) for k in range(NCHUNK)]
    e1_h = [None] * NCHUNK
    agg2_h = [None] * NCHUNK
    for k in range(NCHUNK):
        e1_h[k], agg2_h[k] = _sc_phase1(
            srch[k], dsth[k], p0s, p0d, ea0_h[k].reshape(HALF, D_EDGE))
    p1s, p1d = _layer1_prep(agg2_h, x_pad,
                            Wn0[:D_NODE], Wn0[D_NODE:], bn0, w1sd)
    ee1_h = [_edge_proj_packed(e1_h[k].reshape(HALF // 8, 128), w1e, b1e)
             for k in range(NCHUNK)]
    out_h = []
    for k in range(NCHUNK):
        e2 = _sc_phase2(srch[k], dsth[k], p1s, p1d,
                        ee1_h[k].reshape(HALF, D_EDGE))
        out_h.append(_mlp_head(e2.reshape(HALF // 8, 128),
                               km0, bt0, km1, bt1, km2, bt2))
    out = jnp.concatenate(out_h, axis=0)
    return out.reshape(EPAD)[:N_EDGES]

# --- scband reference (transcript-rebuilt; emitter-appended) ---
"""Pipeline reference for scband-disc-edge-15573551415682 (READ-ONLY COPY).

The authoritative reference and input builder live on the scoring server;
editing this copy changes nothing except your own understanding.
"""

import jax, jax.numpy as jnp
import numpy as np

N_NODES = 10000
N_EDGES = 320000
D_NODE = 128
D_EDGE = 16


def setup_inputs(seed: int = 0) -> dict:
    key = jax.random.key(seed)
    ks = jax.random.split(key, 20)
    x = jax.random.normal(ks[0], (N_NODES, D_NODE), dtype=jnp.float32)
    edge_index = jax.random.randint(ks[1], (2, N_EDGES), 0, N_NODES, dtype=jnp.int32)
    edge_attr = jax.random.normal(ks[2], (N_EDGES, D_EDGE), dtype=jnp.float32)
    # GNN layer 0: edge MLP [2*D_NODE + D_EDGE -> D_EDGE], node MLP [D_NODE + D_EDGE -> D_NODE]
    We0 = jax.random.normal(ks[3], (2 * D_NODE + D_EDGE, D_EDGE), dtype=jnp.float32) * 0.05
    be0 = jnp.zeros((D_EDGE,), dtype=jnp.float32)
    Wn0 = jax.random.normal(ks[4], (D_NODE + D_EDGE, D_NODE), dtype=jnp.float32) * 0.05
    bn0 = jnp.zeros((D_NODE,), dtype=jnp.float32)
    # GNN layer 1
    We1 = jax.random.normal(ks[5], (2 * D_NODE + D_EDGE, D_EDGE), dtype=jnp.float32) * 0.05
    be1 = jnp.zeros((D_EDGE,), dtype=jnp.float32)
    Wn1 = jax.random.normal(ks[6], (D_NODE + D_EDGE, D_NODE), dtype=jnp.float32) * 0.05
    bn1 = jnp.zeros((D_NODE,), dtype=jnp.float32)
    # final mlp_sn(D_EDGE, 1, [D_EDGE, D_EDGE])
    M0 = jax.random.normal(ks[7], (D_EDGE, D_EDGE), dtype=jnp.float32) * 0.1
    bm0 = jnp.zeros((D_EDGE,), dtype=jnp.float32)
    M1 = jax.random.normal(ks[8], (D_EDGE, D_EDGE), dtype=jnp.float32) * 0.1
    bm1 = jnp.zeros((D_EDGE,), dtype=jnp.float32)
    M2 = jax.random.normal(ks[9], (D_EDGE, 1), dtype=jnp.float32) * 0.1
    bm2 = jnp.zeros((1,), dtype=jnp.float32)
    return {
        "edge_index": edge_index, "x": x, "edge_attr": edge_attr,
        "We0": We0, "be0": be0, "Wn0": Wn0, "bn0": bn0,
        "We1": We1, "be1": be1, "Wn1": Wn1, "bn1": bn1,
        "M0": M0, "bm0": bm0, "M1": M1, "bm1": bm1, "M2": M2, "bm2": bm2,
    }


def _gnn_layer(edge_index, x, edge_attr, We, be, Wn, bn):
    src = edge_index[0]
    dst = edge_index[1]
    # edge update: message from concat(src feats, dst feats, edge_attr)
    m = jnp.concatenate([jnp.take(x, src, axis=0), jnp.take(x, dst, axis=0), edge_attr], axis=-1)
    e_new = jax.nn.relu(m @ We + be)
    # node update: scatter-add incoming edge messages to dst nodes
    agg = jax.ops.segment_sum(e_new, dst, num_segments=x.shape[0])
    x_new = jax.nn.relu(jnp.concatenate([x, agg], axis=-1) @ Wn + bn)
    return x_new, e_new


def reference(edge_index, x, edge_attr, We0, be0, Wn0, bn0, We1, be1, Wn1, bn1, M0, bm0, M1, bm1, M2, bm2):
    x = x.astype(jnp.float32)
    # layers[0]
    x1, e1 = _gnn_layer(edge_index, x, edge_attr, We0, be0, Wn0, bn0)
    # layers[1:-1] is empty with 2 GNN layers; layers[-1]:
    nodes, edges = _gnn_layer(edge_index, x1, e1, We1, be1, Wn1, bn1)
    # end == 'edge'
    h = edges
    h = jax.nn.relu(h @ M0 + bm0)
    h = jax.nn.relu(h @ M1 + bm1)
    out = h @ M2 + bm2  # [E, 1]
    return jnp.squeeze(out, axis=-1)

if __name__ == "__main__":
    import jax
    _d = setup_inputs()
    print(jax.jit(kernel)(*tuple(_d.values())))

</pallas_src>

<mosaic_0001>
#map = affine_map<(d0, d1) -> (0, 0)>
#map1 = affine_map<(d0, d1) -> (0, 0, 0)>
module attributes {stable_mosaic.version = 14 : i64} {
  func.func @_sc_phase1_body(%arg0: i32, %arg1: i32, %arg2: memref<1280x128xi32, #tpu.memory_space<hbm>>, %arg3: memref<1280x128xi32, #tpu.memory_space<hbm>>, %arg4: memref<10112x16xf32, #tpu.memory_space<hbm>>, %arg5: memref<10112x16xf32, #tpu.memory_space<hbm>>, %arg6: memref<163840x16xf32, #tpu.memory_space<hbm>>, %arg7: memref<163840x16xf32, #tpu.memory_space<hbm>>, %arg8: memref<2x10112x16xf32, #tpu.memory_space<hbm>>, %arg9: memref<10x128xi32, #tpu.memory_space<vmem>>, %arg10: memref<10x128xi32, #tpu.memory_space<vmem>>, %arg11: memref<1280x16xf32, #tpu.memory_space<vmem>>, %arg12: memref<1280x16xf32, #tpu.memory_space<vmem>>, %arg13: memref<1280x16xf32, #tpu.memory_space<vmem>>, %arg14: memref<10112x16xf32, #tpu.memory_space<vmem_shared>>, %arg15: memref<10112x16xf32, #tpu.memory_space<vmem_shared>>, %arg16: memref<10112x16xf32, #tpu.memory_space<vmem_shared>>, %arg17: memref<!tpu.dma_semaphore, #tpu.memory_space<semaphore_mem>>) attributes {dimension_semantics = [#tpu.dimension_semantics<core_parallel>, #tpu.dimension_semantics<subcore_parallel>], iteration_bounds = array<i64: 2, 16>, scalar_prefetch = 0 : i64, scratch_operands = 9 : i64, tpu.core_type = #tpu.core_type<sc_vector_subcore>, window_params = [{transform_indices = #map}, {transform_indices = #map}, {transform_indices = #map}, {transform_indices = #map}, {transform_indices = #map}, {transform_indices = #map}, {transform_indices = #map1}]} {
    %mul3A = arith.constant 2 : i32
    %mul3A_0 = arith.muli %arg1, %mul3A : i32
    %add3A = arith.addi %mul3A_0, %arg0 : i32
    %mul3A_1 = arith.constant 632 : i32
    %mul3A_2 = arith.muli %arg1, %mul3A_1 : i32
    %mul3A_3 = arith.constant 632 : i32
    %mul3A_4 = arith.muli %arg1, %mul3A_3 : i32
    "tpu.region"() ({
      %run_scoped3A = tpu.sem_alloc : memref<!tpu.dma_semaphore, #tpu.memory_space<semaphore_mem>>
      %dma_start3A = arith.constant 0 : i32
      %dma_start3A_29 = tpu.memref_slice %arg14[%mul3A_4, %dma_start3A] : memref<10112x16xf32, #tpu.memory_space<vmem_shared>> -> memref<632x16xf32, #tpu.memory_space<vmem_shared>>
      %dma_start3A_30 = arith.constant 0 : i32
      %dma_start3A_31 = tpu.memref_slice %arg4[%mul3A_2, %dma_start3A_30] : memref<10112x16xf32, #tpu.memory_space<hbm>> -> memref<632x16xf32, #tpu.memory_space<hbm>>
      tpu.enqueue_dma source(%dma_start3A_31 : memref<632x16xf32, #tpu.memory_space<hbm>>) target(%dma_start3A_29 : memref<632x16xf32, #tpu.memory_space<vmem_shared>>) target_semaphore(%run_scoped3A : memref<!tpu.dma_semaphore, #tpu.memory_space<semaphore_mem>>)
      %dma_wait3A = arith.constant 0 : i32
      %dma_wait3A_32 = tpu.memref_slice %arg14[%mul3A_4, %dma_wait3A] : memref<10112x16xf32, #tpu.memory_space<vmem_shared>> -> memref<632x16xf32, #tpu.memory_space<vmem_shared>>
      %dma_wait3A_33 = arith.constant 0 : i32
      %dma_wait3A_34 = tpu.memref_slice %arg4[%mul3A_2, %dma_wait3A_33] : memref<10112x16xf32, #tpu.memory_space<hbm>> -> memref<632x16xf32, #tpu.memory_space<hbm>>
      tpu.wait_dma2 semaphore(%run_scoped3A : memref<!tpu.dma_semaphore, #tpu.memory_space<semaphore_mem>>) src(%dma_wait3A_34 : memref<632x16xf32, #tpu.memory_space<hbm>>) dst(%dma_wait3A_32 : memref<632x16xf32, #tpu.memory_space<vmem_shared>>)
      tpu.yield
    }) : () -> ()
    %mul3A_5 = arith.constant 632 : i32
    %mul3A_6 = arith.muli %arg1, %mul3A_5 : i32
    %mul3A_7 = arith.constant 632 : i32
    %mul3A_8 = arith.muli %arg1, %mul3A_7 : i32
    "tpu.region"() ({
      %run_scoped3A = tpu.sem_alloc : memref<!tpu.dma_semaphore, #tpu.memory_space<semaphore_mem>>
      %dma_start3A = arith.constant 0 : i32
      %dma_start3A_29 = tpu.memref_slice %arg15[%mul3A_8, %dma_start3A] : memref<10112x16xf32, #tpu.memory_space<vmem_shared>> -> memref<632x16xf32, #tpu.memory_space<vmem_shared>>
      %dma_start3A_30 = arith.constant 0 : i32
      %dma_start3A_31 = tpu.memref_slice %arg5[%mul3A_6, %dma_start3A_30] : memref<10112x16xf32, #tpu.memory_space<hbm>> -> memref<632x16xf32, #tpu.memory_space<hbm>>
      tpu.enqueue_dma source(%dma_start3A_31 : memref<632x16xf32, #tpu.memory_space<hbm>>) target(%dma_start3A_29 : memref<632x16xf32, #tpu.memory_space<vmem_shared>>) target_semaphore(%run_scoped3A : memref<!tpu.dma_semaphore, #tpu.memory_space<semaphore_mem>>)
      %dma_wait3A = arith.constant 0 : i32
      %dma_wait3A_32 = tpu.memref_slice %arg15[%mul3A_8, %dma_wait3A] : memref<10112x16xf32, #tpu.memory_space<vmem_shared>> -> memref<632x16xf32, #tpu.memory_space<vmem_shared>>
      %dma_wait3A_33 = arith.constant 0 : i32
      %dma_wait3A_34 = tpu.memref_slice %arg5[%mul3A_6, %dma_wait3A_33] : memref<10112x16xf32, #tpu.memory_space<hbm>> -> memref<632x16xf32, #tpu.memory_space<hbm>>
      tpu.wait_dma2 semaphore(%run_scoped3A : memref<!tpu.dma_semaphore, #tpu.memory_space<semaphore_mem>>) src(%dma_wait3A_34 : memref<632x16xf32, #tpu.memory_space<hbm>>) dst(%dma_wait3A_32 : memref<632x16xf32, #tpu.memory_space<vmem_shared>>)
      tpu.yield
    }) : () -> ()
    %scan3A = arith.constant 0 : i32
    %scan3A_9 = arith.constant 0 : i32
    %scan3A_10 = arith.constant 632 : i32
    %scan3A_11 = arith.addi %scan3A_9, %scan3A_10 : i32
    %scan3A_12 = arith.constant 4 : i32
    scf.for %scan3A_29 = %scan3A_9 to %scan3A_11 step %scan3A_12  : i32 {
      %broadcast_in_dim3A = arith.constant 0.000000e+00 : f32
      %broadcast_in_dim3A_30 = vector.broadcast %broadcast_in_dim3A : f32 to vector<16xf32>
      %swap3A = arith.index_cast %scan3A_29 : i32 to index
      %swap3A_31 = arith.constant 0 : index
      %swap3A_32 = tpu.vector_load %arg13[%swap3A, %swap3A_31] {strides = array<i32>} : memref<1280x16xf32, #tpu.memory_space<vmem>>, vector<1x16xf32>,
      %swap3A_33 = vector.shape_cast %swap3A_32 : vector<1x16xf32> to vector<16xf32>
      %swap3A_34 = vector.shape_cast %broadcast_in_dim3A_30 : vector<16xf32> to vector<1x16xf32>
      tpu.vector_store %arg13[%swap3A, %swap3A_31], %swap3A_34 {strides = array<i32>} : memref<1280x16xf32, #tpu.memory_space<vmem>>, vector<1x16xf32>,
      %scan3A_35 = arith.constant 1 : i32
      %scan3A_36 = arith.addi %scan3A_29, %scan3A_35 : i32
      %broadcast_in_dim3A_37 = arith.constant 0.000000e+00 : f32
      %broadcast_in_dim3A_38 = vector.broadcast %broadcast_in_dim3A_37 : f32 to vector<16xf32>
      %swap3A_39 = arith.index_cast %scan3A_36 : i32 to index
      %swap3A_40 = arith.constant 0 : index
      %swap3A_41 = tpu.vector_load %arg13[%swap3A_39, %swap3A_40] {strides = array<i32>} : memref<1280x16xf32, #tpu.memory_space<vmem>>, vector<1x16xf32>,
      %swap3A_42 = vector.shape_cast %swap3A_41 : vector<1x16xf32> to vector<16xf32>
      %swap3A_43 = vector.shape_cast %broadcast_in_dim3A_38 : vector<16xf32> to vector<1x16xf32>
      tpu.vector_store %arg13[%swap3A_39, %swap3A_40], %swap3A_43 {strides = array<i32>} : memref<1280x16xf32, #tpu.memory_space<vmem>>, vector<1x16xf32>,
      %scan3A_44 = arith.constant 2 : i32
      %scan3A_45 = arith.addi %scan3A_29, %scan3A_44 : i32
      %broadcast_in_dim3A_46 = arith.constant 0.000000e+00 : f32
      %broadcast_in_dim3A_47 = vector.broadcast %broadcast_in_dim3A_46 : f32 to vector<16xf32>
      %swap3A_48 = arith.index_cast %scan3A_45 : i32 to index
      %swap3A_49 = arith.constant 0 : index
      %swap3A_50 = tpu.vector_load %arg13[%swap3A_48, %swap3A_49] {strides = array<i32>} : memref<1280x16xf32, #tpu.memory_space<vmem>>, vector<1x16xf32>,
      %swap3A_51 = vector.shape_cast %swap3A_50 : vector<1x16xf32> to vector<16xf32>
      %swap3A_52 = vector.shape_cast %broadcast_in_dim3A_47 : vector<16xf32> to vector<1x16xf32>
      tpu.vector_store %arg13[%swap3A_48, %swap3A_49], %swap3A_52 {strides = array<i32>} : memref<1280x16xf32, #tpu.memory_space<vmem>>, vector<1x16xf32>,
      %scan3A_53 = arith.constant 3 : i32
      %scan3A_54 = arith.addi %scan3A_29, %scan3A_53 : i32
      %broadcast_in_dim3A_55 = arith.constant 0.000000e+00 : f32
      %broadcast_in_dim3A_56 = vector.broadcast %broadcast_in_dim3A_55 : f32 to vector<16xf32>
      %swap3A_57 = arith.index_cast %scan3A_54 : i32 to index
      %swap3A_58 = arith.constant 0 : index
      %swap3A_59 = tpu.vector_load %arg13[%swap3A_57, %swap3A_58] {strides = array<i32>} : memref<1280x16xf32, #tpu.memory_space<vmem>>, vector<1x16xf32>,
      %swap3A_60 = vector.shape_cast %swap3A_59 : vector<1x16xf32> to vector<16xf32>
      %swap3A_61 = vector.shape_cast %broadcast_in_dim3A_56 : vector<16xf32> to vector<1x16xf32>
      tpu.vector_store %arg13[%swap3A_57, %swap3A_58], %swap3A_61 {strides = array<i32>} : memref<1280x16xf32, #tpu.memory_space<vmem>>, vector<1x16xf32>,
    }
    %scan3A_13 = arith.constant 632 : i32
    %mul3A_14 = arith.constant 632 : i32
    %mul3A_15 = arith.muli %arg1, %mul3A_14 : i32
    "tpu.region"() ({
      %run_scoped3A = tpu.sem_alloc : memref<!tpu.dma_semaphore, #tpu.memory_space<semaphore_mem>>
      %dma_start3A = arith.constant 0 : i32
      %dma_start3A_29 = arith.constant 0 : i32
      %dma_start3A_30 = tpu.memref_slice %arg13[%dma_start3A, %dma_start3A_29] : memref<1280x16xf32, #tpu.memory_space<vmem>> -> memref<632x16xf32, #tpu.memory_space<vmem>>
      %dma_start3A_31 = arith.constant 0 : i32
      %dma_start3A_32 = tpu.memref_slice %arg16[%mul3A_15, %dma_start3A_31] : memref<10112x16xf32, #tpu.memory_space<vmem_shared>> -> memref<632x16xf32, #tpu.memory_space<vmem_shared>>
      %dma_start3A_33 = arith.constant 0 : i32
      %dma_start3A_34 = tpu.memref_slice %arg16[%mul3A_15, %dma_start3A_33] : memref<10112x16xf32, #tpu.memory_space<vmem_shared>> -> memref<632x16xf32, #tpu.memory_space<vmem_shared>>
      %dma_start3A_35 = arith.constant 0 : i32
      %dma_start3A_36 = arith.constant 0 : i32
      %dma_start3A_37 = tpu.memref_slice %arg13[%dma_start3A_35, %dma_start3A_36] : memref<1280x16xf32, #tpu.memory_space<vmem>> -> memref<632x16xf32, #tpu.memory_space<vmem>>
      tpu.enqueue_dma source(%dma_start3A_37 : memref<632x16xf32, #tpu.memory_space<vmem>>) target(%dma_start3A_34 : memref<632x16xf32, #tpu.memory_space<vmem_shared>>) target_semaphore(%run_scoped3A : memref<!tpu.dma_semaphore, #tpu.memory_space<semaphore_mem>>)
      %dma_wait3A = arith.constant 0 : i32
      %dma_wait3A_38 = arith.constant 0 : i32
      %dma_wait3A_39 = tpu.memref_slice %arg13[%dma_wait3A, %dma_wait3A_38] : memref<1280x16xf32, #tpu.memory_space<vmem>> -> memref<632x16xf32, #tpu.memory_space<vmem>>
      %dma_wait3A_40 = arith.constant 0 : i32
      %dma_wait3A_41 = tpu.memref_slice %arg16[%mul3A_15, %dma_wait3A_40] : memref<10112x16xf32, #tpu.memory_space<vmem_shared>> -> memref<632x16xf32, #tpu.memory_space<vmem_shared>>
      %dma_wait3A_42 = arith.constant 0 : i32
      %dma_wait3A_43 = tpu.memref_slice %arg16[%mul3A_15, %dma_wait3A_42] : memref<10112x16xf32, #tpu.memory_space<vmem_shared>> -> memref<632x16xf32, #tpu.memory_space<vmem_shared>>
      %dma_wait3A_44 = arith.constant 0 : i32
      %dma_wait3A_45 = arith.constant 0 : i32
      %dma_wait3A_46 = tpu.memref_slice %arg13[%dma_wait3A_44, %dma_wait3A_45] : memref<1280x16xf32, #tpu.memory_space<vmem>> -> memref<632x16xf32, #tpu.memory_space<vmem>>
      tpu.wait_dma2 semaphore(%run_scoped3A : memref<!tpu.dma_semaphore, #tpu.memory_space<semaphore_mem>>) src(%dma_wait3A_46 : memref<632x16xf32, #tpu.memory_space<vmem>>) dst(%dma_wait3A_43 : memref<632x16xf32, #tpu.memory_space<vmem_shared>>)
      tpu.yield
    }) : () -> ()
    %barrier3A = arith.constant 0 : index
    tpu.barrier barrier_id(%barrier3A)
    %mul3A_16 = arith.constant 40 : i32
    %mul3A_17 = arith.muli %add3A, %mul3A_16 : i32
    %scan3A_18 = arith.constant 0 : i32
    %scan3A_19 = arith.constant 0 : i32
    %scan3A_20 = arith.constant 4 : i32
    %scan3A_21 = arith.addi %scan3A_19, %scan3A_20 : i32
    %scan3A_22 = arith.constant 1 : i32
    scf.for %scan3A_29 = %scan3A_19 to %scan3A_21 step %scan3A_22  : i32 {
      %mul3A_30 = arith.constant 10 : i32
      %mul3A_31 = arith.muli %scan3A_29, %mul3A_30 : i32
      %add3A_32 = arith.addi %mul3A_17, %mul3A_31 : i32
      "tpu.region"() ({
        %run_scoped3A = tpu.sem_alloc : memref<!tpu.dma_semaphore, #tpu.memory_space<semaphore_mem>>
        %dma_start3A_642 = arith.constant 0 : i32
        %dma_start3A_643 = tpu.memref_slice %arg2[%add3A_32, %dma_start3A_642] : memref<1280x128xi32, #tpu.memory_space<hbm>> -> memref<10x128xi32, #tpu.memory_space<hbm>>
        %dma_start3A_644 = arith.constant 0 : i32
        %dma_start3A_645 = tpu.memref_slice %arg2[%add3A_32, %dma_start3A_644] : memref<1280x128xi32, #tpu.memory_space<hbm>> -> memref<10x128xi32, #tpu.memory_space<hbm>>
        tpu.enqueue_dma source(%dma_start3A_645 : memref<10x128xi32, #tpu.memory_space<hbm>>) target(%arg9 : memref<10x128xi32, #tpu.memory_space<vmem>>) target_semaphore(%run_scoped3A : memref<!tpu.dma_semaphore, #tpu.memory_space<semaphore_mem>>)
        %dma_wait3A_646 = arith.constant 0 : i32
        %dma_wait3A_647 = tpu.memref_slice %arg2[%add3A_32, %dma_wait3A_646] : memref<1280x128xi32, #tpu.memory_space<hbm>> -> memref<10x128xi32, #tpu.memory_space<hbm>>
        %dma_wait3A_648 = arith.constant 0 : i32
        %dma_wait3A_649 = tpu.memref_slice %arg2[%add3A_32, %dma_wait3A_648] : memref<1280x128xi32, #tpu.memory_space<hbm>> -> memref<10x128xi32, #tpu.memory_space<hbm>>
        tpu.wait_dma2 semaphore(%run_scoped3A : memref<!tpu.dma_semaphore, #tpu.memory_space<semaphore_mem>>) src(%dma_wait3A_649 : memref<10x128xi32, #tpu.memory_space<hbm>>) dst(%arg9 : memref<10x128xi32, #tpu.memory_space<vmem>>)
        tpu.yield
      }) : () -> ()
      "tpu.region"() ({
        %run_scoped3A = tpu.sem_alloc : memref<!tpu.dma_semaphore, #tpu.memory_space<semaphore_mem>>
        %dma_start3A_642 = arith.constant 0 : i32
        %dma_start3A_643 = tpu.memref_slice %arg3[%add3A_32, %dma_start3A_642] : memref<1280x128xi32, #tpu.memory_space<hbm>> -> memref<10x128xi32, #tpu.memory_space<hbm>>
        %dma_start3A_644 = arith.constant 0 : i32
        %dma_start3A_645 = tpu.memref_slice %arg3[%add3A_32, %dma_start3A_644] : memref<1280x128xi32, #tpu.memory_space<hbm>> -> memref<10x128xi32, #tpu.memory_space<hbm>>
        tpu.enqueue_dma source(%dma_start3A_645 : memref<10x128xi32, #tpu.memory_space<hbm>>) target(%arg10 : memref<10x128xi32, #tpu.memory_space<vmem>>) target_semaphore(%run_scoped3A : memref<!tpu.dma_semaphore, #tpu.memory_space<semaphore_mem>>)
        %dma_wait3A_646 = arith.constant 0 : i32
        %dma_wait3A_647 = tpu.memref_slice %arg3[%add3A_32, %dma_wait3A_646] : memref<1280x128xi32, #tpu.memory_space<hbm>> -> memref<10x128xi32, #tpu.memory_space<hbm>>
        %dma_wait3A_648 = arith.constant 0 : i32
        %dma_wait3A_649 = tpu.memref_slice %arg3[%add3A_32, %dma_wait3A_648] : memref<1280x128xi32, #tpu.memory_space<hbm>> -> memref<10x128xi32, #tpu.memory_space<hbm>>
        tpu.wait_dma2 semaphore(%run_scoped3A : memref<!tpu.dma_semaphore, #tpu.memory_space<semaphore_mem>>) src(%dma_wait3A_649 : memref<10x128xi32, #tpu.memory_space<hbm>>) dst(%arg10 : memref<10x128xi32, #tpu.memory_space<vmem>>)
        tpu.yield
      }) : () -> ()
      %dma_start3A = arith.constant 0 : i32
      %dma_start3A_33 = arith.constant 0 : i32
      %dma_start3A_34 = arith.constant 0 : i32
      %dma_start3A_35 = tpu.memref_slice %arg11[%dma_start3A_33, %dma_start3A_34] : memref<1280x16xf32, #tpu.memory_space<vmem>> -> memref<128x16xf32, #tpu.memory_space<vmem>>
      %dma_start3A_36 = arith.constant 0 : i32
      %dma_start3A_37 = tpu.memref_slice %arg9[%dma_start3A, %dma_start3A_36] : memref<10x128xi32, #tpu.memory_space<vmem>> -> memref<1x128xi32, #tpu.memory_space<vmem>>
      %dma_start3A_38 = tpu.memref_squeeze %dma_start3A_37 : memref<1x128xi32, #tpu.memory_space<vmem>> -> memref<128xi32, #tpu.memory_space<vmem>>
      %dma_start3A_39 = arith.constant 0 : i32
      %dma_start3A_40 = arith.constant 0 : i32
      %dma_start3A_41 = tpu.memref_slice %arg14[%dma_start3A_39, %dma_start3A_40] : memref<10112x16xf32, #tpu.memory_space<vmem_shared>> -> memref<10112x16xf32, #tpu.memory_space<vmem_shared>>
      tpu.enqueue_indirect_dma source(%dma_start3A_41 : memref<10112x16xf32, #tpu.memory_space<vmem_shared>>) target(%dma_start3A_35 : memref<128x16xf32, #tpu.memory_space<vmem>>) offsets(%dma_start3A_38 : memref<128xi32, #tpu.memory_space<vmem>>) semaphore(%arg17 : memref<!tpu.dma_semaphore, #tpu.memory_space<semaphore_mem>>)
      %dma_start3A_42 = arith.constant 0 : i32
      %dma_start3A_43 = arith.constant 0 : i32
      %dma_start3A_44 = arith.constant 0 : i32
      %dma_start3A_45 = tpu.memref_slice %arg12[%dma_start3A_43, %dma_start3A_44] : memref<1280x16xf32, #tpu.memory_space<vmem>> -> memref<128x16xf32, #tpu.memory_space<vmem>>
      %dma_start3A_46 = arith.constant 0 : i32
      %dma_start3A_47 = tpu.memref_slice %arg10[%dma_start3A_42, %dma_start3A_46] : memref<10x128xi32, #tpu.memory_space<vmem>> -> memref<1x128xi32, #tpu.memory_space<vmem>>
      %dma_start3A_48 = tpu.memref_squeeze %dma_start3A_47 : memref<1x128xi32, #tpu.memory_space<vmem>> -> memref<128xi32, #tpu.memory_space<vmem>>
      %dma_start3A_49 = arith.constant 0 : i32
      %dma_start3A_50 = arith.constant 0 : i32
      %dma_start3A_51 = tpu.memref_slice %arg15[%dma_start3A_49, %dma_start3A_50] : memref<10112x16xf32, #tpu.memory_space<vmem_shared>> -> memref<10112x16xf32, #tpu.memory_space<vmem_shared>>
      tpu.enqueue_indirect_dma source(%dma_start3A_51 : memref<10112x16xf32, #tpu.memory_space<vmem_shared>>) target(%dma_start3A_45 : memref<128x16xf32, #tpu.memory_space<vmem>>) offsets(%dma_start3A_48 : memref<128xi32, #tpu.memory_space<vmem>>) semaphore(%arg17 : memref<!tpu.dma_semaphore, #tpu.memory_space<semaphore_mem>>)
      %dma_start3A_52 = arith.constant 1 : i32
      %dma_start3A_53 = arith.constant 128 : i32
      %dma_start3A_54 = arith.constant 0 : i32
      %dma_start3A_55 = tpu.memref_slice %arg11[%dma_start3A_53, %dma_start3A_54] : memref<1280x16xf32, #tpu.memory_space<vmem>> -> memref<128x16xf32, #tpu.memory_space<vmem>>
      %dma_start3A_56 = arith.constant 0 : i32
      %dma_start3A_57 = tpu.memref_slice %arg9[%dma_start3A_52, %dma_start3A_56] : memref<10x128xi32, #tpu.memory_space<vmem>> -> memref<1x128xi32, #tpu.memory_space<vmem>>
      %dma_start3A_58 = tpu.memref_squeeze %dma_start3A_57 : memref<1x128xi32, #tpu.memory_space<vmem>> -> memref<128xi32, #tpu.memory_space<vmem>>
      %dma_start3A_59 = arith.constant 0 : i32
      %dma_start3A_60 = arith.constant 0 : i32
      %dma_start3A_61 = tpu.memref_slice %arg14[%dma_start3A_59, %dma_start3A_60] : memref<10112x16xf32, #tpu.memory_space<vmem_shared>> -> memref<10112x16xf32, #tpu.memory_space<vmem_shared>>
      tpu.enqueue_indirect_dma source(%dma_start3A_61 : memref<10112x16xf32, #tpu.memory_space<vmem_shared>>) target(%dma_start3A_55 : memref<128x16xf32, #tpu.memory_space<vmem>>) offsets(%dma_start3A_58 : memref<128xi32, #tpu.memory_space<vmem>>) semaphore(%arg17 : memref<!tpu.dma_semaphore, #tpu.memory_space<semaphore_mem>>)
      %dma_start3A_62 = arith.constant 1 : i32
      %dma_start3A_63 = arith.constant 128 : i32
      %dma_start3A_64 = arith.constant 0 : i32
      %dma_start3A_65 = tpu.memref_slice %arg12[%dma_start3A_63, %dma_start3A_64] : memref<1280x16xf32, #tpu.memory_space<vmem>> -> memref<128x16xf32, #tpu.memory_space<vmem>>
      %dma_start3A_66 = arith.constant 0 : i32
      %dma_start3A_67 = tpu.memref_slice %arg10[%dma_start3A_62, %dma_start3A_66] : memref<10x128xi32, #tpu.memory_space<vmem>> -> memref<1x128xi32, #tpu.memory_space<vmem>>
      %dma_start3A_68 = tpu.memref_squeeze %dma_start3A_67 : memref<1x128xi32, #tpu.memory_space<vmem>> -> memref<128xi32, #tpu.memory_space<vmem>>
      %dma_start3A_69 = arith.constant 0 : i32
      %dma_start3A_70 = arith.constant 0 : i32
      %dma_start3A_71 = tpu.memref_slice %arg15[%dma_start3A_69, %dma_start3A_70] : memref<10112x16xf32, #tpu.memory_space<vmem_shared>> -> memref<10112x16xf32, #tpu.memory_space<vmem_shared>>
      tpu.enqueue_indirect_dma source(%dma_start3A_71 : memref<10112x16xf32, #tpu.memory_space<vmem_shared>>) target(%dma_start3A_65 : memref<128x16xf32, #tpu.memory_space<vmem>>) offsets(%dma_start3A_68 : memref<128xi32, #tpu.memory_space<vmem>>) semaphore(%arg17 : memref<!tpu.dma_semaphore, #tpu.memory_space<semaphore_mem>>)
      %dma_start3A_72 = arith.constant 2 : i32
      %dma_start3A_73 = arith.constant 256 : i32
      %dma_start3A_74 = arith.constant 0 : i32
      %dma_start3A_75 = tpu.memref_slice %arg11[%dma_start3A_73, %dma_start3A_74] : memref<1280x16xf32, #tpu.memory_space<vmem>> -> memref<128x16xf32, #tpu.memory_space<vmem>>
      %dma_start3A_76 = arith.constant 0 : i32
      %dma_start3A_77 = tpu.memref_slice %arg9[%dma_start3A_72, %dma_start3A_76] : memref<10x128xi32, #tpu.memory_space<vmem>> -> memref<1x128xi32, #tpu.memory_space<vmem>>
      %dma_start3A_78 = tpu.memref_squeeze %dma_start3A_77 : memref<1x128xi32, #tpu.memory_space<vmem>> -> memref<128xi32, #tpu.memory_space<vmem>>
      %dma_start3A_79 = arith.constant 0 : i32
      %dma_start3A_80 = arith.constant 0 : i32
      %dma_start3A_81 = tpu.memref_slice %arg14[%dma_start3A_79, %dma_start3A_80] : memref<10112x16xf32, #tpu.memory_space<vmem_shared>> -> memref<10112x16xf32, #tpu.memory_space<vmem_shared>>
      tpu.enqueue_indirect_dma source(%dma_start3A_81 : memref<10112x16xf32, #tpu.memory_space<vmem_shared>>) target(%dma_start3A_75 : memref<128x16xf32, #tpu.memory_space<vmem>>) offsets(%dma_start3A_78 : memref<128xi32, #tpu.memory_space<vmem>>) semaphore(%arg17 : memref<!tpu.dma_semaphore, #tpu.memory_space<semaphore_mem>>)
      %dma_start3A_82 = arith.constant 2 : i32
      %dma_start3A_83 = arith.constant 256 : i32
      %dma_start3A_84 = arith.constant 0 : i32
      %dma_start3A_85 = tpu.memref_slice %arg12[%dma_start3A_83, %dma_start3A_84] : memref<1280x16xf32, #tpu.memory_space<vmem>> -> memref<128x16xf32, #tpu.memory_space<vmem>>
      %dma_start3A_86 = arith.constant 0 : i32
      %dma_start3A_87 = tpu.memref_slice %arg10[%dma_start3A_82, %dma_start3A_86] : memref<10x128xi32, #tpu.memory_space<vmem>> -> memref<1x128xi32, #tpu.memory_space<vmem>>
      %dma_start3A_88 = tpu.memref_squeeze %dma_start3A_87 : memref<1x128xi32, #tpu.memory_space<vmem>> -> memref<128xi32, #tpu.memory_space<vmem>>
      %dma_start3A_89 = arith.constant 0 : i32
      %dma_start3A_90 = arith.constant 0 : i32
      %dma_start3A_91 = tpu.memref_slice %arg15[%dma_start3A_89, %dma_start3A_90] : memref<10112x16xf32, #tpu.memory_space<vmem_shared>> -> memref<10112x16xf32, #tpu.memory_space<vmem_shared>>
      tpu.enqueue_indirect_dma source(%dma_start3A_91 : memref<10112x16xf32, #tpu.memory_space<vmem_shared>>) target(%dma_start3A_85 : memref<128x16xf32, #tpu.memory_space<vmem>>) offsets(%dma_start3A_88 : memref<128xi32, #tpu.memory_space<vmem>>) semaphore(%arg17 : memref<!tpu.dma_semaphore, #tpu.memory_space<semaphore_mem>>)
      %dma_start3A_92 = arith.constant 3 : i32
      %dma_start3A_93 = arith.constant 384 : i32
      %dma_start3A_94 = arith.constant 0 : i32
      %dma_start3A_95 = tpu.memref_slice %arg11[%dma_start3A_93, %dma_start3A_94] : memref<1280x16xf32, #tpu.memory_space<vmem>> -> memref<128x16xf32, #tpu.memory_space<vmem>>
      %dma_start3A_96 = arith.constant 0 : i32
      %dma_start3A_97 = tpu.memref_slice %arg9[%dma_start3A_92, %dma_start3A_96] : memref<10x128xi32, #tpu.memory_space<vmem>> -> memref<1x128xi32, #tpu.memory_space<vmem>>
      %dma_start3A_98 = tpu.memref_squeeze %dma_start3A_97 : memref<1x128xi32, #tpu.memory_space<vmem>> -> memref<128xi32, #tpu.memory_space<vmem>>
      %dma_start3A_99 = arith.constant 0 : i32
      %dma_start3A_100 = arith.constant 0 : i32
      %dma_start3A_101 = tpu.memref_slice %arg14[%dma_start3A_99, %dma_start3A_100] : memref<10112x16xf32, #tpu.memory_space<vmem_shared>> -> memref<10112x16xf32, #tpu.memory_space<vmem_shared>>
      tpu.enqueue_indirect_dma source(%dma_start3A_101 : memref<10112x16xf32, #tpu.memory_space<vmem_shared>>) target(%dma_start3A_95 : memref<128x16xf32, #tpu.memory_space<vmem>>) offsets(%dma_start3A_98 : memref<128xi32, #tpu.memory_space<vmem>>) semaphore(%arg17 : memref<!tpu.dma_semaphore, #tpu.memory_space<semaphore_mem>>)
      %dma_start3A_102 = arith.constant 3 : i32
      %dma_start3A_103 = arith.constant 384 : i32
      %dma_start3A_104 = arith.constant 0 : i32
      %dma_start3A_105 = tpu.memref_slice %arg12[%dma_start3A_103, %dma_start3A_104] : memref<1280x16xf32, #tpu.memory_space<vmem>> -> memref<128x16xf32, #tpu.memory_space<vmem>>
      %dma_start3A_106 = arith.constant 0 : i32
      %dma_start3A_107 = tpu.memref_slice %arg10[%dma_start3A_102, %dma_start3A_106] : memref<10x128xi32, #tpu.memory_space<vmem>> -> memref<1x128xi32, #tpu.memory_space<vmem>>
      %dma_start3A_108 = tpu.memref_squeeze %dma_start3A_107 : memref<1x128xi32, #tpu.memory_space<vmem>> -> memref<128xi32, #tpu.memory_space<vmem>>
      %dma_start3A_109 = arith.constant 0 : i32
      %dma_start3A_110 = arith.constant 0 : i32
      %dma_start3A_111 = tpu.memref_slice %arg15[%dma_start3A_109, %dma_start3A_110] : memref<10112x16xf32, #tpu.memory_space<vmem_shared>> -> memref<10112x16xf32, #tpu.memory_space<vmem_shared>>
      tpu.enqueue_indirect_dma source(%dma_start3A_111 : memref<10112x16xf32, #tpu.memory_space<vmem_shared>>) target(%dma_start3A_105 : memref<128x16xf32, #tpu.memory_space<vmem>>) offsets(%dma_start3A_108 : memref<128xi32, #tpu.memory_space<vmem>>) semaphore(%arg17 : memref<!tpu.dma_semaphore, #tpu.memory_space<semaphore_mem>>)
      %dma_start3A_112 = arith.constant 4 : i32
      %dma_start3A_113 = arith.constant 512 : i32
      %dma_start3A_114 = arith.constant 0 : i32
      %dma_start3A_115 = tpu.memref_slice %arg11[%dma_start3A_113, %dma_start3A_114] : memref<1280x16xf32, #tpu.memory_space<vmem>> -> memref<128x16xf32, #tpu.memory_space<vmem>>
      %dma_start3A_116 = arith.constant 0 : i32
      %dma_start3A_117 = tpu.memref_slice %arg9[%dma_start3A_112, %dma_start3A_116] : memref<10x128xi32, #tpu.memory_space<vmem>> -> memref<1x128xi32, #tpu.memory_space<vmem>>
      %dma_start3A_118 = tpu.memref_squeeze %dma_start3A_117 : memref<1x128xi32, #tpu.memory_space<vmem>> -> memref<128xi32, #tpu.memory_space<vmem>>
      %dma_start3A_119 = arith.constant 0 : i32
      %dma_start3A_120 = arith.constant 0 : i32
      %dma_start3A_121 = tpu.memref_slice %arg14[%dma_start3A_119, %dma_start3A_120] : memref<10112x16xf32, #tpu.memory_space<vmem_shared>> -> memref<10112x16xf32, #tpu.memory_space<vmem_shared>>
      tpu.enqueue_indirect_dma source(%dma_start3A_121 : memref<10112x16xf32, #tpu.memory_space<vmem_shared>>) target(%dma_start3A_115 : memref<128x16xf32, #tpu.memory_space<vmem>>) offsets(%dma_start3A_118 : memref<128xi32, #tpu.memory_space<vmem>>) semaphore(%arg17 : memref<!tpu.dma_semaphore, #tpu.memory_space<semaphore_mem>>)
      %dma_start3A_122 = arith.constant 4 : i32
      %dma_start3A_123 = arith.constant 512 : i32
      %dma_start3A_124 = arith.constant 0 : i32
      %dma_start3A_125 = tpu.memref_slice %arg12[%dma_start3A_123, %dma_start3A_124] : memref<1280x16xf32, #tpu.memory_space<vmem>> -> memref<128x16xf32, #tpu.memory_space<vmem>>
      %dma_start3A_126 = arith.constant 0 : i32
      %dma_start3A_127 = tpu.memref_slice %arg10[%dma_start3A_122, %dma_start3A_126] : memref<10x128xi32, #tpu.memory_space<vmem>> -> memref<1x128xi32, #tpu.memory_space<vmem>>
      %dma_start3A_128 = tpu.memref_squeeze %dma_start3A_127 : memref<1x128xi32, #tpu.memory_space<vmem>> -> memref<128xi32, #tpu.memory_space<vmem>>
      %dma_start3A_129 = arith.constant 0 : i32
      %dma_start3A_130 = arith.constant 0 : i32
      %dma_start3A_131 = tpu.memref_slice %arg15[%dma_start3A_129, %dma_start3A_130] : memref<10112x16xf32, #tpu.memory_space<vmem_shared>> -> memref<10112x16xf32, #tpu.memory_space<vmem_shared>>
      tpu.enqueue_indirect_dma source(%dma_start3A_131 : memref<10112x16xf32, #tpu.memory_space<vmem_shared>>) target(%dma_start3A_125 : memref<128x16xf32, #tpu.memory_space<vmem>>) offsets(%dma_start3A_128 : memref<128xi32, #tpu.memory_space<vmem>>) semaphore(%arg17 : memref<!tpu.dma_semaphore, #tpu.memory_space<semaphore_mem>>)
      %dma_start3A_132 = arith.constant 5 : i32
      %dma_start3A_133 = arith.constant 640 : i32
      %dma_start3A_134 = arith.constant 0 : i32
      %dma_start3A_135 = tpu.memref_slice %arg11[%dma_start3A_133, %dma_start3A_134] : memref<1280x16xf32, #tpu.memory_space<vmem>> -> memref<128x16xf32, #tpu.memory_space<vmem>>
      %dma_start3A_136 = arith.constant 0 : i32
      %dma_start3A_137 = tpu.memref_slice %arg9[%dma_start3A_132, %dma_start3A_136] : memref<10x128xi32, #tpu.memory_space<vmem>> -> memref<1x128xi32, #tpu.memory_space<vmem>>
      %dma_start3A_138 = tpu.memref_squeeze %dma_start3A_137 : memref<1x128xi32, #tpu.memory_space<vmem>> -> memref<128xi32, #tpu.memory_space<vmem>>
      %dma_start3A_139 = arith.constant 0 : i32
      %dma_start3A_140 = arith.constant 0 : i32
      %dma_start3A_141 = tpu.memref_slice %arg14[%dma_start3A_139, %dma_start3A_140] : memref<10112x16xf32, #tpu.memory_space<vmem_shared>> -> memref<10112x16xf32, #tpu.memory_space<vmem_shared>>
      tpu.enqueue_indirect_dma source(%dma_start3A_141 : memref<10112x16xf32, #tpu.memory_space<vmem_shared>>) target(%dma_start3A_135 : memref<128x16xf32, #tpu.memory_space<vmem>>) offsets(%dma_start3A_138 : memref<128xi32, #tpu.memory_space<vmem>>) semaphore(%arg17 : memref<!tpu.dma_semaphore, #tpu.memory_space<semaphore_mem>>)
      %dma_start3A_142 = arith.constant 5 : i32
      %dma_start3A_143 = arith.constant 640 : i32
      %dma_start3A_144 = arith.constant 0 : i32
      %dma_start3A_145 = tpu.memref_slice %arg12[%dma_start3A_143, %dma_start3A_144] : memref<1280x16xf32, #tpu.memory_space<vmem>> -> memref<128x16xf32, #tpu.memory_space<vmem>>
      %dma_start3A_146 = arith.constant 0 : i32
      %dma_start3A_147 = tpu.memref_slice %arg10[%dma_start3A_142, %dma_start3A_146] : memref<10x128xi32, #tpu.memory_space<vmem>> -> memref<1x128xi32, #tpu.memory_space<vmem>>
      %dma_start3A_148 = tpu.memref_squeeze %dma_start3A_147 : memref<1x128xi32, #tpu.memory_space<vmem>> -> memref<128xi32, #tpu.memory_space<vmem>>
      %dma_start3A_149 = arith.constant 0 : i32
      %dma_start3A_150 = arith.constant 0 : i32
      %dma_start3A_151 = tpu.memref_slice %arg15[%dma_start3A_149, %dma_start3A_150] : memref<10112x16xf32, #tpu.memory_space<vmem_shared>> -> memref<10112x16xf32, #tpu.memory_space<vmem_shared>>
      tpu.enqueue_indirect_dma source(%dma_start3A_151 : memref<10112x16xf32, #tpu.memory_space<vmem_shared>>) target(%dma_start3A_145 : memref<128x16xf32, #tpu.memory_space<vmem>>) offsets(%dma_start3A_148 : memref<128xi32, #tpu.memory_space<vmem>>) semaphore(%arg17 : memref<!tpu.dma_semaphore, #tpu.memory_space<semaphore_mem>>)
      %dma_start3A_152 = arith.constant 6 : i32
      %dma_start3A_153 = arith.constant 768 : i32
      %dma_start3A_154 = arith.constant 0 : i32
      %dma_start3A_155 = tpu.memref_slice %arg11[%dma_start3A_153, %dma_start3A_154] : memref<1280x16xf32, #tpu.memory_space<vmem>> -> memref<128x16xf32, #tpu.memory_space<vmem>>
      %dma_start3A_156 = arith.constant 0 : i32
      %dma_start3A_157 = tpu.memref_slice %arg9[%dma_start3A_152, %dma_start3A_156] : memref<10x128xi32, #tpu.memory_space<vmem>> -> memref<1x128xi32, #tpu.memory_space<vmem>>
      %dma_start3A_158 = tpu.memref_squeeze %dma_start3A_157 : memref<1x128xi32, #tpu.memory_space<vmem>> -> memref<128xi32, #tpu.memory_space<vmem>>
      %dma_start3A_159 = arith.constant 0 : i32
      %dma_start3A_160 = arith.constant 0 : i32
      %dma_start3A_161 = tpu.memref_slice %arg14[%dma_start3A_159, %dma_start3A_160] : memref<10112x16xf32, #tpu.memory_space<vmem_shared>> -> memref<10112x16xf32, #tpu.memory_space<vmem_shared>>
      tpu.enqueue_indirect_dma source(%dma_start3A_161 : memref<10112x16xf32, #tpu.memory_space<vmem_shared>>) target(%dma_start3A_155 : memref<128x16xf32, #tpu.memory_space<vmem>>) offsets(%dma_start3A_158 : memref<128xi32, #tpu.memory_space<vmem>>) semaphore(%arg17 : memref<!tpu.dma_semaphore, #tpu.memory_space<semaphore_mem>>)
      %dma_start3A_162 = arith.constant 6 : i32
      %dma_start3A_163 = arith.constant 768 : i32
      %dma_start3A_164 = arith.constant 0 : i32
      %dma_start3A_165 = tpu.memref_slice %arg12[%dma_start3A_163, %dma_start3A_164] : memref<1280x16xf32, #tpu.memory_space<vmem>> -> memref<128x16xf32, #tpu.memory_space<vmem>>
      %dma_start3A_166 = arith.constant 0 : i32
      %dma_start3A_167 = tpu.memref_slice %arg10[%dma_start3A_162, %dma_start3A_166] : memref<10x128xi32, #tpu.memory_space<vmem>> -> memref<1x128xi32, #tpu.memory_space<vmem>>
      %dma_start3A_168 = tpu.memref_squeeze %dma_start3A_167 : memref<1x128xi32, #tpu.memory_space<vmem>> -> memref<128xi32, #tpu.memory_space<vmem>>
      %dma_start3A_169 = arith.constant 0 : i32
      %dma_start3A_170 = arith.constant 0 : i32
      %dma_start3A_171 = tpu.memref_slice %arg15[%dma_start3A_169, %dma_start3A_170] : memref<10112x16xf32, #tpu.memory_space<vmem_shared>> -> memref<10112x16xf32, #tpu.memory_space<vmem_shared>>
      tpu.enqueue_indirect_dma source(%dma_start3A_171 : memref<10112x16xf32, #tpu.memory_space<vmem_shared>>) target(%dma_start3A_165 : memref<128x16xf32, #tpu.memory_space<vmem>>) offsets(%dma_start3A_168 : memref<128xi32, #tpu.memory_space<vmem>>) semaphore(%arg17 : memref<!tpu.dma_semaphore, #tpu.memory_space<semaphore_mem>>)
      %dma_start3A_172 = arith.constant 7 : i32
      %dma_start3A_173 = arith.constant 896 : i32
      %dma_start3A_174 = arith.constant 0 : i32
      %dma_start3A_175 = tpu.memref_slice %arg11[%dma_start3A_173, %dma_start3A_174] : memref<1280x16xf32, #tpu.memory_space<vmem>> -> memref<128x16xf32, #tpu.memory_space<vmem>>
      %dma_start3A_176 = arith.constant 0 : i32
      %dma_start3A_177 = tpu.memref_slice %arg9[%dma_start3A_172, %dma_start3A_176] : memref<10x128xi32, #tpu.memory_space<vmem>> -> memref<1x128xi32, #tpu.memory_space<vmem>>
      %dma_start3A_178 = tpu.memref_squeeze %dma_start3A_177 : memref<1x128xi32, #tpu.memory_space<vmem>> -> memref<128xi32, #tpu.memory_space<vmem>>
      %dma_start3A_179 = arith.constant 0 : i32
      %dma_start3A_180 = arith.constant 0 : i32
      %dma_start3A_181 = tpu.memref_slice %arg14[%dma_start3A_179, %dma_start3A_180] : memref<10112x16xf32, #tpu.memory_space<vmem_shared>> -> memref<10112x16xf32, #tpu.memory_space<vmem_shared>>
      tpu.enqueue_indirect_dma source(%dma_start3A_181 : memref<10112x16xf32, #tpu.memory_space<vmem_shared>>) target(%dma_start3A_175 : memref<128x16xf32, #tpu.memory_space<vmem>>) offsets(%dma_start3A_178 : memref<128xi32, #tpu.memory_space<vmem>>) semaphore(%arg17 : memref<!tpu.dma_semaphore, #tpu.memory_space<semaphore_mem>>)
      %dma_start3A_182 = arith.constant 7 : i32
      %dma_start3A_183 = arith.constant 896 : i32
      %dma_start3A_184 = arith.constant 0 : i32
      %dma_start3A_185 = tpu.memref_slice %arg12[%dma_start3A_183, %dma_start3A_184] : memref<1280x16xf32, #tpu.memory_space<vmem>> -> memref<128x16xf32, #tpu.memory_space<vmem>>
      %dma_start3A_186 = arith.constant 0 : i32
      %dma_start3A_187 = tpu.memref_slice %arg10[%dma_start3A_182, %dma_start3A_186] : memref<10x128xi32, #tpu.memory_space<vmem>> -> memref<1x128xi32, #tpu.memory_space<vmem>>
      %dma_start3A_188 = tpu.memref_squeeze %dma_start3A_187 : memref<1x128xi32, #tpu.memory_space<vmem>> -> memref<128xi32, #tpu.memory_space<vmem>>
      %dma_start3A_189 = arith.constant 0 : i32
      %dma_start3A_190 = arith.constant 0 : i32
      %dma_start3A_191 = tpu.memref_slice %arg15[%dma_start3A_189, %dma_start3A_190] : memref<10112x16xf32, #tpu.memory_space<vmem_shared>> -> memref<10112x16xf32, #tpu.memory_space<vmem_shared>>
      tpu.enqueue_indirect_dma source(%dma_start3A_191 : memref<10112x16xf32, #tpu.memory_space<vmem_shared>>) target(%dma_start3A_185 : memref<128x16xf32, #tpu.memory_space<vmem>>) offsets(%dma_start3A_188 : memref<128xi32, #tpu.memory_space<vmem>>) semaphore(%arg17 : memref<!tpu.dma_semaphore, #tpu.memory_space<semaphore_mem>>)
      %dma_start3A_192 = arith.constant 8 : i32
      %dma_start3A_193 = arith.constant 1024 : i32
      %dma_start3A_194 = arith.constant 0 : i32
      %dma_start3A_195 = tpu.memref_slice %arg11[%dma_start3A_193, %dma_start3A_194] : memref<1280x16xf32, #tpu.memory_space<vmem>> -> memref<128x16xf32, #tpu.memory_space<vmem>>
      %dma_start3A_196 = arith.constant 0 : i32
      %dma_start3A_197 = tpu.memref_slice %arg9[%dma_start3A_192, %dma_start3A_196] : memref<10x128xi32, #tpu.memory_space<vmem>> -> memref<1x128xi32, #tpu.memory_space<vmem>>
      %dma_start3A_198 = tpu.memref_squeeze %dma_start3A_197 : memref<1x128xi32, #tpu.memory_space<vmem>> -> memref<128xi32, #tpu.memory_space<vmem>>
      %dma_start3A_199 = arith.constant 0 : i32
      %dma_start3A_200 = arith.constant 0 : i32
      %dma_start3A_201 = tpu.memref_slice %arg14[%dma_start3A_199, %dma_start3A_200] : memref<10112x16xf32, #tpu.memory_space<vmem_shared>> -> memref<10112x16xf32, #tpu.memory_space<vmem_shared>>
      tpu.enqueue_indirect_dma source(%dma_start3A_201 : memref<10112x16xf32, #tpu.memory_space<vmem_shared>>) target(%dma_start3A_195 : memref<128x16xf32, #tpu.memory_space<vmem>>) offsets(%dma_start3A_198 : memref<128xi32, #tpu.memory_space<vmem>>) semaphore(%arg17 : memref<!tpu.dma_semaphore, #tpu.memory_space<semaphore_mem>>)
      %dma_start3A_202 = arith.constant 8 : i32
      %dma_start3A_203 = arith.constant 1024 : i32
      %dma_start3A_204 = arith.constant 0 : i32
      %dma_start3A_205 = tpu.memref_slice %arg12[%dma_start3A_203, %dma_start3A_204] : memref<1280x16xf32, #tpu.memory_space<vmem>> -> memref<128x16xf32, #tpu.memory_space<vmem>>
      %dma_start3A_206 = arith.constant 0 : i32
      %dma_start3A_207 = tpu.memref_slice %arg10[%dma_start3A_202, %dma_start3A_206] : memref<10x128xi32, #tpu.memory_space<vmem>> -> memref<1x128xi32, #tpu.memory_space<vmem>>
      %dma_start3A_208 = tpu.memref_squeeze %dma_start3A_207 : memref<1x128xi32, #tpu.memory_space<vmem>> -> memref<128xi32, #tpu.memory_space<vmem>>
      %dma_start3A_209 = arith.constant 0 : i32
      %dma_start3A_210 = arith.constant 0 : i32
      %dma_start3A_211 = tpu.memref_slice %arg15[%dma_start3A_209, %dma_start3A_210] : memref<10112x16xf32, #tpu.memory_space<vmem_shared>> -> memref<10112x16xf32, #tpu.memory_space<vmem_shared>>
      tpu.enqueue_indirect_dma source(%dma_start3A_211 : memref<10112x16xf32, #tpu.memory_space<vmem_shared>>) target(%dma_start3A_205 : memref<128x16xf32, #tpu.memory_space<vmem>>) offsets(%dma_start3A_208 : memref<128xi32, #tpu.memory_space<vmem>>) semaphore(%arg17 : memref<!tpu.dma_semaphore, #tpu.memory_space<semaphore_mem>>)
      %dma_start3A_212 = arith.constant 9 : i32
      %dma_start3A_213 = arith.constant 1152 : i32
      %dma_start3A_214 = arith.constant 0 : i32
      %dma_start3A_215 = tpu.memref_slice %arg11[%dma_start3A_213, %dma_start3A_214] : memref<1280x16xf32, #tpu.memory_space<vmem>> -> memref<128x16xf32, #tpu.memory_space<vmem>>
      %dma_start3A_216 = arith.constant 0 : i32
      %dma_start3A_217 = tpu.memref_slice %arg9[%dma_start3A_212, %dma_start3A_216] : memref<10x128xi32, #tpu.memory_space<vmem>> -> memref<1x128xi32, #tpu.memory_space<vmem>>
      %dma_start3A_218 = tpu.memref_squeeze %dma_start3A_217 : memref<1x128xi32, #tpu.memory_space<vmem>> -> memref<128xi32, #tpu.memory_space<vmem>>
      %dma_start3A_219 = arith.constant 0 : i32
      %dma_start3A_220 = arith.constant 0 : i32
      %dma_start3A_221 = tpu.memref_slice %arg14[%dma_start3A_219, %dma_start3A_220] : memref<10112x16xf32, #tpu.memory_space<vmem_shared>> -> memref<10112x16xf32, #tpu.memory_space<vmem_shared>>
      tpu.enqueue_indirect_dma source(%dma_start3A_221 : memref<10112x16xf32, #tpu.memory_space<vmem_shared>>) target(%dma_start3A_215 : memref<128x16xf32, #tpu.memory_space<vmem>>) offsets(%dma_start3A_218 : memref<128xi32, #tpu.memory_space<vmem>>) semaphore(%arg17 : memref<!tpu.dma_semaphore, #tpu.memory_space<semaphore_mem>>)
      %dma_start3A_222 = arith.constant 9 : i32
      %dma_start3A_223 = arith.constant 1152 : i32
      %dma_start3A_224 = arith.constant 0 : i32
      %dma_start3A_225 = tpu.memref_slice %arg12[%dma_start3A_223, %dma_start3A_224] : memref<1280x16xf32, #tpu.memory_space<vmem>> -> memref<128x16xf32, #tpu.memory_space<vmem>>
      %dma_start3A_226 = arith.constant 0 : i32
      %dma_start3A_227 = tpu.memref_slice %arg10[%dma_start3A_222, %dma_start3A_226] : memref<10x128xi32, #tpu.memory_space<vmem>> -> memref<1x128xi32, #tpu.memory_space<vmem>>
      %dma_start3A_228 = tpu.memref_squeeze %dma_start3A_227 : memref<1x128xi32, #tpu.memory_space<vmem>> -> memref<128xi32, #tpu.memory_space<vmem>>
      %dma_start3A_229 = arith.constant 0 : i32
      %dma_start3A_230 = arith.constant 0 : i32
      %dma_start3A_231 = tpu.memref_slice %arg15[%dma_start3A_229, %dma_start3A_230] : memref<10112x16xf32, #tpu.memory_space<vmem_shared>> -> memref<10112x16xf32, #tpu.memory_space<vmem_shared>>
      tpu.enqueue_indirect_dma source(%dma_start3A_231 : memref<10112x16xf32, #tpu.memory_space<vmem_shared>>) target(%dma_start3A_225 : memref<128x16xf32, #tpu.memory_space<vmem>>) offsets(%dma_start3A_228 : memref<128xi32, #tpu.memory_space<vmem>>) semaphore(%arg17 : memref<!tpu.dma_semaphore, #tpu.memory_space<semaphore_mem>>)
      %mul3A_232 = arith.constant 5120 : i32
      %mul3A_233 = arith.muli %add3A, %mul3A_232 : i32
      %mul3A_234 = arith.constant 1280 : i32
      %mul3A_235 = arith.muli %scan3A_29, %mul3A_234 : i32
      %add3A_236 = arith.addi %mul3A_233, %mul3A_235 : i32
      "tpu.region"() ({
        %run_scoped3A = tpu.sem_alloc : memref<!tpu.dma_semaphore, #tpu.memory_space<semaphore_mem>>
        %dma_start3A_642 = arith.constant 0 : i32
        %dma_start3A_643 = tpu.memref_slice %arg6[%add3A_236, %dma_start3A_642] : memref<163840x16xf32, #tpu.memory_space<hbm>> -> memref<1280x16xf32, #tpu.memory_space<hbm>>
        %dma_start3A_644 = arith.constant 0 : i32
        %dma_start3A_645 = tpu.memref_slice %arg6[%add3A_236, %dma_start3A_644] : memref<163840x16xf32, #tpu.memory_space<hbm>> -> memref<1280x16xf32, #tpu.memory_space<hbm>>
        tpu.enqueue_dma source(%dma_start3A_645 : memref<1280x16xf32, #tpu.memory_space<hbm>>) target(%arg13 : memref<1280x16xf32, #tpu.memory_space<vmem>>) target_semaphore(%run_scoped3A : memref<!tpu.dma_semaphore, #tpu.memory_space<semaphore_mem>>)
        %dma_wait3A_646 = arith.constant 0 : i32
        %dma_wait3A_647 = tpu.memref_slice %arg6[%add3A_236, %dma_wait3A_646] : memref<163840x16xf32, #tpu.memory_space<hbm>> -> memref<1280x16xf32, #tpu.memory_space<hbm>>
        %dma_wait3A_648 = arith.constant 0 : i32
        %dma_wait3A_649 = tpu.memref_slice %arg6[%add3A_236, %dma_wait3A_648] : memref<163840x16xf32, #tpu.memory_space<hbm>> -> memref<1280x16xf32, #tpu.memory_space<hbm>>
        tpu.wait_dma2 semaphore(%run_scoped3A : memref<!tpu.dma_semaphore, #tpu.memory_space<semaphore_mem>>) src(%dma_wait3A_649 : memref<1280x16xf32, #tpu.memory_space<hbm>>) dst(%arg13 : memref<1280x16xf32, #tpu.memory_space<vmem>>)
        tpu.yield
      }) : () -> ()
      %dma_wait3A = arith.constant 0 : i32
      %dma_wait3A_237 = arith.constant 0 : i32
      %dma_wait3A_238 = arith.constant 0 : i32
      %dma_wait3A_239 = tpu.memref_slice %arg11[%dma_wait3A_237, %dma_wait3A_238] : memref<1280x16xf32, #tpu.memory_space<vmem>> -> memref<128x16xf32, #tpu.memory_space<vmem>>
      %dma_wait3A_240 = arith.constant 0 : i32
      %dma_wait3A_241 = tpu.memref_slice %arg9[%dma_wait3A, %dma_wait3A_240] : memref<10x128xi32, #tpu.memory_space<vmem>> -> memref<1x128xi32, #tpu.memory_space<vmem>>
      %dma_wait3A_242 = tpu.memref_squeeze %dma_wait3A_241 : memref<1x128xi32, #tpu.memory_space<vmem>> -> memref<128xi32, #tpu.memory_space<vmem>>
      %dma_wait3A_243 = arith.constant 0 : i32
      %dma_wait3A_244 = arith.constant 0 : i32
      %dma_wait3A_245 = tpu.memref_slice %arg14[%dma_wait3A_243, %dma_wait3A_244] : memref<10112x16xf32, #tpu.memory_space<vmem_shared>> -> memref<10112x16xf32, #tpu.memory_space<vmem_shared>>
      tpu.wait_indirect_dma semaphore(%arg17 : memref<!tpu.dma_semaphore, #tpu.memory_space<semaphore_mem>>) src(%dma_wait3A_245 : memref<10112x16xf32, #tpu.memory_space<vmem_shared>>) dst(%dma_wait3A_239 : memref<128x16xf32, #tpu.memory_space<vmem>>)
      %dma_wait3A_246 = arith.constant 0 : i32
      %dma_wait3A_247 = arith.constant 0 : i32
      %dma_wait3A_248 = arith.constant 0 : i32
      %dma_wait3A_249 = tpu.memref_slice %arg12[%dma_wait3A_247, %dma_wait3A_248] : memref<1280x16xf32, #tpu.memory_space<vmem>> -> memref<128x16xf32, #tpu.memory_space<vmem>>
      %dma_wait3A_250 = arith.constant 0 : i32
      %dma_wait3A_251 = tpu.memref_slice %arg10[%dma_wait3A_246, %dma_wait3A_250] : memref<10x128xi32, #tpu.memory_space<vmem>> -> memref<1x128xi32, #tpu.memory_space<vmem>>
      %dma_wait3A_252 = tpu.memref_squeeze %dma_wait3A_251 : memref<1x128xi32, #tpu.memory_space<vmem>> -> memref<128xi32, #tpu.memory_space<vmem>>
      %dma_wait3A_253 = arith.constant 0 : i32
      %dma_wait3A_254 = arith.constant 0 : i32
      %dma_wait3A_255 = tpu.memref_slice %arg15[%dma_wait3A_253, %dma_wait3A_254] : memref<10112x16xf32, #tpu.memory_space<vmem_shared>> -> memref<10112x16xf32, #tpu.memory_space<vmem_shared>>
      tpu.wait_indirect_dma semaphore(%arg17 : memref<!tpu.dma_semaphore, #tpu.memory_space<semaphore_mem>>) src(%dma_wait3A_255 : memref<10112x16xf32, #tpu.memory_space<vmem_shared>>) dst(%dma_wait3A_249 : memref<128x16xf32, #tpu.memory_space<vmem>>)
      %dma_wait3A_256 = arith.constant 1 : i32
      %dma_wait3A_257 = arith.constant 128 : i32
      %dma_wait3A_258 = arith.constant 0 : i32
      %dma_wait3A_259 = tpu.memref_slice %arg11[%dma_wait3A_257, %dma_wait3A_258] : memref<1280x16xf32, #tpu.memory_space<vmem>> -> memref<128x16xf32, #tpu.memory_space<vmem>>
      %dma_wait3A_260 = arith.constant 0 : i32
      %dma_wait3A_261 = tpu.memref_slice %arg9[%dma_wait3A_256, %dma_wait3A_260] : memref<10x128xi32, #tpu.memory_space<vmem>> -> memref<1x128xi32, #tpu.memory_space<vmem>>
      %dma_wait3A_262 = tpu.memref_squeeze %dma_wait3A_261 : memref<1x128xi32, #tpu.memory_space<vmem>> -> memref<128xi32, #tpu.memory_space<vmem>>
      %dma_wait3A_263 = arith.constant 0 : i32
      %dma_wait3A_264 = arith.constant 0 : i32
      %dma_wait3A_265 = tpu.memref_slice %arg14[%dma_wait3A_263, %dma_wait3A_264] : memref<10112x16xf32, #tpu.memory_space<vmem_shared>> -> memref<10112x16xf32, #tpu.memory_space<vmem_shared>>
      tpu.wait_indirect_dma semaphore(%arg17 : memref<!tpu.dma_semaphore, #tpu.memory_space<semaphore_mem>>) src(%dma_wait3A_265 : memref<10112x16xf32, #tpu.memory_space<vmem_shared>>) dst(%dma_wait3A_259 : memref<128x16xf32, #tpu.memory_space<vmem>>)
      %dma_wait3A_266 = arith.constant 1 : i32
      %dma_wait3A_267 = arith.constant 128 : i32
      %dma_wait3A_268 = arith.constant 0 : i32
      %dma_wait3A_269 = tpu.memref_slice %arg12[%dma_wait3A_267, %dma_wait3A_268] : memref<1280x16xf32, #tpu.memory_space<vmem>> -> memref<128x16xf32, #tpu.memory_space<vmem>>
      %dma_wait3A_270 = arith.constant 0 : i32
      %dma_wait3A_271 = tpu.memref_slice %arg10[%dma_wait3A_266, %dma_wait3A_270] : memref<10x128xi32, #tpu.memory_space<vmem>> -> memref<1x128xi32, #tpu.memory_space<vmem>>
      %dma_wait3A_272 = tpu.memref_squeeze %dma_wait3A_271 : memref<1x128xi32, #tpu.memory_space<vmem>> -> memref<128xi32, #tpu.memory_space<vmem>>
      %dma_wait3A_273 = arith.constant 0 : i32
      %dma_wait3A_274 = arith.constant 0 : i32
      %dma_wait3A_275 = tpu.memref_slice %arg15[%dma_wait3A_273, %dma_wait3A_274] : memref<10112x16xf32, #tpu.memory_space<vmem_shared>> -> memref<10112x16xf32, #tpu.memory_space<vmem_shared>>
      tpu.wait_indirect_dma semaphore(%arg17 : memref<!tpu.dma_semaphore, #tpu.memory_space<semaphore_mem>>) src(%dma_wait3A_275 : memref<10112x16xf32, #tpu.memory_space<vmem_shared>>) dst(%dma_wait3A_269 : memref<128x16xf32, #tpu.memory_space<vmem>>)
      %dma_wait3A_276 = arith.constant 2 : i32
      %dma_wait3A_277 = arith.constant 256 : i32
      %dma_wait3A_278 = arith.constant 0 : i32
      %dma_wait3A_279 = tpu.memref_slice %arg11[%dma_wait3A_277, %dma_wait3A_278] : memref<1280x16xf32, #tpu.memory_space<vmem>> -> memref<128x16xf32, #tpu.memory_space<vmem>>
      %dma_wait3A_280 = arith.constant 0 : i32
      %dma_wait3A_281 = tpu.memref_slice %arg9[%dma_wait3A_276, %dma_wait3A_280] : memref<10x128xi32, #tpu.memory_space<vmem>> -> memref<1x128xi32, #tpu.memory_space<vmem>>
      %dma_wait3A_282 = tpu.memref_squeeze %dma_wait3A_281 : memref<1x128xi32, #tpu.memory_space<vmem>> -> memref<128xi32, #tpu.memory_space<vmem>>
      %dma_wait3A_283 = arith.constant 0 : i32
      %dma_wait3A_284 = arith.constant 0 : i32
      %dma_wait3A_285 = tpu.memref_slice %arg14[%dma_wait3A_283, %dma_wait3A_284] : memref<10112x16xf32, #tpu.memory_space<vmem_shared>> -> memref<10112x16xf32, #tpu.memory_space<vmem_shared>>
      tpu.wait_indirect_dma semaphore(%arg17 : memref<!tpu.dma_semaphore, #tpu.memory_space<semaphore_mem>>) src(%dma_wait3A_285 : memref<10112x16xf32, #tpu.memory_space<vmem_shared>>) dst(%dma_wait3A_279 : memref<128x16xf32, #tpu.memory_space<vmem>>)
      %dma_wait3A_286 = arith.constant 2 : i32
      %dma_wait3A_287 = arith.constant 256 : i32
      %dma_wait3A_288 = arith.constant 0 : i32
      %dma_wait3A_289 = tpu.memref_slice %arg12[%dma_wait3A_287, %dma_wait3A_288] : memref<1280x16xf32, #tpu.memory_space<vmem>> -> memref<128x16xf32, #tpu.memory_space<vmem>>
      %dma_wait3A_290 = arith.constant 0 : i32
      %dma_wait3A_291 = tpu.memref_slice %arg10[%dma_wait3A_286, %dma_wait3A_290] : memref<10x128xi32, #tpu.memory_space<vmem>> -> memref<1x128xi32, #tpu.memory_space<vmem>>
      %dma_wait3A_292 = tpu.memref_squeeze %dma_wait3A_291 : memref<1x128xi32, #tpu.memory_space<vmem>> -> memref<128xi32, #tpu.memory_space<vmem>>
      %dma_wait3A_293 = arith.constant 0 : i32
      %dma_wait3A_294 = arith.constant 0 : i32
      %dma_wait3A_295 = tpu.memref_slice %arg15[%dma_wait3A_293, %dma_wait3A_294] : memref<10112x16xf32, #tpu.memory_space<vmem_shared>> -> memref<10112x16xf32, #tpu.memory_space<vmem_shared>>
      tpu.wait_indirect_dma semaphore(%arg17 : memref<!tpu.dma_semaphore, #tpu.memory_space<semaphore_mem>>) src(%dma_wait3A_295 : memref<10112x16xf32, #tpu.memory_space<vmem_shared>>) dst(%dma_wait3A_289 : memref<128x16xf32, #tpu.memory_space<vmem>>)
      %dma_wait3A_296 = arith.constant 3 : i32
      %dma_wait3A_297 = arith.constant 384 : i32
      %dma_wait3A_298 = arith.constant 0 : i32
      %dma_wait3A_299 = tpu.memref_slice %arg11[%dma_wait3A_297, %dma_wait3A_298] : memref<1280x16xf32, #tpu.memory_space<vmem>> -> memref<128x16xf32, #tpu.memory_space<vmem>>
      %dma_wait3A_300 = arith.constant 0 : i32
      %dma_wait3A_301 = tpu.memref_slice %arg9[%dma_wait3A_296, %dma_wait3A_300] : memref<10x128xi32, #tpu.memory_space<vmem>> -> memref<1x128xi32, #tpu.memory_space<vmem>>
      %dma_wait3A_302 = tpu.memref_squeeze %dma_wait3A_301 : memref<1x128xi32, #tpu.memory_space<vmem>> -> memref<128xi32, #tpu.memory_space<vmem>>
      %dma_wait3A_303 = arith.constant 0 : i32
      %dma_wait3A_304 = arith.constant 0 : i32
      %dma_wait3A_305 = tpu.memref_slice %arg14[%dma_wait3A_303, %dma_wait3A_304] : memref<10112x16xf32, #tpu.memory_space<vmem_shared>> -> memref<10112x16xf32, #tpu.memory_space<vmem_shared>>
      tpu.wait_indirect_dma semaphore(%arg17 : memref<!tpu.dma_semaphore, #tpu.memory_space<semaphore_mem>>) src(%dma_wait3A_305 : memref<10112x16xf32, #tpu.memory_space<vmem_shared>>) dst(%dma_wait3A_299 : memref<128x16xf32, #tpu.memory_space<vmem>>)
      %dma_wait3A_306 = arith.constant 3 : i32
      %dma_wait3A_307 = arith.constant 384 : i32
      %dma_wait3A_308 = arith.constant 0 : i32
      %dma_wait3A_309 = tpu.memref_slice %arg12[%dma_wait3A_307, %dma_wait3A_308] : memref<1280x16xf32, #tpu.memory_space<vmem>> -> memref<128x16xf32, #tpu.memory_space<vmem>>
      %dma_wait3A_310 = arith.constant 0 : i32
      %dma_wait3A_311 = tpu.memref_slice %arg10[%dma_wait3A_306, %dma_wait3A_310] : memref<10x128xi32, #tpu.memory_space<vmem>> -> memref<1x128xi32, #tpu.memory_space<vmem>>
      %dma_wait3A_312 = tpu.memref_squeeze %dma_wait3A_311 : memref<1x128xi32, #tpu.memory_space<vmem>> -> memref<128xi32, #tpu.memory_space<vmem>>
      %dma_wait3A_313 = arith.constant 0 : i32
      %dma_wait3A_314 = arith.constant 0 : i32
      %dma_wait3A_315 = tpu.memref_slice %arg15[%dma_wait3A_313, %dma_wait3A_314] : memref<10112x16xf32, #tpu.memory_space<vmem_shared>> -> memref<10112x16xf32, #tpu.memory_space<vmem_shared>>
      tpu.wait_indirect_dma semaphore(%arg17 : memref<!tpu.dma_semaphore, #tpu.memory_space<semaphore_mem>>) src(%dma_wait3A_315 : memref<10112x16xf32, #tpu.memory_space<vmem_shared>>) dst(%dma_wait3A_309 : memref<128x16xf32, #tpu.memory_space<vmem>>)
      %dma_wait3A_316 = arith.constant 4 : i32
      %dma_wait3A_317 = arith.constant 512 : i32
      %dma_wait3A_318 = arith.constant 0 : i32
      %dma_wait3A_319 = tpu.memref_slice %arg11[%dma_wait3A_317, %dma_wait3A_318] : memref<1280x16xf32, #tpu.memory_space<vmem>> -> memref<128x16xf32, #tpu.memory_space<vmem>>
      %dma_wait3A_320 = arith.constant 0 : i32
      %dma_wait3A_321 = tpu.memref_slice %arg9[%dma_wait3A_316, %dma_wait3A_320] : memref<10x128xi32, #tpu.memory_space<vmem>> -> memref<1x128xi32, #tpu.memory_space<vmem>>
      %dma_wait3A_322 = tpu.memref_squeeze %dma_wait3A_321 : memref<1x128xi32, #tpu.memory_space<vmem>> -> memref<128xi32, #tpu.memory_space<vmem>>
      %dma_wait3A_323 = arith.constant 0 : i32
      %dma_wait3A_324 = arith.constant 0 : i32
      %dma_wait3A_325 = tpu.memref_slice %arg14[%dma_wait3A_323, %dma_wait3A_324] : memref<10112x16xf32, #tpu.memory_space<vmem_shared>> -> memref<10112x16xf32, #tpu.memory_space<vmem_shared>>
      tpu.wait_indirect_dma semaphore(%arg17 : memref<!tpu.dma_semaphore, #tpu.memory_space<semaphore_mem>>) src(%dma_wait3A_325 : memref<10112x16xf32, #tpu.memory_space<vmem_shared>>) dst(%dma_wait3A_319 : memref<128x16xf32, #tpu.memory_space<vmem>>)
      %dma_wait3A_326 = arith.constant 4 : i32
      %dma_wait3A_327 = arith.constant 512 : i32
      %dma_wait3A_328 = arith.constant 0 : i32
      %dma_wait3A_329 = tpu.memref_slice %arg12[%dma_wait3A_327, %dma_wait3A_328] : memref<1280x16xf32, #tpu.memory_space<vmem>> -> memref<128x16xf32, #tpu.memory_space<vmem>>
      %dma_wait3A_330 = arith.constant 0 : i32
      %dma_wait3A_331 = tpu.memref_slice %arg10[%dma_wait3A_326, %dma_wait3A_330] : memref<10x128xi32, #tpu.memory_space<vmem>> -> memref<1x128xi32, #tpu.memory_space<vmem>>
      %dma_wait3A_332 = tpu.memref_squeeze %dma_wait3A_331 : memref<1x128xi32, #tpu.memory_space<vmem>> -> memref<128xi32, #tpu.memory_space<vmem>>
      %dma_wait3A_333 = arith.constant 0 : i32
      %dma_wait3A_334 = arith.constant 0 : i32
      %dma_wait3A_335 = tpu.memref_slice %arg15[%dma_wait3A_333, %dma_wait3A_334] : memref<10112x16xf32, #tpu.memory_space<vmem_shared>> -> memref<10112x16xf32, #tpu.memory_space<vmem_shared>>
      tpu.wait_indirect_dma semaphore(%arg17 : memref<!tpu.dma_semaphore, #tpu.memory_space<semaphore_mem>>) src(%dma_wait3A_335 : memref<10112x16xf32, #tpu.memory_space<vmem_shared>>) dst(%dma_wait3A_329 : memref<128x16xf32, #tpu.memory_space<vmem>>)
      %dma_wait3A_336 = arith.constant 5 : i32
      %dma_wait3A_337 = arith.constant 640 : i32
      %dma_wait3A_338 = arith.constant 0 : i32
      %dma_wait3A_339 = tpu.memref_slice %arg11[%dma_wait3A_337, %dma_wait3A_338] : memref<1280x16xf32, #tpu.memory_space<vmem>> -> memref<128x16xf32, #tpu.memory_space<vmem>>
      %dma_wait3A_340 = arith.constant 0 : i32
      %dma_wait3A_341 = tpu.memref_slice %arg9[%dma_wait3A_336, %dma_wait3A_340] : memref<10x128xi32, #tpu.memory_space<vmem>> -> memref<1x128xi32, #tpu.memory_space<vmem>>
      %dma_wait3A_342 = tpu.memref_squeeze %dma_wait3A_341 : memref<1x128xi32, #tpu.memory_space<vmem>> -> memref<128xi32, #tpu.memory_space<vmem>>
      %dma_wait3A_343 = arith.constant 0 : i32
      %dma_wait3A_344 = arith.constant 0 : i32
      %dma_wait3A_345 = tpu.memref_slice %arg14[%dma_wait3A_343, %dma_wait3A_344] : memref<10112x16xf32, #tpu.memory_space<vmem_shared>> -> memref<10112x16xf32, #tpu.memory_space<vmem_shared>>
      tpu.wait_indirect_dma semaphore(%arg17 : memref<!tpu.dma_semaphore, #tpu.memory_space<semaphore_mem>>) src(%dma_wait3A_345 : memref<10112x16xf32, #tpu.memory_space<vmem_shared>>) dst(%dma_wait3A_339 : memref<128x16xf32, #tpu.memory_space<vmem>>)
      %dma_wait3A_346 = arith.constant 5 : i32
      %dma_wait3A_347 = arith.constant 640 : i32
      %dma_wait3A_348 = arith.constant 0 : i32
      %dma_wait3A_349 = tpu.memref_slice %arg12[%dma_wait3A_347, %dma_wait3A_348] : memref<1280x16xf32, #tpu.memory_space<vmem>> -> memref<128x16xf32, #tpu.memory_space<vmem>>
      %dma_wait3A_350 = arith.constant 0 : i32
      %dma_wait3A_351 = tpu.memref_slice %arg10[%dma_wait3A_346, %dma_wait3A_350] : memref<10x128xi32, #tpu.memory_space<vmem>> -> memref<1x128xi32, #tpu.memory_space<vmem>>
      %dma_wait3A_352 = tpu.memref_squeeze %dma_wait3A_351 : memref<1x128xi32, #tpu.memory_space<vmem>> -> memref<128xi32, #tpu.memory_space<vmem>>
      %dma_wait3A_353 = arith.constant 0 : i32
      %dma_wait3A_354 = arith.constant 0 : i32
      %dma_wait3A_355 = tpu.memref_slice %arg15[%dma_wait3A_353, %dma_wait3A_354] : memref<10112x16xf32, #tpu.memory_space<vmem_shared>> -> memref<10112x16xf32, #tpu.memory_space<vmem_shared>>
      tpu.wait_indirect_dma semaphore(%arg17 : memref<!tpu.dma_semaphore, #tpu.memory_space<semaphore_mem>>) src(%dma_wait3A_355 : memref<10112x16xf32, #tpu.memory_space<vmem_shared>>) dst(%dma_wait3A_349 : memref<128x16xf32, #tpu.memory_space<vmem>>)
      %dma_wait3A_356 = arith.constant 6 : i32
      %dma_wait3A_357 = arith.constant 768 : i32
      %dma_wait3A_358 = arith.constant 0 : i32
      %dma_wait3A_359 = tpu.memref_slice %arg11[%dma_wait3A_357, %dma_wait3A_358] : memref<1280x16xf32, #tpu.memory_space<vmem>> -> memref<128x16xf32, #tpu.memory_space<vmem>>
      %dma_wait3A_360 = arith.constant 0 : i32
      %dma_wait3A_361 = tpu.memref_slice %arg9[%dma_wait3A_356, %dma_wait3A_360] : memref<10x128xi32, #tpu.memory_space<vmem>> -> memref<1x128xi32, #tpu.memory_space<vmem>>
      %dma_wait3A_362 = tpu.memref_squeeze %dma_wait3A_361 : memref<1x128xi32, #tpu.memory_space<vmem>> -> memref<128xi32, #tpu.memory_space<vmem>>
      %dma_wait3A_363 = arith.constant 0 : i32
      %dma_wait3A_364 = arith.constant 0 : i32
      %dma_wait3A_365 = tpu.memref_slice %arg14[%dma_wait3A_363, %dma_wait3A_364] : memref<10112x16xf32, #tpu.memory_space<vmem_shared>> -> memref<10112x16xf32, #tpu.memory_space<vmem_shared>>
      tpu.wait_indirect_dma semaphore(%arg17 : memref<!tpu.dma_semaphore, #tpu.memory_space<semaphore_mem>>) src(%dma_wait3A_365 : memref<10112x16xf32, #tpu.memory_space<vmem_shared>>) dst(%dma_wait3A_359 : memref<128x16xf32, #tpu.memory_space<vmem>>)
      %dma_wait3A_366 = arith.constant 6 : i32
      %dma_wait3A_367 = arith.constant 768 : i32
      %dma_wait3A_368 = arith.constant 0 : i32
      %dma_wait3A_369 = tpu.memref_slice %arg12[%dma_wait3A_367, %dma_wait3A_368] : memref<1280x16xf32, #tpu.memory_space<vmem>> -> memref<128x16xf32, #tpu.memory_space<vmem>>
      %dma_wait3A_370 = arith.constant 0 : i32
      %dma_wait3A_371 = tpu.memref_slice %arg10[%dma_wait3A_366, %dma_wait3A_370] : memref<10x128xi32, #tpu.memory_space<vmem>> -> memref<1x128xi32, #tpu.memory_space<vmem>>
      %dma_wait3A_372 = tpu.memref_squeeze %dma_wait3A_371 : memref<1x128xi32, #tpu.memory_space<vmem>> -> memref<128xi32, #tpu.memory_space<vmem>>
      %dma_wait3A_373 = arith.constant 0 : i32
      %dma_wait3A_374 = arith.constant 0 : i32
      %dma_wait3A_375 = tpu.memref_slice %arg15[%dma_wait3A_373, %dma_wait3A_374] : memref<10112x16xf32, #tpu.memory_space<vmem_shared>> -> memref<10112x16xf32, #tpu.memory_space<vmem_shared>>
      tpu.wait_indirect_dma semaphore(%arg17 : memref<!tpu.dma_semaphore, #tpu.memory_space<semaphore_mem>>) src(%dma_wait3A_375 : memref<10112x16xf32, #tpu.memory_space<vmem_shared>>) dst(%dma_wait3A_369 : memref<128x16xf32, #tpu.memory_space<vmem>>)
      %dma_wait3A_376 = arith.constant 7 : i32
      %dma_wait3A_377 = arith.constant 896 : i32
      %dma_wait3A_378 = arith.constant 0 : i32
      %dma_wait3A_379 = tpu.memref_slice %arg11[%dma_wait3A_377, %dma_wait3A_378] : memref<1280x16xf32, #tpu.memory_space<vmem>> -> memref<128x16xf32, #tpu.memory_space<vmem>>
      %dma_wait3A_380 = arith.constant 0 : i32
      %dma_wait3A_381 = tpu.memref_slice %arg9[%dma_wait3A_376, %dma_wait3A_380] : memref<10x128xi32, #tpu.memory_space<vmem>> -> memref<1x128xi32, #tpu.memory_space<vmem>>
      %dma_wait3A_382 = tpu.memref_squeeze %dma_wait3A_381 : memref<1x128xi32, #tpu.memory_space<vmem>> -> memref<128xi32, #tpu.memory_space<vmem>>
      %dma_wait3A_383 = arith.constant 0 : i32
      %dma_wait3A_384 = arith.constant 0 : i32
      %dma_wait3A_385 = tpu.memref_slice %arg14[%dma_wait3A_383, %dma_wait3A_384] : memref<10112x16xf32, #tpu.memory_space<vmem_shared>> -> memref<10112x16xf32, #tpu.memory_space<vmem_shared>>
      tpu.wait_indirect_dma semaphore(%arg17 : memref<!tpu.dma_semaphore, #tpu.memory_space<semaphore_mem>>) src(%dma_wait3A_385 : memref<10112x16xf32, #tpu.memory_space<vmem_shared>>) dst(%dma_wait3A_379 : memref<128x16xf32, #tpu.memory_space<vmem>>)
      %dma_wait3A_386 = arith.constant 7 : i32
      %dma_wait3A_387 = arith.constant 896 : i32
      %dma_wait3A_388 = arith.constant 0 : i32
      %dma_wait3A_389 = tpu.memref_slice %arg12[%dma_wait3A_387, %dma_wait3A_388] : memref<1280x16xf32, #tpu.memory_space<vmem>> -> memref<128x16xf32, #tpu.memory_space<vmem>>
      %dma_wait3A_390 = arith.constant 0 : i32
      %dma_wait3A_391 = tpu.memref_slice %arg10[%dma_wait3A_386, %dma_wait3A_390] : memref<10x128xi32, #tpu.memory_space<vmem>> -> memref<1x128xi32, #tpu.memory_space<vmem>>
      %dma_wait3A_392 = tpu.memref_squeeze %dma_wait3A_391 : memref<1x128xi32, #tpu.memory_space<vmem>> -> memref<128xi32, #tpu.memory_space<vmem>>
      %dma_wait3A_393 = arith.constant 0 : i32
      %dma_wait3A_394 = arith.constant 0 : i32
      %dma_wait3A_395 = tpu.memref_slice %arg15[%dma_wait3A_393, %dma_wait3A_394] : memref<10112x16xf32, #tpu.memory_space<vmem_shared>> -> memref<10112x16xf32, #tpu.memory_space<vmem_shared>>
      tpu.wait_indirect_dma semaphore(%arg17 : memref<!tpu.dma_semaphore, #tpu.memory_space<semaphore_mem>>) src(%dma_wait3A_395 : memref<10112x16xf32, #tpu.memory_space<vmem_shared>>) dst(%dma_wait3A_389 : memref<128x16xf32, #tpu.memory_space<vmem>>)
      %dma_wait3A_396 = arith.constant 8 : i32
      %dma_wait3A_397 = arith.constant 1024 : i32
      %dma_wait3A_398 = arith.constant 0 : i32
      %dma_wait3A_399 = tpu.memref_slice %arg11[%dma_wait3A_397, %dma_wait3A_398] : memref<1280x16xf32, #tpu.memory_space<vmem>> -> memref<128x16xf32, #tpu.memory_space<vmem>>
      %dma_wait3A_400 = arith.constant 0 : i32
      %dma_wait3A_401 = tpu.memref_slice %arg9[%dma_wait3A_396, %dma_wait3A_400] : memref<10x128xi32, #tpu.memory_space<vmem>> -> memref<1x128xi32, #tpu.memory_space<vmem>>
      %dma_wait3A_402 = tpu.memref_squeeze %dma_wait3A_401 : memref<1x128xi32, #tpu.memory_space<vmem>> -> memref<128xi32, #tpu.memory_space<vmem>>
      %dma_wait3A_403 = arith.constant 0 : i32
      %dma_wait3A_404 = arith.constant 0 : i32
      %dma_wait3A_405 = tpu.memref_slice %arg14[%dma_wait3A_403, %dma_wait3A_404] : memref<10112x16xf32, #tpu.memory_space<vmem_shared>> -> memref<10112x16xf32, #tpu.memory_space<vmem_shared>>
      tpu.wait_indirect_dma semaphore(%arg17 : memref<!tpu.dma_semaphore, #tpu.memory_space<semaphore_mem>>) src(%dma_wait3A_405 : memref<10112x16xf32, #tpu.memory_space<vmem_shared>>) dst(%dma_wait3A_399 : memref<128x16xf32, #tpu.memory_space<vmem>>)
      %dma_wait3A_406 = arith.constant 8 : i32
      %dma_wait3A_407 = arith.constant 1024 : i32
      %dma_wait3A_408 = arith.constant 0 : i32
      %dma_wait3A_409 = tpu.memref_slice %arg12[%dma_wait3A_407, %dma_wait3A_408] : memref<1280x16xf32, #tpu.memory_space<vmem>> -> memref<128x16xf32, #tpu.memory_space<vmem>>
      %dma_wait3A_410 = arith.constant 0 : i32
      %dma_wait3A_411 = tpu.memref_slice %arg10[%dma_wait3A_406, %dma_wait3A_410] : memref<10x128xi32, #tpu.memory_space<vmem>> -> memref<1x128xi32, #tpu.memory_space<vmem>>
      %dma_wait3A_412 = tpu.memref_squeeze %dma_wait3A_411 : memref<1x128xi32, #tpu.memory_space<vmem>> -> memref<128xi32, #tpu.memory_space<vmem>>
      %dma_wait3A_413 = arith.constant 0 : i32
      %dma_wait3A_414 = arith.constant 0 : i32
      %dma_wait3A_415 = tpu.memref_slice %arg15[%dma_wait3A_413, %dma_wait3A_414] : memref<10112x16xf32, #tpu.memory_space<vmem_shared>> -> memref<10112x16xf32, #tpu.memory_space<vmem_shared>>
      tpu.wait_indirect_dma semaphore(%arg17 : memref<!tpu.dma_semaphore, #tpu.memory_space<semaphore_mem>>) src(%dma_wait3A_415 : memref<10112x16xf32, #tpu.memory_space<vmem_shared>>) dst(%dma_wait3A_409 : memref<128x16xf32, #tpu.memory_space<vmem>>)
      %dma_wait3A_416 = arith.constant 9 : i32
      %dma_wait3A_417 = arith.constant 1152 : i32
      %dma_wait3A_418 = arith.constant 0 : i32
      %dma_wait3A_419 = tpu.memref_slice %arg11[%dma_wait3A_417, %dma_wait3A_418] : memref<1280x16xf32, #tpu.memory_space<vmem>> -> memref<128x16xf32, #tpu.memory_space<vmem>>
      %dma_wait3A_420 = arith.constant 0 : i32
      %dma_wait3A_421 = tpu.memref_slice %arg9[%dma_wait3A_416, %dma_wait3A_420] : memref<10x128xi32, #tpu.memory_space<vmem>> -> memref<1x128xi32, #tpu.memory_space<vmem>>
      %dma_wait3A_422 = tpu.memref_squeeze %dma_wait3A_421 : memref<1x128xi32, #tpu.memory_space<vmem>> -> memref<128xi32, #tpu.memory_space<vmem>>
      %dma_wait3A_423 = arith.constant 0 : i32
      %dma_wait3A_424 = arith.constant 0 : i32
      %dma_wait3A_425 = tpu.memref_slice %arg14[%dma_wait3A_423, %dma_wait3A_424] : memref<10112x16xf32, #tpu.memory_space<vmem_shared>> -> memref<10112x16xf32, #tpu.memory_space<vmem_shared>>
      tpu.wait_indirect_dma semaphore(%arg17 : memref<!tpu.dma_semaphore, #tpu.memory_space<semaphore_mem>>) src(%dma_wait3A_425 : memref<10112x16xf32, #tpu.memory_space<vmem_shared>>) dst(%dma_wait3A_419 : memref<128x16xf32, #tpu.memory_space<vmem>>)
      %dma_wait3A_426 = arith.constant 9 : i32
      %dma_wait3A_427 = arith.constant 1152 : i32
      %dma_wait3A_428 = arith.constant 0 : i32
      %dma_wait3A_429 = tpu.memref_slice %arg12[%dma_wait3A_427, %dma_wait3A_428] : memref<1280x16xf32, #tpu.memory_space<vmem>> -> memref<128x16xf32, #tpu.memory_space<vmem>>
      %dma_wait3A_430 = arith.constant 0 : i32
      %dma_wait3A_431 = tpu.memref_slice %arg10[%dma_wait3A_426, %dma_wait3A_430] : memref<10x128xi32, #tpu.memory_space<vmem>> -> memref<1x128xi32, #tpu.memory_space<vmem>>
      %dma_wait3A_432 = tpu.memref_squeeze %dma_wait3A_431 : memref<1x128xi32, #tpu.memory_space<vmem>> -> memref<128xi32, #tpu.memory_space<vmem>>
      %dma_wait3A_433 = arith.constant 0 : i32
      %dma_wait3A_434 = arith.constant 0 : i32
      %dma_wait3A_435 = tpu.memref_slice %arg15[%dma_wait3A_433, %dma_wait3A_434] : memref<10112x16xf32, #tpu.memory_space<vmem_shared>> -> memref<10112x16xf32, #tpu.memory_space<vmem_shared>>
      tpu.wait_indirect_dma semaphore(%arg17 : memref<!tpu.dma_semaphore, #tpu.memory_space<semaphore_mem>>) src(%dma_wait3A_435 : memref<10112x16xf32, #tpu.memory_space<vmem_shared>>) dst(%dma_wait3A_429 : memref<128x16xf32, #tpu.memory_space<vmem>>)
      %scan3A_436 = arith.constant 0 : i32
      %scan3A_437 = arith.constant 0 : i32
      %scan3A_438 = arith.constant 1280 : i32
      %scan3A_439 = arith.addi %scan3A_437, %scan3A_438 : i32
      %scan3A_440 = arith.constant 4 : i32
      scf.for %scan3A_642 = %scan3A_437 to %scan3A_439 step %scan3A_440  : i32 {
        %get3A = arith.index_cast %scan3A_642 : i32 to index
        %get3A_643 = arith.constant 0 : index
        %get3A_644 = tpu.vector_load %arg13[%get3A, %get3A_643] {strides = array<i32>} : memref<1280x16xf32, #tpu.memory_space<vmem>>, vector<1x16xf32>,
        %get3A_645 = vector.shape_cast %get3A_644 : vector<1x16xf32> to vector<16xf32>
        %get3A_646 = arith.index_cast %scan3A_642 : i32 to index
        %get3A_647 = arith.constant 0 : index
        %get3A_648 = tpu.vector_load %arg11[%get3A_646, %get3A_647] {strides = array<i32>} : memref<1280x16xf32, #tpu.memory_space<vmem>>, vector<1x16xf32>,
        %get3A_649 = vector.shape_cast %get3A_648 : vector<1x16xf32> to vector<16xf32>
        %add3A_650 = arith.addf %get3A_645, %get3A_649 : vector<16xf32>
        %get3A_651 = arith.index_cast %scan3A_642 : i32 to index
        %get3A_652 = arith.constant 0 : index
        %get3A_653 = tpu.vector_load %arg12[%get3A_651, %get3A_652] {strides = array<i32>} : memref<1280x16xf32, #tpu.memory_space<vmem>>, vector<1x16xf32>,
        %get3A_654 = vector.shape_cast %get3A_653 : vector<1x16xf32> to vector<16xf32>
        %add3A_655 = arith.addf %add3A_650, %get3A_654 : vector<16xf32>
        %max3A = arith.constant 0.000000e+00 : f32
        %max3A_656 = vector.broadcast %max3A : f32 to vector<16xf32>
        %max3A_657 = arith.maximumf %add3A_655, %max3A_656 : vector<16xf32>
        %swap3A = arith.index_cast %scan3A_642 : i32 to index
        %swap3A_658 = arith.constant 0 : index
        %swap3A_659 = tpu.vector_load %arg13[%swap3A, %swap3A_658] {strides = array<i32>} : memref<1280x16xf32, #tpu.memory_space<vmem>>, vector<1x16xf32>,
        %swap3A_660 = vector.shape_cast %swap3A_659 : vector<1x16xf32> to vector<16xf32>
        %swap3A_661 = vector.shape_cast %max3A_657 : vector<16xf32> to vector<1x16xf32>
        tpu.vector_store %arg13[%swap3A, %swap3A_658], %swap3A_661 {strides = array<i32>} : memref<1280x16xf32, #tpu.memory_space<vmem>>, vector<1x16xf32>,
        %scan3A_662 = arith.constant 1 : i32
        %scan3A_663 = arith.addi %scan3A_642, %scan3A_662 : i32
        %get3A_664 = arith.index_cast %scan3A_663 : i32 to index
        %get3A_665 = arith.constant 0 : index
        %get3A_666 = tpu.vector_load %arg13[%get3A_664, %get3A_665] {strides = array<i32>} : memref<1280x16xf32, #tpu.memory_space<vmem>>, vector<1x16xf32>,
        %get3A_667 = vector.shape_cast %get3A_666 : vector<1x16xf32> to vector<16xf32>
        %get3A_668 = arith.index_cast %scan3A_663 : i32 to index
        %get3A_669 = arith.constant 0 : index
        %get3A_670 = tpu.vector_load %arg11[%get3A_668, %get3A_669] {strides = array<i32>} : memref<1280x16xf32, #tpu.memory_space<vmem>>, vector<1x16xf32>,
        %get3A_671 = vector.shape_cast %get3A_670 : vector<1x16xf32> to vector<16xf32>
        %add3A_672 = arith.addf %get3A_667, %get3A_671 : vector<16xf32>
        %get3A_673 = arith.index_cast %scan3A_663 : i32 to index
        %get3A_674 = arith.constant 0 : index
        %get3A_675 = tpu.vector_load %arg12[%get3A_673, %get3A_674] {strides = array<i32>} : memref<1280x16xf32, #tpu.memory_space<vmem>>, vector<1x16xf32>,
        %get3A_676 = vector.shape_cast %get3A_675 : vector<1x16xf32> to vector<16xf32>
        %add3A_677 = arith.addf %add3A_672, %get3A_676 : vector<16xf32>
        %max3A_678 = arith.constant 0.000000e+00 : f32
        %max3A_679 = vector.broadcast %max3A_678 : f32 to vector<16xf32>
        %max3A_680 = arith.maximumf %add3A_677, %max3A_679 : vector<16xf32>
        %swap3A_681 = arith.index_cast %scan3A_663 : i32 to index
        %swap3A_682 = arith.constant 0 : index
        %swap3A_683 = tpu.vector_load %arg13[%swap3A_681, %swap3A_682] {strides = array<i32>} : memref<1280x16xf32, #tpu.memory_space<vmem>>, vector<1x16xf32>,
        %swap3A_684 = vector.shape_cast %swap3A_683 : vector<1x16xf32> to vector<16xf32>
        %swap3A_685 = vector.shape_cast %max3A_680 : vector<16xf32> to vector<1x16xf32>
        tpu.vector_store %arg13[%swap3A_681, %swap3A_682], %swap3A_685 {strides = array<i32>} : memref<1280x16xf32, #tpu.memory_space<vmem>>, vector<1x16xf32>,
        %scan3A_686 = arith.constant 2 : i32
        %scan3A_687 = arith.addi %scan3A_642, %scan3A_686 : i32
        %get3A_688 = arith.index_cast %scan3A_687 : i32 to index
        %get3A_689 = arith.constant 0 : index
        %get3A_690 = tpu.vector_load %arg13[%get3A_688, %get3A_689] {strides = array<i32>} : memref<1280x16xf32, #tpu.memory_space<vmem>>, vector<1x16xf32>,
        %get3A_691 = vector.shape_cast %get3A_690 : vector<1x16xf32> to vector<16xf32>
        %get3A_692 = arith.index_cast %scan3A_687 : i32 to index
        %get3A_693 = arith.constant 0 : index
        %get3A_694 = tpu.vector_load %arg11[%get3A_692, %get3A_693] {strides = array<i32>} : memref<1280x16xf32, #tpu.memory_space<vmem>>, vector<1x16xf32>,
        %get3A_695 = vector.shape_cast %get3A_694 : vector<1x16xf32> to vector<16xf32>
        %add3A_696 = arith.addf %get3A_691, %get3A_695 : vector<16xf32>
        %get3A_697 = arith.index_cast %scan3A_687 : i32 to index
        %get3A_698 = arith.constant 0 : index
        %get3A_699 = tpu.vector_load %arg12[%get3A_697, %get3A_698] {strides = array<i32>} : memref<1280x16xf32, #tpu.memory_space<vmem>>, vector<1x16xf32>,
        %get3A_700 = vector.shape_cast %get3A_699 : vector<1x16xf32> to vector<16xf32>
        %add3A_701 = arith.addf %add3A_696, %get3A_700 : vector<16xf32>
        %max3A_702 = arith.constant 0.000000e+00 : f32
        %max3A_703 = vector.broadcast %max3A_702 : f32 to vector<16xf32>
        %max3A_704 = arith.maximumf %add3A_701, %max3A_703 : vector<16xf32>
        %swap3A_705 = arith.index_cast %scan3A_687 : i32 to index
        %swap3A_706 = arith.constant 0 : index
        %swap3A_707 = tpu.vector_load %arg13[%swap3A_705, %swap3A_706] {strides = array<i32>} : memref<1280x16xf32, #tpu.memory_space<vmem>>, vector<1x16xf32>,
        %swap3A_708 = vector.shape_cast %swap3A_707 : vector<1x16xf32> to vector<16xf32>
        %swap3A_709 = vector.shape_cast %max3A_704 : vector<16xf32> to vector<1x16xf32>
        tpu.vector_store %arg13[%swap3A_705, %swap3A_706], %swap3A_709 {strides = array<i32>} : memref<1280x16xf32, #tpu.memory_space<vmem>>, vector<1x16xf32>,
        %scan3A_710 = arith.constant 3 : i32
        %scan3A_711 = arith.addi %scan3A_642, %scan3A_710 : i32
        %get3A_712 = arith.index_cast %scan3A_711 : i32 to index
        %get3A_713 = arith.constant 0 : index
        %get3A_714 = tpu.vector_load %arg13[%get3A_712, %get3A_713] {strides = array<i32>} : memref<1280x16xf32, #tpu.memory_space<vmem>>, vector<1x16xf32>,
        %get3A_715 = vector.shape_cast %get3A_714 : vector<1x16xf32> to vector<16xf32>
        %get3A_716 = arith.index_cast %scan3A_711 : i32 to index
        %get3A_717 = arith.constant 0 : index
        %get3A_718 = tpu.vector_load %arg11[%get3A_716, %get3A_717] {strides = array<i32>} : memref<1280x16xf32, #tpu.memory_space<vmem>>, vector<1x16xf32>,
        %get3A_719 = vector.shape_cast %get3A_718 : vector<1x16xf32> to vector<16xf32>
        %add3A_720 = arith.addf %get3A_715, %get3A_719 : vector<16xf32>
        %get3A_721 = arith.index_cast %scan3A_711 : i32 to index
        %get3A_722 = arith.constant 0 : index
        %get3A_723 = tpu.vector_load %arg12[%get3A_721, %get3A_722] {strides = array<i32>} : memref<1280x16xf32, #tpu.memory_space<vmem>>, vector<1x16xf32>,
        %get3A_724 = vector.shape_cast %get3A_723 : vector<1x16xf32> to vector<16xf32>
        %add3A_725 = arith.addf %add3A_720, %get3A_724 : vector<16xf32>
        %max3A_726 = arith.constant 0.000000e+00 : f32
        %max3A_727 = vector.broadcast %max3A_726 : f32 to vector<16xf32>
        %max3A_728 = arith.maximumf %add3A_725, %max3A_727 : vector<16xf32>
        %swap3A_729 = arith.index_cast %scan3A_711 : i32 to index
        %swap3A_730 = arith.constant 0 : index
        %swap3A_731 = tpu.vector_load %arg13[%swap3A_729, %swap3A_730] {strides = array<i32>} : memref<1280x16xf32, #tpu.memory_space<vmem>>, vector<1x16xf32>,
        %swap3A_732 = vector.shape_cast %swap3A_731 : vector<1x16xf32> to vector<16xf32>
        %swap3A_733 = vector.shape_cast %max3A_728 : vector<16xf32> to vector<1x16xf32>
        tpu.vector_store %arg13[%swap3A_729, %swap3A_730], %swap3A_733 {strides = array<i32>} : memref<1280x16xf32, #tpu.memory_space<vmem>>, vector<1x16xf32>,
      }
      %scan3A_441 = arith.constant 1280 : i32
      "tpu.region"() ({
        %run_scoped3A = tpu.sem_alloc : memref<!tpu.dma_semaphore, #tpu.memory_space<semaphore_mem>>
        %dma_start3A_642 = arith.constant 0 : i32
        %dma_start3A_643 = tpu.memref_slice %arg7[%add3A_236, %dma_start3A_642] : memref<163840x16xf32, #tpu.memory_space<hbm>> -> memref<1280x16xf32, #tpu.memory_space<hbm>>
        %dma_start3A_644 = arith.constant 0 : i32
        %dma_start3A_645 = tpu.memref_slice %arg7[%add3A_236, %dma_start3A_644] : memref<163840x16xf32, #tpu.memory_space<hbm>> -> memref<1280x16xf32, #tpu.memory_space<hbm>>
        tpu.enqueue_dma source(%arg13 : memref<1280x16xf32, #tpu.memory_space<vmem>>) target(%dma_start3A_645 : memref<1280x16xf32, #tpu.memory_space<hbm>>) target_semaphore(%run_scoped3A : memref<!tpu.dma_semaphore, #tpu.memory_space<semaphore_mem>>)
        %dma_wait3A_646 = arith.constant 0 : i32
        %dma_wait3A_647 = tpu.memref_slice %arg7[%add3A_236, %dma_wait3A_646] : memref<163840x16xf32, #tpu.memory_space<hbm>> -> memref<1280x16xf32, #tpu.memory_space<hbm>>
        %dma_wait3A_648 = arith.constant 0 : i32
        %dma_wait3A_649 = tpu.memref_slice %arg7[%add3A_236, %dma_wait3A_648] : memref<163840x16xf32, #tpu.memory_space<hbm>> -> memref<1280x16xf32, #tpu.memory_space<hbm>>
        tpu.wait_dma2 semaphore(%run_scoped3A : memref<!tpu.dma_semaphore, #tpu.memory_space<semaphore_mem>>) src(%arg13 : memref<1280x16xf32, #tpu.memory_space<vmem>>) dst(%dma_wait3A_649 : memref<1280x16xf32, #tpu.memory_space<hbm>>)
        tpu.yield
      }) : () -> ()
      %dma_start3A_442 = arith.constant 0 : i32
      %dma_start3A_443 = arith.constant 0 : i32
      %dma_start3A_444 = arith.constant 0 : i32
      %dma_start3A_445 = tpu.memref_slice %arg13[%dma_start3A_443, %dma_start3A_444] : memref<1280x16xf32, #tpu.memory_space<vmem>> -> memref<128x16xf32, #tpu.memory_space<vmem>>
      %dma_start3A_446 = arith.constant 0 : i32
      %dma_start3A_447 = tpu.memref_slice %arg10[%dma_start3A_442, %dma_start3A_446] : memref<10x128xi32, #tpu.memory_space<vmem>> -> memref<1x128xi32, #tpu.memory_space<vmem>>
      %dma_start3A_448 = tpu.memref_squeeze %dma_start3A_447 : memref<1x128xi32, #tpu.memory_space<vmem>> -> memref<128xi32, #tpu.memory_space<vmem>>
      %dma_start3A_449 = arith.constant 0 : i32
      %dma_start3A_450 = arith.constant 0 : i32
      %dma_start3A_451 = tpu.memref_slice %arg16[%dma_start3A_449, %dma_start3A_450] : memref<10112x16xf32, #tpu.memory_space<vmem_shared>> -> memref<10112x16xf32, #tpu.memory_space<vmem_shared>>
      tpu.enqueue_indirect_dma source(%dma_start3A_445 : memref<128x16xf32, #tpu.memory_space<vmem>>) target(%dma_start3A_451 : memref<10112x16xf32, #tpu.memory_space<vmem_shared>>) offsets(%dma_start3A_448 : memref<128xi32, #tpu.memory_space<vmem>>) semaphore(%arg17 : memref<!tpu.dma_semaphore, #tpu.memory_space<semaphore_mem>>) {add = true}
      %dma_start3A_452 = arith.constant 1 : i32
      %dma_start3A_453 = arith.constant 128 : i32
      %dma_start3A_454 = arith.constant 0 : i32
      %dma_start3A_455 = tpu.memref_slice %arg13[%dma_start3A_453, %dma_start3A_454] : memref<1280x16xf32, #tpu.memory_space<vmem>> -> memref<128x16xf32, #tpu.memory_space<vmem>>
      %dma_start3A_456 = arith.constant 0 : i32
      %dma_start3A_457 = tpu.memref_slice %arg10[%dma_start3A_452, %dma_start3A_456] : memref<10x128xi32, #tpu.memory_space<vmem>> -> memref<1x128xi32, #tpu.memory_space<vmem>>
      %dma_start3A_458 = tpu.memref_squeeze %dma_start3A_457 : memref<1x128xi32, #tpu.memory_space<vmem>> -> memref<128xi32, #tpu.memory_space<vmem>>
      %dma_start3A_459 = arith.constant 0 : i32
      %dma_start3A_460 = arith.constant 0 : i32
      %dma_start3A_461 = tpu.memref_slice %arg16[%dma_start3A_459, %dma_start3A_460] : memref<10112x16xf32, #tpu.memory_space<vmem_shared>> -> memref<10112x16xf32, #tpu.memory_space<vmem_shared>>
      tpu.enqueue_indirect_dma source(%dma_start3A_455 : memref<128x16xf32, #tpu.memory_space<vmem>>) target(%dma_start3A_461 : memref<10112x16xf32, #tpu.memory_space<vmem_shared>>) offsets(%dma_start3A_458 : memref<128xi32, #tpu.memory_space<vmem>>) semaphore(%arg17 : memref<!tpu.dma_semaphore, #tpu.memory_space<semaphore_mem>>) {add = true}
      %dma_start3A_462 = arith.constant 2 : i32
      %dma_start3A_463 = arith.constant 256 : i32
      %dma_start3A_464 = arith.constant 0 : i32
      %dma_start3A_465 = tpu.memref_slice %arg13[%dma_start3A_463, %dma_start3A_464] : memref<1280x16xf32, #tpu.memory_space<vmem>> -> memref<128x16xf32, #tpu.memory_space<vmem>>
      %dma_start3A_466 = arith.constant 0 : i32
      %dma_start3A_467 = tpu.memref_slice %arg10[%dma_start3A_462, %dma_start3A_466] : memref<10x128xi32, #tpu.memory_space<vmem>> -> memref<1x128xi32, #tpu.memory_space<vmem>>
      %dma_start3A_468 = tpu.memref_squeeze %dma_start3A_467 : memref<1x128xi32, #tpu.memory_space<vmem>> -> memref<128xi32, #tpu.memory_space<vmem>>
      %dma_start3A_469 = arith.constant 0 : i32
      %dma_start3A_470 = arith.constant 0 : i32
      %dma_start3A_471 = tpu.memref_slice %arg16[%dma_start3A_469, %dma_start3A_470] : memref<10112x16xf32, #tpu.memory_space<vmem_shared>> -> memref<10112x16xf32, #tpu.memory_space<vmem_shared>>
      tpu.enqueue_indirect_dma source(%dma_start3A_465 : memref<128x16xf32, #tpu.memory_space<vmem>>) target(%dma_start3A_471 : memref<10112x16xf32, #tpu.memory_space<vmem_shared>>) offsets(%dma_start3A_468 : memref<128xi32, #tpu.memory_space<vmem>>) semaphore(%arg17 : memref<!tpu.dma_semaphore, #tpu.memory_space<semaphore_mem>>) {add = true}
      %dma_start3A_472 = arith.constant 3 : i32
      %dma_start3A_473 = arith.constant 384 : i32
      %dma_start3A_474 = arith.constant 0 : i32
      %dma_start3A_475 = tpu.memref_slice %arg13[%dma_start3A_473, %dma_start3A_474] : memref<1280x16xf32, #tpu.memory_space<vmem>> -> memref<128x16xf32, #tpu.memory_space<vmem>>
      %dma_start3A_476 = arith.constant 0 : i32
      %dma_start3A_477 = tpu.memref_slice %arg10[%dma_start3A_472, %dma_start3A_476] : memref<10x128xi32, #tpu.memory_space<vmem>> -> memref<1x128xi32, #tpu.memory_space<vmem>>
      %dma_start3A_478 = tpu.memref_squeeze %dma_start3A_477 : memref<1x128xi32, #tpu.memory_space<vmem>> -> memref<128xi32, #tpu.memory_space<vmem>>
      %dma_start3A_479 = arith.constant 0 : i32
      %dma_start3A_480 = arith.constant 0 : i32
      %dma_start3A_481 = tpu.memref_slice %arg16[%dma_start3A_479, %dma_start3A_480] : memref<10112x16xf32, #tpu.memory_space<vmem_shared>> -> memref<10112x16xf32, #tpu.memory_space<vmem_shared>>
      tpu.enqueue_indirect_dma source(%dma_start3A_475 : memref<128x16xf32, #tpu.memory_space<vmem>>) target(%dma_start3A_481 : memref<10112x16xf32, #tpu.memory_space<vmem_shared>>) offsets(%dma_start3A_478 : memref<128xi32, #tpu.memory_space<vmem>>) semaphore(%arg17 : memref<!tpu.dma_semaphore, #tpu.memory_space<semaphore_mem>>) {add = true}
      %dma_start3A_482 = arith.constant 4 : i32
      %dma_start3A_483 = arith.constant 512 : i32
      %dma_start3A_484 = arith.constant 0 : i32
      %dma_start3A_485 = tpu.memref_slice %arg13[%dma_start3A_483, %dma_start3A_484] : memref<1280x16xf32, #tpu.memory_space<vmem>> -> memref<128x16xf32, #tpu.memory_space<vmem>>
      %dma_start3A_486 = arith.constant 0 : i32
      %dma_start3A_487 = tpu.memref_slice %arg10[%dma_start3A_482, %dma_start3A_486] : memref<10x128xi32, #tpu.memory_space<vmem>> -> memref<1x128xi32, #tpu.memory_space<vmem>>
      %dma_start3A_488 = tpu.memref_squeeze %dma_start3A_487 : memref<1x128xi32, #tpu.memory_space<vmem>> -> memref<128xi32, #tpu.memory_space<vmem>>
      %dma_start3A_489 = arith.constant 0 : i32
      %dma_start3A_490 = arith.constant 0 : i32
      %dma_start3A_491 = tpu.memref_slice %arg16[%dma_start3A_489, %dma_start3A_490] : memref<10112x16xf32, #tpu.memory_space<vmem_shared>> -> memref<10112x16xf32, #tpu.memory_space<vmem_shared>>
      tpu.enqueue_indirect_dma source(%dma_start3A_485 : memref<128x16xf32, #tpu.memory_space<vmem>>) target(%dma_start3A_491 : memref<10112x16xf32, #tpu.memory_space<vmem_shared>>) offsets(%dma_start3A_488 : memref<128xi32, #tpu.memory_space<vmem>>) semaphore(%arg17 : memref<!tpu.dma_semaphore, #tpu.memory_space<semaphore_mem>>) {add = true}
      %dma_start3A_492 = arith.constant 5 : i32
      %dma_start3A_493 = arith.constant 640 : i32
      %dma_start3A_494 = arith.constant 0 : i32
      %dma_start3A_495 = tpu.memref_slice %arg13[%dma_start3A_493, %dma_start3A_494] : memref<1280x16xf32, #tpu.memory_space<vmem>> -> memref<128x16xf32, #tpu.memory_space<vmem>>
      %dma_start3A_496 = arith.constant 0 : i32
      %dma_start3A_497 = tpu.memref_slice %arg10[%dma_start3A_492, %dma_start3A_496] : memref<10x128xi32, #tpu.memory_space<vmem>> -> memref<1x128xi32, #tpu.memory_space<vmem>>
      %dma_start3A_498 = tpu.memref_squeeze %dma_start3A_497 : memref<1x128xi32, #tpu.memory_space<vmem>> -> memref<128xi32, #tpu.memory_space<vmem>>
      %dma_start3A_499 = arith.constant 0 : i32
      %dma_start3A_500 = arith.constant 0 : i32
      %dma_start3A_501 = tpu.memref_slice %arg16[%dma_start3A_499, %dma_start3A_500] : memref<10112x16xf32, #tpu.memory_space<vmem_shared>> -> memref<10112x16xf32, #tpu.memory_space<vmem_shared>>
      tpu.enqueue_indirect_dma source(%dma_start3A_495 : memref<128x16xf32, #tpu.memory_space<vmem>>) target(%dma_start3A_501 : memref<10112x16xf32, #tpu.memory_space<vmem_shared>>) offsets(%dma_start3A_498 : memref<128xi32, #tpu.memory_space<vmem>>) semaphore(%arg17 : memref<!tpu.dma_semaphore, #tpu.memory_space<semaphore_mem>>) {add = true}
      %dma_start3A_502 = arith.constant 6 : i32
      %dma_start3A_503 = arith.constant 768 : i32
      %dma_start3A_504 = arith.constant 0 : i32
      %dma_start3A_505 = tpu.memref_slice %arg13[%dma_start3A_503, %dma_start3A_504] : memref<1280x16xf32, #tpu.memory_space<vmem>> -> memref<128x16xf32, #tpu.memory_space<vmem>>
      %dma_start3A_506 = arith.constant 0 : i32
      %dma_start3A_507 = tpu.memref_slice %arg10[%dma_start3A_502, %dma_start3A_506] : memref<10x128xi32, #tpu.memory_space<vmem>> -> memref<1x128xi32, #tpu.memory_space<vmem>>
      %dma_start3A_508 = tpu.memref_squeeze %dma_start3A_507 : memref<1x128xi32, #tpu.memory_space<vmem>> -> memref<128xi32, #tpu.memory_space<vmem>>
      %dma_start3A_509 = arith.constant 0 : i32
      %dma_start3A_510 = arith.constant 0 : i32
      %dma_start3A_511 = tpu.memref_slice %arg16[%dma_start3A_509, %dma_start3A_510] : memref<10112x16xf32, #tpu.memory_space<vmem_shared>> -> memref<10112x16xf32, #tpu.memory_space<vmem_shared>>
      tpu.enqueue_indirect_dma source(%dma_start3A_505 : memref<128x16xf32, #tpu.memory_space<vmem>>) target(%dma_start3A_511 : memref<10112x16xf32, #tpu.memory_space<vmem_shared>>) offsets(%dma_start3A_508 : memref<128xi32, #tpu.memory_space<vmem>>) semaphore(%arg17 : memref<!tpu.dma_semaphore, #tpu.memory_space<semaphore_mem>>) {add = true}
      %dma_start3A_512 = arith.constant 7 : i32
      %dma_start3A_513 = arith.constant 896 : i32
      %dma_start3A_514 = arith.constant 0 : i32
      %dma_start3A_515 = tpu.memref_slice %arg13[%dma_start3A_513, %dma_start3A_514] : memref<1280x16xf32, #tpu.memory_space<vmem>> -> memref<128x16xf32, #tpu.memory_space<vmem>>
      %dma_start3A_516 = arith.constant 0 : i32
      %dma_start3A_517 = tpu.memref_slice %arg10[%dma_start3A_512, %dma_start3A_516] : memref<10x128xi32, #tpu.memory_space<vmem>> -> memref<1x128xi32, #tpu.memory_space<vmem>>
      %dma_start3A_518 = tpu.memref_squeeze %dma_start3A_517 : memref<1x128xi32, #tpu.memory_space<vmem>> -> memref<128xi32, #tpu.memory_space<vmem>>
      %dma_start3A_519 = arith.constant 0 : i32
      %dma_start3A_520 = arith.constant 0 : i32
      %dma_start3A_521 = tpu.memref_slice %arg16[%dma_start3A_519, %dma_start3A_520] : memref<10112x16xf32, #tpu.memory_space<vmem_shared>> -> memref<10112x16xf32, #tpu.memory_space<vmem_shared>>
      tpu.enqueue_indirect_dma source(%dma_start3A_515 : memref<128x16xf32, #tpu.memory_space<vmem>>) target(%dma_start3A_521 : memref<10112x16xf32, #tpu.memory_space<vmem_shared>>) offsets(%dma_start3A_518 : memref<128xi32, #tpu.memory_space<vmem>>) semaphore(%arg17 : memref<!tpu.dma_semaphore, #tpu.memory_space<semaphore_mem>>) {add = true}
      %dma_start3A_522 = arith.constant 8 : i32
      %dma_start3A_523 = arith.constant 1024 : i32
      %dma_start3A_524 = arith.constant 0 : i32
      %dma_start3A_525 = tpu.memref_slice %arg13[%dma_start3A_523, %dma_start3A_524] : memref<1280x16xf32, #tpu.memory_space<vmem>> -> memref<128x16xf32, #tpu.memory_space<vmem>>
      %dma_start3A_526 = arith.constant 0 : i32
      %dma_start3A_527 = tpu.memref_slice %arg10[%dma_start3A_522, %dma_start3A_526] : memref<10x128xi32, #tpu.memory_space<vmem>> -> memref<1x128xi32, #tpu.memory_space<vmem>>
      %dma_start3A_528 = tpu.memref_squeeze %dma_start3A_527 : memref<1x128xi32, #tpu.memory_space<vmem>> -> memref<128xi32, #tpu.memory_space<vmem>>
      %dma_start3A_529 = arith.constant 0 : i32
      %dma_start3A_530 = arith.constant 0 : i32
      %dma_start3A_531 = tpu.memref_slice %arg16[%dma_start3A_529, %dma_start3A_530] : memref<10112x16xf32, #tpu.memory_space<vmem_shared>> -> memref<10112x16xf32, #tpu.memory_space<vmem_shared>>
      tpu.enqueue_indirect_dma source(%dma_start3A_525 : memref<128x16xf32, #tpu.memory_space<vmem>>) target(%dma_start3A_531 : memref<10112x16xf32, #tpu.memory_space<vmem_shared>>) offsets(%dma_start3A_528 : memref<128xi32, #tpu.memory_space<vmem>>) semaphore(%arg17 : memref<!tpu.dma_semaphore, #tpu.memory_space<semaphore_mem>>) {add = true}
      %dma_start3A_532 = arith.constant 9 : i32
      %dma_start3A_533 = arith.constant 1152 : i32
      %dma_start3A_534 = arith.constant 0 : i32
      %dma_start3A_535 = tpu.memref_slice %arg13[%dma_start3A_533, %dma_start3A_534] : memref<1280x16xf32, #tpu.memory_space<vmem>> -> memref<128x16xf32, #tpu.memory_space<vmem>>
      %dma_start3A_536 = arith.constant 0 : i32
      %dma_start3A_537 = tpu.memref_slice %arg10[%dma_start3A_532, %dma_start3A_536] : memref<10x128xi32, #tpu.memory_space<vmem>> -> memref<1x128xi32, #tpu.memory_space<vmem>>
      %dma_start3A_538 = tpu.memref_squeeze %dma_start3A_537 : memref<1x128xi32, #tpu.memory_space<vmem>> -> memref<128xi32, #tpu.memory_space<vmem>>
      %dma_start3A_539 = arith.constant 0 : i32
      %dma_start3A_540 = arith.constant 0 : i32
      %dma_start3A_541 = tpu.memref_slice %arg16[%dma_start3A_539, %dma_start3A_540] : memref<10112x16xf32, #tpu.memory_space<vmem_shared>> -> memref<10112x16xf32, #tpu.memory_space<vmem_shared>>
      tpu.enqueue_indirect_dma source(%dma_start3A_535 : memref<128x16xf32, #tpu.memory_space<vmem>>) target(%dma_start3A_541 : memref<10112x16xf32, #tpu.memory_space<vmem_shared>>) offsets(%dma_start3A_538 : memref<128xi32, #tpu.memory_space<vmem>>) semaphore(%arg17 : memref<!tpu.dma_semaphore, #tpu.memory_space<semaphore_mem>>) {add = true}
      %dma_wait3A_542 = arith.constant 0 : i32
      %dma_wait3A_543 = arith.constant 0 : i32
      %dma_wait3A_544 = arith.constant 0 : i32
      %dma_wait3A_545 = tpu.memref_slice %arg13[%dma_wait3A_543, %dma_wait3A_544] : memref<1280x16xf32, #tpu.memory_space<vmem>> -> memref<128x16xf32, #tpu.memory_space<vmem>>
      %dma_wait3A_546 = arith.constant 0 : i32
      %dma_wait3A_547 = tpu.memref_slice %arg10[%dma_wait3A_542, %dma_wait3A_546] : memref<10x128xi32, #tpu.memory_space<vmem>> -> memref<1x128xi32, #tpu.memory_space<vmem>>
      %dma_wait3A_548 = tpu.memref_squeeze %dma_wait3A_547 : memref<1x128xi32, #tpu.memory_space<vmem>> -> memref<128xi32, #tpu.memory_space<vmem>>
      %dma_wait3A_549 = arith.constant 0 : i32
      %dma_wait3A_550 = arith.constant 0 : i32
      %dma_wait3A_551 = tpu.memref_slice %arg16[%dma_wait3A_549, %dma_wait3A_550] : memref<10112x16xf32, #tpu.memory_space<vmem_shared>> -> memref<10112x16xf32, #tpu.memory_space<vmem_shared>>
      tpu.wait_indirect_dma semaphore(%arg17 : memref<!tpu.dma_semaphore, #tpu.memory_space<semaphore_mem>>) src(%dma_wait3A_545 : memref<128x16xf32, #tpu.memory_space<vmem>>) dst(%dma_wait3A_551 : memref<10112x16xf32, #tpu.memory_space<vmem_shared>>)
      %dma_wait3A_552 = arith.constant 1 : i32
      %dma_wait3A_553 = arith.constant 128 : i32
      %dma_wait3A_554 = arith.constant 0 : i32
      %dma_wait3A_555 = tpu.memref_slice %arg13[%dma_wait3A_553, %dma_wait3A_554] : memref<1280x16xf32, #tpu.memory_space<vmem>> -> memref<128x16xf32, #tpu.memory_space<vmem>>
      %dma_wait3A_556 = arith.constant 0 : i32
      %dma_wait3A_557 = tpu.memref_slice %arg10[%dma_wait3A_552, %dma_wait3A_556] : memref<10x128xi32, #tpu.memory_space<vmem>> -> memref<1x128xi32, #tpu.memory_space<vmem>>
      %dma_wait3A_558 = tpu.memref_squeeze %dma_wait3A_557 : memref<1x128xi32, #tpu.memory_space<vmem>> -> memref<128xi32, #tpu.memory_space<vmem>>
      %dma_wait3A_559 = arith.constant 0 : i32
      %dma_wait3A_560 = arith.constant 0 : i32
      %dma_wait3A_561 = tpu.memref_slice %arg16[%dma_wait3A_559, %dma_wait3A_560] : memref<10112x16xf32, #tpu.memory_space<vmem_shared>> -> memref<10112x16xf32, #tpu.memory_space<vmem_shared>>
      tpu.wait_indirect_dma semaphore(%arg17 : memref<!tpu.dma_semaphore, #tpu.memory_space<semaphore_mem>>) src(%dma_wait3A_555 : memref<128x16xf32, #tpu.memory_space<vmem>>) dst(%dma_wait3A_561 : memref<10112x16xf32, #tpu.memory_space<vmem_shared>>)
      %dma_wait3A_562 = arith.constant 2 : i32
      %dma_wait3A_563 = arith.constant 256 : i32
      %dma_wait3A_564 = arith.constant 0 : i32
      %dma_wait3A_565 = tpu.memref_slice %arg13[%dma_wait3A_563, %dma_wait3A_564] : memref<1280x16xf32, #tpu.memory_space<vmem>> -> memref<128x16xf32, #tpu.memory_space<vmem>>
      %dma_wait3A_566 = arith.constant 0 : i32
      %dma_wait3A_567 = tpu.memref_slice %arg10[%dma_wait3A_562, %dma_wait3A_566] : memref<10x128xi32, #tpu.memory_space<vmem>> -> memref<1x128xi32, #tpu.memory_space<vmem>>
      %dma_wait3A_568 = tpu.memref_squeeze %dma_wait3A_567 : memref<1x128xi32, #tpu.memory_space<vmem>> -> memref<128xi32, #tpu.memory_space<vmem>>
      %dma_wait3A_569 = arith.constant 0 : i32
      %dma_wait3A_570 = arith.constant 0 : i32
      %dma_wait3A_571 = tpu.memref_slice %arg16[%dma_wait3A_569, %dma_wait3A_570] : memref<10112x16xf32, #tpu.memory_space<vmem_shared>> -> memref<10112x16xf32, #tpu.memory_space<vmem_shared>>
      tpu.wait_indirect_dma semaphore(%arg17 : memref<!tpu.dma_semaphore, #tpu.memory_space<semaphore_mem>>) src(%dma_wait3A_565 : memref<128x16xf32, #tpu.memory_space<vmem>>) dst(%dma_wait3A_571 : memref<10112x16xf32, #tpu.memory_space<vmem_shared>>)
      %dma_wait3A_572 = arith.constant 3 : i32
      %dma_wait3A_573 = arith.constant 384 : i32
      %dma_wait3A_574 = arith.constant 0 : i32
      %dma_wait3A_575 = tpu.memref_slice %arg13[%dma_wait3A_573, %dma_wait3A_574] : memref<1280x16xf32, #tpu.memory_space<vmem>> -> memref<128x16xf32, #tpu.memory_space<vmem>>
      %dma_wait3A_576 = arith.constant 0 : i32
      %dma_wait3A_577 = tpu.memref_slice %arg10[%dma_wait3A_572, %dma_wait3A_576] : memref<10x128xi32, #tpu.memory_space<vmem>> -> memref<1x128xi32, #tpu.memory_space<vmem>>
      %dma_wait3A_578 = tpu.memref_squeeze %dma_wait3A_577 : memref<1x128xi32, #tpu.memory_space<vmem>> -> memref<128xi32, #tpu.memory_space<vmem>>
      %dma_wait3A_579 = arith.constant 0 : i32
      %dma_wait3A_580 = arith.constant 0 : i32
      %dma_wait3A_581 = tpu.memref_slice %arg16[%dma_wait3A_579, %dma_wait3A_580] : memref<10112x16xf32, #tpu.memory_space<vmem_shared>> -> memref<10112x16xf32, #tpu.memory_space<vmem_shared>>
      tpu.wait_indirect_dma semaphore(%arg17 : memref<!tpu.dma_semaphore, #tpu.memory_space<semaphore_mem>>) src(%dma_wait3A_575 : memref<128x16xf32, #tpu.memory_space<vmem>>) dst(%dma_wait3A_581 : memref<10112x16xf32, #tpu.memory_space<vmem_shared>>)
      %dma_wait3A_582 = arith.constant 4 : i32
      %dma_wait3A_583 = arith.constant 512 : i32
      %dma_wait3A_584 = arith.constant 0 : i32
      %dma_wait3A_585 = tpu.memref_slice %arg13[%dma_wait3A_583, %dma_wait3A_584] : memref<1280x16xf32, #tpu.memory_space<vmem>> -> memref<128x16xf32, #tpu.memory_space<vmem>>
      %dma_wait3A_586 = arith.constant 0 : i32
      %dma_wait3A_587 = tpu.memref_slice %arg10[%dma_wait3A_582, %dma_wait3A_586] : memref<10x128xi32, #tpu.memory_space<vmem>> -> memref<1x128xi32, #tpu.memory_space<vmem>>
      %dma_wait3A_588 = tpu.memref_squeeze %dma_wait3A_587 : memref<1x128xi32, #tpu.memory_space<vmem>> -> memref<128xi32, #tpu.memory_space<vmem>>
      %dma_wait3A_589 = arith.constant 0 : i32
      %dma_wait3A_590 = arith.constant 0 : i32
      %dma_wait3A_591 = tpu.memref_slice %arg16[%dma_wait3A_589, %dma_wait3A_590] : memref<10112x16xf32, #tpu.memory_space<vmem_shared>> -> memref<10112x16xf32, #tpu.memory_space<vmem_shared>>
      tpu.wait_indirect_dma semaphore(%arg17 : memref<!tpu.dma_semaphore, #tpu.memory_space<semaphore_mem>>) src(%dma_wait3A_585 : memref<128x16xf32, #tpu.memory_space<vmem>>) dst(%dma_wait3A_591 : memref<10112x16xf32, #tpu.memory_space<vmem_shared>>)
      %dma_wait3A_592 = arith.constant 5 : i32
      %dma_wait3A_593 = arith.constant 640 : i32
      %dma_wait3A_594 = arith.constant 0 : i32
      %dma_wait3A_595 = tpu.memref_slice %arg13[%dma_wait3A_593, %dma_wait3A_594] : memref<1280x16xf32, #tpu.memory_space<vmem>> -> memref<128x16xf32, #tpu.memory_space<vmem>>
      %dma_wait3A_596 = arith.constant 0 : i32
      %dma_wait3A_597 = tpu.memref_slice %arg10[%dma_wait3A_592, %dma_wait3A_596] : memref<10x128xi32, #tpu.memory_space<vmem>> -> memref<1x128xi32, #tpu.memory_space<vmem>>
      %dma_wait3A_598 = tpu.memref_squeeze %dma_wait3A_597 : memref<1x128xi32, #tpu.memory_space<vmem>> -> memref<128xi32, #tpu.memory_space<vmem>>
      %dma_wait3A_599 = arith.constant 0 : i32
      %dma_wait3A_600 = arith.constant 0 : i32
      %dma_wait3A_601 = tpu.memref_slice %arg16[%dma_wait3A_599, %dma_wait3A_600] : memref<10112x16xf32, #tpu.memory_space<vmem_shared>> -> memref<10112x16xf32, #tpu.memory_space<vmem_shared>>
      tpu.wait_indirect_dma semaphore(%arg17 : memref<!tpu.dma_semaphore, #tpu.memory_space<semaphore_mem>>) src(%dma_wait3A_595 : memref<128x16xf32, #tpu.memory_space<vmem>>) dst(%dma_wait3A_601 : memref<10112x16xf32, #tpu.memory_space<vmem_shared>>)
      %dma_wait3A_602 = arith.constant 6 : i32
      %dma_wait3A_603 = arith.constant 768 : i32
      %dma_wait3A_604 = arith.constant 0 : i32
      %dma_wait3A_605 = tpu.memref_slice %arg13[%dma_wait3A_603, %dma_wait3A_604] : memref<1280x16xf32, #tpu.memory_space<vmem>> -> memref<128x16xf32, #tpu.memory_space<vmem>>
      %dma_wait3A_606 = arith.constant 0 : i32
      %dma_wait3A_607 = tpu.memref_slice %arg10[%dma_wait3A_602, %dma_wait3A_606] : memref<10x128xi32, #tpu.memory_space<vmem>> -> memref<1x128xi32, #tpu.memory_space<vmem>>
      %dma_wait3A_608 = tpu.memref_squeeze %dma_wait3A_607 : memref<1x128xi32, #tpu.memory_space<vmem>> -> memref<128xi32, #tpu.memory_space<vmem>>
      %dma_wait3A_609 = arith.constant 0 : i32
      %dma_wait3A_610 = arith.constant 0 : i32
      %dma_wait3A_611 = tpu.memref_slice %arg16[%dma_wait3A_609, %dma_wait3A_610] : memref<10112x16xf32, #tpu.memory_space<vmem_shared>> -> memref<10112x16xf32, #tpu.memory_space<vmem_shared>>
      tpu.wait_indirect_dma semaphore(%arg17 : memref<!tpu.dma_semaphore, #tpu.memory_space<semaphore_mem>>) src(%dma_wait3A_605 : memref<128x16xf32, #tpu.memory_space<vmem>>) dst(%dma_wait3A_611 : memref<10112x16xf32, #tpu.memory_space<vmem_shared>>)
      %dma_wait3A_612 = arith.constant 7 : i32
      %dma_wait3A_613 = arith.constant 896 : i32
      %dma_wait3A_614 = arith.constant 0 : i32
      %dma_wait3A_615 = tpu.memref_slice %arg13[%dma_wait3A_613, %dma_wait3A_614] : memref<1280x16xf32, #tpu.memory_space<vmem>> -> memref<128x16xf32, #tpu.memory_space<vmem>>
      %dma_wait3A_616 = arith.constant 0 : i32
      %dma_wait3A_617 = tpu.memref_slice %arg10[%dma_wait3A_612, %dma_wait3A_616] : memref<10x128xi32, #tpu.memory_space<vmem>> -> memref<1x128xi32, #tpu.memory_space<vmem>>
      %dma_wait3A_618 = tpu.memref_squeeze %dma_wait3A_617 : memref<1x128xi32, #tpu.memory_space<vmem>> -> memref<128xi32, #tpu.memory_space<vmem>>
      %dma_wait3A_619 = arith.constant 0 : i32
      %dma_wait3A_620 = arith.constant 0 : i32
      %dma_wait3A_621 = tpu.memref_slice %arg16[%dma_wait3A_619, %dma_wait3A_620] : memref<10112x16xf32, #tpu.memory_space<vmem_shared>> -> memref<10112x16xf32, #tpu.memory_space<vmem_shared>>
      tpu.wait_indirect_dma semaphore(%arg17 : memref<!tpu.dma_semaphore, #tpu.memory_space<semaphore_mem>>) src(%dma_wait3A_615 : memref<128x16xf32, #tpu.memory_space<vmem>>) dst(%dma_wait3A_621 : memref<10112x16xf32, #tpu.memory_space<vmem_shared>>)
      %dma_wait3A_622 = arith.constant 8 : i32
      %dma_wait3A_623 = arith.constant 1024 : i32
      %dma_wait3A_624 = arith.constant 0 : i32
      %dma_wait3A_625 = tpu.memref_slice %arg13[%dma_wait3A_623, %dma_wait3A_624] : memref<1280x16xf32, #tpu.memory_space<vmem>> -> memref<128x16xf32, #tpu.memory_space<vmem>>
      %dma_wait3A_626 = arith.constant 0 : i32
      %dma_wait3A_627 = tpu.memref_slice %arg10[%dma_wait3A_622, %dma_wait3A_626] : memref<10x128xi32, #tpu.memory_space<vmem>> -> memref<1x128xi32, #tpu.memory_space<vmem>>
      %dma_wait3A_628 = tpu.memref_squeeze %dma_wait3A_627 : memref<1x128xi32, #tpu.memory_space<vmem>> -> memref<128xi32, #tpu.memory_space<vmem>>
      %dma_wait3A_629 = arith.constant 0 : i32
      %dma_wait3A_630 = arith.constant 0 : i32
      %dma_wait3A_631 = tpu.memref_slice %arg16[%dma_wait3A_629, %dma_wait3A_630] : memref<10112x16xf32, #tpu.memory_space<vmem_shared>> -> memref<10112x16xf32, #tpu.memory_space<vmem_shared>>
      tpu.wait_indirect_dma semaphore(%arg17 : memref<!tpu.dma_semaphore, #tpu.memory_space<semaphore_mem>>) src(%dma_wait3A_625 : memref<128x16xf32, #tpu.memory_space<vmem>>) dst(%dma_wait3A_631 : memref<10112x16xf32, #tpu.memory_space<vmem_shared>>)
      %dma_wait3A_632 = arith.constant 9 : i32
      %dma_wait3A_633 = arith.constant 1152 : i32
      %dma_wait3A_634 = arith.constant 0 : i32
      %dma_wait3A_635 = tpu.memref_slice %arg13[%dma_wait3A_633, %dma_wait3A_634] : memref<1280x16xf32, #tpu.memory_space<vmem>> -> memref<128x16xf32, #tpu.memory_space<vmem>>
      %dma_wait3A_636 = arith.constant 0 : i32
      %dma_wait3A_637 = tpu.memref_slice %arg10[%dma_wait3A_632, %dma_wait3A_636] : memref<10x128xi32, #tpu.memory_space<vmem>> -> memref<1x128xi32, #tpu.memory_space<vmem>>
      %dma_wait3A_638 = tpu.memref_squeeze %dma_wait3A_637 : memref<1x128xi32, #tpu.memory_space<vmem>> -> memref<128xi32, #tpu.memory_space<vmem>>
      %dma_wait3A_639 = arith.constant 0 : i32
      %dma_wait3A_640 = arith.constant 0 : i32
      %dma_wait3A_641 = tpu.memref_slice %arg16[%dma_wait3A_639, %dma_wait3A_640] : memref<10112x16xf32, #tpu.memory_space<vmem_shared>> -> memref<10112x16xf32, #tpu.memory_space<vmem_shared>>
      tpu.wait_indirect_dma semaphore(%arg17 : memref<!tpu.dma_semaphore, #tpu.memory_space<semaphore_mem>>) src(%dma_wait3A_635 : memref<128x16xf32, #tpu.memory_space<vmem>>) dst(%dma_wait3A_641 : memref<10112x16xf32, #tpu.memory_space<vmem_shared>>)
    }
    %scan3A_23 = arith.constant 4 : i32
    %barrier3A_24 = arith.constant 0 : index
    tpu.barrier barrier_id(%barrier3A_24)
    %mul3A_25 = arith.constant 632 : i32
    %mul3A_26 = arith.muli %arg1, %mul3A_25 : i32
    "tpu.region"() ({
      %run_scoped3A = tpu.sem_alloc : memref<!tpu.dma_semaphore, #tpu.memory_space<semaphore_mem>>
      %dma_start3A = arith.constant 0 : i32
      %dma_start3A_29 = arith.constant 0 : i32
      %dma_start3A_30 = tpu.memref_slice %arg13[%dma_start3A, %dma_start3A_29] : memref<1280x16xf32, #tpu.memory_space<vmem>> -> memref<632x16xf32, #tpu.memory_space<vmem>>
      %dma_start3A_31 = arith.constant 0 : i32
      %dma_start3A_32 = tpu.memref_slice %arg16[%mul3A_26, %dma_start3A_31] : memref<10112x16xf32, #tpu.memory_space<vmem_shared>> -> memref<632x16xf32, #tpu.memory_space<vmem_shared>>
      %dma_start3A_33 = arith.constant 0 : i32
      %dma_start3A_34 = arith.constant 0 : i32
      %dma_start3A_35 = tpu.memref_slice %arg13[%dma_start3A_33, %dma_start3A_34] : memref<1280x16xf32, #tpu.memory_space<vmem>> -> memref<632x16xf32, #tpu.memory_space<vmem>>
      %dma_start3A_36 = arith.constant 0 : i32
      %dma_start3A_37 = tpu.memref_slice %arg16[%mul3A_26, %dma_start3A_36] : memref<10112x16xf32, #tpu.memory_space<vmem_shared>> -> memref<632x16xf32, #tpu.memory_space<vmem_shared>>
      tpu.enqueue_dma source(%dma_start3A_37 : memref<632x16xf32, #tpu.memory_space<vmem_shared>>) target(%dma_start3A_35 : memref<632x16xf32, #tpu.memory_space<vmem>>) target_semaphore(%run_scoped3A : memref<!tpu.dma_semaphore, #tpu.memory_space<semaphore_mem>>)
      %dma_wait3A = arith.constant 0 : i32
      %dma_wait3A_38 = arith.constant 0 : i32
      %dma_wait3A_39 = tpu.memref_slice %arg13[%dma_wait3A, %dma_wait3A_38] : memref<1280x16xf32, #tpu.memory_space<vmem>> -> memref<632x16xf32, #tpu.memory_space<vmem>>
      %dma_wait3A_40 = arith.constant 0 : i32
      %dma_wait3A_41 = tpu.memref_slice %arg16[%mul3A_26, %dma_wait3A_40] : memref<10112x16xf32, #tpu.memory_space<vmem_shared>> -> memref<632x16xf32, #tpu.memory_space<vmem_shared>>
      %dma_wait3A_42 = arith.constant 0 : i32
      %dma_wait3A_43 = arith.constant 0 : i32
      %dma_wait3A_44 = tpu.memref_slice %arg13[%dma_wait3A_42, %dma_wait3A_43] : memref<1280x16xf32, #tpu.memory_space<vmem>> -> memref<632x16xf32, #tpu.memory_space<vmem>>
      %dma_wait3A_45 = arith.constant 0 : i32
      %dma_wait3A_46 = tpu.memref_slice %arg16[%mul3A_26, %dma_wait3A_45] : memref<10112x16xf32, #tpu.memory_space<vmem_shared>> -> memref<632x16xf32, #tpu.memory_space<vmem_shared>>
      tpu.wait_dma2 semaphore(%run_scoped3A : memref<!tpu.dma_semaphore, #tpu.memory_space<semaphore_mem>>) src(%dma_wait3A_46 : memref<632x16xf32, #tpu.memory_space<vmem_shared>>) dst(%dma_wait3A_44 : memref<632x16xf32, #tpu.memory_space<vmem>>)
      tpu.yield
    }) : () -> ()
    %mul3A_27 = arith.constant 632 : i32
    %mul3A_28 = arith.muli %arg1, %mul3A_27 : i32
    "tpu.region"() ({
      %run_scoped3A = tpu.sem_alloc : memref<!tpu.dma_semaphore, #tpu.memory_space<semaphore_mem>>
      %dma_start3A = arith.constant 0 : i32
      %dma_start3A_29 = arith.constant 0 : i32
      %dma_start3A_30 = tpu.memref_slice %arg13[%dma_start3A, %dma_start3A_29] : memref<1280x16xf32, #tpu.memory_space<vmem>> -> memref<632x16xf32, #tpu.memory_space<vmem>>
      %dma_start3A_31 = arith.constant 0 : i32
      %dma_start3A_32 = tpu.memref_slice %arg8[%arg0, %mul3A_28, %dma_start3A_31] : memref<2x10112x16xf32, #tpu.memory_space<hbm>> -> memref<1x632x16xf32, #tpu.memory_space<hbm>>
      %dma_start3A_33 = tpu.memref_squeeze %dma_start3A_32 : memref<1x632x16xf32, #tpu.memory_space<hbm>> -> memref<632x16xf32, #tpu.memory_space<hbm>>
      %dma_start3A_34 = arith.constant 0 : i32
      %dma_start3A_35 = tpu.memref_slice %arg8[%arg0, %mul3A_28, %dma_start3A_34] : memref<2x10112x16xf32, #tpu.memory_space<hbm>> -> memref<1x632x16xf32, #tpu.memory_space<hbm>>
      %dma_start3A_36 = tpu.memref_squeeze %dma_start3A_35 : memref<1x632x16xf32, #tpu.memory_space<hbm>> -> memref<632x16xf32, #tpu.memory_space<hbm>>
      %dma_start3A_37 = arith.constant 0 : i32
      %dma_start3A_38 = arith.constant 0 : i32
      %dma_start3A_39 = tpu.memref_slice %arg13[%dma_start3A_37, %dma_start3A_38] : memref<1280x16xf32, #tpu.memory_space<vmem>> -> memref<632x16xf32, #tpu.memory_space<vmem>>
      tpu.enqueue_dma source(%dma_start3A_39 : memref<632x16xf32, #tpu.memory_space<vmem>>) target(%dma_start3A_36 : memref<632x16xf32, #tpu.memory_space<hbm>>) target_semaphore(%run_scoped3A : memref<!tpu.dma_semaphore, #tpu.memory_space<semaphore_mem>>)
      %dma_wait3A = arith.constant 0 : i32
      %dma_wait3A_40 = arith.constant 0 : i32
      %dma_wait3A_41 = tpu.memref_slice %arg13[%dma_wait3A, %dma_wait3A_40] : memref<1280x16xf32, #tpu.memory_space<vmem>> -> memref<632x16xf32, #tpu.memory_space<vmem>>
      %dma_wait3A_42 = arith.constant 0 : i32
      %dma_wait3A_43 = tpu.memref_slice %arg8[%arg0, %mul3A_28, %dma_wait3A_42] : memref<2x10112x16xf32, #tpu.memory_space<hbm>> -> memref<1x632x16xf32, #tpu.memory_space<hbm>>
      %dma_wait3A_44 = tpu.memref_squeeze %dma_wait3A_43 : memref<1x632x16xf32, #tpu.memory_space<hbm>> -> memref<632x16xf32, #tpu.memory_space<hbm>>
      %dma_wait3A_45 = arith.constant 0 : i32
      %dma_wait3A_46 = tpu.memref_slice %arg8[%arg0, %mul3A_28, %dma_wait3A_45] : memref<2x10112x16xf32, #tpu.memory_space<hbm>> -> memref<1x632x16xf32, #tpu.memory_space<hbm>>
      %dma_wait3A_47 = tpu.memref_squeeze %dma_wait3A_46 : memref<1x632x16xf32, #tpu.memory_space<hbm>> -> memref<632x16xf32, #tpu.memory_space<hbm>>
      %dma_wait3A_48 = arith.constant 0 : i32
      %dma_wait3A_49 = arith.constant 0 : i32
      %dma_wait3A_50 = tpu.memref_slice %arg13[%dma_wait3A_48, %dma_wait3A_49] : memref<1280x16xf32, #tpu.memory_space<vmem>> -> memref<632x16xf32, #tpu.memory_space<vmem>>
      tpu.wait_dma2 semaphore(%run_scoped3A : memref<!tpu.dma_semaphore, #tpu.memory_space<semaphore_mem>>) src(%dma_wait3A_50 : memref<632x16xf32, #tpu.memory_space<vmem>>) dst(%dma_wait3A_47 : memref<632x16xf32, #tpu.memory_space<hbm>>)
      tpu.yield
    }) : () -> ()
    return
  }
}

#map = affine_map<(d0, d1) -> (0, 0)>
#map1 = affine_map<(d0, d1) -> (0, 0, 0)>
module attributes {stable_mosaic.version = 14 : i64} {
  func.func @_sc_phase1_body(%arg0: i32, %arg1: i32, %arg2: memref<1280x128xi32, #tpu.memory_space<hbm>>, %arg3: memref<1280x128xi32, #tpu.memory_space<hbm>>, %arg4: memref<10112x16xf32, #tpu.memory_space<hbm>>, %arg5: memref<10112x16xf32, #tpu.memory_space<hbm>>, %arg6: memref<163840x16xf32, #tpu.memory_space<hbm>>, %arg7: memref<163840x16xf32, #tpu.memory_space<hbm>>, %arg8: memref<2x10112x16xf32, #tpu.memory_space<hbm>>, %arg9: memref<10x128xi32, #tpu.memory_space<vmem>>, %arg10: memref<10x128xi32, #tpu.memory_space<vmem>>, %arg11: memref<1280x16xf32, #tpu.memory_space<vmem>>, %arg12: memref<1280x16xf32, #tpu.memory_space<vmem>>, %arg13: memref<1280x16xf32, #tpu.memory_space<vmem>>, %arg14: memref<10112x16xf32, #tpu.memory_space<vmem_shared>>, %arg15: memref<10112x16xf32, #tpu.memory_space<vmem_shared>>, %arg16: memref<10112x16xf32, #tpu.memory_space<vmem_shared>>, %arg17: memref<!tpu.dma_semaphore, #tpu.memory_space<semaphore_mem>>) attributes {dimension_semantics = [#tpu.dimension_semantics<core_parallel>, #tpu.dimension_semantics<subcore_parallel>], iteration_bounds = array<i64: 2, 16>, scalar_prefetch = 0 : i64, scratch_operands = 9 : i64, tpu.core_type = #tpu.core_type<sc_vector_subcore>, window_params = [{transform_indices = #map}, {transform_indices = #map}, {transform_indices = #map}, {transform_indices = #map}, {transform_indices = #map}, {transform_indices = #map}, {transform_indices = #map1}]} {
    %mul3A = arith.constant 2 : i32
    %mul3A_0 = arith.muli %arg1, %mul3A : i32
    %add3A = arith.addi %mul3A_0, %arg0 : i32
    %mul3A_1 = arith.constant 632 : i32
    %mul3A_2 = arith.muli %arg1, %mul3A_1 : i32
    %mul3A_3 = arith.constant 632 : i32
    %mul3A_4 = arith.muli %arg1, %mul3A_3 : i32
    "tpu.region"() ({
      %run_scoped3A = tpu.sem_alloc : memref<!tpu.dma_semaphore, #tpu.memory_space<semaphore_mem>>
      %dma_start3A = arith.constant 0 : i32
      %dma_start3A_29 = tpu.memref_slice %arg14[%mul3A_4, %dma_start3A] : memref<10112x16xf32, #tpu.memory_space<vmem_shared>> -> memref<632x16xf32, #tpu.memory_space<vmem_shared>>
      %dma_start3A_30 = arith.constant 0 : i32
      %dma_start3A_31 = tpu.memref_slice %arg4[%mul3A_2, %dma_start3A_30] : memref<10112x16xf32, #tpu.memory_space<hbm>> -> memref<632x16xf32, #tpu.memory_space<hbm>>
      tpu.enqueue_dma source(%dma_start3A_31 : memref<632x16xf32, #tpu.memory_space<hbm>>) target(%dma_start3A_29 : memref<632x16xf32, #tpu.memory_space<vmem_shared>>) target_semaphore(%run_scoped3A : memref<!tpu.dma_semaphore, #tpu.memory_space<semaphore_mem>>)
      %dma_wait3A = arith.constant 0 : i32
      %dma_wait3A_32 = tpu.memref_slice %arg14[%mul3A_4, %dma_wait3A] : memref<10112x16xf32, #tpu.memory_space<vmem_shared>> -> memref<632x16xf32, #tpu.memory_space<vmem_shared>>
      %dma_wait3A_33 = arith.constant 0 : i32
      %dma_wait3A_34 = tpu.memref_slice %arg4[%mul3A_2, %dma_wait3A_33] : memref<10112x16xf32, #tpu.memory_space<hbm>> -> memref<632x16xf32, #tpu.memory_space<hbm>>
      tpu.wait_dma2 semaphore(%run_scoped3A : memref<!tpu.dma_semaphore, #tpu.memory_space<semaphore_mem>>) src(%dma_wait3A_34 : memref<632x16xf32, #tpu.memory_space<hbm>>) dst(%dma_wait3A_32 : memref<632x16xf32, #tpu.memory_space<vmem_shared>>)
      tpu.yield
    }) : () -> ()
    %mul3A_5 = arith.constant 632 : i32
    %mul3A_6 = arith.muli %arg1, %mul3A_5 : i32
    %mul3A_7 = arith.constant 632 : i32
    %mul3A_8 = arith.muli %arg1, %mul3A_7 : i32
    "tpu.region"() ({
      %run_scoped3A = tpu.sem_alloc : memref<!tpu.dma_semaphore, #tpu.memory_space<semaphore_mem>>
      %dma_start3A = arith.constant 0 : i32
      %dma_start3A_29 = tpu.memref_slice %arg15[%mul3A_8, %dma_start3A] : memref<10112x16xf32, #tpu.memory_space<vmem_shared>> -> memref<632x16xf32, #tpu.memory_space<vmem_shared>>
      %dma_start3A_30 = arith.constant 0 : i32
      %dma_start3A_31 = tpu.memref_slice %arg5[%mul3A_6, %dma_start3A_30] : memref<10112x16xf32, #tpu.memory_space<hbm>> -> memref<632x16xf32, #tpu.memory_space<hbm>>
      tpu.enqueue_dma source(%dma_start3A_31 : memref<632x16xf32, #tpu.memory_space<hbm>>) target(%dma_start3A_29 : memref<632x16xf32, #tpu.memory_space<vmem_shared>>) target_semaphore(%run_scoped3A : memref<!tpu.dma_semaphore, #tpu.memory_space<semaphore_mem>>)
      %dma_wait3A = arith.constant 0 : i32
      %dma_wait3A_32 = tpu.memref_slice %arg15[%mul3A_8, %dma_wait3A] : memref<10112x16xf32, #tpu.memory_space<vmem_shared>> -> memref<632x16xf32, #tpu.memory_space<vmem_shared>>
      %dma_wait3A_33 = arith.constant 0 : i32
      %dma_wait3A_34 = tpu.memref_slice %arg5[%mul3A_6, %dma_wait3A_33] : memref<10112x16xf32, #tpu.memory_space<hbm>> -> memref<632x16xf32, #tpu.memory_space<hbm>>
      tpu.wait_dma2 semaphore(%run_scoped3A : memref<!tpu.dma_semaphore, #tpu.memory_space<semaphore_mem>>) src(%dma_wait3A_34 : memref<632x16xf32, #tpu.memory_space<hbm>>) dst(%dma_wait3A_32 : memref<632x16xf32, #tpu.memory_space<vmem_shared>>)
      tpu.yield
    }) : () -> ()
    %scan3A = arith.constant 0 : i32
    %scan3A_9 = arith.constant 0 : i32
    %scan3A_10 = arith.constant 632 : i32
    %scan3A_11 = arith.addi %scan3A_9, %scan3A_10 : i32
    %scan3A_12 = arith.constant 4 : i32
    scf.for %scan3A_29 = %scan3A_9 to %scan3A_11 step %scan3A_12  : i32 {
      %broadcast_in_dim3A = arith.constant 0.000000e+00 : f32
      %broadcast_in_dim3A_30 = vector.broadcast %broadcast_in_dim3A : f32 to vector<16xf32>
      %swap3A = arith.index_cast %scan3A_29 : i32 to index
      %swap3A_31 = arith.constant 0 : index
      %swap3A_32 = tpu.vector_load %arg13[%swap3A, %swap3A_31] {strides = array<i32>} : memref<1280x16xf32, #tpu.memory_space<vmem>>, vector<1x16xf32>,
      %swap3A_33 = vector.shape_cast %swap3A_32 : vector<1x16xf32> to vector<16xf32>
      %swap3A_34 = vector.shape_cast %broadcast_in_dim3A_30 : vector<16xf32> to vector<1x16xf32>
      tpu.vector_store %arg13[%swap3A, %swap3A_31], %swap3A_34 {strides = array<i32>} : memref<1280x16xf32, #tpu.memory_space<vmem>>, vector<1x16xf32>,
      %scan3A_35 = arith.constant 1 : i32
      %scan3A_36 = arith.addi %scan3A_29, %scan3A_35 : i32
      %broadcast_in_dim3A_37 = arith.constant 0.000000e+00 : f32
      %broadcast_in_dim3A_38 = vector.broadcast %broadcast_in_dim3A_37 : f32 to vector<16xf32>
      %swap3A_39 = arith.index_cast %scan3A_36 : i32 to index
      %swap3A_40 = arith.constant 0 : index
      %swap3A_41 = tpu.vector_load %arg13[%swap3A_39, %swap3A_40] {strides = array<i32>} : memref<1280x16xf32, #tpu.memory_space<vmem>>, vector<1x16xf32>,
      %swap3A_42 = vector.shape_cast %swap3A_41 : vector<1x16xf32> to vector<16xf32>
      %swap3A_43 = vector.shape_cast %broadcast_in_dim3A_38 : vector<16xf32> to vector<1x16xf32>
      tpu.vector_store %arg13[%swap3A_39, %swap3A_40], %swap3A_43 {strides = array<i32>} : memref<1280x16xf32, #tpu.memory_space<vmem>>, vector<1x16xf32>,
      %scan3A_44 = arith.constant 2 : i32
      %scan3A_45 = arith.addi %scan3A_29, %scan3A_44 : i32
      %broadcast_in_dim3A_46 = arith.constant 0.000000e+00 : f32
      %broadcast_in_dim3A_47 = vector.broadcast %broadcast_in_dim3A_46 : f32 to vector<16xf32>
      %swap3A_48 = arith.index_cast %scan3A_45 : i32 to index
      %swap3A_49 = arith.constant 0 : index
      %swap3A_50 = tpu.vector_load %arg13[%swap3A_48, %swap3A_49] {strides = array<i32>} : memref<1280x16xf32, #tpu.memory_space<vmem>>, vector<1x16xf32>,
      %swap3A_51 = vector.shape_cast %swap3A_50 : vector<1x16xf32> to vector<16xf32>
      %swap3A_52 = vector.shape_cast %broadcast_in_dim3A_47 : vector<16xf32> to vector<1x16xf32>
      tpu.vector_store %arg13[%swap3A_48, %swap3A_49], %swap3A_52 {strides = array<i32>} : memref<1280x16xf32, #tpu.memory_space<vmem>>, vector<1x16xf32>,
      %scan3A_53 = arith.constant 3 : i32
      %scan3A_54 = arith.addi %scan3A_29, %scan3A_53 : i32
      %broadcast_in_dim3A_55 = arith.constant 0.000000e+00 : f32
      %broadcast_in_dim3A_56 = vector.broadcast %broadcast_in_dim3A_55 : f32 to vector<16xf32>
      %swap3A_57 = arith.index_cast %scan3A_54 : i32 to index
      %swap3A_58 = arith.constant 0 : index
      %swap3A_59 = tpu.vector_load %arg13[%swap3A_57, %swap3A_58] {strides = array<i32>} : memref<1280x16xf32, #tpu.memory_space<vmem>>, vector<1x16xf32>,
      %swap3A_60 = vector.shape_cast %swap3A_59 : vector<1x16xf32> to vector<16xf32>
      %swap3A_61 = vector.shape_cast %broadcast_in_dim3A_56 : vector<16xf32> to vector<1x16xf32>
      tpu.vector_store %arg13[%swap3A_57, %swap3A_58], %swap3A_61 {strides = array<i32>} : memref<1280x16xf32, #tpu.memory_space<vmem>>, vector<1x16xf32>,
    }
    %scan3A_13 = arith.constant 632 : i32
    %mul3A_14 = arith.constant 632 : i32
    %mul3A_15 = arith.muli %arg1, %mul3A_14 : i32
    "tpu.region"() ({
      %run_scoped3A = tpu.sem_alloc : memref<!tpu.dma_semaphore, #tpu.memory_space<semaphore_mem>>
      %dma_start3A = arith.constant 0 : i32
      %dma_start3A_29 = arith.constant 0 : i32
      %dma_start3A_30 = tpu.memref_slice %arg13[%dma_start3A, %dma_start3A_29] : memref<1280x16xf32, #tpu.memory_space<vmem>> -> memref<632x16xf32, #tpu.memory_space<vmem>>
      %dma_start3A_31 = arith.constant 0 : i32
      %dma_start3A_32 = tpu.memref_slice %arg16[%mul3A_15, %dma_start3A_31] : memref<10112x16xf32, #tpu.memory_space<vmem_shared>> -> memref<632x16xf32, #tpu.memory_space<vmem_shared>>
      %dma_start3A_33 = arith.constant 0 : i32
      %dma_start3A_34 = tpu.memref_slice %arg16[%mul3A_15, %dma_start3A_33] : memref<10112x16xf32, #tpu.memory_space<vmem_shared>> -> memref<632x16xf32, #tpu.memory_space<vmem_shared>>
      %dma_start3A_35 = arith.constant 0 : i32
      %dma_start3A_36 = arith.constant 0 : i32
      %dma_start3A_37 = tpu.memref_slice %arg13[%dma_start3A_35, %dma_start3A_36] : memref<1280x16xf32, #tpu.memory_space<vmem>> -> memref<632x16xf32, #tpu.memory_space<vmem>>
      tpu.enqueue_dma source(%dma_start3A_37 : memref<632x16xf32, #tpu.memory_space<vmem>>) target(%dma_start3A_34 : memref<632x16xf32, #tpu.memory_space<vmem_shared>>) target_semaphore(%run_scoped3A : memref<!tpu.dma_semaphore, #tpu.memory_space<semaphore_mem>>)
      %dma_wait3A = arith.constant 0 : i32
      %dma_wait3A_38 = arith.constant 0 : i32
      %dma_wait3A_39 = tpu.memref_slice %arg13[%dma_wait3A, %dma_wait3A_38] : memref<1280x16xf32, #tpu.memory_space<vmem>> -> memref<632x16xf32, #tpu.memory_space<vmem>>
      %dma_wait3A_40 = arith.constant 0 : i32
      %dma_wait3A_41 = tpu.memref_slice %arg16[%mul3A_15, %dma_wait3A_40] : memref<10112x16xf32, #tpu.memory_space<vmem_shared>> -> memref<632x16xf32, #tpu.memory_space<vmem_shared>>
      %dma_wait3A_42 = arith.constant 0 : i32
      %dma_wait3A_43 = tpu.memref_slice %arg16[%mul3A_15, %dma_wait3A_42] : memref<10112x16xf32, #tpu.memory_space<vmem_shared>> -> memref<632x16xf32, #tpu.memory_space<vmem_shared>>
      %dma_wait3A_44 = arith.constant 0 : i32
      %dma_wait3A_45 = arith.constant 0 : i32
      %dma_wait3A_46 = tpu.memref_slice %arg13[%dma_wait3A_44, %dma_wait3A_45] : memref<1280x16xf32, #tpu.memory_space<vmem>> -> memref<632x16xf32, #tpu.memory_space<vmem>>
      tpu.wait_dma2 semaphore(%run_scoped3A : memref<!tpu.dma_semaphore, #tpu.memory_space<semaphore_mem>>) src(%dma_wait3A_46 : memref<632x16xf32, #tpu.memory_space<vmem>>) dst(%dma_wait3A_43 : memref<632x16xf32, #tpu.memory_space<vmem_shared>>)
      tpu.yield
    }) : () -> ()
    %barrier3A = arith.constant 0 : index
    tpu.barrier barrier_id(%barrier3A)
    %mul3A_16 = arith.constant 40 : i32
    %mul3A_17 = arith.muli %add3A, %mul3A_16 : i32
    %scan3A_18 = arith.constant 0 : i32
    %scan3A_19 = arith.constant 0 : i32
    %scan3A_20 = arith.constant 4 : i32
    %scan3A_21 = arith.addi %scan3A_19, %scan3A_20 : i32
    %scan3A_22 = arith.constant 1 : i32
    scf.for %scan3A_29 = %scan3A_19 to %scan3A_21 step %scan3A_22  : i32 {
      %mul3A_30 = arith.constant 10 : i32
      %mul3A_31 = arith.muli %scan3A_29, %mul3A_30 : i32
      %add3A_32 = arith.addi %mul3A_17, %mul3A_31 : i32
      "tpu.region"() ({
        %run_scoped3A = tpu.sem_alloc : memref<!tpu.dma_semaphore, #tpu.memory_space<semaphore_mem>>
        %dma_start3A_642 = arith.constant 0 : i32
        %dma_start3A_643 = tpu.memref_slice %arg2[%add3A_32, %dma_start3A_642] : memref<1280x128xi32, #tpu.memory_space<hbm>> -> memref<10x128xi32, #tpu.memory_space<hbm>>
        %dma_start3A_644 = arith.constant 0 : i32
        %dma_start3A_645 = tpu.memref_slice %arg2[%add3A_32, %dma_start3A_644] : memref<1280x128xi32, #tpu.memory_space<hbm>> -> memref<10x128xi32, #tpu.memory_space<hbm>>
        tpu.enqueue_dma source(%dma_start3A_645 : memref<10x128xi32, #tpu.memory_space<hbm>>) target(%arg9 : memref<10x128xi32, #tpu.memory_space<vmem>>) target_semaphore(%run_scoped3A : memref<!tpu.dma_semaphore, #tpu.memory_space<semaphore_mem>>)
        %dma_wait3A_646 = arith.constant 0 : i32
        %dma_wait3A_647 = tpu.memref_slice %arg2[%add3A_32, %dma_wait3A_646] : memref<1280x128xi32, #tpu.memory_space<hbm>> -> memref<10x128xi32, #tpu.memory_space<hbm>>
        %dma_wait3A_648 = arith.constant 0 : i32
        %dma_wait3A_649 = tpu.memref_slice %arg2[%add3A_32, %dma_wait3A_648] : memref<1280x128xi32, #tpu.memory_space<hbm>> -> memref<10x128xi32, #tpu.memory_space<hbm>>
        tpu.wait_dma2 semaphore(%run_scoped3A : memref<!tpu.dma_semaphore, #tpu.memory_space<semaphore_mem>>) src(%dma_wait3A_649 : memref<10x128xi32, #tpu.memory_space<hbm>>) dst(%arg9 : memref<10x128xi32, #tpu.memory_space<vmem>>)
        tpu.yield
      }) : () -> ()
      "tpu.region"() ({
        %run_scoped3A = tpu.sem_alloc : memref<!tpu.dma_semaphore, #tpu.memory_space<semaphore_mem>>
        %dma_start3A_642 = arith.constant 0 : i32
        %dma_start3A_643 = tpu.memref_slice %arg3[%add3A_32, %dma_start3A_642] : memref<1280x128xi32, #tpu.memory_space<hbm>> -> memref<10x128xi32, #tpu.memory_space<hbm>>
        %dma_start3A_644 = arith.constant 0 : i32
        %dma_start3A_645 = tpu.memref_slice %arg3[%add3A_32, %dma_start3A_644] : memref<1280x128xi32, #tpu.memory_space<hbm>> -> memref<10x128xi32, #tpu.memory_space<hbm>>
        tpu.enqueue_dma source(%dma_start3A_645 : memref<10x128xi32, #tpu.memory_space<hbm>>) target(%arg10 : memref<10x128xi32, #tpu.memory_space<vmem>>) target_semaphore(%run_scoped3A : memref<!tpu.dma_semaphore, #tpu.memory_space<semaphore_mem>>)
        %dma_wait3A_646 = arith.constant 0 : i32
        %dma_wait3A_647 = tpu.memref_slice %arg3[%add3A_32, %dma_wait3A_646] : memref<1280x128xi32, #tpu.memory_space<hbm>> -> memref<10x128xi32, #tpu.memory_space<hbm>>
        %dma_wait3A_648 = arith.constant 0 : i32
        %dma_wait3A_649 = tpu.memref_slice %arg3[%add3A_32, %dma_wait3A_648] : memref<1280x128xi32, #tpu.memory_space<hbm>> -> memref<10x128xi32, #tpu.memory_space<hbm>>
        tpu.wait_dma2 semaphore(%run_scoped3A : memref<!tpu.dma_semaphore, #tpu.memory_space<semaphore_mem>>) src(%dma_wait3A_649 : memref<10x128xi32, #tpu.memory_space<hbm>>) dst(%arg10 : memref<10x128xi32, #tpu.memory_space<vmem>>)
        tpu.yield
      }) : () -> ()
      %dma_start3A = arith.constant 0 : i32
      %dma_start3A_33 = arith.constant 0 : i32
      %dma_start3A_34 = arith.constant 0 : i32
      %dma_start3A_35 = tpu.memref_slice %arg11[%dma_start3A_33, %dma_start3A_34] : memref<1280x16xf32, #tpu.memory_space<vmem>> -> memref<128x16xf32, #tpu.memory_space<vmem>>
      %dma_start3A_36 = arith.constant 0 : i32
      %dma_start3A_37 = tpu.memref_slice %arg9[%dma_start3A, %dma_start3A_36] : memref<10x128xi32, #tpu.memory_space<vmem>> -> memref<1x128xi32, #tpu.memory_space<vmem>>
      %dma_start3A_38 = tpu.memref_squeeze %dma_start3A_37 : memref<1x128xi32, #tpu.memory_space<vmem>> -> memref<128xi32, #tpu.memory_space<vmem>>
      %dma_start3A_39 = arith.constant 0 : i32
      %dma_start3A_40 = arith.constant 0 : i32
      %dma_start3A_41 = tpu.memref_slice %arg14[%dma_start3A_39, %dma_start3A_40] : memref<10112x16xf32, #tpu.memory_space<vmem_shared>> -> memref<10112x16xf32, #tpu.memory_space<vmem_shared>>
      tpu.enqueue_indirect_dma source(%dma_start3A_41 : memref<10112x16xf32, #tpu.memory_space<vmem_shared>>) target(%dma_start3A_35 : memref<128x16xf32, #tpu.memory_space<vmem>>) offsets(%dma_start3A_38 : memref<128xi32, #tpu.memory_space<vmem>>) semaphore(%arg17 : memref<!tpu.dma_semaphore, #tpu.memory_space<semaphore_mem>>)
      %dma_start3A_42 = arith.constant 0 : i32
      %dma_start3A_43 = arith.constant 0 : i32
      %dma_start3A_44 = arith.constant 0 : i32
      %dma_start3A_45 = tpu.memref_slice %arg12[%dma_start3A_43, %dma_start3A_44] : memref<1280x16xf32, #tpu.memory_space<vmem>> -> memref<128x16xf32, #tpu.memory_space<vmem>>
      %dma_start3A_46 = arith.constant 0 : i32
      %dma_start3A_47 = tpu.memref_slice %arg10[%dma_start3A_42, %dma_start3A_46] : memref<10x128xi32, #tpu.memory_space<vmem>> -> memref<1x128xi32, #tpu.memory_space<vmem>>
      %dma_start3A_48 = tpu.memref_squeeze %dma_start3A_47 : memref<1x128xi32, #tpu.memory_space<vmem>> -> memref<128xi32, #tpu.memory_space<vmem>>
      %dma_start3A_49 = arith.constant 0 : i32
      %dma_start3A_50 = arith.constant 0 : i32
      %dma_start3A_51 = tpu.memref_slice %arg15[%dma_start3A_49, %dma_start3A_50] : memref<10112x16xf32, #tpu.memory_space<vmem_shared>> -> memref<10112x16xf32, #tpu.memory_space<vmem_shared>>
      tpu.enqueue_indirect_dma source(%dma_start3A_51 : memref<10112x16xf32, #tpu.memory_space<vmem_shared>>) target(%dma_start3A_45 : memref<128x16xf32, #tpu.memory_space<vmem>>) offsets(%dma_start3A_48 : memref<128xi32, #tpu.memory_space<vmem>>) semaphore(%arg17 : memref<!tpu.dma_semaphore, #tpu.memory_space<semaphore_mem>>)
      %dma_start3A_52 = arith.constant 1 : i32
      %dma_start3A_53 = arith.constant 128 : i32
      %dma_start3A_54 = arith.constant 0 : i32
      %dma_start3A_55 = tpu.memref_slice %arg11[%dma_start3A_53, %dma_start3A_54] : memref<1280x16xf32, #tpu.memory_space<vmem>> -> memref<128x16xf32, #tpu.memory_space<vmem>>
      %dma_start3A_56 = arith.constant 0 : i32
      %dma_start3A_57 = tpu.memref_slice %arg9[%dma_start3A_52, %dma_start3A_56] : memref<10x128xi32, #tpu.memory_space<vmem>> -> memref<1x128xi32, #tpu.memory_space<vmem>>
      %dma_start3A_58 = tpu.memref_squeeze %dma_start3A_57 : memref<1x128xi32, #tpu.memory_space<vmem>> -> memref<128xi32, #tpu.memory_space<vmem>>
      %dma_start3A_59 = arith.constant 0 : i32
      %dma_start3A_60 = arith.constant 0 : i32
      %dma_start3A_61 = tpu.memref_slice %arg14[%dma_start3A_59, %dma_start3A_60] : memref<10112x16xf32, #tpu.memory_space<vmem_shared>> -> memref<10112x16xf32, #tpu.memory_space<vmem_shared>>
      tpu.enqueue_indirect_dma source(%dma_start3A_61 : memref<10112x16xf32, #tpu.memory_space<vmem_shared>>) target(%dma_start3A_55 : memref<128x16xf32, #tpu.memory_space<vmem>>) offsets(%dma_start3A_58 : memref<128xi32, #tpu.memory_space<vmem>>) semaphore(%arg17 : memref<!tpu.dma_semaphore, #tpu.memory_space<semaphore_mem>>)
      %dma_start3A_62 = arith.constant 1 : i32
      %dma_start3A_63 = arith.constant 128 : i32
      %dma_start3A_64 = arith.constant 0 : i32
      %dma_start3A_65 = tpu.memref_slice %arg12[%dma_start3A_63, %dma_start3A_64] : memref<1280x16xf32, #tpu.memory_space<vmem>> -> memref<128x16xf32, #tpu.memory_space<vmem>>
      %dma_start3A_66 = arith.constant 0 : i32
      %dma_start3A_67 = tpu.memref_slice %arg10[%dma_start3A_62, %dma_start3A_66] : memref<10x128xi32, #tpu.memory_space<vmem>> -> memref<1x128xi32, #tpu.memory_space<vmem>>
      %dma_start3A_68 = tpu.memref_squeeze %dma_start3A_67 : memref<1x128xi32, #tpu.memory_space<vmem>> -> memref<128xi32, #tpu.memory_space<vmem>>
      %dma_start3A_69 = arith.constant 0 : i32
      %dma_start3A_70 = arith.constant 0 : i32
      %dma_start3A_71 = tpu.memref_slice %arg15[%dma_start3A_69, %dma_start3A_70] : memref<10112x16xf32, #tpu.memory_space<vmem_shared>> -> memref<10112x16xf32, #tpu.memory_space<vmem_shared>>
      tpu.enqueue_indirect_dma source(%dma_start3A_71 : memref<10112x16xf32, #tpu.memory_space<vmem_shared>>) target(%dma_start3A_65 : memref<128x16xf32, #tpu.memory_space<vmem>>) offsets(%dma_start3A_68 : memref<128xi32, #tpu.memory_space<vmem>>) semaphore(%arg17 : memref<!tpu.dma_semaphore, #tpu.memory_space<semaphore_mem>>)
      %dma_start3A_72 = arith.constant 2 : i32
      %dma_start3A_73 = arith.constant 256 : i32
      %dma_start3A_74 = arith.constant 0 : i32
      %dma_start3A_75 = tpu.memref_slice %arg11[%dma_start3A_73, %dma_start3A_74] : memref<1280x16xf32, #tpu.memory_space<vmem>> -> memref<128x16xf32, #tpu.memory_space<vmem>>
      %dma_start3A_76 = arith.constant 0 : i32
      %dma_start3A_77 = tpu.memref_slice %arg9[%dma_start3A_72, %dma_start3A_76] : memref<10x128xi32, #tpu.memory_space<vmem>> -> memref<1x128xi32, #tpu.memory_space<vmem>>
      %dma_start3A_78 = tpu.memref_squeeze %dma_start3A_77 : memref<1x128xi32, #tpu.memory_space<vmem>> -> memref<128xi32, #tpu.memory_space<vmem>>
      %dma_start3A_79 = arith.constant 0 : i32
      %dma_start3A_80 = arith.constant 0 : i32
      %dma_start3A_81 = tpu.memref_slice %arg14[%dma_start3A_79, %dma_start3A_80] : memref<10112x16xf32, #tpu.memory_space<vmem_shared>> -> memref<10112x16xf32, #tpu.memory_space<vmem_shared>>
      tpu.enqueue_indirect_dma source(%dma_start3A_81 : memref<10112x16xf32, #tpu.memory_space<vmem_shared>>) target(%dma_start3A_75 : memref<128x16xf32, #tpu.memory_space<vmem>>) offsets(%dma_start3A_78 : memref<128xi32, #tpu.memory_space<vmem>>) semaphore(%arg17 : memref<!tpu.dma_semaphore, #tpu.memory_space<semaphore_mem>>)
      %dma_start3A_82 = arith.constant 2 : i32
      %dma_start3A_83 = arith.constant 256 : i32
      %dma_start3A_84 = arith.constant 0 : i32
      %dma_start3A_85 = tpu.memref_slice %arg12[%dma_start3A_83, %dma_start3A_84] : memref<1280x16xf32, #tpu.memory_space<vmem>> -> memref<128x16xf32, #tpu.memory_space<vmem>>
      %dma_start3A_86 = arith.constant 0 : i32
      %dma_start3A_87 = tpu.memref_slice %arg10[%dma_start3A_82, %dma_start3A_86] : memref<10x128xi32, #tpu.memory_space<vmem>> -> memref<1x128xi32, #tpu.memory_space<vmem>>
      %dma_start3A_88 = tpu.memref_squeeze %dma_start3A_87 : memref<1x128xi32, #tpu.memory_space<vmem>> -> memref<128xi32, #tpu.memory_space<vmem>>
      %dma_start3A_89 = arith.constant 0 : i32
      %dma_start3A_90 = arith.constant 0 : i32
      %dma_start3A_91 = tpu.memref_slice %arg15[%dma_start3A_89, %dma_start3A_90] : memref<10112x16xf32, #tpu.memory_space<vmem_shared>> -> memref<10112x16xf32, #tpu.memory_space<vmem_shared>>
      tpu.enqueue_indirect_dma source(%dma_start3A_91 : memref<10112x16xf32, #tpu.memory_space<vmem_shared>>) target(%dma_start3A_85 : memref<128x16xf32, #tpu.memory_space<vmem>>) offsets(%dma_start3A_88 : memref<128xi32, #tpu.memory_space<vmem>>) semaphore(%arg17 : memref<!tpu.dma_semaphore, #tpu.memory_space<semaphore_mem>>)
      %dma_start3A_92 = arith.constant 3 : i32
      %dma_start3A_93 = arith.constant 384 : i32
      %dma_start3A_94 = arith.constant 0 : i32
      %dma_start3A_95 = tpu.memref_slice %arg11[%dma_start3A_93, %dma_start3A_94] : memref<1280x16xf32, #tpu.memory_space<vmem>> -> memref<128x16xf32, #tpu.memory_space<vmem>>
      %dma_start3A_96 = arith.constant 0 : i32
      %dma_start3A_97 = tpu.memref_slice %arg9[%dma_start3A_92, %dma_start3A_96] : memref<10x128xi32, #tpu.memory_space<vmem>> -> memref<1x128xi32, #tpu.memory_space<vmem>>
      %dma_start3A_98 = tpu.memref_squeeze %dma_start3A_97 : memref<1x128xi32, #tpu.memory_space<vmem>> -> memref<128xi32, #tpu.memory_space<vmem>>
      %dma_start3A_99 = arith.constant 0 : i32
      %dma_start3A_100 = arith.constant 0 : i32
      %dma_start3A_101 = tpu.memref_slice %arg14[%dma_start3A_99, %dma_start3A_100] : memref<10112x16xf32, #tpu.memory_space<vmem_shared>> -> memref<10112x16xf32, #tpu.memory_space<vmem_shared>>
      tpu.enqueue_indirect_dma source(%dma_start3A_101 : memref<10112x16xf32, #tpu.memory_space<vmem_shared>>) target(%dma_start3A_95 : memref<128x16xf32, #tpu.memory_space<vmem>>) offsets(%dma_start3A_98 : memref<128xi32, #tpu.memory_space<vmem>>) semaphore(%arg17 : memref<!tpu.dma_semaphore, #tpu.memory_space<semaphore_mem>>)
      %dma_start3A_102 = arith.constant 3 : i32
      %dma_start3A_103 = arith.constant 384 : i32
      %dma_start3A_104 = arith.constant 0 : i32
      %dma_start3A_105 = tpu.memref_slice %arg12[%dma_start3A_103, %dma_start3A_104] : memref<1280x16xf32, #tpu.memory_space<vmem>> -> memref<128x16xf32, #tpu.memory_space<vmem>>
      %dma_start3A_106 = arith.constant 0 : i32
      %dma_start3A_107 = tpu.memref_slice %arg10[%dma_start3A_102, %dma_start3A_106] : memref<10x128xi32, #tpu.memory_space<vmem>> -> memref<1x128xi32, #tpu.memory_space<vmem>>
      %dma_start3A_108 = tpu.memref_squeeze %dma_start3A_107 : memref<1x128xi32, #tpu.memory_space<vmem>> -> memref<128xi32, #tpu.memory_space<vmem>>
      %dma_start3A_109 = arith.constant 0 : i32
      %dma_start3A_110 = arith.constant 0 : i32
      %dma_start3A_111 = tpu.memref_slice %arg15[%dma_start3A_109, %dma_start3A_110] : memref<10112x16xf32, #tpu.memory_space<vmem_shared>> -> memref<10112x16xf32, #tpu.memory_space<vmem_shared>>
      tpu.enqueue_indirect_dma source(%dma_start3A_111 : memref<10112x16xf32, #tpu.memory_space<vmem_shared>>) target(%dma_start3A_105 : memref<128x16xf32, #tpu.memory_space<vmem>>) offsets(%dma_start3A_108 : memref<128xi32, #tpu.memory_space<vmem>>) semaphore(%arg17 : memref<!tpu.dma_semaphore, #tpu.memory_space<semaphore_mem>>)
      %dma_start3A_112 = arith.constant 4 : i32
      %dma_start3A_113 = arith.constant 512 : i32
      %dma_start3A_114 = arith.constant 0 : i32
      %dma_start3A_115 = tpu.memref_slice %arg11[%dma_start3A_113, %dma_start3A_114] : memref<1280x16xf32, #tpu.memory_space<vmem>> -> memref<128x16xf32, #tpu.memory_space<vmem>>
      %dma_start3A_116 = arith.constant 0 : i32
      %dma_start3A_117 = tpu.memref_slice %arg9[%dma_start3A_112, %dma_start3A_116] : memref<10x128xi32, #tpu.memory_space<vmem>> -> memref<1x128xi32, #tpu.memory_space<vmem>>
      %dma_start3A_118 = tpu.memref_squeeze %dma_start3A_117 : memref<1x128xi32, #tpu.memory_space<vmem>> -> memref<128xi32, #tpu.memory_space<vmem>>
      %dma_start3A_119 = arith.constant 0 : i32
      %dma_start3A_120 = arith.constant 0 : i32
      %dma_start3A_121 = tpu.memref_slice %arg14[%dma_start3A_119, %dma_start3A_120] : memref<10112x16xf32, #tpu.memory_space<vmem_shared>> -> memref<10112x16xf32, #tpu.memory_space<vmem_shared>>
      tpu.enqueue_indirect_dma source(%dma_start3A_121 : memref<10112x16xf32, #tpu.memory_space<vmem_shared>>) target(%dma_start3A_115 : memref<128x16xf32, #tpu.memory_space<vmem>>) offsets(%dma_start3A_118 : memref<128xi32, #tpu.memory_space<vmem>>) semaphore(%arg17 : memref<!tpu.dma_semaphore, #tpu.memory_space<semaphore_mem>>)
      %dma_start3A_122 = arith.constant 4 : i32
      %dma_start3A_123 = arith.constant 512 : i32
      %dma_start3A_124 = arith.constant 0 : i32
      %dma_start3A_125 = tpu.memref_slice %arg12[%dma_start3A_123, %dma_start3A_124] : memref<1280x16xf32, #tpu.memory_space<vmem>> -> memref<128x16xf32, #tpu.memory_space<vmem>>
      %dma_start3A_126 = arith.constant 0 : i32
      %dma_start3A_127 = tpu.memref_slice %arg10[%dma_start3A_122, %dma_start3A_126] : memref<10x128xi32, #tpu.memory_space<vmem>> -> memref<1x128xi32, #tpu.memory_space<vmem>>
      %dma_start3A_128 = tpu.memref_squeeze %dma_start3A_127 : memref<1x128xi32, #tpu.memory_space<vmem>> -> memref<128xi32, #tpu.memory_space<vmem>>
      %dma_start3A_129 = arith.constant 0 : i32
      %dma_start3A_130 = arith.constant 0 : i32
      %dma_start3A_131 = tpu.memref_slice %arg15[%dma_start3A_129, %dma_start3A_130] : memref<10112x16xf32, #tpu.memory_space<vmem_shared>> -> memref<10112x16xf32, #tpu.memory_space<vmem_shared>>
      tpu.enqueue_indirect_dma source(%dma_start3A_131 : memref<10112x16xf32, #tpu.memory_space<vmem_shared>>) target(%dma_start3A_125 : memref<128x16xf32, #tpu.memory_space<vmem>>) offsets(%dma_start3A_128 : memref<128xi32, #tpu.memory_space<vmem>>) semaphore(%arg17 : memref<!tpu.dma_semaphore, #tpu.memory_space<semaphore_mem>>)
      %dma_start3A_132 = arith.constant 5 : i32
      %dma_start3A_133 = arith.constant 640 : i32
      %dma_start3A_134 = arith.constant 0 : i32
      %dma_start3A_135 = tpu.memref_slice %arg11[%dma_start3A_133, %dma_start3A_134] : memref<1280x16xf32, #tpu.memory_space<vmem>> -> memref<128x16xf32, #tpu.memory_space<vmem>>
      %dma_start3A_136 = arith.constant 0 : i32
      %dma_start3A_137 = tpu.memref_slice %arg9[%dma_start3A_132, %dma_start3A_136] : memref<10x128xi32, #tpu.memory_space<vmem>> -> memref<1x128xi32, #tpu.memory_space<vmem>>
      %dma_start3A_138 = tpu.memref_squeeze %dma_start3A_137 : memref<1x128xi32, #tpu.memory_space<vmem>> -> memref<128xi32, #tpu.memory_space<vmem>>
      %dma_start3A_139 = arith.constant 0 : i32
      %dma_start3A_140 = arith.constant 0 : i32
      %dma_start3A_141 = tpu.memref_slice %arg14[%dma_start3A_139, %dma_start3A_140] : memref<10112x16xf32, #tpu.memory_space<vmem_shared>> -> memref<10112x16xf32, #tpu.memory_space<vmem_shared>>
      tpu.enqueue_indirect_dma source(%dma_start3A_141 : memref<10112x16xf32, #tpu.memory_space<vmem_shared>>) target(%dma_start3A_135 : memref<128x16xf32, #tpu.memory_space<vmem>>) offsets(%dma_start3A_138 : memref<128xi32, #tpu.memory_space<vmem>>) semaphore(%arg17 : memref<!tpu.dma_semaphore, #tpu.memory_space<semaphore_mem>>)
      %dma_start3A_142 = arith.constant 5 : i32
      %dma_start3A_143 = arith.constant 640 : i32
      %dma_start3A_144 = arith.constant 0 : i32
      %dma_start3A_145 = tpu.memref_slice %arg12[%dma_start3A_143, %dma_start3A_144] : memref<1280x16xf32, #tpu.memory_space<vmem>> -> memref<128x16xf32, #tpu.memory_space<vmem>>
      %dma_start3A_146 = arith.constant 0 : i32
      %dma_start3A_147 = tpu.memref_slice %arg10[%dma_start3A_142, %dma_start3A_146] : memref<10x128xi32, #tpu.memory_space<vmem>> -> memref<1x128xi32, #tpu.memory_space<vmem>>
      %dma_start3A_148 = tpu.memref_squeeze %dma_start3A_147 : memref<1x128xi32, #tpu.memory_space<vmem>> -> memref<128xi32, #tpu.memory_space<vmem>>
      %dma_start3A_149 = arith.constant 0 : i32
      %dma_start3A_150 = arith.constant 0 : i32
      %dma_start3A_151 = tpu.memref_slice %arg15[%dma_start3A_149, %dma_start3A_150] : memref<10112x16xf32, #tpu.memory_space<vmem_shared>> -> memref<10112x16xf32, #tpu.memory_space<vmem_shared>>
      tpu.enqueue_indirect_dma source(%dma_start3A_151 : memref<10112x16xf32, #tpu.memory_space<vmem_shared>>) target(%dma_start3A_145 : memref<128x16xf32, #tpu.memory_space<vmem>>) offsets(%dma_start3A_148 : memref<128xi32, #tpu.memory_space<vmem>>) semaphore(%arg17 : memref<!tpu.dma_semaphore, #tpu.memory_space<semaphore_mem>>)
      %dma_start3A_152 = arith.constant 6 : i32
      %dma_start3A_153 = arith.constant 768 : i32
      %dma_start3A_154 = arith.constant 0 : i32
      %dma_start3A_155 = tpu.memref_slice %arg11[%dma_start3A_153, %dma_start3A_154] : memref<1280x16xf32, #tpu.memory_space<vmem>> -> memref<128x16xf32, #tpu.memory_space<vmem>>
      %dma_start3A_156 = arith.constant 0 : i32
      %dma_start3A_157 = tpu.memref_slice %arg9[%dma_start3A_152, %dma_start3A_156] : memref<10x128xi32, #tpu.memory_space<vmem>> -> memref<1x128xi32, #tpu.memory_space<vmem>>
      %dma_start3A_158 = tpu.memref_squeeze %dma_start3A_157 : memref<1x128xi32, #tpu.memory_space<vmem>> -> memref<128xi32, #tpu.memory_space<vmem>>
      %dma_start3A_159 = arith.constant 0 : i32
      %dma_start3A_160 = arith.constant 0 : i32
      %dma_start3A_161 = tpu.memref_slice %arg14[%dma_start3A_159, %dma_start3A_160] : memref<10112x16xf32, #tpu.memory_space<vmem_shared>> -> memref<10112x16xf32, #tpu.memory_space<vmem_shared>>
      tpu.enqueue_indirect_dma source(%dma_start3A_161 : memref<10112x16xf32, #tpu.memory_space<vmem_shared>>) target(%dma_start3A_155 : memref<128x16xf32, #tpu.memory_space<vmem>>) offsets(%dma_start3A_158 : memref<128xi32, #tpu.memory_space<vmem>>) semaphore(%arg17 : memref<!tpu.dma_semaphore, #tpu.memory_space<semaphore_mem>>)
      %dma_start3A_162 = arith.constant 6 : i32
      %dma_start3A_163 = arith.constant 768 : i32
      %dma_start3A_164 = arith.constant 0 : i32
      %dma_start3A_165 = tpu.memref_slice %arg12[%dma_start3A_163, %dma_start3A_164] : memref<1280x16xf32, #tpu.memory_space<vmem>> -> memref<128x16xf32, #tpu.memory_space<vmem>>
      %dma_start3A_166 = arith.constant 0 : i32
      %dma_start3A_167 = tpu.memref_slice %arg10[%dma_start3A_162, %dma_start3A_166] : memref<10x128xi32, #tpu.memory_space<vmem>> -> memref<1x128xi32, #tpu.memory_space<vmem>>
      %dma_start3A_168 = tpu.memref_squeeze %dma_start3A_167 : memref<1x128xi32, #tpu.memory_space<vmem>> -> memref<128xi32, #tpu.memory_space<vmem>>
      %dma_start3A_169 = arith.constant 0 : i32
      %dma_start3A_170 = arith.constant 0 : i32
      %dma_start3A_171 = tpu.memref_slice %arg15[%dma_start3A_169, %dma_start3A_170] : memref<10112x16xf32, #tpu.memory_space<vmem_shared>> -> memref<10112x16xf32, #tpu.memory_space<vmem_shared>>
      tpu.enqueue_indirect_dma source(%dma_start3A_171 : memref<10112x16xf32, #tpu.memory_space<vmem_shared>>) target(%dma_start3A_165 : memref<128x16xf32, #tpu.memory_space<vmem>>) offsets(%dma_start3A_168 : memref<128xi32, #tpu.memory_space<vmem>>) semaphore(%arg17 : memref<!tpu.dma_semaphore, #tpu.memory_space<semaphore_mem>>)
      %dma_start3A_172 = arith.constant 7 : i32
      %dma_start3A_173 = arith.constant 896 : i32
      %dma_start3A_174 = arith.constant 0 : i32
      %dma_start3A_175 = tpu.memref_slice %arg11[%dma_start3A_173, %dma_start3A_174] : memref<1280x16xf32, #tpu.memory_space<vmem>> -> memref<128x16xf32, #tpu.memory_space<vmem>>
      %dma_start3A_176 = arith.constant 0 : i32
      %dma_start3A_177 = tpu.memref_slice %arg9[%dma_start3A_172, %dma_start3A_176] : memref<10x128xi32, #tpu.memory_space<vmem>> -> memref<1x128xi32, #tpu.memory_space<vmem>>
      %dma_start3A_178 = tpu.memref_squeeze %dma_start3A_177 : memref<1x128xi32, #tpu.memory_space<vmem>> -> memref<128xi32, #tpu.memory_space<vmem>>
      %dma_start3A_179 = arith.constant 0 : i32
      %dma_start3A_180 = arith.constant 0 : i32
      %dma_start3A_181 = tpu.memref_slice %arg14[%dma_start3A_179, %dma_start3A_180] : memref<10112x16xf32, #tpu.memory_space<vmem_shared>> -> memref<10112x16xf32, #tpu.memory_space<vmem_shared>>
      tpu.enqueue_indirect_dma source(%dma_start3A_181 : memref<10112x16xf32, #tpu.memory_space<vmem_shared>>) target(%dma_start3A_175 : memref<128x16xf32, #tpu.memory_space<vmem>>) offsets(%dma_start3A_178 : memref<128xi32, #tpu.memory_space<vmem>>) semaphore(%arg17 : memref<!tpu.dma_semaphore, #tpu.memory_space<semaphore_mem>>)
      %dma_start3A_182 = arith.constant 7 : i32
      %dma_start3A_183 = arith.constant 896 : i32
      %dma_start3A_184 = arith.constant 0 : i32
      %dma_start3A_185 = tpu.memref_slice %arg12[%dma_start3A_183, %dma_start3A_184] : memref<1280x16xf32, #tpu.memory_space<vmem>> -> memref<128x16xf32, #tpu.memory_space<vmem>>
      %dma_start3A_186 = arith.constant 0 : i32
      %dma_start3A_187 = tpu.memref_slice %arg10[%dma_start3A_182, %dma_start3A_186] : memref<10x128xi32, #tpu.memory_space<vmem>> -> memref<1x128xi32, #tpu.memory_space<vmem>>
      %dma_start3A_188 = tpu.memref_squeeze %dma_start3A_187 : memref<1x128xi32, #tpu.memory_space<vmem>> -> memref<128xi32, #tpu.memory_space<vmem>>
      %dma_start3A_189 = arith.constant 0 : i32
      %dma_start3A_190 = arith.constant 0 : i32
      %dma_start3A_191 = tpu.memref_slice %arg15[%dma_start3A_189, %dma_start3A_190] : memref<10112x16xf32, #tpu.memory_space<vmem_shared>> -> memref<10112x16xf32, #tpu.memory_space<vmem_shared>>
      tpu.enqueue_indirect_dma source(%dma_start3A_191 : memref<10112x16xf32, #tpu.memory_space<vmem_shared>>) target(%dma_start3A_185 : memref<128x16xf32, #tpu.memory_space<vmem>>) offsets(%dma_start3A_188 : memref<128xi32, #tpu.memory_space<vmem>>) semaphore(%arg17 : memref<!tpu.dma_semaphore, #tpu.memory_space<semaphore_mem>>)
      %dma_start3A_192 = arith.constant 8 : i32
      %dma_start3A_193 = arith.constant 1024 : i32
      %dma_start3A_194 = arith.constant 0 : i32
      %dma_start3A_195 = tpu.memref_slice %arg11[%dma_start3A_193, %dma_start3A_194] : memref<1280x16xf32, #tpu.memory_space<vmem>> -> memref<128x16xf32, #tpu.memory_space<vmem>>
      %dma_start3A_196 = arith.constant 0 : i32
      %dma_start3A_197 = tpu.memref_slice %arg9[%dma_start3A_192, %dma_start3A_196] : memref<10x128xi32, #tpu.memory_space<vmem>> -> memref<1x128xi32, #tpu.memory_space<vmem>>
      %dma_start3A_198 = tpu.memref_squeeze %dma_start3A_197 : memref<1x128xi32, #tpu.memory_space<vmem>> -> memref<128xi32, #tpu.memory_space<vmem>>
      %dma_start3A_199 = arith.constant 0 : i32
      %dma_start3A_200 = arith.constant 0 : i32
      %dma_start3A_201 = tpu.memref_slice %arg14[%dma_start3A_199, %dma_start3A_200] : memref<10112x16xf32, #tpu.memory_space<vmem_shared>> -> memref<10112x16xf32, #tpu.memory_space<vmem_shared>>
      tpu.enqueue_indirect_dma source(%dma_start3A_201 : memref<10112x16xf32, #tpu.memory_space<vmem_shared>>) target(%dma_start3A_195 : memref<128x16xf32, #tpu.memory_space<vmem>>) offsets(%dma_start3A_198 : memref<128xi32, #tpu.memory_space<vmem>>) semaphore(%arg17 : memref<!tpu.dma_semaphore, #tpu.memory_space<semaphore_mem>>)
      %dma_start3A_202 = arith.constant 8 : i32
      %dma_start3A_203 = arith.constant 1024 : i32
      %dma_start3A_204 = arith.constant 0 : i32
      %dma_start3A_205 = tpu.memref_slice %arg12[%dma_start3A_203, %dma_start3A_204] : memref<1280x16xf32, #tpu.memory_space<vmem>> -> memref<128x16xf32, #tpu.memory_space<vmem>>
      %dma_start3A_206 = arith.constant 0 : i32
      %dma_start3A_207 = tpu.memref_slice %arg10[%dma_start3A_202, %dma_start3A_206] : memref<10x128xi32, #tpu.memory_space<vmem>> -> memref<1x128xi32, #tpu.memory_space<vmem>>
      %dma_start3A_208 = tpu.memref_squeeze %dma_start3A_207 : memref<1x128xi32, #tpu.memory_space<vmem>> -> memref<128xi32, #tpu.memory_space<vmem>>
      %dma_start3A_209 = arith.constant 0 : i32
      %dma_start3A_210 = arith.constant 0 : i32
      %dma_start3A_211 = tpu.memref_slice %arg15[%dma_start3A_209, %dma_start3A_210] : memref<10112x16xf32, #tpu.memory_space<vmem_shared>> -> memref<10112x16xf32, #tpu.memory_space<vmem_shared>>
      tpu.enqueue_indirect_dma source(%dma_start3A_211 : memref<10112x16xf32, #tpu.memory_space<vmem_shared>>) target(%dma_start3A_205 : memref<128x16xf32, #tpu.memory_space<vmem>>) offsets(%dma_start3A_208 : memref<128xi32, #tpu.memory_space<vmem>>) semaphore(%arg17 : memref<!tpu.dma_semaphore, #tpu.memory_space<semaphore_mem>>)
      %dma_start3A_212 = arith.constant 9 : i32
      %dma_start3A_213 = arith.constant 1152 : i32
      %dma_start3A_214 = arith.constant 0 : i32
      %dma_start3A_215 = tpu.memref_slice %arg11[%dma_start3A_213, %dma_start3A_214] : memref<1280x16xf32, #tpu.memory_space<vmem>> -> memref<128x16xf32, #tpu.memory_space<vmem>>
      %dma_start3A_216 = arith.constant 0 : i32
      %dma_start3A_217 = tpu.memref_slice %arg9[%dma_start3A_212, %dma_start3A_216] : memref<10x128xi32, #tpu.memory_space<vmem>> -> memref<1x128xi32, #tpu.memory_space<vmem>>
      %dma_start3A_218 = tpu.memref_squeeze %dma_start3A_217 : memref<1x128xi32, #tpu.memory_space<vmem>> -> memref<128xi32, #tpu.memory_space<vmem>>
      %dma_start3A_219 = arith.constant 0 : i32
      %dma_start3A_220 = arith.constant 0 : i32
      %dma_start3A_221 = tpu.memref_slice %arg14[%dma_start3A_219, %dma_start3A_220] : memref<10112x16xf32, #tpu.memory_space<vmem_shared>> -> memref<10112x16xf32, #tpu.memory_space<vmem_shared>>
      tpu.enqueue_indirect_dma source(%dma_start3A_221 : memref<10112x16xf32, #tpu.memory_space<vmem_shared>>) target(%dma_start3A_215 : memref<128x16xf32, #tpu.memory_space<vmem>>) offsets(%dma_start3A_218 : memref<128xi32, #tpu.memory_space<vmem>>) semaphore(%arg17 : memref<!tpu.dma_semaphore, #tpu.memory_space<semaphore_mem>>)
      %dma_start3A_222 = arith.constant 9 : i32
      %dma_start3A_223 = arith.constant 1152 : i32
      %dma_start3A_224 = arith.constant 0 : i32
      %dma_start3A_225 = tpu.memref_slice %arg12[%dma_start3A_223, %dma_start3A_224] : memref<1280x16xf32, #tpu.memory_space<vmem>> -> memref<128x16xf32, #tpu.memory_space<vmem>>
      %dma_start3A_226 = arith.constant 0 : i32
      %dma_start3A_227 = tpu.memref_slice %arg10[%dma_start3A_222, %dma_start3A_226] : memref<10x128xi32, #tpu.memory_space<vmem>> -> memref<1x128xi32, #tpu.memory_space<vmem>>
      %dma_start3A_228 = tpu.memref_squeeze %dma_start3A_227 : memref<1x128xi32, #tpu.memory_space<vmem>> -> memref<128xi32, #tpu.memory_space<vmem>>
      %dma_start3A_229 = arith.constant 0 : i32
      %dma_start3A_230 = arith.constant 0 : i32
      %dma_start3A_231 = tpu.memref_slice %arg15[%dma_start3A_229, %dma_start3A_230] : memref<10112x16xf32, #tpu.memory_space<vmem_shared>> -> memref<10112x16xf32, #tpu.memory_space<vmem_shared>>
      tpu.enqueue_indirect_dma source(%dma_start3A_231 : memref<10112x16xf32, #tpu.memory_space<vmem_shared>>) target(%dma_start3A_225 : memref<128x16xf32, #tpu.memory_space<vmem>>) offsets(%dma_start3A_228 : memref<128xi32, #tpu.memory_space<vmem>>) semaphore(%arg17 : memref<!tpu.dma_semaphore, #tpu.memory_space<semaphore_mem>>)
      %mul3A_232 = arith.constant 5120 : i32
      %mul3A_233 = arith.muli %add3A, %mul3A_232 : i32
      %mul3A_234 = arith.constant 1280 : i32
      %mul3A_235 = arith.muli %scan3A_29, %mul3A_234 : i32
      %add3A_236 = arith.addi %mul3A_233, %mul3A_235 : i32
      "tpu.region"() ({
        %run_scoped3A = tpu.sem_alloc : memref<!tpu.dma_semaphore, #tpu.memory_space<semaphore_mem>>
        %dma_start3A_642 = arith.constant 0 : i32
        %dma_start3A_643 = tpu.memref_slice %arg6[%add3A_236, %dma_start3A_642] : memref<163840x16xf32, #tpu.memory_space<hbm>> -> memref<1280x16xf32, #tpu.memory_space<hbm>>
        %dma_start3A_644 = arith.constant 0 : i32
        %dma_start3A_645 = tpu.memref_slice %arg6[%add3A_236, %dma_start3A_644] : memref<163840x16xf32, #tpu.memory_space<hbm>> -> memref<1280x16xf32, #tpu.memory_space<hbm>>
        tpu.enqueue_dma source(%dma_start3A_645 : memref<1280x16xf32, #tpu.memory_space<hbm>>) target(%arg13 : memref<1280x16xf32, #tpu.memory_space<vmem>>) target_semaphore(%run_scoped3A : memref<!tpu.dma_semaphore, #tpu.memory_space<semaphore_mem>>)
        %dma_wait3A_646 = arith.constant 0 : i32
        %dma_wait3A_647 = tpu.memref_slice %arg6[%add3A_236, %dma_wait3A_646] : memref<163840x16xf32, #tpu.memory_space<hbm>> -> memref<1280x16xf32, #tpu.memory_space<hbm>>
        %dma_wait3A_648 = arith.constant 0 : i32
        %dma_wait3A_649 = tpu.memref_slice %arg6[%add3A_236, %dma_wait3A_648] : memref<163840x16xf32, #tpu.memory_space<hbm>> -> memref<1280x16xf32, #tpu.memory_space<hbm>>
        tpu.wait_dma2 semaphore(%run_scoped3A : memref<!tpu.dma_semaphore, #tpu.memory_space<semaphore_mem>>) src(%dma_wait3A_649 : memref<1280x16xf32, #tpu.memory_space<hbm>>) dst(%arg13 : memref<1280x16xf32, #tpu.memory_space<vmem>>)
        tpu.yield
      }) : () -> ()
      %dma_wait3A = arith.constant 0 : i32
      %dma_wait3A_237 = arith.constant 0 : i32
      %dma_wait3A_238 = arith.constant 0 : i32
      %dma_wait3A_239 = tpu.memref_slice %arg11[%dma_wait3A_237, %dma_wait3A_238] : memref<1280x16xf32, #tpu.memory_space<vmem>> -> memref<128x16xf32, #tpu.memory_space<vmem>>
      %dma_wait3A_240 = arith.constant 0 : i32
      %dma_wait3A_241 = tpu.memref_slice %arg9[%dma_wait3A, %dma_wait3A_240] : memref<10x128xi32, #tpu.memory_space<vmem>> -> memref<1x128xi32, #tpu.memory_space<vmem>>
      %dma_wait3A_242 = tpu.memref_squeeze %dma_wait3A_241 : memref<1x128xi32, #tpu.memory_space<vmem>> -> memref<128xi32, #tpu.memory_space<vmem>>
      %dma_wait3A_243 = arith.constant 0 : i32
      %dma_wait3A_244 = arith.constant 0 : i32
      %dma_wait3A_245 = tpu.memref_slice %arg14[%dma_wait3A_243, %dma_wait3A_244] : memref<10112x16xf32, #tpu.memory_space<vmem_shared>> -> memref<10112x16xf32, #tpu.memory_space<vmem_shared>>
      tpu.wait_indirect_dma semaphore(%arg17 : memref<!tpu.dma_semaphore, #tpu.memory_space<semaphore_mem>>) src(%dma_wait3A_245 : memref<10112x16xf32, #tpu.memory_space<vmem_shared>>) dst(%dma_wait3A_239 : memref<128x16xf32, #tpu.memory_space<vmem>>)
      %dma_wait3A_246 = arith.constant 0 : i32
      %dma_wait3A_247 = arith.constant 0 : i32
      %dma_wait3A_248 = arith.constant 0 : i32
      %dma_wait3A_249 = tpu.memref_slice %arg12[%dma_wait3A_247, %dma_wait3A_248] : memref<1280x16xf32, #tpu.memory_space<vmem>> -> memref<128x16xf32, #tpu.memory_space<vmem>>
      %dma_wait3A_250 = arith.constant 0 : i32
      %dma_wait3A_251 = tpu.memref_slice %arg10[%dma_wait3A_246, %dma_wait3A_250] : memref<10x128xi32, #tpu.memory_space<vmem>> -> memref<1x128xi32, #tpu.memory_space<vmem>>
      %dma_wait3A_252 = tpu.memref_squeeze %dma_wait3A_251 : memref<1x128xi32, #tpu.memory_space<vmem>> -> memref<128xi32, #tpu.memory_space<vmem>>
      %dma_wait3A_253 = arith.constant 0 : i32
      %dma_wait3A_254 = arith.constant 0 : i32
      %dma_wait3A_255 = tpu.memref_slice %arg15[%dma_wait3A_253, %dma_wait3A_254] : memref<10112x16xf32, #tpu.memory_space<vmem_shared>> -> memref<10112x16xf32, #tpu.memory_space<vmem_shared>>
      tpu.wait_indirect_dma semaphore(%arg17 : memref<!tpu.dma_semaphore, #tpu.memory_space<semaphore_mem>>) src(%dma_wait3A_255 : memref<10112x16xf32, #tpu.memory_space<vmem_shared>>) dst(%dma_wait3A_249 : memref<128x16xf32, #tpu.memory_space<vmem>>)
      %dma_wait3A_256 = arith.constant 1 : i32
      %dma_wait3A_257 = arith.constant 128 : i32
      %dma_wait3A_258 = arith.constant 0 : i32
      %dma_wait3A_259 = tpu.memref_slice %arg11[%dma_wait3A_257, %dma_wait3A_258] : memref<1280x16xf32, #tpu.memory_space<vmem>> -> memref<128x16xf32, #tpu.memory_space<vmem>>
      %dma_wait3A_260 = arith.constant 0 : i32
      %dma_wait3A_261 = tpu.memref_slice %arg9[%dma_wait3A_256, %dma_wait3A_260] : memref<10x128xi32, #tpu.memory_space<vmem>> -> memref<1x128xi32, #tpu.memory_space<vmem>>
      %dma_wait3A_262 = tpu.memref_squeeze %dma_wait3A_261 : memref<1x128xi32, #tpu.memory_space<vmem>> -> memref<128xi32, #tpu.memory_space<vmem>>
      %dma_wait3A_263 = arith.constant 0 : i32
      %dma_wait3A_264 = arith.constant 0 : i32
      %dma_wait3A_265 = tpu.memref_slice %arg14[%dma_wait3A_263, %dma_wait3A_264] : memref<10112x16xf32, #tpu.memory_space<vmem_shared>> -> memref<10112x16xf32, #tpu.memory_space<vmem_shared>>
      tpu.wait_indirect_dma semaphore(%arg17 : memref<!tpu.dma_semaphore, #tpu.memory_space<semaphore_mem>>) src(%dma_wait3A_265 : memref<10112x16xf32, #tpu.memory_space<vmem_shared>>) dst(%dma_wait3A_259 : memref<128x16xf32, #tpu.memory_space<vmem>>)
      %dma_wait3A_266 = arith.constant 1 : i32
      %dma_wait3A_267 = arith.constant 128 : i32
      %dma_wait3A_268 = arith.constant 0 : i32
      %dma_wait3A_269 = tpu.memref_slice %arg12[%dma_wait3A_267, %dma_wait3A_268] : memref<1280x16xf32, #tpu.memory_space<vmem>> -> memref<128x16xf32, #tpu.memory_space<vmem>>
      %dma_wait3A_270 = arith.constant 0 : i32
      %dma_wait3A_271 = tpu.memref_slice %arg10[%dma_wait3A_266, %dma_wait3A_270] : memref<10x128xi32, #tpu.memory_space<vmem>> -> memref<1x128xi32, #tpu.memory_space<vmem>>
      %dma_wait3A_272 = tpu.memref_squeeze %dma_wait3A_271 : memref<1x128xi32, #tpu.memory_space<vmem>> -> memref<128xi32, #tpu.memory_space<vmem>>
      %dma_wait3A_273 = arith.constant 0 : i32
      %dma_wait3A_274 = arith.constant 0 : i32
      %dma_wait3A_275 = tpu.memref_slice %arg15[%dma_wait3A_273, %dma_wait3A_274] : memref<10112x16xf32, #tpu.memory_space<vmem_shared>> -> memref<10112x16xf32, #tpu.memory_space<vmem_shared>>
      tpu.wait_indirect_dma semaphore(%arg17 : memref<!tpu.dma_semaphore, #tpu.memory_space<semaphore_mem>>) src(%dma_wait3A_275 : memref<10112x16xf32, #tpu.memory_space<vmem_shared>>) dst(%dma_wait3A_269 : memref<128x16xf32, #tpu.memory_space<vmem>>)
      %dma_wait3A_276 = arith.constant 2 : i32
      %dma_wait3A_277 = arith.constant 256 : i32
      %dma_wait3A_278 = arith.constant 0 : i32
      %dma_wait3A_279 = tpu.memref_slice %arg11[%dma_wait3A_277, %dma_wait3A_278] : memref<1280x16xf32, #tpu.memory_space<vmem>> -> memref<128x16xf32, #tpu.memory_space<vmem>>
      %dma_wait3A_280 = arith.constant 0 : i32
      %dma_wait3A_281 = tpu.memref_slice %arg9[%dma_wait3A_276, %dma_wait3A_280] : memref<10x128xi32, #tpu.memory_space<vmem>> -> memref<1x128xi32, #tpu.memory_space<vmem>>
      %dma_wait3A_282 = tpu.memref_squeeze %dma_wait3A_281 : memref<1x128xi32, #tpu.memory_space<vmem>> -> memref<128xi32, #tpu.memory_space<vmem>>
      %dma_wait3A_283 = arith.constant 0 : i32
      %dma_wait3A_284 = arith.constant 0 : i32
      %dma_wait3A_285 = tpu.memref_slice %arg14[%dma_wait3A_283, %dma_wait3A_284] : memref<10112x16xf32, #tpu.memory_space<vmem_shared>> -> memref<10112x16xf32, #tpu.memory_space<vmem_shared>>
      tpu.wait_indirect_dma semaphore(%arg17 : memref<!tpu.dma_semaphore, #tpu.memory_space<semaphore_mem>>) src(%dma_wait3A_285 : memref<10112x16xf32, #tpu.memory_space<vmem_shared>>) dst(%dma_wait3A_279 : memref<128x16xf32, #tpu.memory_space<vmem>>)
      %dma_wait3A_286 = arith.constant 2 : i32
      %dma_wait3A_287 = arith.constant 256 : i32
      %dma_wait3A_288 = arith.constant 0 : i32
      %dma_wait3A_289 = tpu.memref_slice %arg12[%dma_wait3A_287, %dma_wait3A_288] : memref<1280x16xf32, #tpu.memory_space<vmem>> -> memref<128x16xf32, #tpu.memory_space<vmem>>
      %dma_wait3A_290 = arith.constant 0 : i32
      %dma_wait3A_291 = tpu.memref_slice %arg10[%dma_wait3A_286, %dma_wait3A_290] : memref<10x128xi32, #tpu.memory_space<vmem>> -> memref<1x128xi32, #tpu.memory_space<vmem>>
      %dma_wait3A_292 = tpu.memref_squeeze %dma_wait3A_291 : memref<1x128xi32, #tpu.memory_space<vmem>> -> memref<128xi32, #tpu.memory_space<vmem>>
      %dma_wait3A_293 = arith.constant 0 : i32
      %dma_wait3A_294 = arith.constant 0 : i32
      %dma_wait3A_295 = tpu.memref_slice %arg15[%dma_wait3A_293, %dma_wait3A_294] : memref<10112x16xf32, #tpu.memory_space<vmem_shared>> -> memref<10112x16xf32, #tpu.memory_space<vmem_shared>>
      tpu.wait_indirect_dma semaphore(%arg17 : memref<!tpu.dma_semaphore, #tpu.memory_space<semaphore_mem>>) src(%dma_wait3A_295 : memref<10112x16xf32, #tpu.memory_space<vmem_shared>>) dst(%dma_wait3A_289 : memref<128x16xf32, #tpu.memory_space<vmem>>)
      %dma_wait3A_296 = arith.constant 3 : i32
      %dma_wait3A_297 = arith.constant 384 : i32
      %dma_wait3A_298 = arith.constant 0 : i32
      %dma_wait3A_299 = tpu.memref_slice %arg11[%dma_wait3A_297, %dma_wait3A_298] : memref<1280x16xf32, #tpu.memory_space<vmem>> -> memref<128x16xf32, #tpu.memory_space<vmem>>
      %dma_wait3A_300 = arith.constant 0 : i32
      %dma_wait3A_301 = tpu.memref_slice %arg9[%dma_wait3A_296, %dma_wait3A_300] : memref<10x128xi32, #tpu.memory_space<vmem>> -> memref<1x128xi32, #tpu.memory_space<vmem>>
      %dma_wait3A_302 = tpu.memref_squeeze %dma_wait3A_301 : memref<1x128xi32, #tpu.memory_space<vmem>> -> memref<128xi32, #tpu.memory_space<vmem>>
      %dma_wait3A_303 = arith.constant 0 : i32
      %dma_wait3A_304 = arith.constant 0 : i32
      %dma_wait3A_305 = tpu.memref_slice %arg14[%dma_wait3A_303, %dma_wait3A_304] : memref<10112x16xf32, #tpu.memory_space<vmem_shared>> -> memref<10112x16xf32, #tpu.memory_space<vmem_shared>>
      tpu.wait_indirect_dma semaphore(%arg17 : memref<!tpu.dma_semaphore, #tpu.memory_space<semaphore_mem>>) src(%dma_wait3A_305 : memref<10112x16xf32, #tpu.memory_space<vmem_shared>>) dst(%dma_wait3A_299 : memref<128x16xf32, #tpu.memory_space<vmem>>)
      %dma_wait3A_306 = arith.constant 3 : i32
      %dma_wait3A_307 = arith.constant 384 : i32
      %dma_wait3A_308 = arith.constant 0 : i32
      %dma_wait3A_309 = tpu.memref_slice %arg12[%dma_wait3A_307, %dma_wait3A_308] : memref<1280x16xf32, #tpu.memory_space<vmem>> -> memref<128x16xf32, #tpu.memory_space<vmem>>
      %dma_wait3A_310 = arith.constant 0 : i32
      %dma_wait3A_311 = tpu.memref_slice %arg10[%dma_wait3A_306, %dma_wait3A_310] : memref<10x128xi32, #tpu.memory_space<vmem>> -> memref<1x128xi32, #tpu.memory_space<vmem>>
      %dma_wait3A_312 = tpu.memref_squeeze %dma_wait3A_311 : memref<1x128xi32, #tpu.memory_space<vmem>> -> memref<128xi32, #tpu.memory_space<vmem>>
      %dma_wait3A_313 = arith.constant 0 : i32
      %dma_wait3A_314 = arith.constant 0 : i32
      %dma_wait3A_315 = tpu.memref_slice %arg15[%dma_wait3A_313, %dma_wait3A_314] : memref<10112x16xf32, #tpu.memory_space<vmem_shared>> -> memref<10112x16xf32, #tpu.memory_space<vmem_shared>>
      tpu.wait_indirect_dma semaphore(%arg17 : memref<!tpu.dma_semaphore, #tpu.memory_space<semaphore_mem>>) src(%dma_wait3A_315 : memref<10112x16xf32, #tpu.memory_space<vmem_shared>>) dst(%dma_wait3A_309 : memref<128x16xf32, #tpu.memory_space<vmem>>)
      %dma_wait3A_316 = arith.constant 4 : i32
      %dma_wait3A_317 = arith.constant 512 : i32
      %dma_wait3A_318 = arith.constant 0 : i32
      %dma_wait3A_319 = tpu.memref_slice %arg11[%dma_wait3A_317, %dma_wait3A_318] : memref<1280x16xf32, #tpu.memory_space<vmem>> -> memref<128x16xf32, #tpu.memory_space<vmem>>
      %dma_wait3A_320 = arith.constant 0 : i32
      %dma_wait3A_321 = tpu.memref_slice %arg9[%dma_wait3A_316, %dma_wait3A_320] : memref<10x128xi32, #tpu.memory_space<vmem>> -> memref<1x128xi32, #tpu.memory_space<vmem>>
      %dma_wait3A_322 = tpu.memref_squeeze %dma_wait3A_321 : memref<1x128xi32, #tpu.memory_space<vmem>> -> memref<128xi32, #tpu.memory_space<vmem>>
      %dma_wait3A_323 = arith.constant 0 : i32
      %dma_wait3A_324 = arith.constant 0 : i32
      %dma_wait3A_325 = tpu.memref_slice %arg14[%dma_wait3A_323, %dma_wait3A_324] : memref<10112x16xf32, #tpu.memory_space<vmem_shared>> -> memref<10112x16xf32, #tpu.memory_space<vmem_shared>>
      tpu.wait_indirect_dma semaphore(%arg17 : memref<!tpu.dma_semaphore, #tpu.memory_space<semaphore_mem>>) src(%dma_wait3A_325 : memref<10112x16xf32, #tpu.memory_space<vmem_shared>>) dst(%dma_wait3A_319 : memref<128x16xf32, #tpu.memory_space<vmem>>)
      %dma_wait3A_326 = arith.constant 4 : i32
      %dma_wait3A_327 = arith.constant 512 : i32
      %dma_wait3A_328 = arith.constant 0 : i32
      %dma_wait3A_329 = tpu.memref_slice %arg12[%dma_wait3A_327, %dma_wait3A_328] : memref<1280x16xf32, #tpu.memory_space<vmem>> -> memref<128x16xf32, #tpu.memory_space<vmem>>
      %dma_wait3A_330 = arith.constant 0 : i32
      %dma_wait3A_331 = tpu.memref_slice %arg10[%dma_wait3A_326, %dma_wait3A_330] : memref<10x128xi32, #tpu.memory_space<vmem>> -> memref<1x128xi32, #tpu.memory_space<vmem>>
      %dma_wait3A_332 = tpu.memref_squeeze %dma_wait3A_331 : memref<1x128xi32, #tpu.memory_space<vmem>> -> memref<128xi32, #tpu.memory_space<vmem>>
      %dma_wait3A_333 = arith.constant 0 : i32
      %dma_wait3A_334 = arith.constant 0 : i32
      %dma_wait3A_335 = tpu.memref_slice %arg15[%dma_wait3A_333, %dma_wait3A_334] : memref<10112x16xf32, #tpu.memory_space<vmem_shared>> -> memref<10112x16xf32, #tpu.memory_space<vmem_shared>>
      tpu.wait_indirect_dma semaphore(%arg17 : memref<!tpu.dma_semaphore, #tpu.memory_space<semaphore_mem>>) src(%dma_wait3A_335 : memref<10112x16xf32, #tpu.memory_space<vmem_shared>>) dst(%dma_wait3A_329 : memref<128x16xf32, #tpu.memory_space<vmem>>)
      %dma_wait3A_336 = arith.constant 5 : i32
      %dma_wait3A_337 = arith.constant 640 : i32
      %dma_wait3A_338 = arith.constant 0 : i32
      %dma_wait3A_339 = tpu.memref_slice %arg11[%dma_wait3A_337, %dma_wait3A_338] : memref<1280x16xf32, #tpu.memory_space<vmem>> -> memref<128x16xf32, #tpu.memory_space<vmem>>
      %dma_wait3A_340 = arith.constant 0 : i32
      %dma_wait3A_341 = tpu.memref_slice %arg9[%dma_wait3A_336, %dma_wait3A_340] : memref<10x128xi32, #tpu.memory_space<vmem>> -> memref<1x128xi32, #tpu.memory_space<vmem>>
      %dma_wait3A_342 = tpu.memref_squeeze %dma_wait3A_341 : memref<1x128xi32, #tpu.memory_space<vmem>> -> memref<128xi32, #tpu.memory_space<vmem>>
      %dma_wait3A_343 = arith.constant 0 : i32
      %dma_wait3A_344 = arith.constant 0 : i32
      %dma_wait3A_345 = tpu.memref_slice %arg14[%dma_wait3A_343, %dma_wait3A_344] : memref<10112x16xf32, #tpu.memory_space<vmem_shared>> -> memref<10112x16xf32, #tpu.memory_space<vmem_shared>>
      tpu.wait_indirect_dma semaphore(%arg17 : memref<!tpu.dma_semaphore, #tpu.memory_space<semaphore_mem>>) src(%dma_wait3A_345 : memref<10112x16xf32, #tpu.memory_space<vmem_shared>>) dst(%dma_wait3A_339 : memref<128x16xf32, #tpu.memory_space<vmem>>)
      %dma_wait3A_346 = arith.constant 5 : i32
      %dma_wait3A_347 = arith.constant 640 : i32
      %dma_wait3A_348 = arith.constant 0 : i32
      %dma_wait3A_349 = tpu.memref_slice %arg12[%dma_wait3A_347, %dma_wait3A_348] : memref<1280x16xf32, #tpu.memory_space<vmem>> -> memref<128x16xf32, #tpu.memory_space<vmem>>
      %dma_wait3A_350 = arith.constant 0 : i32
      %dma_wait3A_351 = tpu.memref_slice %arg10[%dma_wait3A_346, %dma_wait3A_350] : memref<10x128xi32, #tpu.memory_space<vmem>> -> memref<1x128xi32, #tpu.memory_space<vmem>>
      %dma_wait3A_352 = tpu.memref_squeeze %dma_wait3A_351 : memref<1x128xi32, #tpu.memory_space<vmem>> -> memref<128xi32, #tpu.memory_space<vmem>>
      %dma_wait3A_353 = arith.constant 0 : i32
      %dma_wait3A_354 = arith.constant 0 : i32
      %dma_wait3A_355 = tpu.memref_slice %arg15[%dma_wait3A_353, %dma_wait3A_354] : memref<10112x16xf32, #tpu.memory_space<vmem_shared>> -> memref<10112x16xf32, #tpu.memory_space<vmem_shared>>
      tpu.wait_indirect_dma semaphore(%arg17 : memref<!tpu.dma_semaphore, #tpu.memory_space<semaphore_mem>>) src(%dma_wait3A_355 : memref<10112x16xf32, #tpu.memory_space<vmem_shared>>) dst(%dma_wait3A_349 : memref<128x16xf32, #tpu.memory_space<vmem>>)
      %dma_wait3A_356 = arith.constant 6 : i32
      %dma_wait3A_357 = arith.constant 768 : i32
      %dma_wait3A_358 = arith.constant 0 : i32
      %dma_wait3A_359 = tpu.memref_slice %arg11[%dma_wait3A_357, %dma_wait3A_358] : memref<1280x16xf32, #tpu.memory_space<vmem>> -> memref<128x16xf32, #tpu.memory_space<vmem>>
      %dma_wait3A_360 = arith.constant 0 : i32
      %dma_wait3A_361 = tpu.memref_slice %arg9[%dma_wait3A_356, %dma_wait3A_360] : memref<10x128xi32, #tpu.memory_space<vmem>> -> memref<1x128xi32, #tpu.memory_space<vmem>>
      %dma_wait3A_362 = tpu.memref_squeeze %dma_wait3A_361 : memref<1x128xi32, #tpu.memory_space<vmem>> -> memref<128xi32, #tpu.memory_space<vmem>>
      %dma_wait3A_363 = arith.constant 0 : i32
      %dma_wait3A_364 = arith.constant 0 : i32
      %dma_wait3A_365 = tpu.memref_slice %arg14[%dma_wait3A_363, %dma_wait3A_364] : memref<10112x16xf32, #tpu.memory_space<vmem_shared>> -> memref<10112x16xf32, #tpu.memory_space<vmem_shared>>
      tpu.wait_indirect_dma semaphore(%arg17 : memref<!tpu.dma_semaphore, #tpu.memory_space<semaphore_mem>>) src(%dma_wait3A_365 : memref<10112x16xf32, #tpu.memory_space<vmem_shared>>) dst(%dma_wait3A_359 : memref<128x16xf32, #tpu.memory_space<vmem>>)
      %dma_wait3A_366 = arith.constant 6 : i32
      %dma_wait3A_367 = arith.constant 768 : i32
      %dma_wait3A_368 = arith.constant 0 : i32
      %dma_wait3A_369 = tpu.memref_slice %arg12[%dma_wait3A_367, %dma_wait3A_368] : memref<1280x16xf32, #tpu.memory_space<vmem>> -> memref<128x16xf32, #tpu.memory_space<vmem>>
      %dma_wait3A_370 = arith.constant 0 : i32
      %dma_wait3A_371 = tpu.memref_slice %arg10[%dma_wait3A_366, %dma_wait3A_370] : memref<10x128xi32, #tpu.memory_space<vmem>> -> memref<1x128xi32, #tpu.memory_space<vmem>>
      %dma_wait3A_372 = tpu.memref_squeeze %dma_wait3A_371 : memref<1x128xi32, #tpu.memory_space<vmem>> -> memref<128xi32, #tpu.memory_space<vmem>>
      %dma_wait3A_373 = arith.constant 0 : i32
      %dma_wait3A_374 = arith.constant 0 : i32
      %dma_wait3A_375 = tpu.memref_slice %arg15[%dma_wait3A_373, %dma_wait3A_374] : memref<10112x16xf32, #tpu.memory_space<vmem_shared>> -> memref<10112x16xf32, #tpu.memory_space<vmem_shared>>
      tpu.wait_indirect_dma semaphore(%arg17 : memref<!tpu.dma_semaphore, #tpu.memory_space<semaphore_mem>>) src(%dma_wait3A_375 : memref<10112x16xf32, #tpu.memory_space<vmem_shared>>) dst(%dma_wait3A_369 : memref<128x16xf32, #tpu.memory_space<vmem>>)
      %dma_wait3A_376 = arith.constant 7 : i32
      %dma_wait3A_377 = arith.constant 896 : i32
      %dma_wait3A_378 = arith.constant 0 : i32
      %dma_wait3A_379 = tpu.memref_slice %arg11[%dma_wait3A_377, %dma_wait3A_378] : memref<1280x16xf32, #tpu.memory_space<vmem>> -> memref<128x16xf32, #tpu.memory_space<vmem>>
      %dma_wait3A_380 = arith.constant 0 : i32
      %dma_wait3A_381 = tpu.memref_slice %arg9[%dma_wait3A_376, %dma_wait3A_380] : memref<10x128xi32, #tpu.memory_space<vmem>> -> memref<1x128xi32, #tpu.memory_space<vmem>>
      %dma_wait3A_382 = tpu.memref_squeeze %dma_wait3A_381 : memref<1x128xi32, #tpu.memory_space<vmem>> -> memref<128xi32, #tpu.memory_space<vmem>>
      %dma_wait3A_383 = arith.constant 0 : i32
      %dma_wait3A_384 = arith.constant 0 : i32
      %dma_wait3A_385 = tpu.memref_slice %arg14[%dma_wait3A_383, %dma_wait3A_384] : memref<10112x16xf32, #tpu.memory_space<vmem_shared>> -> memref<10112x16xf32, #tpu.memory_space<vmem_shared>>
      tpu.wait_indirect_dma semaphore(%arg17 : memref<!tpu.dma_semaphore, #tpu.memory_space<semaphore_mem>>) src(%dma_wait3A_385 : memref<10112x16xf32, #tpu.memory_space<vmem_shared>>) dst(%dma_wait3A_379 : memref<128x16xf32, #tpu.memory_space<vmem>>)
      %dma_wait3A_386 = arith.constant 7 : i32
      %dma_wait3A_387 = arith.constant 896 : i32
      %dma_wait3A_388 = arith.constant 0 : i32
      %dma_wait3A_389 = tpu.memref_slice %arg12[%dma_wait3A_387, %dma_wait3A_388] : memref<1280x16xf32, #tpu.memory_space<vmem>> -> memref<128x16xf32, #tpu.memory_space<vmem>>
      %dma_wait3A_390 = arith.constant 0 : i32
      %dma_wait3A_391 = tpu.memref_slice %arg10[%dma_wait3A_386, %dma_wait3A_390] : memref<10x128xi32, #tpu.memory_space<vmem>> -> memref<1x128xi32, #tpu.memory_space<vmem>>
      %dma_wait3A_392 = tpu.memref_squeeze %dma_wait3A_391 : memref<1x128xi32, #tpu.memory_space<vmem>> -> memref<128xi32, #tpu.memory_space<vmem>>
      %dma_wait3A_393 = arith.constant 0 : i32
      %dma_wait3A_394 = arith.constant 0 : i32
      %dma_wait3A_395 = tpu.memref_slice %arg15[%dma_wait3A_393, %dma_wait3A_394] : memref<10112x16xf32, #tpu.memory_space<vmem_shared>> -> memref<10112x16xf32, #tpu.memory_space<vmem_shared>>
      tpu.wait_indirect_dma semaphore(%arg17 : memref<!tpu.dma_semaphore, #tpu.memory_space<semaphore_mem>>) src(%dma_wait3A_395 : memref<10112x16xf32, #tpu.memory_space<vmem_shared>>) dst(%dma_wait3A_389 : memref<128x16xf32, #tpu.memory_space<vmem>>)
      %dma_wait3A_396 = arith.constant 8 : i32
      %dma_wait3A_397 = arith.constant 1024 : i32
      %dma_wait3A_398 = arith.constant 0 : i32
      %dma_wait3A_399 = tpu.memref_slice %arg11[%dma_wait3A_397, %dma_wait3A_398] : memref<1280x16xf32, #tpu.memory_space<vmem>> -> memref<128x16xf32, #tpu.memory_space<vmem>>
      %dma_wait3A_400 = arith.constant 0 : i32
      %dma_wait3A_401 = tpu.memref_slice %arg9[%dma_wait3A_396, %dma_wait3A_400] : memref<10x128xi32, #tpu.memory_space<vmem>> -> memref<1x128xi32, #tpu.memory_space<vmem>>
      %dma_wait3A_402 = tpu.memref_squeeze %dma_wait3A_401 : memref<1x128xi32, #tpu.memory_space<vmem>> -> memref<128xi32, #tpu.memory_space<vmem>>
      %dma_wait3A_403 = arith.constant 0 : i32
      %dma_wait3A_404 = arith.constant 0 : i32
      %dma_wait3A_405 = tpu.memref_slice %arg14[%dma_wait3A_403, %dma_wait3A_404] : memref<10112x16xf32, #tpu.memory_space<vmem_shared>> -> memref<10112x16xf32, #tpu.memory_space<vmem_shared>>
      tpu.wait_indirect_dma semaphore(%arg17 : memref<!tpu.dma_semaphore, #tpu.memory_space<semaphore_mem>>) src(%dma_wait3A_405 : memref<10112x16xf32, #tpu.memory_space<vmem_shared>>) dst(%dma_wait3A_399 : memref<128x16xf32, #tpu.memory_space<vmem>>)
      %dma_wait3A_406 = arith.constant 8 : i32
      %dma_wait3A_407 = arith.constant 1024 : i32
      %dma_wait3A_408 = arith.constant 0 : i32
      %dma_wait3A_409 = tpu.memref_slice %arg12[%dma_wait3A_407, %dma_wait3A_408] : memref<1280x16xf32, #tpu.memory_space<vmem>> -> memref<128x16xf32, #tpu.memory_space<vmem>>
      %dma_wait3A_410 = arith.constant 0 : i32
      %dma_wait3A_411 = tpu.memref_slice %arg10[%dma_wait3A_406, %dma_wait3A_410] : memref<10x128xi32, #tpu.memory_space<vmem>> -> memref<1x128xi32, #tpu.memory_space<vmem>>
      %dma_wait3A_412 = tpu.memref_squeeze %dma_wait3A_411 : memref<1x128xi32, #tpu.memory_space<vmem>> -> memref<128xi32, #tpu.memory_space<vmem>>
      %dma_wait3A_413 = arith.constant 0 : i32
      %dma_wait3A_414 = arith.constant 0 : i32
      %dma_wait3A_415 = tpu.memref_slice %arg15[%dma_wait3A_413, %dma_wait3A_414] : memref<10112x16xf32, #tpu.memory_space<vmem_shared>> -> memref<10112x16xf32, #tpu.memory_space<vmem_shared>>
      tpu.wait_indirect_dma semaphore(%arg17 : memref<!tpu.dma_semaphore, #tpu.memory_space<semaphore_mem>>) src(%dma_wait3A_415 : memref<10112x16xf32, #tpu.memory_space<vmem_shared>>) dst(%dma_wait3A_409 : memref<128x16xf32, #tpu.memory_space<vmem>>)
      %dma_wait3A_416 = arith.constant 9 : i32
      %dma_wait3A_417 = arith.constant 1152 : i32
      %dma_wait3A_418 = arith.constant 0 : i32
      %dma_wait3A_419 = tpu.memref_slice %arg11[%dma_wait3A_417, %dma_wait3A_418] : memref<1280x16xf32, #tpu.memory_space<vmem>> -> memref<128x16xf32, #tpu.memory_space<vmem>>
      %dma_wait3A_420 = arith.constant 0 : i32
      %dma_wait3A_421 = tpu.memref_slice %arg9[%dma_wait3A_416, %dma_wait3A_420] : memref<10x128xi32, #tpu.memory_space<vmem>> -> memref<1x128xi32, #tpu.memory_space<vmem>>
      %dma_wait3A_422 = tpu.memref_squeeze %dma_wait3A_421 : memref<1x128xi32, #tpu.memory_space<vmem>> -> memref<128xi32, #tpu.memory_space<vmem>>
      %dma_wait3A_423 = arith.constant 0 : i32
      %dma_wait3A_424 = arith.constant 0 : i32
      %dma_wait3A_425 = tpu.memref_slice %arg14[%dma_wait3A_423, %dma_wait3A_424] : memref<10112x16xf32, #tpu.memory_space<vmem_shared>> -> memref<10112x16xf32, #tpu.memory_space<vmem_shared>>
      tpu.wait_indirect_dma semaphore(%arg17 : memref<!tpu.dma_semaphore, #tpu.memory_space<semaphore_mem>>) src(%dma_wait3A_425 : memref<10112x16xf32, #tpu.memory_space<vmem_shared>>) dst(%dma_wait3A_419 : memref<128x16xf32, #tpu.memory_space<vmem>>)
      %dma_wait3A_426 = arith.constant 9 : i32
      %dma_wait3A_427 = arith.constant 1152 : i32
      %dma_wait3A_428 = arith.constant 0 : i32
      %dma_wait3A_429 = tpu.memref_slice %arg12[%dma_wait3A_427, %dma_wait3A_428] : memref<1280x16xf32, #tpu.memory_space<vmem>> -> memref<128x16xf32, #tpu.memory_space<vmem>>
      %dma_wait3A_430 = arith.constant 0 : i32
      %dma_wait3A_431 = tpu.memref_slice %arg10[%dma_wait3A_426, %dma_wait3A_430] : memref<10x128xi32, #tpu.memory_space<vmem>> -> memref<1x128xi32, #tpu.memory_space<vmem>>
      %dma_wait3A_432 = tpu.memref_squeeze %dma_wait3A_431 : memref<1x128xi32, #tpu.memory_space<vmem>> -> memref<128xi32, #tpu.memory_space<vmem>>
      %dma_wait3A_433 = arith.constant 0 : i32
      %dma_wait3A_434 = arith.constant 0 : i32
      %dma_wait3A_435 = tpu.memref_slice %arg15[%dma_wait3A_433, %dma_wait3A_434] : memref<10112x16xf32, #tpu.memory_space<vmem_shared>> -> memref<10112x16xf32, #tpu.memory_space<vmem_shared>>
      tpu.wait_indirect_dma semaphore(%arg17 : memref<!tpu.dma_semaphore, #tpu.memory_space<semaphore_mem>>) src(%dma_wait3A_435 : memref<10112x16xf32, #tpu.memory_space<vmem_shared>>) dst(%dma_wait3A_429 : memref<128x16xf32, #tpu.memory_space<vmem>>)
      %scan3A_436 = arith.constant 0 : i32
      %scan3A_437 = arith.constant 0 : i32
      %scan3A_438 = arith.constant 1280 : i32
      %scan3A_439 = arith.addi %scan3A_437, %scan3A_438 : i32
      %scan3A_440 = arith.constant 4 : i32
      scf.for %scan3A_642 = %scan3A_437 to %scan3A_439 step %scan3A_440  : i32 {
        %get3A = arith.index_cast %scan3A_642 : i32 to index
        %get3A_643 = arith.constant 0 : index
        %get3A_644 = tpu.vector_load %arg13[%get3A, %get3A_643] {strides = array<i32>} : memref<1280x16xf32, #tpu.memory_space<vmem>>, vector<1x16xf32>,
        %get3A_645 = vector.shape_cast %get3A_644 : vector<1x16xf32> to vector<16xf32>
        %get3A_646 = arith.index_cast %scan3A_642 : i32 to index
        %get3A_647 = arith.constant 0 : index
        %get3A_648 = tpu.vector_load %arg11[%get3A_646, %get3A_647] {strides = array<i32>} : memref<1280x16xf32, #tpu.memory_space<vmem>>, vector<1x16xf32>,
        %get3A_649 = vector.shape_cast %get3A_648 : vector<1x16xf32> to vector<16xf32>
        %add3A_650 = arith.addf %get3A_645, %get3A_649 : vector<16xf32>
        %get3A_651 = arith.index_cast %scan3A_642 : i32 to index
        %get3A_652 = arith.constant 0 : index
        %get3A_653 = tpu.vector_load %arg12[%get3A_651, %get3A_652] {strides = array<i32>} : memref<1280x16xf32, #tpu.memory_space<vmem>>, vector<1x16xf32>,
        %get3A_654 = vector.shape_cast %get3A_653 : vector<1x16xf32> to vector<16xf32>
        %add3A_655 = arith.addf %add3A_650, %get3A_654 : vector<16xf32>
        %max3A = arith.constant 0.000000e+00 : f32
        %max3A_656 = vector.broadcast %max3A : f32 to vector<16xf32>
        %max3A_657 = arith.maximumf %add3A_655, %max3A_656 : vector<16xf32>
        %swap3A = arith.index_cast %scan3A_642 : i32 to index
        %swap3A_658 = arith.constant 0 : index
        %swap3A_659 = tpu.vector_load %arg13[%swap3A, %swap3A_658] {strides = array<i32>} : memref<1280x16xf32, #tpu.memory_space<vmem>>, vector<1x16xf32>,
        %swap3A_660 = vector.shape_cast %swap3A_659 : vector<1x16xf32> to vector<16xf32>
        %swap3A_661 = vector.shape_cast %max3A_657 : vector<16xf32> to vector<1x16xf32>
        tpu.vector_store %arg13[%swap3A, %swap3A_658], %swap3A_661 {strides = array<i32>} : memref<1280x16xf32, #tpu.memory_space<vmem>>, vector<1x16xf32>,
        %scan3A_662 = arith.constant 1 : i32
        %scan3A_663 = arith.addi %scan3A_642, %scan3A_662 : i32
        %get3A_664 = arith.index_cast %scan3A_663 : i32 to index
        %get3A_665 = arith.constant 0 : index
        %get3A_666 = tpu.vector_load %arg13[%get3A_664, %get3A_665] {strides = array<i32>} : memref<1280x16xf32, #tpu.memory_space<vmem>>, vector<1x16xf32>,
        %get3A_667 = vector.shape_cast %get3A_666 : vector<1x16xf32> to vector<16xf32>
        %get3A_668 = arith.index_cast %scan3A_663 : i32 to index
        %get3A_669 = arith.constant 0 : index
        %get3A_670 = tpu.vector_load %arg11[%get3A_668, %get3A_669] {strides = array<i32>} : memref<1280x16xf32, #tpu.memory_space<vmem>>, vector<1x16xf32>,
        %get3A_671 = vector.shape_cast %get3A_670 : vector<1x16xf32> to vector<16xf32>
        %add3A_672 = arith.addf %get3A_667, %get3A_671 : vector<16xf32>
        %get3A_673 = arith.index_cast %scan3A_663 : i32 to index
        %get3A_674 = arith.constant 0 : index
        %get3A_675 = tpu.vector_load %arg12[%get3A_673, %get3A_674] {strides = array<i32>} : memref<1280x16xf32, #tpu.memory_space<vmem>>, vector<1x16xf32>,
        %get3A_676 = vector.shape_cast %get3A_675 : vector<1x16xf32> to vector<16xf32>
        %add3A_677 = arith.addf %add3A_672, %get3A_676 : vector<16xf32>
        %max3A_678 = arith.constant 0.000000e+00 : f32
        %max3A_679 = vector.broadcast %max3A_678 : f32 to vector<16xf32>
        %max3A_680 = arith.maximumf %add3A_677, %max3A_679 : vector<16xf32>
        %swap3A_681 = arith.index_cast %scan3A_663 : i32 to index
        %swap3A_682 = arith.constant 0 : index
        %swap3A_683 = tpu.vector_load %arg13[%swap3A_681, %swap3A_682] {strides = array<i32>} : memref<1280x16xf32, #tpu.memory_space<vmem>>, vector<1x16xf32>,
        %swap3A_684 = vector.shape_cast %swap3A_683 : vector<1x16xf32> to vector<16xf32>
        %swap3A_685 = vector.shape_cast %max3A_680 : vector<16xf32> to vector<1x16xf32>
        tpu.vector_store %arg13[%swap3A_681, %swap3A_682], %swap3A_685 {strides = array<i32>} : memref<1280x16xf32, #tpu.memory_space<vmem>>, vector<1x16xf32>,
        %scan3A_686 = arith.constant 2 : i32
        %scan3A_687 = arith.addi %scan3A_642, %scan3A_686 : i32
        %get3A_688 = arith.index_cast %scan3A_687 : i32 to index
        %get3A_689 = arith.constant 0 : index
        %get3A_690 = tpu.vector_load %arg13[%get3A_688, %get3A_689] {strides = array<i32>} : memref<1280x16xf32, #tpu.memory_space<vmem>>, vector<1x16xf32>,
        %get3A_691 = vector.shape_cast %get3A_690 : vector<1x16xf32> to vector<16xf32>
        %get3A_692 = arith.index_cast %scan3A_687 : i32 to index
        %get3A_693 = arith.constant 0 : index
        %get3A_694 = tpu.vector_load %arg11[%get3A_692, %get3A_693] {strides = array<i32>} : memref<1280x16xf32, #tpu.memory_space<vmem>>, vector<1x16xf32>,
        %get3A_695 = vector.shape_cast %get3A_694 : vector<1x16xf32> to vector<16xf32>
        %add3A_696 = arith.addf %get3A_691, %get3A_695 : vector<16xf32>
        %get3A_697 = arith.index_cast %scan3A_687 : i32 to index
        %get3A_698 = arith.constant 0 : index
        %get3A_699 = tpu.vector_load %arg12[%get3A_697, %get3A_698] {strides = array<i32>} : memref<1280x16xf32, #tpu.memory_space<vmem>>, vector<1x16xf32>,
        %get3A_700 = vector.shape_cast %get3A_699 : vector<1x16xf32> to vector<16xf32>
        %add3A_701 = arith.addf %add3A_696, %get3A_700 : vector<16xf32>
        %max3A_702 = arith.constant 0.000000e+00 : f32
        %max3A_703 = vector.broadcast %max3A_702 : f32 to vector<16xf32>
        %max3A_704 = arith.maximumf %add3A_701, %max3A_703 : vector<16xf32>
        %swap3A_705 = arith.index_cast %scan3A_687 : i32 to index
        %swap3A_706 = arith.constant 0 : index
        %swap3A_707 = tpu.vector_load %arg13[%swap3A_705, %swap3A_706] {strides = array<i32>} : memref<1280x16xf32, #tpu.memory_space<vmem>>, vector<1x16xf32>,
        %swap3A_708 = vector.shape_cast %swap3A_707 : vector<1x16xf32> to vector<16xf32>
        %swap3A_709 = vector.shape_cast %max3A_704 : vector<16xf32> to vector<1x16xf32>
        tpu.vector_store %arg13[%swap3A_705, %swap3A_706], %swap3A_709 {strides = array<i32>} : memref<1280x16xf32, #tpu.memory_space<vmem>>, vector<1x16xf32>,
        %scan3A_710 = arith.constant 3 : i32
        %scan3A_711 = arith.addi %scan3A_642, %scan3A_710 : i32
        %get3A_712 = arith.index_cast %scan3A_711 : i32 to index
        %get3A_713 = arith.constant 0 : index
        %get3A_714 = tpu.vector_load %arg13[%get3A_712, %get3A_713] {strides = array<i32>} : memref<1280x16xf32, #tpu.memory_space<vmem>>, vector<1x16xf32>,
        %get3A_715 = vector.shape_cast %get3A_714 : vector<1x16xf32> to vector<16xf32>
        %get3A_716 = arith.index_cast %scan3A_711 : i32 to index
        %get3A_717 = arith.constant 0 : index
        %get3A_718 = tpu.vector_load %arg11[%get3A_716, %get3A_717] {strides = array<i32>} : memref<1280x16xf32, #tpu.memory_space<vmem>>, vector<1x16xf32>,
        %get3A_719 = vector.shape_cast %get3A_718 : vector<1x16xf32> to vector<16xf32>
        %add3A_720 = arith.addf %get3A_715, %get3A_719 : vector<16xf32>
        %get3A_721 = arith.index_cast %scan3A_711 : i32 to index
        %get3A_722 = arith.constant 0 : index
        %get3A_723 = tpu.vector_load %arg12[%get3A_721, %get3A_722] {strides = array<i32>} : memref<1280x16xf32, #tpu.memory_space<vmem>>, vector<1x16xf32>,
        %get3A_724 = vector.shape_cast %get3A_723 : vector<1x16xf32> to vector<16xf32>
        %add3A_725 = arith.addf %add3A_720, %get3A_724 : vector<16xf32>
        %max3A_726 = arith.constant 0.000000e+00 : f32
        %max3A_727 = vector.broadcast %max3A_726 : f32 to vector<16xf32>
        %max3A_728 = arith.maximumf %add3A_725, %max3A_727 : vector<16xf32>
        %swap3A_729 = arith.index_cast %scan3A_711 : i32 to index
        %swap3A_730 = arith.constant 0 : index
        %swap3A_731 = tpu.vector_load %arg13[%swap3A_729, %swap3A_730] {strides = array<i32>} : memref<1280x16xf32, #tpu.memory_space<vmem>>, vector<1x16xf32>,
        %swap3A_732 = vector.shape_cast %swap3A_731 : vector<1x16xf32> to vector<16xf32>
        %swap3A_733 = vector.shape_cast %max3A_728 : vector<16xf32> to vector<1x16xf32>
        tpu.vector_store %arg13[%swap3A_729, %swap3A_730], %swap3A_733 {strides = array<i32>} : memref<1280x16xf32, #tpu.memory_space<vmem>>, vector<1x16xf32>,
      }
      %scan3A_441 = arith.constant 1280 : i32
      "tpu.region"() ({
        %run_scoped3A = tpu.sem_alloc : memref<!tpu.dma_semaphore, #tpu.memory_space<semaphore_mem>>
        %dma_start3A_642 = arith.constant 0 : i32
        %dma_start3A_643 = tpu.memref_slice %arg7[%add3A_236, %dma_start3A_642] : memref<163840x16xf32, #tpu.memory_space<hbm>> -> memref<1280x16xf32, #tpu.memory_space<hbm>>
        %dma_start3A_644 = arith.constant 0 : i32
        %dma_start3A_645 = tpu.memref_slice %arg7[%add3A_236, %dma_start3A_644] : memref<163840x16xf32, #tpu.memory_space<hbm>> -> memref<1280x16xf32, #tpu.memory_space<hbm>>
        tpu.enqueue_dma source(%arg13 : memref<1280x16xf32, #tpu.memory_space<vmem>>) target(%dma_start3A_645 : memref<1280x16xf32, #tpu.memory_space<hbm>>) target_semaphore(%run_scoped3A : memref<!tpu.dma_semaphore, #tpu.memory_space<semaphore_mem>>)
        %dma_wait3A_646 = arith.constant 0 : i32
        %dma_wait3A_647 = tpu.memref_slice %arg7[%add3A_236, %dma_wait3A_646] : memref<163840x16xf32, #tpu.memory_space<hbm>> -> memref<1280x16xf32, #tpu.memory_space<hbm>>
        %dma_wait3A_648 = arith.constant 0 : i32
        %dma_wait3A_649 = tpu.memref_slice %arg7[%add3A_236, %dma_wait3A_648] : memref<163840x16xf32, #tpu.memory_space<hbm>> -> memref<1280x16xf32, #tpu.memory_space<hbm>>
        tpu.wait_dma2 semaphore(%run_scoped3A : memref<!tpu.dma_semaphore, #tpu.memory_space<semaphore_mem>>) src(%arg13 : memref<1280x16xf32, #tpu.memory_space<vmem>>) dst(%dma_wait3A_649 : memref<1280x16xf32, #tpu.memory_space<hbm>>)
        tpu.yield
      }) : () -> ()
      %dma_start3A_442 = arith.constant 0 : i32
      %dma_start3A_443 = arith.constant 0 : i32
      %dma_start3A_444 = arith.constant 0 : i32
      %dma_start3A_445 = tpu.memref_slice %arg13[%dma_start3A_443, %dma_start3A_444] : memref<1280x16xf32, #tpu.memory_space<vmem>> -> memref<128x16xf32, #tpu.memory_space<vmem>>
      %dma_start3A_446 = arith.constant 0 : i32
      %dma_start3A_447 = tpu.memref_slice %arg10[%dma_start3A_442, %dma_start3A_446] : memref<10x128xi32, #tpu.memory_space<vmem>> -> memref<1x128xi32, #tpu.memory_space<vmem>>
      %dma_start3A_448 = tpu.memref_squeeze %dma_start3A_447 : memref<1x128xi32, #tpu.memory_space<vmem>> -> memref<128xi32, #tpu.memory_space<vmem>>
      %dma_start3A_449 = arith.constant 0 : i32
      %dma_start3A_450 = arith.constant 0 : i32
      %dma_start3A_451 = tpu.memref_slice %arg16[%dma_start3A_449, %dma_start3A_450] : memref<10112x16xf32, #tpu.memory_space<vmem_shared>> -> memref<10112x16xf32, #tpu.memory_space<vmem_shared>>
      tpu.enqueue_indirect_dma source(%dma_start3A_445 : memref<128x16xf32, #tpu.memory_space<vmem>>) target(%dma_start3A_451 : memref<10112x16xf32, #tpu.memory_space<vmem_shared>>) offsets(%dma_start3A_448 : memref<128xi32, #tpu.memory_space<vmem>>) semaphore(%arg17 : memref<!tpu.dma_semaphore, #tpu.memory_space<semaphore_mem>>) {add = true}
      %dma_start3A_452 = arith.constant 1 : i32
      %dma_start3A_453 = arith.constant 128 : i32
      %dma_start3A_454 = arith.constant 0 : i32
      %dma_start3A_455 = tpu.memref_slice %arg13[%dma_start3A_453, %dma_start3A_454] : memref<1280x16xf32, #tpu.memory_space<vmem>> -> memref<128x16xf32, #tpu.memory_space<vmem>>
      %dma_start3A_456 = arith.constant 0 : i32
      %dma_start3A_457 = tpu.memref_slice %arg10[%dma_start3A_452, %dma_start3A_456] : memref<10x128xi32, #tpu.memory_space<vmem>> -> memref<1x128xi32, #tpu.memory_space<vmem>>
      %dma_start3A_458 = tpu.memref_squeeze %dma_start3A_457 : memref<1x128xi32, #tpu.memory_space<vmem>> -> memref<128xi32, #tpu.memory_space<vmem>>
      %dma_start3A_459 = arith.constant 0 : i32
      %dma_start3A_460 = arith.constant 0 : i32
      %dma_start3A_461 = tpu.memref_slice %arg16[%dma_start3A_459, %dma_start3A_460] : memref<10112x16xf32, #tpu.memory_space<vmem_shared>> -> memref<10112x16xf32, #tpu.memory_space<vmem_shared>>
      tpu.enqueue_indirect_dma source(%dma_start3A_455 : memref<128x16xf32, #tpu.memory_space<vmem>>) target(%dma_start3A_461 : memref<10112x16xf32, #tpu.memory_space<vmem_shared>>) offsets(%dma_start3A_458 : memref<128xi32, #tpu.memory_space<vmem>>) semaphore(%arg17 : memref<!tpu.dma_semaphore, #tpu.memory_space<semaphore_mem>>) {add = true}
      %dma_start3A_462 = arith.constant 2 : i32
      %dma_start3A_463 = arith.constant 256 : i32
      %dma_start3A_464 = arith.constant 0 : i32
      %dma_start3A_465 = tpu.memref_slice %arg13[%dma_start3A_463, %dma_start3A_464] : memref<1280x16xf32, #tpu.memory_space<vmem>> -> memref<128x16xf32, #tpu.memory_space<vmem>>
      %dma_start3A_466 = arith.constant 0 : i32
      %dma_start3A_467 = tpu.memref_slice %arg10[%dma_start3A_462, %dma_start3A_466] : memref<10x128xi32, #tpu.memory_space<vmem>> -> memref<1x128xi32, #tpu.memory_space<vmem>>
      %dma_start3A_468 = tpu.memref_squeeze %dma_start3A_467 : memref<1x128xi32, #tpu.memory_space<vmem>> -> memref<128xi32, #tpu.memory_space<vmem>>
      %dma_start3A_469 = arith.constant 0 : i32
      %dma_start3A_470 = arith.constant 0 : i32
      %dma_start3A_471 = tpu.memref_slice %arg16[%dma_start3A_469, %dma_start3A_470] : memref<10112x16xf32, #tpu.memory_space<vmem_shared>> -> memref<10112x16xf32, #tpu.memory_space<vmem_shared>>
      tpu.enqueue_indirect_dma source(%dma_start3A_465 : memref<128x16xf32, #tpu.memory_space<vmem>>) target(%dma_start3A_471 : memref<10112x16xf32, #tpu.memory_space<vmem_shared>>) offsets(%dma_start3A_468 : memref<128xi32, #tpu.memory_space<vmem>>) semaphore(%arg17 : memref<!tpu.dma_semaphore, #tpu.memory_space<semaphore_mem>>) {add = true}
      %dma_start3A_472 = arith.constant 3 : i32
      %dma_start3A_473 = arith.constant 384 : i32
      %dma_start3A_474 = arith.constant 0 : i32
      %dma_start3A_475 = tpu.memref_slice %arg13[%dma_start3A_473, %dma_start3A_474] : memref<1280x16xf32, #tpu.memory_space<vmem>> -> memref<128x16xf32, #tpu.memory_space<vmem>>
      %dma_start3A_476 = arith.constant 0 : i32
      %dma_start3A_477 = tpu.memref_slice %arg10[%dma_start3A_472, %dma_start3A_476] : memref<10x128xi32, #tpu.memory_space<vmem>> -> memref<1x128xi32, #tpu.memory_space<vmem>>
      %dma_start3A_478 = tpu.memref_squeeze %dma_start3A_477 : memref<1x128xi32, #tpu.memory_space<vmem>> -> memref<128xi32, #tpu.memory_space<vmem>>
      %dma_start3A_479 = arith.constant 0 : i32
      %dma_start3A_480 = arith.constant 0 : i32
      %dma_start3A_481 = tpu.memref_slice %arg16[%dma_start3A_479, %dma_start3A_480] : memref<10112x16xf32, #tpu.memory_space<vmem_shared>> -> memref<10112x16xf32, #tpu.memory_space<vmem_shared>>
      tpu.enqueue_indirect_dma source(%dma_start3A_475 : memref<128x16xf32, #tpu.memory_space<vmem>>) target(%dma_start3A_481 : memref<10112x16xf32, #tpu.memory_space<vmem_shared>>) offsets(%dma_start3A_478 : memref<128xi32, #tpu.memory_space<vmem>>) semaphore(%arg17 : memref<!tpu.dma_semaphore, #tpu.memory_space<semaphore_mem>>) {add = true}
      %dma_start3A_482 = arith.constant 4 : i32
      %dma_start3A_483 = arith.constant 512 : i32
      %dma_start3A_484 = arith.constant 0 : i32
      %dma_start3A_485 = tpu.memref_slice %arg13[%dma_start3A_483, %dma_start3A_484] : memref<1280x16xf32, #tpu.memory_space<vmem>> -> memref<128x16xf32, #tpu.memory_space<vmem>>
      %dma_start3A_486 = arith.constant 0 : i32
      %dma_start3A_487 = tpu.memref_slice %arg10[%dma_start3A_482, %dma_start3A_486] : memref<10x128xi32, #tpu.memory_space<vmem>> -> memref<1x128xi32, #tpu.memory_space<vmem>>
      %dma_start3A_488 = tpu.memref_squeeze %dma_start3A_487 : memref<1x128xi32, #tpu.memory_space<vmem>> -> memref<128xi32, #tpu.memory_space<vmem>>
      %dma_start3A_489 = arith.constant 0 : i32
      %dma_start3A_490 = arith.constant 0 : i32
      %dma_start3A_491 = tpu.memref_slice %arg16[%dma_start3A_489, %dma_start3A_490] : memref<10112x16xf32, #tpu.memory_space<vmem_shared>> -> memref<10112x16xf32, #tpu.memory_space<vmem_shared>>
      tpu.enqueue_indirect_dma source(%dma_start3A_485 : memref<128x16xf32, #tpu.memory_space<vmem>>) target(%dma_start3A_491 : memref<10112x16xf32, #tpu.memory_space<vmem_shared>>) offsets(%dma_start3A_488 : memref<128xi32, #tpu.memory_space<vmem>>) semaphore(%arg17 : memref<!tpu.dma_semaphore, #tpu.memory_space<semaphore_mem>>) {add = true}
      %dma_start3A_492 = arith.constant 5 : i32
      %dma_start3A_493 = arith.constant 640 : i32
      %dma_start3A_494 = arith.constant 0 : i32
      %dma_start3A_495 = tpu.memref_slice %arg13[%dma_start3A_493, %dma_start3A_494] : memref<1280x16xf32, #tpu.memory_space<vmem>> -> memref<128x16xf32, #tpu.memory_space<vmem>>
      %dma_start3A_496 = arith.constant 0 : i32
      %dma_start3A_497 = tpu.memref_slice %arg10[%dma_start3A_492, %dma_start3A_496] : memref<10x128xi32, #tpu.memory_space<vmem>> -> memref<1x128xi32, #tpu.memory_space<vmem>>
      %dma_start3A_498 = tpu.memref_squeeze %dma_start3A_497 : memref<1x128xi32, #tpu.memory_space<vmem>> -> memref<128xi32, #tpu.memory_space<vmem>>
      %dma_start3A_499 = arith.constant 0 : i32
      %dma_start3A_500 = arith.constant 0 : i32
      %dma_start3A_501 = tpu.memref_slice %arg16[%dma_start3A_499, %dma_start3A_500] : memref<10112x16xf32, #tpu.memory_space<vmem_shared>> -> memref<10112x16xf32, #tpu.memory_space<vmem_shared>>
      tpu.enqueue_indirect_dma source(%dma_start3A_495 : memref<128x16xf32, #tpu.memory_space<vmem>>) target(%dma_start3A_501 : memref<10112x16xf32, #tpu.memory_space<vmem_shared>>) offsets(%dma_start3A_498 : memref<128xi32, #tpu.memory_space<vmem>>) semaphore(%arg17 : memref<!tpu.dma_semaphore, #tpu.memory_space<semaphore_mem>>) {add = true}
      %dma_start3A_502 = arith.constant 6 : i32
      %dma_start3A_503 = arith.constant 768 : i32
      %dma_start3A_504 = arith.constant 0 : i32
      %dma_start3A_505 = tpu.memref_slice %arg13[%dma_start3A_503, %dma_start3A_504] : memref<1280x16xf32, #tpu.memory_space<vmem>> -> memref<128x16xf32, #tpu.memory_space<vmem>>
      %dma_start3A_506 = arith.constant 0 : i32
      %dma_start3A_507 = tpu.memref_slice %arg10[%dma_start3A_502, %dma_start3A_506] : memref<10x128xi32, #tpu.memory_space<vmem>> -> memref<1x128xi32, #tpu.memory_space<vmem>>
      %dma_start3A_508 = tpu.memref_squeeze %dma_start3A_507 : memref<1x128xi32, #tpu.memory_space<vmem>> -> memref<128xi32, #tpu.memory_space<vmem>>
      %dma_start3A_509 = arith.constant 0 : i32
      %dma_start3A_510 = arith.constant 0 : i32
      %dma_start3A_511 = tpu.memref_slice %arg16[%dma_start3A_509, %dma_start3A_510] : memref<10112x16xf32, #tpu.memory_space<vmem_shared>> -> memref<10112x16xf32, #tpu.memory_space<vmem_shared>>
      tpu.enqueue_indirect_dma source(%dma_start3A_505 : memref<128x16xf32, #tpu.memory_space<vmem>>) target(%dma_start3A_511 : memref<10112x16xf32, #tpu.memory_space<vmem_shared>>) offsets(%dma_start3A_508 : memref<128xi32, #tpu.memory_space<vmem>>) semaphore(%arg17 : memref<!tpu.dma_semaphore, #tpu.memory_space<semaphore_mem>>) {add = true}
      %dma_start3A_512 = arith.constant 7 : i32
      %dma_start3A_513 = arith.constant 896 : i32
      %dma_start3A_514 = arith.constant 0 : i32
      %dma_start3A_515 = tpu.memref_slice %arg13[%dma_start3A_513, %dma_start3A_514] : memref<1280x16xf32, #tpu.memory_space<vmem>> -> memref<128x16xf32, #tpu.memory_space<vmem>>
      %dma_start3A_516 = arith.constant 0 : i32
      %dma_start3A_517 = tpu.memref_slice %arg10[%dma_start3A_512, %dma_start3A_516] : memref<10x128xi32, #tpu.memory_space<vmem>> -> memref<1x128xi32, #tpu.memory_space<vmem>>
      %dma_start3A_518 = tpu.memref_squeeze %dma_start3A_517 : memref<1x128xi32, #tpu.memory_space<vmem>> -> memref<128xi32, #tpu.memory_space<vmem>>
      %dma_start3A_519 = arith.constant 0 : i32
      %dma_start3A_520 = arith.constant 0 : i32
      %dma_start3A_521 = tpu.memref_slice %arg16[%dma_start3A_519, %dma_start3A_520] : memref<10112x16xf32, #tpu.memory_space<vmem_shared>> -> memref<10112x16xf32, #tpu.memory_space<vmem_shared>>
      tpu.enqueue_indirect_dma source(%dma_start3A_515 : memref<128x16xf32, #tpu.memory_space<vmem>>) target(%dma_start3A_521 : memref<10112x16xf32, #tpu.memory_space<vmem_shared>>) offsets(%dma_start3A_518 : memref<128xi32, #tpu.memory_space<vmem>>) semaphore(%arg17 : memref<!tpu.dma_semaphore, #tpu.memory_space<semaphore_mem>>) {add = true}
      %dma_start3A_522 = arith.constant 8 : i32
      %dma_start3A_523 = arith.constant 1024 : i32
      %dma_start3A_524 = arith.constant 0 : i32
      %dma_start3A_525 = tpu.memref_slice %arg13[%dma_start3A_523, %dma_start3A_524] : memref<1280x16xf32, #tpu.memory_space<vmem>> -> memref<128x16xf32, #tpu.memory_space<vmem>>
      %dma_start3A_526 = arith.constant 0 : i32
      %dma_start3A_527 = tpu.memref_slice %arg10[%dma_start3A_522, %dma_start3A_526] : memref<10x128xi32, #tpu.memory_space<vmem>> -> memref<1x128xi32, #tpu.memory_space<vmem>>
      %dma_start3A_528 = tpu.memref_squeeze %dma_start3A_527 : memref<1x128xi32, #tpu.memory_space<vmem>> -> memref<128xi32, #tpu.memory_space<vmem>>
      %dma_start3A_529 = arith.constant 0 : i32
      %dma_start3A_530 = arith.constant 0 : i32
      %dma_start3A_531 = tpu.memref_slice %arg16[%dma_start3A_529, %dma_start3A_530] : memref<10112x16xf32, #tpu.memory_space<vmem_shared>> -> memref<10112x16xf32, #tpu.memory_space<vmem_shared>>
      tpu.enqueue_indirect_dma source(%dma_start3A_525 : memref<128x16xf32, #tpu.memory_space<vmem>>) target(%dma_start3A_531 : memref<10112x16xf32, #tpu.memory_space<vmem_shared>>) offsets(%dma_start3A_528 : memref<128xi32, #tpu.memory_space<vmem>>) semaphore(%arg17 : memref<!tpu.dma_semaphore, #tpu.memory_space<semaphore_mem>>) {add = true}
      %dma_start3A_532 = arith.constant 9 : i32
      %dma_start3A_533 = arith.constant 1152 : i32
      %dma_start3A_534 = arith.constant 0 : i32
      %dma_start3A_535 = tpu.memref_slice %arg13[%dma_start3A_533, %dma_start3A_534] : memref<1280x16xf32, #tpu.memory_space<vmem>> -> memref<128x16xf32, #tpu.memory_space<vmem>>
      %dma_start3A_536 = arith.constant 0 : i32
      %dma_start3A_537 = tpu.memref_slice %arg10[%dma_start3A_532, %dma_start3A_536] : memref<10x128xi32, #tpu.memory_space<vmem>> -> memref<1x128xi32, #tpu.memory_space<vmem>>
      %dma_start3A_538 = tpu.memref_squeeze %dma_start3A_537 : memref<1x128xi32, #tpu.memory_space<vmem>> -> memref<128xi32, #tpu.memory_space<vmem>>
      %dma_start3A_539 = arith.constant 0 : i32
      %dma_start3A_540 = arith.constant 0 : i32
      %dma_start3A_541 = tpu.memref_slice %arg16[%dma_start3A_539, %dma_start3A_540] : memref<10112x16xf32, #tpu.memory_space<vmem_shared>> -> memref<10112x16xf32, #tpu.memory_space<vmem_shared>>
      tpu.enqueue_indirect_dma source(%dma_start3A_535 : memref<128x16xf32, #tpu.memory_space<vmem>>) target(%dma_start3A_541 : memref<10112x16xf32, #tpu.memory_space<vmem_shared>>) offsets(%dma_start3A_538 : memref<128xi32, #tpu.memory_space<vmem>>) semaphore(%arg17 : memref<!tpu.dma_semaphore, #tpu.memory_space<semaphore_mem>>) {add = true}
      %dma_wait3A_542 = arith.constant 0 : i32
      %dma_wait3A_543 = arith.constant 0 : i32
      %dma_wait3A_544 = arith.constant 0 : i32
      %dma_wait3A_545 = tpu.memref_slice %arg13[%dma_wait3A_543, %dma_wait3A_544] : memref<1280x16xf32, #tpu.memory_space<vmem>> -> memref<128x16xf32, #tpu.memory_space<vmem>>
      %dma_wait3A_546 = arith.constant 0 : i32
      %dma_wait3A_547 = tpu.memref_slice %arg10[%dma_wait3A_542, %dma_wait3A_546] : memref<10x128xi32, #tpu.memory_space<vmem>> -> memref<1x128xi32, #tpu.memory_space<vmem>>
      %dma_wait3A_548 = tpu.memref_squeeze %dma_wait3A_547 : memref<1x128xi32, #tpu.memory_space<vmem>> -> memref<128xi32, #tpu.memory_space<vmem>>
      %dma_wait3A_549 = arith.constant 0 : i32
      %dma_wait3A_550 = arith.constant 0 : i32
      %dma_wait3A_551 = tpu.memref_slice %arg16[%dma_wait3A_549, %dma_wait3A_550] : memref<10112x16xf32, #tpu.memory_space<vmem_shared>> -> memref<10112x16xf32, #tpu.memory_space<vmem_shared>>
      tpu.wait_indirect_dma semaphore(%arg17 : memref<!tpu.dma_semaphore, #tpu.memory_space<semaphore_mem>>) src(%dma_wait3A_545 : memref<128x16xf32, #tpu.memory_space<vmem>>) dst(%dma_wait3A_551 : memref<10112x16xf32, #tpu.memory_space<vmem_shared>>)
      %dma_wait3A_552 = arith.constant 1 : i32
      %dma_wait3A_553 = arith.constant 128 : i32
      %dma_wait3A_554 = arith.constant 0 : i32
      %dma_wait3A_555 = tpu.memref_slice %arg13[%dma_wait3A_553, %dma_wait3A_554] : memref<1280x16xf32, #tpu.memory_space<vmem>> -> memref<128x16xf32, #tpu.memory_space<vmem>>
      %dma_wait3A_556 = arith.constant 0 : i32
      %dma_wait3A_557 = tpu.memref_slice %arg10[%dma_wait3A_552, %dma_wait3A_556] : memref<10x128xi32, #tpu.memory_space<vmem>> -> memref<1x128xi32, #tpu.memory_space<vmem>>
      %dma_wait3A_558 = tpu.memref_squeeze %dma_wait3A_557 : memref<1x128xi32, #tpu.memory_space<vmem>> -> memref<128xi32, #tpu.memory_space<vmem>>
      %dma_wait3A_559 = arith.constant 0 : i32
      %dma_wait3A_560 = arith.constant 0 : i32
      %dma_wait3A_561 = tpu.memref_slice %arg16[%dma_wait3A_559, %dma_wait3A_560] : memref<10112x16xf32, #tpu.memory_space<vmem_shared>> -> memref<10112x16xf32, #tpu.memory_space<vmem_shared>>
      tpu.wait_indirect_dma semaphore(%arg17 : memref<!tpu.dma_semaphore, #tpu.memory_space<semaphore_mem>>) src(%dma_wait3A_555 : memref<128x16xf32, #tpu.memory_space<vmem>>) dst(%dma_wait3A_561 : memref<10112x16xf32, #tpu.memory_space<vmem_shared>>)
      %dma_wait3A_562 = arith.constant 2 : i32
      %dma_wait3A_563 = arith.constant 256 : i32
      %dma_wait3A_564 = arith.constant 0 : i32
      %dma_wait3A_565 = tpu.memref_slice %arg13[%dma_wait3A_563, %dma_wait3A_564] : memref<1280x16xf32, #tpu.memory_space<vmem>> -> memref<128x16xf32, #tpu.memory_space<vmem>>
      %dma_wait3A_566 = arith.constant 0 : i32
      %dma_wait3A_567 = tpu.memref_slice %arg10[%dma_wait3A_562, %dma_wait3A_566] : memref<10x128xi32, #tpu.memory_space<vmem>> -> memref<1x128xi32, #tpu.memory_space<vmem>>
      %dma_wait3A_568 = tpu.memref_squeeze %dma_wait3A_567 : memref<1x128xi32, #tpu.memory_space<vmem>> -> memref<128xi32, #tpu.memory_space<vmem>>
      %dma_wait3A_569 = arith.constant 0 : i32
      %dma_wait3A_570 = arith.constant 0 : i32
      %dma_wait3A_571 = tpu.memref_slice %arg16[%dma_wait3A_569, %dma_wait3A_570] : memref<10112x16xf32, #tpu.memory_space<vmem_shared>> -> memref<10112x16xf32, #tpu.memory_space<vmem_shared>>
      tpu.wait_indirect_dma semaphore(%arg17 : memref<!tpu.dma_semaphore, #tpu.memory_space<semaphore_mem>>) src(%dma_wait3A_565 : memref<128x16xf32, #tpu.memory_space<vmem>>) dst(%dma_wait3A_571 : memref<10112x16xf32, #tpu.memory_space<vmem_shared>>)
      %dma_wait3A_572 = arith.constant 3 : i32
      %dma_wait3A_573 = arith.constant 384 : i32
      %dma_wait3A_574 = arith.constant 0 : i32
      %dma_wait3A_575 = tpu.memref_slice %arg13[%dma_wait3A_573, %dma_wait3A_574] : memref<1280x16xf32, #tpu.memory_space<vmem>> -> memref<128x16xf32, #tpu.memory_space<vmem>>
      %dma_wait3A_576 = arith.constant 0 : i32
      %dma_wait3A_577 = tpu.memref_slice %arg10[%dma_wait3A_572, %dma_wait3A_576] : memref<10x128xi32, #tpu.memory_space<vmem>> -> memref<1x128xi32, #tpu.memory_space<vmem>>
      %dma_wait3A_578 = tpu.memref_squeeze %dma_wait3A_577 : memref<1x128xi32, #tpu.memory_space<vmem>> -> memref<128xi32, #tpu.memory_space<vmem>>
      %dma_wait3A_579 = arith.constant 0 : i32
      %dma_wait3A_580 = arith.constant 0 : i32
      %dma_wait3A_581 = tpu.memref_slice %arg16[%dma_wait3A_579, %dma_wait3A_580] : memref<10112x16xf32, #tpu.memory_space<vmem_shared>> -> memref<10112x16xf32, #tpu.memory_space<vmem_shared>>
      tpu.wait_indirect_dma semaphore(%arg17 : memref<!tpu.dma_semaphore, #tpu.memory_space<semaphore_mem>>) src(%dma_wait3A_575 : memref<128x16xf32, #tpu.memory_space<vmem>>) dst(%dma_wait3A_581 : memref<10112x16xf32, #tpu.memory_space<vmem_shared>>)
      %dma_wait3A_582 = arith.constant 4 : i32
      %dma_wait3A_583 = arith.constant 512 : i32
      %dma_wait3A_584 = arith.constant 0 : i32
      %dma_wait3A_585 = tpu.memref_slice %arg13[%dma_wait3A_583, %dma_wait3A_584] : memref<1280x16xf32, #tpu.memory_space<vmem>> -> memref<128x16xf32, #tpu.memory_space<vmem>>
      %dma_wait3A_586 = arith.constant 0 : i32
      %dma_wait3A_587 = tpu.memref_slice %arg10[%dma_wait3A_582, %dma_wait3A_586] : memref<10x128xi32, #tpu.memory_space<vmem>> -> memref<1x128xi32, #tpu.memory_space<vmem>>
      %dma_wait3A_588 = tpu.memref_squeeze %dma_wait3A_587 : memref<1x128xi32, #tpu.memory_space<vmem>> -> memref<128xi32, #tpu.memory_space<vmem>>
      %dma_wait3A_589 = arith.constant 0 : i32
      %dma_wait3A_590 = arith.constant 0 : i32
      %dma_wait3A_591 = tpu.memref_slice %arg16[%dma_wait3A_589, %dma_wait3A_590] : memref<10112x16xf32, #tpu.memory_space<vmem_shared>> -> memref<10112x16xf32, #tpu.memory_space<vmem_shared>>
      tpu.wait_indirect_dma semaphore(%arg17 : memref<!tpu.dma_semaphore, #tpu.memory_space<semaphore_mem>>) src(%dma_wait3A_585 : memref<128x16xf32, #tpu.memory_space<vmem>>) dst(%dma_wait3A_591 : memref<10112x16xf32, #tpu.memory_space<vmem_shared>>)
      %dma_wait3A_592 = arith.constant 5 : i32
      %dma_wait3A_593 = arith.constant 640 : i32
      %dma_wait3A_594 = arith.constant 0 : i32
      %dma_wait3A_595 = tpu.memref_slice %arg13[%dma_wait3A_593, %dma_wait3A_594] : memref<1280x16xf32, #tpu.memory_space<vmem>> -> memref<128x16xf32, #tpu.memory_space<vmem>>
      %dma_wait3A_596 = arith.constant 0 : i32
      %dma_wait3A_597 = tpu.memref_slice %arg10[%dma_wait3A_592, %dma_wait3A_596] : memref<10x128xi32, #tpu.memory_space<vmem>> -> memref<1x128xi32, #tpu.memory_space<vmem>>
      %dma_wait3A_598 = tpu.memref_squeeze %dma_wait3A_597 : memref<1x128xi32, #tpu.memory_space<vmem>> -> memref<128xi32, #tpu.memory_space<vmem>>
      %dma_wait3A_599 = arith.constant 0 : i32
      %dma_wait3A_600 = arith.constant 0 : i32
      %dma_wait3A_601 = tpu.memref_slice %arg16[%dma_wait3A_599, %dma_wait3A_600] : memref<10112x16xf32, #tpu.memory_space<vmem_shared>> -> memref<10112x16xf32, #tpu.memory_space<vmem_shared>>
      tpu.wait_indirect_dma semaphore(%arg17 : memref<!tpu.dma_semaphore, #tpu.memory_space<semaphore_mem>>) src(%dma_wait3A_595 : memref<128x16xf32, #tpu.memory_space<vmem>>) dst(%dma_wait3A_601 : memref<10112x16xf32, #tpu.memory_space<vmem_shared>>)
      %dma_wait3A_602 = arith.constant 6 : i32
      %dma_wait3A_603 = arith.constant 768 : i32
      %dma_wait3A_604 = arith.constant 0 : i32
      %dma_wait3A_605 = tpu.memref_slice %arg13[%dma_wait3A_603, %dma_wait3A_604] : memref<1280x16xf32, #tpu.memory_space<vmem>> -> memref<128x16xf32, #tpu.memory_space<vmem>>
      %dma_wait3A_606 = arith.constant 0 : i32
      %dma_wait3A_607 = tpu.memref_slice %arg10[%dma_wait3A_602, %dma_wait3A_606] : memref<10x128xi32, #tpu.memory_space<vmem>> -> memref<1x128xi32, #tpu.memory_space<vmem>>
      %dma_wait3A_608 = tpu.memref_squeeze %dma_wait3A_607 : memref<1x128xi32, #tpu.memory_space<vmem>> -> memref<128xi32, #tpu.memory_space<vmem>>
      %dma_wait3A_609 = arith.constant 0 : i32
      %dma_wait3A_610 = arith.constant 0 : i32
      %dma_wait3A_611 = tpu.memref_slice %arg16[%dma_wait3A_609, %dma_wait3A_610] : memref<10112x16xf32, #tpu.memory_space<vmem_shared>> -> memref<10112x16xf32, #tpu.memory_space<vmem_shared>>
      tpu.wait_indirect_dma semaphore(%arg17 : memref<!tpu.dma_semaphore, #tpu.memory_space<semaphore_mem>>) src(%dma_wait3A_605 : memref<128x16xf32, #tpu.memory_space<vmem>>) dst(%dma_wait3A_611 : memref<10112x16xf32, #tpu.memory_space<vmem_shared>>)
      %dma_wait3A_612 = arith.constant 7 : i32
      %dma_wait3A_613 = arith.constant 896 : i32
      %dma_wait3A_614 = arith.constant 0 : i32
      %dma_wait3A_615 = tpu.memref_slice %arg13[%dma_wait3A_613, %dma_wait3A_614] : memref<1280x16xf32, #tpu.memory_space<vmem>> -> memref<128x16xf32, #tpu.memory_space<vmem>>
      %dma_wait3A_616 = arith.constant 0 : i32
      %dma_wait3A_617 = tpu.memref_slice %arg10[%dma_wait3A_612, %dma_wait3A_616] : memref<10x128xi32, #tpu.memory_space<vmem>> -> memref<1x128xi32, #tpu.memory_space<vmem>>
      %dma_wait3A_618 = tpu.memref_squeeze %dma_wait3A_617 : memref<1x128xi32, #tpu.memory_space<vmem>> -> memref<128xi32, #tpu.memory_space<vmem>>
      %dma_wait3A_619 = arith.constant 0 : i32
      %dma_wait3A_620 = arith.constant 0 : i32
      %dma_wait3A_621 = tpu.memref_slice %arg16[%dma_wait3A_619, %dma_wait3A_620] : memref<10112x16xf32, #tpu.memory_space<vmem_shared>> -> memref<10112x16xf32, #tpu.memory_space<vmem_shared>>
      tpu.wait_indirect_dma semaphore(%arg17 : memref<!tpu.dma_semaphore, #tpu.memory_space<semaphore_mem>>) src(%dma_wait3A_615 : memref<128x16xf32, #tpu.memory_space<vmem>>) dst(%dma_wait3A_621 : memref<10112x16xf32, #tpu.memory_space<vmem_shared>>)
      %dma_wait3A_622 = arith.constant 8 : i32
      %dma_wait3A_623 = arith.constant 1024 : i32
      %dma_wait3A_624 = arith.constant 0 : i32
      %dma_wait3A_625 = tpu.memref_slice %arg13[%dma_wait3A_623, %dma_wait3A_624] : memref<1280x16xf32, #tpu.memory_space<vmem>> -> memref<128x16xf32, #tpu.memory_space<vmem>>
      %dma_wait3A_626 = arith.constant 0 : i32
      %dma_wait3A_627 = tpu.memref_slice %arg10[%dma_wait3A_622, %dma_wait3A_626] : memref<10x128xi32, #tpu.memory_space<vmem>> -> memref<1x128xi32, #tpu.memory_space<vmem>>
      %dma_wait3A_628 = tpu.memref_squeeze %dma_wait3A_627 : memref<1x128xi32, #tpu.memory_space<vmem>> -> memref<128xi32, #tpu.memory_space<vmem>>
      %dma_wait3A_629 = arith.constant 0 : i32
      %dma_wait3A_630 = arith.constant 0 : i32
      %dma_wait3A_631 = tpu.memref_slice %arg16[%dma_wait3A_629, %dma_wait3A_630] : memref<10112x16xf32, #tpu.memory_space<vmem_shared>> -> memref<10112x16xf32, #tpu.memory_space<vmem_shared>>
      tpu.wait_indirect_dma semaphore(%arg17 : memref<!tpu.dma_semaphore, #tpu.memory_space<semaphore_mem>>) src(%dma_wait3A_625 : memref<128x16xf32, #tpu.memory_space<vmem>>) dst(%dma_wait3A_631 : memref<10112x16xf32, #tpu.memory_space<vmem_shared>>)
      %dma_wait3A_632 = arith.constant 9 : i32
      %dma_wait3A_633 = arith.constant 1152 : i32
      %dma_wait3A_634 = arith.constant 0 : i32
      %dma_wait3A_635 = tpu.memref_slice %arg13[%dma_wait3A_633, %dma_wait3A_634] : memref<1280x16xf32, #tpu.memory_space<vmem>> -> memref<128x16xf32, #tpu.memory_space<vmem>>
      %dma_wait3A_636 = arith.constant 0 : i32
      %dma_wait3A_637 = tpu.memref_slice %arg10[%dma_wait3A_632, %dma_wait3A_636] : memref<10x128xi32, #tpu.memory_space<vmem>> -> memref<1x128xi32, #tpu.memory_space<vmem>>
      %dma_wait3A_638 = tpu.memref_squeeze %dma_wait3A_637 : memref<1x128xi32, #tpu.memory_space<vmem>> -> memref<128xi32, #tpu.memory_space<vmem>>
      %dma_wait3A_639 = arith.constant 0 : i32
      %dma_wait3A_640 = arith.constant 0 : i32
      %dma_wait3A_641 = tpu.memref_slice %arg16[%dma_wait3A_639, %dma_wait3A_640] : memref<10112x16xf32, #tpu.memory_space<vmem_shared>> -> memref<10112x16xf32, #tpu.memory_space<vmem_shared>>
      tpu.wait_indirect_dma semaphore(%arg17 : memref<!tpu.dma_semaphore, #tpu.memory_space<semaphore_mem>>) src(%dma_wait3A_635 : memref<128x16xf32, #tpu.memory_space<vmem>>) dst(%dma_wait3A_641 : memref<10112x16xf32, #tpu.memory_space<vmem_shared>>)
    }
    %scan3A_23 = arith.constant 4 : i32
    %barrier3A_24 = arith.constant 0 : index
    tpu.barrier barrier_id(%barrier3A_24)
    %mul3A_25 = arith.constant 632 : i32
    %mul3A_26 = arith.muli %arg1, %mul3A_25 : i32
    "tpu.region"() ({
      %run_scoped3A = tpu.sem_alloc : memref<!tpu.dma_semaphore, #tpu.memory_space<semaphore_mem>>
      %dma_start3A = arith.constant 0 : i32
      %dma_start3A_29 = arith.constant 0 : i32
      %dma_start3A_30 = tpu.memref_slice %arg13[%dma_start3A, %dma_start3A_29] : memref<1280x16xf32, #tpu.memory_space<vmem>> -> memref<632x16xf32, #tpu.memory_space<vmem>>
      %dma_start3A_31 = arith.constant 0 : i32
      %dma_start3A_32 = tpu.memref_slice %arg16[%mul3A_26, %dma_start3A_31] : memref<10112x16xf32, #tpu.memory_space<vmem_shared>> -> memref<632x16xf32, #tpu.memory_space<vmem_shared>>
      %dma_start3A_33 = arith.constant 0 : i32
      %dma_start3A_34 = arith.constant 0 : i32
      %dma_start3A_35 = tpu.memref_slice %arg13[%dma_start3A_33, %dma_start3A_34] : memref<1280x16xf32, #tpu.memory_space<vmem>> -> memref<632x16xf32, #tpu.memory_space<vmem>>
      %dma_start3A_36 = arith.constant 0 : i32
      %dma_start3A_37 = tpu.memref_slice %arg16[%mul3A_26, %dma_start3A_36] : memref<10112x16xf32, #tpu.memory_space<vmem_shared>> -> memref<632x16xf32, #tpu.memory_space<vmem_shared>>
      tpu.enqueue_dma source(%dma_start3A_37 : memref<632x16xf32, #tpu.memory_space<vmem_shared>>) target(%dma_start3A_35 : memref<632x16xf32, #tpu.memory_space<vmem>>) target_semaphore(%run_scoped3A : memref<!tpu.dma_semaphore, #tpu.memory_space<semaphore_mem>>)
      %dma_wait3A = arith.constant 0 : i32
      %dma_wait3A_38 = arith.constant 0 : i32
      %dma_wait3A_39 = tpu.memref_slice %arg13[%dma_wait3A, %dma_wait3A_38] : memref<1280x16xf32, #tpu.memory_space<vmem>> -> memref<632x16xf32, #tpu.memory_space<vmem>>
      %dma_wait3A_40 = arith.constant 0 : i32
      %dma_wait3A_41 = tpu.memref_slice %arg16[%mul3A_26, %dma_wait3A_40] : memref<10112x16xf32, #tpu.memory_space<vmem_shared>> -> memref<632x16xf32, #tpu.memory_space<vmem_shared>>
      %dma_wait3A_42 = arith.constant 0 : i32
      %dma_wait3A_43 = arith.constant 0 : i32
      %dma_wait3A_44 = tpu.memref_slice %arg13[%dma_wait3A_42, %dma_wait3A_43] : memref<1280x16xf32, #tpu.memory_space<vmem>> -> memref<632x16xf32, #tpu.memory_space<vmem>>
      %dma_wait3A_45 = arith.constant 0 : i32
      %dma_wait3A_46 = tpu.memref_slice %arg16[%mul3A_26, %dma_wait3A_45] : memref<10112x16xf32, #tpu.memory_space<vmem_shared>> -> memref<632x16xf32, #tpu.memory_space<vmem_shared>>
      tpu.wait_dma2 semaphore(%run_scoped3A : memref<!tpu.dma_semaphore, #tpu.memory_space<semaphore_mem>>) src(%dma_wait3A_46 : memref<632x16xf32, #tpu.memory_space<vmem_shared>>) dst(%dma_wait3A_44 : memref<632x16xf32, #tpu.memory_space<vmem>>)
      tpu.yield
    }) : () -> ()
    %mul3A_27 = arith.constant 632 : i32
    %mul3A_28 = arith.muli %arg1, %mul3A_27 : i32
    "tpu.region"() ({
      %run_scoped3A = tpu.sem_alloc : memref<!tpu.dma_semaphore, #tpu.memory_space<semaphore_mem>>
      %dma_start3A = arith.constant 0 : i32
      %dma_start3A_29 = arith.constant 0 : i32
      %dma_start3A_30 = tpu.memref_slice %arg13[%dma_start3A, %dma_start3A_29] : memref<1280x16xf32, #tpu.memory_space<vmem>> -> memref<632x16xf32, #tpu.memory_space<vmem>>
      %dma_start3A_31 = arith.constant 0 : i32
      %dma_start3A_32 = tpu.memref_slice %arg8[%arg0, %mul3A_28, %dma_start3A_31] : memref<2x10112x16xf32, #tpu.memory_space<hbm>> -> memref<1x632x16xf32, #tpu.memory_space<hbm>>
      %dma_start3A_33 = tpu.memref_squeeze %dma_start3A_32 : memref<1x632x16xf32, #tpu.memory_space<hbm>> -> memref<632x16xf32, #tpu.memory_space<hbm>>
      %dma_start3A_34 = arith.constant 0 : i32
      %dma_start3A_35 = tpu.memref_slice %arg8[%arg0, %mul3A_28, %dma_start3A_34] : memref<2x10112x16xf32, #tpu.memory_space<hbm>> -> memref<1x632x16xf32, #tpu.memory_space<hbm>>
      %dma_start3A_36 = tpu.memref_squeeze %dma_start3A_35 : memref<1x632x16xf32, #tpu.memory_space<hbm>> -> memref<632x16xf32, #tpu.memory_space<hbm>>
      %dma_start3A_37 = arith.constant 0 : i32
      %dma_start3A_38 = arith.constant 0 : i32
      %dma_start3A_39 = tpu.memref_slice %arg13[%dma_start3A_37, %dma_start3A_38] : memref<1280x16xf32, #tpu.memory_space<vmem>> -> memref<632x16xf32, #tpu.memory_space<vmem>>
      tpu.enqueue_dma source(%dma_start3A_39 : memref<632x16xf32, #tpu.memory_space<vmem>>) target(%dma_start3A_36 : memref<632x16xf32, #tpu.memory_space<hbm>>) target_semaphore(%run_scoped3A : memref<!tpu.dma_semaphore, #tpu.memory_space<semaphore_mem>>)
      %dma_wait3A = arith.constant 0 : i32
      %dma_wait3A_40 = arith.constant 0 : i32
      %dma_wait3A_41 = tpu.memref_slice %arg13[%dma_wait3A, %dma_wait3A_40] : memref<1280x16xf32, #tpu.memory_space<vmem>> -> memref<632x16xf32, #tpu.memory_space<vmem>>
      %dma_wait3A_42 = arith.constant 0 : i32
      %dma_wait3A_43 = tpu.memref_slice %arg8[%arg0, %mul3A_28, %dma_wait3A_42] : memref<2x10112x16xf32, #tpu.memory_space<hbm>> -> memref<1x632x16xf32, #tpu.memory_space<hbm>>
      %dma_wait3A_44 = tpu.memref_squeeze %dma_wait3A_43 : memref<1x632x16xf32, #tpu.memory_space<hbm>> -> memref<632x16xf32, #tpu.memory_space<hbm>>
      %dma_wait3A_45 = arith.constant 0 : i32
      %dma_wait3A_46 = tpu.memref_slice %arg8[%arg0, %mul3A_28, %dma_wait3A_45] : memref<2x10112x16xf32, #tpu.memory_space<hbm>> -> memref<1x632x16xf32, #tpu.memory_space<hbm>>
      %dma_wait3A_47 = tpu.memref_squeeze %dma_wait3A_46 : memref<1x632x16xf32, #tpu.memory_space<hbm>> -> memref<632x16xf32, #tpu.memory_space<hbm>>
      %dma_wait3A_48 = arith.constant 0 : i32
      %dma_wait3A_49 = arith.constant 0 : i32
      %dma_wait3A_50 = tpu.memref_slice %arg13[%dma_wait3A_48, %dma_wait3A_49] : memref<1280x16xf32, #tpu.memory_space<vmem>> -> memref<632x16xf32, #tpu.memory_space<vmem>>
      tpu.wait_dma2 semaphore(%run_scoped3A : memref<!tpu.dma_semaphore, #tpu.memory_space<semaphore_mem>>) src(%dma_wait3A_50 : memref<632x16xf32, #tpu.memory_space<vmem>>) dst(%dma_wait3A_47 : memref<632x16xf32, #tpu.memory_space<hbm>>)
      tpu.yield
    }) : () -> ()
    return
  }
}

#map = affine_map<(d0, d1) -> (0, 0)>
module attributes {stable_mosaic.version = 14 : i64} {
  func.func @_sc_phase2_body(%arg0: i32, %arg1: i32, %arg2: memref<1280x128xi32, #tpu.memory_space<hbm>>, %arg3: memref<1280x128xi32, #tpu.memory_space<hbm>>, %arg4: memref<10112x16xf32, #tpu.memory_space<hbm>>, %arg5: memref<10112x16xf32, #tpu.memory_space<hbm>>, %arg6: memref<163840x16xf32, #tpu.memory_space<hbm>>, %arg7: memref<163840x16xf32, #tpu.memory_space<hbm>>, %arg8: memref<10x128xi32, #tpu.memory_space<vmem>>, %arg9: memref<10x128xi32, #tpu.memory_space<vmem>>, %arg10: memref<1280x16xf32, #tpu.memory_space<vmem>>, %arg11: memref<1280x16xf32, #tpu.memory_space<vmem>>, %arg12: memref<1280x16xf32, #tpu.memory_space<vmem>>, %arg13: memref<10112x16xf32, #tpu.memory_space<vmem_shared>>, %arg14: memref<10112x16xf32, #tpu.memory_space<vmem_shared>>, %arg15: memref<!tpu.dma_semaphore, #tpu.memory_space<semaphore_mem>>) attributes {dimension_semantics = [#tpu.dimension_semantics<core_parallel>, #tpu.dimension_semantics<subcore_parallel>], iteration_bounds = array<i64: 2, 16>, scalar_prefetch = 0 : i64, scratch_operands = 8 : i64, tpu.core_type = #tpu.core_type<sc_vector_subcore>, window_params = [{transform_indices = #map}, {transform_indices = #map}, {transform_indices = #map}, {transform_indices = #map}, {transform_indices = #map}, {transform_indices = #map}]} {
    %mul3A = arith.constant 2 : i32
    %mul3A_0 = arith.muli %arg1, %mul3A : i32
    %add3A = arith.addi %mul3A_0, %arg0 : i32
    %mul3A_1 = arith.constant 632 : i32
    %mul3A_2 = arith.muli %arg1, %mul3A_1 : i32
    %mul3A_3 = arith.constant 632 : i32
    %mul3A_4 = arith.muli %arg1, %mul3A_3 : i32
    "tpu.region"() ({
      %run_scoped3A = tpu.sem_alloc : memref<!tpu.dma_semaphore, #tpu.memory_space<semaphore_mem>>
      %dma_start3A = arith.constant 0 : i32
      %dma_start3A_16 = tpu.memref_slice %arg13[%mul3A_4, %dma_start3A] : memref<10112x16xf32, #tpu.memory_space<vmem_shared>> -> memref<632x16xf32, #tpu.memory_space<vmem_shared>>
      %dma_start3A_17 = arith.constant 0 : i32
      %dma_start3A_18 = tpu.memref_slice %arg4[%mul3A_2, %dma_start3A_17] : memref<10112x16xf32, #tpu.memory_space<hbm>> -> memref<632x16xf32, #tpu.memory_space<hbm>>
      tpu.enqueue_dma source(%dma_start3A_18 : memref<632x16xf32, #tpu.memory_space<hbm>>) target(%dma_start3A_16 : memref<632x16xf32, #tpu.memory_space<vmem_shared>>) target_semaphore(%run_scoped3A : memref<!tpu.dma_semaphore, #tpu.memory_space<semaphore_mem>>)
      %dma_wait3A = arith.constant 0 : i32
      %dma_wait3A_19 = tpu.memref_slice %arg13[%mul3A_4, %dma_wait3A] : memref<10112x16xf32, #tpu.memory_space<vmem_shared>> -> memref<632x16xf32, #tpu.memory_space<vmem_shared>>
      %dma_wait3A_20 = arith.constant 0 : i32
      %dma_wait3A_21 = tpu.memref_slice %arg4[%mul3A_2, %dma_wait3A_20] : memref<10112x16xf32, #tpu.memory_space<hbm>> -> memref<632x16xf32, #tpu.memory_space<hbm>>
      tpu.wait_dma2 semaphore(%run_scoped3A : memref<!tpu.dma_semaphore, #tpu.memory_space<semaphore_mem>>) src(%dma_wait3A_21 : memref<632x16xf32, #tpu.memory_space<hbm>>) dst(%dma_wait3A_19 : memref<632x16xf32, #tpu.memory_space<vmem_shared>>)
      tpu.yield
    }) : () -> ()
    %mul3A_5 = arith.constant 632 : i32
    %mul3A_6 = arith.muli %arg1, %mul3A_5 : i32
    %mul3A_7 = arith.constant 632 : i32
    %mul3A_8 = arith.muli %arg1, %mul3A_7 : i32
    "tpu.region"() ({
      %run_scoped3A = tpu.sem_alloc : memref<!tpu.dma_semaphore, #tpu.memory_space<semaphore_mem>>
      %dma_start3A = arith.constant 0 : i32
      %dma_start3A_16 = tpu.memref_slice %arg14[%mul3A_8, %dma_start3A] : memref<10112x16xf32, #tpu.memory_space<vmem_shared>> -> memref<632x16xf32, #tpu.memory_space<vmem_shared>>
      %dma_start3A_17 = arith.constant 0 : i32
      %dma_start3A_18 = tpu.memref_slice %arg5[%mul3A_6, %dma_start3A_17] : memref<10112x16xf32, #tpu.memory_space<hbm>> -> memref<632x16xf32, #tpu.memory_space<hbm>>
      tpu.enqueue_dma source(%dma_start3A_18 : memref<632x16xf32, #tpu.memory_space<hbm>>) target(%dma_start3A_16 : memref<632x16xf32, #tpu.memory_space<vmem_shared>>) target_semaphore(%run_scoped3A : memref<!tpu.dma_semaphore, #tpu.memory_space<semaphore_mem>>)
      %dma_wait3A = arith.constant 0 : i32
      %dma_wait3A_19 = tpu.memref_slice %arg14[%mul3A_8, %dma_wait3A] : memref<10112x16xf32, #tpu.memory_space<vmem_shared>> -> memref<632x16xf32, #tpu.memory_space<vmem_shared>>
      %dma_wait3A_20 = arith.constant 0 : i32
      %dma_wait3A_21 = tpu.memref_slice %arg5[%mul3A_6, %dma_wait3A_20] : memref<10112x16xf32, #tpu.memory_space<hbm>> -> memref<632x16xf32, #tpu.memory_space<hbm>>
      tpu.wait_dma2 semaphore(%run_scoped3A : memref<!tpu.dma_semaphore, #tpu.memory_space<semaphore_mem>>) src(%dma_wait3A_21 : memref<632x16xf32, #tpu.memory_space<hbm>>) dst(%dma_wait3A_19 : memref<632x16xf32, #tpu.memory_space<vmem_shared>>)
      tpu.yield
    }) : () -> ()
    %barrier3A = arith.constant 0 : index
    tpu.barrier barrier_id(%barrier3A)
    %mul3A_9 = arith.constant 40 : i32
    %mul3A_10 = arith.muli %add3A, %mul3A_9 : i32
    %scan3A = arith.constant 0 : i32
    %scan3A_11 = arith.constant 0 : i32
    %scan3A_12 = arith.constant 4 : i32
    %scan3A_13 = arith.addi %scan3A_11, %scan3A_12 : i32
    %scan3A_14 = arith.constant 1 : i32
    scf.for %scan3A_16 = %scan3A_11 to %scan3A_13 step %scan3A_14  : i32 {
      %mul3A_17 = arith.constant 10 : i32
      %mul3A_18 = arith.muli %scan3A_16, %mul3A_17 : i32
      %add3A_19 = arith.addi %mul3A_10, %mul3A_18 : i32
      "tpu.region"() ({
        %run_scoped3A = tpu.sem_alloc : memref<!tpu.dma_semaphore, #tpu.memory_space<semaphore_mem>>
        %dma_start3A_429 = arith.constant 0 : i32
        %dma_start3A_430 = tpu.memref_slice %arg2[%add3A_19, %dma_start3A_429] : memref<1280x128xi32, #tpu.memory_space<hbm>> -> memref<10x128xi32, #tpu.memory_space<hbm>>
        %dma_start3A_431 = arith.constant 0 : i32
        %dma_start3A_432 = tpu.memref_slice %arg2[%add3A_19, %dma_start3A_431] : memref<1280x128xi32, #tpu.memory_space<hbm>> -> memref<10x128xi32, #tpu.memory_space<hbm>>
        tpu.enqueue_dma source(%dma_start3A_432 : memref<10x128xi32, #tpu.memory_space<hbm>>) target(%arg8 : memref<10x128xi32, #tpu.memory_space<vmem>>) target_semaphore(%run_scoped3A : memref<!tpu.dma_semaphore, #tpu.memory_space<semaphore_mem>>)
        %dma_wait3A_433 = arith.constant 0 : i32
        %dma_wait3A_434 = tpu.memref_slice %arg2[%add3A_19, %dma_wait3A_433] : memref<1280x128xi32, #tpu.memory_space<hbm>> -> memref<10x128xi32, #tpu.memory_space<hbm>>
        %dma_wait3A_435 = arith.constant 0 : i32
        %dma_wait3A_436 = tpu.memref_slice %arg2[%add3A_19, %dma_wait3A_435] : memref<1280x128xi32, #tpu.memory_space<hbm>> -> memref<10x128xi32, #tpu.memory_space<hbm>>
        tpu.wait_dma2 semaphore(%run_scoped3A : memref<!tpu.dma_semaphore, #tpu.memory_space<semaphore_mem>>) src(%dma_wait3A_436 : memref<10x128xi32, #tpu.memory_space<hbm>>) dst(%arg8 : memref<10x128xi32, #tpu.memory_space<vmem>>)
        tpu.yield
      }) : () -> ()
      "tpu.region"() ({
        %run_scoped3A = tpu.sem_alloc : memref<!tpu.dma_semaphore, #tpu.memory_space<semaphore_mem>>
        %dma_start3A_429 = arith.constant 0 : i32
        %dma_start3A_430 = tpu.memref_slice %arg3[%add3A_19, %dma_start3A_429] : memref<1280x128xi32, #tpu.memory_space<hbm>> -> memref<10x128xi32, #tpu.memory_space<hbm>>
        %dma_start3A_431 = arith.constant 0 : i32
        %dma_start3A_432 = tpu.memref_slice %arg3[%add3A_19, %dma_start3A_431] : memref<1280x128xi32, #tpu.memory_space<hbm>> -> memref<10x128xi32, #tpu.memory_space<hbm>>
        tpu.enqueue_dma source(%dma_start3A_432 : memref<10x128xi32, #tpu.memory_space<hbm>>) target(%arg9 : memref<10x128xi32, #tpu.memory_space<vmem>>) target_semaphore(%run_scoped3A : memref<!tpu.dma_semaphore, #tpu.memory_space<semaphore_mem>>)
        %dma_wait3A_433 = arith.constant 0 : i32
        %dma_wait3A_434 = tpu.memref_slice %arg3[%add3A_19, %dma_wait3A_433] : memref<1280x128xi32, #tpu.memory_space<hbm>> -> memref<10x128xi32, #tpu.memory_space<hbm>>
        %dma_wait3A_435 = arith.constant 0 : i32
        %dma_wait3A_436 = tpu.memref_slice %arg3[%add3A_19, %dma_wait3A_435] : memref<1280x128xi32, #tpu.memory_space<hbm>> -> memref<10x128xi32, #tpu.memory_space<hbm>>
        tpu.wait_dma2 semaphore(%run_scoped3A : memref<!tpu.dma_semaphore, #tpu.memory_space<semaphore_mem>>) src(%dma_wait3A_436 : memref<10x128xi32, #tpu.memory_space<hbm>>) dst(%arg9 : memref<10x128xi32, #tpu.memory_space<vmem>>)
        tpu.yield
      }) : () -> ()
      %dma_start3A = arith.constant 0 : i32
      %dma_start3A_20 = arith.constant 0 : i32
      %dma_start3A_21 = arith.constant 0 : i32
      %dma_start3A_22 = tpu.memref_slice %arg10[%dma_start3A_20, %dma_start3A_21] : memref<1280x16xf32, #tpu.memory_space<vmem>> -> memref<128x16xf32, #tpu.memory_space<vmem>>
      %dma_start3A_23 = arith.constant 0 : i32
      %dma_start3A_24 = tpu.memref_slice %arg8[%dma_start3A, %dma_start3A_23] : memref<10x128xi32, #tpu.memory_space<vmem>> -> memref<1x128xi32, #tpu.memory_space<vmem>>
      %dma_start3A_25 = tpu.memref_squeeze %dma_start3A_24 : memref<1x128xi32, #tpu.memory_space<vmem>> -> memref<128xi32, #tpu.memory_space<vmem>>
      %dma_start3A_26 = arith.constant 0 : i32
      %dma_start3A_27 = arith.constant 0 : i32
      %dma_start3A_28 = tpu.memref_slice %arg13[%dma_start3A_26, %dma_start3A_27] : memref<10112x16xf32, #tpu.memory_space<vmem_shared>> -> memref<10112x16xf32, #tpu.memory_space<vmem_shared>>
      tpu.enqueue_indirect_dma source(%dma_start3A_28 : memref<10112x16xf32, #tpu.memory_space<vmem_shared>>) target(%dma_start3A_22 : memref<128x16xf32, #tpu.memory_space<vmem>>) offsets(%dma_start3A_25 : memref<128xi32, #tpu.memory_space<vmem>>) semaphore(%arg15 : memref<!tpu.dma_semaphore, #tpu.memory_space<semaphore_mem>>)
      %dma_start3A_29 = arith.constant 0 : i32
      %dma_start3A_30 = arith.constant 0 : i32
      %dma_start3A_31 = arith.constant 0 : i32
      %dma_start3A_32 = tpu.memref_slice %arg11[%dma_start3A_30, %dma_start3A_31] : memref<1280x16xf32, #tpu.memory_space<vmem>> -> memref<128x16xf32, #tpu.memory_space<vmem>>
      %dma_start3A_33 = arith.constant 0 : i32
      %dma_start3A_34 = tpu.memref_slice %arg9[%dma_start3A_29, %dma_start3A_33] : memref<10x128xi32, #tpu.memory_space<vmem>> -> memref<1x128xi32, #tpu.memory_space<vmem>>
      %dma_start3A_35 = tpu.memref_squeeze %dma_start3A_34 : memref<1x128xi32, #tpu.memory_space<vmem>> -> memref<128xi32, #tpu.memory_space<vmem>>
      %dma_start3A_36 = arith.constant 0 : i32
      %dma_start3A_37 = arith.constant 0 : i32
      %dma_start3A_38 = tpu.memref_slice %arg14[%dma_start3A_36, %dma_start3A_37] : memref<10112x16xf32, #tpu.memory_space<vmem_shared>> -> memref<10112x16xf32, #tpu.memory_space<vmem_shared>>
      tpu.enqueue_indirect_dma source(%dma_start3A_38 : memref<10112x16xf32, #tpu.memory_space<vmem_shared>>) target(%dma_start3A_32 : memref<128x16xf32, #tpu.memory_space<vmem>>) offsets(%dma_start3A_35 : memref<128xi32, #tpu.memory_space<vmem>>) semaphore(%arg15 : memref<!tpu.dma_semaphore, #tpu.memory_space<semaphore_mem>>)
      %dma_start3A_39 = arith.constant 1 : i32
      %dma_start3A_40 = arith.constant 128 : i32
      %dma_start3A_41 = arith.constant 0 : i32
      %dma_start3A_42 = tpu.memref_slice %arg10[%dma_start3A_40, %dma_start3A_41] : memref<1280x16xf32, #tpu.memory_space<vmem>> -> memref<128x16xf32, #tpu.memory_space<vmem>>
      %dma_start3A_43 = arith.constant 0 : i32
      %dma_start3A_44 = tpu.memref_slice %arg8[%dma_start3A_39, %dma_start3A_43] : memref<10x128xi32, #tpu.memory_space<vmem>> -> memref<1x128xi32, #tpu.memory_space<vmem>>
      %dma_start3A_45 = tpu.memref_squeeze %dma_start3A_44 : memref<1x128xi32, #tpu.memory_space<vmem>> -> memref<128xi32, #tpu.memory_space<vmem>>
      %dma_start3A_46 = arith.constant 0 : i32
      %dma_start3A_47 = arith.constant 0 : i32
      %dma_start3A_48 = tpu.memref_slice %arg13[%dma_start3A_46, %dma_start3A_47] : memref<10112x16xf32, #tpu.memory_space<vmem_shared>> -> memref<10112x16xf32, #tpu.memory_space<vmem_shared>>
      tpu.enqueue_indirect_dma source(%dma_start3A_48 : memref<10112x16xf32, #tpu.memory_space<vmem_shared>>) target(%dma_start3A_42 : memref<128x16xf32, #tpu.memory_space<vmem>>) offsets(%dma_start3A_45 : memref<128xi32, #tpu.memory_space<vmem>>) semaphore(%arg15 : memref<!tpu.dma_semaphore, #tpu.memory_space<semaphore_mem>>)
      %dma_start3A_49 = arith.constant 1 : i32
      %dma_start3A_50 = arith.constant 128 : i32
      %dma_start3A_51 = arith.constant 0 : i32
      %dma_start3A_52 = tpu.memref_slice %arg11[%dma_start3A_50, %dma_start3A_51] : memref<1280x16xf32, #tpu.memory_space<vmem>> -> memref<128x16xf32, #tpu.memory_space<vmem>>
      %dma_start3A_53 = arith.constant 0 : i32
      %dma_start3A_54 = tpu.memref_slice %arg9[%dma_start3A_49, %dma_start3A_53] : memref<10x128xi32, #tpu.memory_space<vmem>> -> memref<1x128xi32, #tpu.memory_space<vmem>>
      %dma_start3A_55 = tpu.memref_squeeze %dma_start3A_54 : memref<1x128xi32, #tpu.memory_space<vmem>> -> memref<128xi32, #tpu.memory_space<vmem>>
      %dma_start3A_56 = arith.constant 0 : i32
      %dma_start3A_57 = arith.constant 0 : i32
      %dma_start3A_58 = tpu.memref_slice %arg14[%dma_start3A_56, %dma_start3A_57] : memref<10112x16xf32, #tpu.memory_space<vmem_shared>> -> memref<10112x16xf32, #tpu.memory_space<vmem_shared>>
      tpu.enqueue_indirect_dma source(%dma_start3A_58 : memref<10112x16xf32, #tpu.memory_space<vmem_shared>>) target(%dma_start3A_52 : memref<128x16xf32, #tpu.memory_space<vmem>>) offsets(%dma_start3A_55 : memref<128xi32, #tpu.memory_space<vmem>>) semaphore(%arg15 : memref<!tpu.dma_semaphore, #tpu.memory_space<semaphore_mem>>)
      %dma_start3A_59 = arith.constant 2 : i32
      %dma_start3A_60 = arith.constant 256 : i32
      %dma_start3A_61 = arith.constant 0 : i32
      %dma_start3A_62 = tpu.memref_slice %arg10[%dma_start3A_60, %dma_start3A_61] : memref<1280x16xf32, #tpu.memory_space<vmem>> -> memref<128x16xf32, #tpu.memory_space<vmem>>
      %dma_start3A_63 = arith.constant 0 : i32
      %dma_start3A_64 = tpu.memref_slice %arg8[%dma_start3A_59, %dma_start3A_63] : memref<10x128xi32, #tpu.memory_space<vmem>> -> memref<1x128xi32, #tpu.memory_space<vmem>>
      %dma_start3A_65 = tpu.memref_squeeze %dma_start3A_64 : memref<1x128xi32, #tpu.memory_space<vmem>> -> memref<128xi32, #tpu.memory_space<vmem>>
      %dma_start3A_66 = arith.constant 0 : i32
      %dma_start3A_67 = arith.constant 0 : i32
      %dma_start3A_68 = tpu.memref_slice %arg13[%dma_start3A_66, %dma_start3A_67] : memref<10112x16xf32, #tpu.memory_space<vmem_shared>> -> memref<10112x16xf32, #tpu.memory_space<vmem_shared>>
      tpu.enqueue_indirect_dma source(%dma_start3A_68 : memref<10112x16xf32, #tpu.memory_space<vmem_shared>>) target(%dma_start3A_62 : memref<128x16xf32, #tpu.memory_space<vmem>>) offsets(%dma_start3A_65 : memref<128xi32, #tpu.memory_space<vmem>>) semaphore(%arg15 : memref<!tpu.dma_semaphore, #tpu.memory_space<semaphore_mem>>)
      %dma_start3A_69 = arith.constant 2 : i32
      %dma_start3A_70 = arith.constant 256 : i32
      %dma_start3A_71 = arith.constant 0 : i32
      %dma_start3A_72 = tpu.memref_slice %arg11[%dma_start3A_70, %dma_start3A_71] : memref<1280x16xf32, #tpu.memory_space<vmem>> -> memref<128x16xf32, #tpu.memory_space<vmem>>
      %dma_start3A_73 = arith.constant 0 : i32
      %dma_start3A_74 = tpu.memref_slice %arg9[%dma_start3A_69, %dma_start3A_73] : memref<10x128xi32, #tpu.memory_space<vmem>> -> memref<1x128xi32, #tpu.memory_space<vmem>>
      %dma_start3A_75 = tpu.memref_squeeze %dma_start3A_74 : memref<1x128xi32, #tpu.memory_space<vmem>> -> memref<128xi32, #tpu.memory_space<vmem>>
      %dma_start3A_76 = arith.constant 0 : i32
      %dma_start3A_77 = arith.constant 0 : i32
      %dma_start3A_78 = tpu.memref_slice %arg14[%dma_start3A_76, %dma_start3A_77] : memref<10112x16xf32, #tpu.memory_space<vmem_shared>> -> memref<10112x16xf32, #tpu.memory_space<vmem_shared>>
      tpu.enqueue_indirect_dma source(%dma_start3A_78 : memref<10112x16xf32, #tpu.memory_space<vmem_shared>>) target(%dma_start3A_72 : memref<128x16xf32, #tpu.memory_space<vmem>>) offsets(%dma_start3A_75 : memref<128xi32, #tpu.memory_space<vmem>>) semaphore(%arg15 : memref<!tpu.dma_semaphore, #tpu.memory_space<semaphore_mem>>)
      %dma_start3A_79 = arith.constant 3 : i32
      %dma_start3A_80 = arith.constant 384 : i32
      %dma_start3A_81 = arith.constant 0 : i32
      %dma_start3A_82 = tpu.memref_slice %arg10[%dma_start3A_80, %dma_start3A_81] : memref<1280x16xf32, #tpu.memory_space<vmem>> -> memref<128x16xf32, #tpu.memory_space<vmem>>
      %dma_start3A_83 = arith.constant 0 : i32
      %dma_start3A_84 = tpu.memref_slice %arg8[%dma_start3A_79, %dma_start3A_83] : memref<10x128xi32, #tpu.memory_space<vmem>> -> memref<1x128xi32, #tpu.memory_space<vmem>>
      %dma_start3A_85 = tpu.memref_squeeze %dma_start3A_84 : memref<1x128xi32, #tpu.memory_space<vmem>> -> memref<128xi32, #tpu.memory_space<vmem>>
      %dma_start3A_86 = arith.constant 0 : i32
      %dma_start3A_87 = arith.constant 0 : i32
      %dma_start3A_88 = tpu.memref_slice %arg13[%dma_start3A_86, %dma_start3A_87] : memref<10112x16xf32, #tpu.memory_space<vmem_shared>> -> memref<10112x16xf32, #tpu.memory_space<vmem_shared>>
      tpu.enqueue_indirect_dma source(%dma_start3A_88 : memref<10112x16xf32, #tpu.memory_space<vmem_shared>>) target(%dma_start3A_82 : memref<128x16xf32, #tpu.memory_space<vmem>>) offsets(%dma_start3A_85 : memref<128xi32, #tpu.memory_space<vmem>>) semaphore(%arg15 : memref<!tpu.dma_semaphore, #tpu.memory_space<semaphore_mem>>)
      %dma_start3A_89 = arith.constant 3 : i32
      %dma_start3A_90 = arith.constant 384 : i32
      %dma_start3A_91 = arith.constant 0 : i32
      %dma_start3A_92 = tpu.memref_slice %arg11[%dma_start3A_90, %dma_start3A_91] : memref<1280x16xf32, #tpu.memory_space<vmem>> -> memref<128x16xf32, #tpu.memory_space<vmem>>
      %dma_start3A_93 = arith.constant 0 : i32
      %dma_start3A_94 = tpu.memref_slice %arg9[%dma_start3A_89, %dma_start3A_93] : memref<10x128xi32, #tpu.memory_space<vmem>> -> memref<1x128xi32, #tpu.memory_space<vmem>>
      %dma_start3A_95 = tpu.memref_squeeze %dma_start3A_94 : memref<1x128xi32, #tpu.memory_space<vmem>> -> memref<128xi32, #tpu.memory_space<vmem>>
      %dma_start3A_96 = arith.constant 0 : i32
      %dma_start3A_97 = arith.constant 0 : i32
      %dma_start3A_98 = tpu.memref_slice %arg14[%dma_start3A_96, %dma_start3A_97] : memref<10112x16xf32, #tpu.memory_space<vmem_shared>> -> memref<10112x16xf32, #tpu.memory_space<vmem_shared>>
      tpu.enqueue_indirect_dma source(%dma_start3A_98 : memref<10112x16xf32, #tpu.memory_space<vmem_shared>>) target(%dma_start3A_92 : memref<128x16xf32, #tpu.memory_space<vmem>>) offsets(%dma_start3A_95 : memref<128xi32, #tpu.memory_space<vmem>>) semaphore(%arg15 : memref<!tpu.dma_semaphore, #tpu.memory_space<semaphore_mem>>)
      %dma_start3A_99 = arith.constant 4 : i32
      %dma_start3A_100 = arith.constant 512 : i32
      %dma_start3A_101 = arith.constant 0 : i32
      %dma_start3A_102 = tpu.memref_slice %arg10[%dma_start3A_100, %dma_start3A_101] : memref<1280x16xf32, #tpu.memory_space<vmem>> -> memref<128x16xf32, #tpu.memory_space<vmem>>
      %dma_start3A_103 = arith.constant 0 : i32
      %dma_start3A_104 = tpu.memref_slice %arg8[%dma_start3A_99, %dma_start3A_103] : memref<10x128xi32, #tpu.memory_space<vmem>> -> memref<1x128xi32, #tpu.memory_space<vmem>>
      %dma_start3A_105 = tpu.memref_squeeze %dma_start3A_104 : memref<1x128xi32, #tpu.memory_space<vmem>> -> memref<128xi32, #tpu.memory_space<vmem>>
      %dma_start3A_106 = arith.constant 0 : i32
      %dma_start3A_107 = arith.constant 0 : i32
      %dma_start3A_108 = tpu.memref_slice %arg13[%dma_start3A_106, %dma_start3A_107] : memref<10112x16xf32, #tpu.memory_space<vmem_shared>> -> memref<10112x16xf32, #tpu.memory_space<vmem_shared>>
      tpu.enqueue_indirect_dma source(%dma_start3A_108 : memref<10112x16xf32, #tpu.memory_space<vmem_shared>>) target(%dma_start3A_102 : memref<128x16xf32, #tpu.memory_space<vmem>>) offsets(%dma_start3A_105 : memref<128xi32, #tpu.memory_space<vmem>>) semaphore(%arg15 : memref<!tpu.dma_semaphore, #tpu.memory_space<semaphore_mem>>)
      %dma_start3A_109 = arith.constant 4 : i32
      %dma_start3A_110 = arith.constant 512 : i32
      %dma_start3A_111 = arith.constant 0 : i32
      %dma_start3A_112 = tpu.memref_slice %arg11[%dma_start3A_110, %dma_start3A_111] : memref<1280x16xf32, #tpu.memory_space<vmem>> -> memref<128x16xf32, #tpu.memory_space<vmem>>
      %dma_start3A_113 = arith.constant 0 : i32
      %dma_start3A_114 = tpu.memref_slice %arg9[%dma_start3A_109, %dma_start3A_113] : memref<10x128xi32, #tpu.memory_space<vmem>> -> memref<1x128xi32, #tpu.memory_space<vmem>>
      %dma_start3A_115 = tpu.memref_squeeze %dma_start3A_114 : memref<1x128xi32, #tpu.memory_space<vmem>> -> memref<128xi32, #tpu.memory_space<vmem>>
      %dma_start3A_116 = arith.constant 0 : i32
      %dma_start3A_117 = arith.constant 0 : i32
      %dma_start3A_118 = tpu.memref_slice %arg14[%dma_start3A_116, %dma_start3A_117] : memref<10112x16xf32, #tpu.memory_space<vmem_shared>> -> memref<10112x16xf32, #tpu.memory_space<vmem_shared>>
      tpu.enqueue_indirect_dma source(%dma_start3A_118 : memref<10112x16xf32, #tpu.memory_space<vmem_shared>>) target(%dma_start3A_112 : memref<128x16xf32, #tpu.memory_space<vmem>>) offsets(%dma_start3A_115 : memref<128xi32, #tpu.memory_space<vmem>>) semaphore(%arg15 : memref<!tpu.dma_semaphore, #tpu.memory_space<semaphore_mem>>)
      %dma_start3A_119 = arith.constant 5 : i32
      %dma_start3A_120 = arith.constant 640 : i32
      %dma_start3A_121 = arith.constant 0 : i32
      %dma_start3A_122 = tpu.memref_slice %arg10[%dma_start3A_120, %dma_start3A_121] : memref<1280x16xf32, #tpu.memory_space<vmem>> -> memref<128x16xf32, #tpu.memory_space<vmem>>
      %dma_start3A_123 = arith.constant 0 : i32
      %dma_start3A_124 = tpu.memref_slice %arg8[%dma_start3A_119, %dma_start3A_123] : memref<10x128xi32, #tpu.memory_space<vmem>> -> memref<1x128xi32, #tpu.memory_space<vmem>>
      %dma_start3A_125 = tpu.memref_squeeze %dma_start3A_124 : memref<1x128xi32, #tpu.memory_space<vmem>> -> memref<128xi32, #tpu.memory_space<vmem>>
      %dma_start3A_126 = arith.constant 0 : i32
      %dma_start3A_127 = arith.constant 0 : i32
      %dma_start3A_128 = tpu.memref_slice %arg13[%dma_start3A_126, %dma_start3A_127] : memref<10112x16xf32, #tpu.memory_space<vmem_shared>> -> memref<10112x16xf32, #tpu.memory_space<vmem_shared>>
      tpu.enqueue_indirect_dma source(%dma_start3A_128 : memref<10112x16xf32, #tpu.memory_space<vmem_shared>>) target(%dma_start3A_122 : memref<128x16xf32, #tpu.memory_space<vmem>>) offsets(%dma_start3A_125 : memref<128xi32, #tpu.memory_space<vmem>>) semaphore(%arg15 : memref<!tpu.dma_semaphore, #tpu.memory_space<semaphore_mem>>)
      %dma_start3A_129 = arith.constant 5 : i32
      %dma_start3A_130 = arith.constant 640 : i32
      %dma_start3A_131 = arith.constant 0 : i32
      %dma_start3A_132 = tpu.memref_slice %arg11[%dma_start3A_130, %dma_start3A_131] : memref<1280x16xf32, #tpu.memory_space<vmem>> -> memref<128x16xf32, #tpu.memory_space<vmem>>
      %dma_start3A_133 = arith.constant 0 : i32
      %dma_start3A_134 = tpu.memref_slice %arg9[%dma_start3A_129, %dma_start3A_133] : memref<10x128xi32, #tpu.memory_space<vmem>> -> memref<1x128xi32, #tpu.memory_space<vmem>>
      %dma_start3A_135 = tpu.memref_squeeze %dma_start3A_134 : memref<1x128xi32, #tpu.memory_space<vmem>> -> memref<128xi32, #tpu.memory_space<vmem>>
      %dma_start3A_136 = arith.constant 0 : i32
      %dma_start3A_137 = arith.constant 0 : i32
      %dma_start3A_138 = tpu.memref_slice %arg14[%dma_start3A_136, %dma_start3A_137] : memref<10112x16xf32, #tpu.memory_space<vmem_shared>> -> memref<10112x16xf32, #tpu.memory_space<vmem_shared>>
      tpu.enqueue_indirect_dma source(%dma_start3A_138 : memref<10112x16xf32, #tpu.memory_space<vmem_shared>>) target(%dma_start3A_132 : memref<128x16xf32, #tpu.memory_space<vmem>>) offsets(%dma_start3A_135 : memref<128xi32, #tpu.memory_space<vmem>>) semaphore(%arg15 : memref<!tpu.dma_semaphore, #tpu.memory_space<semaphore_mem>>)
      %dma_start3A_139 = arith.constant 6 : i32
      %dma_start3A_140 = arith.constant 768 : i32
      %dma_start3A_141 = arith.constant 0 : i32
      %dma_start3A_142 = tpu.memref_slice %arg10[%dma_start3A_140, %dma_start3A_141] : memref<1280x16xf32, #tpu.memory_space<vmem>> -> memref<128x16xf32, #tpu.memory_space<vmem>>
      %dma_start3A_143 = arith.constant 0 : i32
      %dma_start3A_144 = tpu.memref_slice %arg8[%dma_start3A_139, %dma_start3A_143] : memref<10x128xi32, #tpu.memory_space<vmem>> -> memref<1x128xi32, #tpu.memory_space<vmem>>
      %dma_start3A_145 = tpu.memref_squeeze %dma_start3A_144 : memref<1x128xi32, #tpu.memory_space<vmem>> -> memref<128xi32, #tpu.memory_space<vmem>>
      %dma_start3A_146 = arith.constant 0 : i32
      %dma_start3A_147 = arith.constant 0 : i32
      %dma_start3A_148 = tpu.memref_slice %arg13[%dma_start3A_146, %dma_start3A_147] : memref<10112x16xf32, #tpu.memory_space<vmem_shared>> -> memref<10112x16xf32, #tpu.memory_space<vmem_shared>>
      tpu.enqueue_indirect_dma source(%dma_start3A_148 : memref<10112x16xf32, #tpu.memory_space<vmem_shared>>) target(%dma_start3A_142 : memref<128x16xf32, #tpu.memory_space<vmem>>) offsets(%dma_start3A_145 : memref<128xi32, #tpu.memory_space<vmem>>) semaphore(%arg15 : memref<!tpu.dma_semaphore, #tpu.memory_space<semaphore_mem>>)
      %dma_start3A_149 = arith.constant 6 : i32
      %dma_start3A_150 = arith.constant 768 : i32
      %dma_start3A_151 = arith.constant 0 : i32
      %dma_start3A_152 = tpu.memref_slice %arg11[%dma_start3A_150, %dma_start3A_151] : memref<1280x16xf32, #tpu.memory_space<vmem>> -> memref<128x16xf32, #tpu.memory_space<vmem>>
      %dma_start3A_153 = arith.constant 0 : i32
      %dma_start3A_154 = tpu.memref_slice %arg9[%dma_start3A_149, %dma_start3A_153] : memref<10x128xi32, #tpu.memory_space<vmem>> -> memref<1x128xi32, #tpu.memory_space<vmem>>
      %dma_start3A_155 = tpu.memref_squeeze %dma_start3A_154 : memref<1x128xi32, #tpu.memory_space<vmem>> -> memref<128xi32, #tpu.memory_space<vmem>>
      %dma_start3A_156 = arith.constant 0 : i32
      %dma_start3A_157 = arith.constant 0 : i32
      %dma_start3A_158 = tpu.memref_slice %arg14[%dma_start3A_156, %dma_start3A_157] : memref<10112x16xf32, #tpu.memory_space<vmem_shared>> -> memref<10112x16xf32, #tpu.memory_space<vmem_shared>>
      tpu.enqueue_indirect_dma source(%dma_start3A_158 : memref<10112x16xf32, #tpu.memory_space<vmem_shared>>) target(%dma_start3A_152 : memref<128x16xf32, #tpu.memory_space<vmem>>) offsets(%dma_start3A_155 : memref<128xi32, #tpu.memory_space<vmem>>) semaphore(%arg15 : memref<!tpu.dma_semaphore, #tpu.memory_space<semaphore_mem>>)
      %dma_start3A_159 = arith.constant 7 : i32
      %dma_start3A_160 = arith.constant 896 : i32
      %dma_start3A_161 = arith.constant 0 : i32
      %dma_start3A_162 = tpu.memref_slice %arg10[%dma_start3A_160, %dma_start3A_161] : memref<1280x16xf32, #tpu.memory_space<vmem>> -> memref<128x16xf32, #tpu.memory_space<vmem>>
      %dma_start3A_163 = arith.constant 0 : i32
      %dma_start3A_164 = tpu.memref_slice %arg8[%dma_start3A_159, %dma_start3A_163] : memref<10x128xi32, #tpu.memory_space<vmem>> -> memref<1x128xi32, #tpu.memory_space<vmem>>
      %dma_start3A_165 = tpu.memref_squeeze %dma_start3A_164 : memref<1x128xi32, #tpu.memory_space<vmem>> -> memref<128xi32, #tpu.memory_space<vmem>>
      %dma_start3A_166 = arith.constant 0 : i32
      %dma_start3A_167 = arith.constant 0 : i32
      %dma_start3A_168 = tpu.memref_slice %arg13[%dma_start3A_166, %dma_start3A_167] : memref<10112x16xf32, #tpu.memory_space<vmem_shared>> -> memref<10112x16xf32, #tpu.memory_space<vmem_shared>>
      tpu.enqueue_indirect_dma source(%dma_start3A_168 : memref<10112x16xf32, #tpu.memory_space<vmem_shared>>) target(%dma_start3A_162 : memref<128x16xf32, #tpu.memory_space<vmem>>) offsets(%dma_start3A_165 : memref<128xi32, #tpu.memory_space<vmem>>) semaphore(%arg15 : memref<!tpu.dma_semaphore, #tpu.memory_space<semaphore_mem>>)
      %dma_start3A_169 = arith.constant 7 : i32
      %dma_start3A_170 = arith.constant 896 : i32
      %dma_start3A_171 = arith.constant 0 : i32
      %dma_start3A_172 = tpu.memref_slice %arg11[%dma_start3A_170, %dma_start3A_171] : memref<1280x16xf32, #tpu.memory_space<vmem>> -> memref<128x16xf32, #tpu.memory_space<vmem>>
      %dma_start3A_173 = arith.constant 0 : i32
      %dma_start3A_174 = tpu.memref_slice %arg9[%dma_start3A_169, %dma_start3A_173] : memref<10x128xi32, #tpu.memory_space<vmem>> -> memref<1x128xi32, #tpu.memory_space<vmem>>
      %dma_start3A_175 = tpu.memref_squeeze %dma_start3A_174 : memref<1x128xi32, #tpu.memory_space<vmem>> -> memref<128xi32, #tpu.memory_space<vmem>>
      %dma_start3A_176 = arith.constant 0 : i32
      %dma_start3A_177 = arith.constant 0 : i32
      %dma_start3A_178 = tpu.memref_slice %arg14[%dma_start3A_176, %dma_start3A_177] : memref<10112x16xf32, #tpu.memory_space<vmem_shared>> -> memref<10112x16xf32, #tpu.memory_space<vmem_shared>>
      tpu.enqueue_indirect_dma source(%dma_start3A_178 : memref<10112x16xf32, #tpu.memory_space<vmem_shared>>) target(%dma_start3A_172 : memref<128x16xf32, #tpu.memory_space<vmem>>) offsets(%dma_start3A_175 : memref<128xi32, #tpu.memory_space<vmem>>) semaphore(%arg15 : memref<!tpu.dma_semaphore, #tpu.memory_space<semaphore_mem>>)
      %dma_start3A_179 = arith.constant 8 : i32
      %dma_start3A_180 = arith.constant 1024 : i32
      %dma_start3A_181 = arith.constant 0 : i32
      %dma_start3A_182 = tpu.memref_slice %arg10[%dma_start3A_180, %dma_start3A_181] : memref<1280x16xf32, #tpu.memory_space<vmem>> -> memref<128x16xf32, #tpu.memory_space<vmem>>
      %dma_start3A_183 = arith.constant 0 : i32
      %dma_start3A_184 = tpu.memref_slice %arg8[%dma_start3A_179, %dma_start3A_183] : memref<10x128xi32, #tpu.memory_space<vmem>> -> memref<1x128xi32, #tpu.memory_space<vmem>>
      %dma_start3A_185 = tpu.memref_squeeze %dma_start3A_184 : memref<1x128xi32, #tpu.memory_space<vmem>> -> memref<128xi32, #tpu.memory_space<vmem>>
      %dma_start3A_186 = arith.constant 0 : i32
      %dma_start3A_187 = arith.constant 0 : i32
      %dma_start3A_188 = tpu.memref_slice %arg13[%dma_start3A_186, %dma_start3A_187] : memref<10112x16xf32, #tpu.memory_space<vmem_shared>> -> memref<10112x16xf32, #tpu.memory_space<vmem_shared>>
      tpu.enqueue_indirect_dma source(%dma_start3A_188 : memref<10112x16xf32, #tpu.memory_space<vmem_shared>>) target(%dma_start3A_182 : memref<128x16xf32, #tpu.memory_space<vmem>>) offsets(%dma_start3A_185 : memref<128xi32, #tpu.memory_space<vmem>>) semaphore(%arg15 : memref<!tpu.dma_semaphore, #tpu.memory_space<semaphore_mem>>)
      %dma_start3A_189 = arith.constant 8 : i32
      %dma_start3A_190 = arith.constant 1024 : i32
      %dma_start3A_191 = arith.constant 0 : i32
      %dma_start3A_192 = tpu.memref_slice %arg11[%dma_start3A_190, %dma_start3A_191] : memref<1280x16xf32, #tpu.memory_space<vmem>> -> memref<128x16xf32, #tpu.memory_space<vmem>>
      %dma_start3A_193 = arith.constant 0 : i32
      %dma_start3A_194 = tpu.memref_slice %arg9[%dma_start3A_189, %dma_start3A_193] : memref<10x128xi32, #tpu.memory_space<vmem>> -> memref<1x128xi32, #tpu.memory_space<vmem>>
      %dma_start3A_195 = tpu.memref_squeeze %dma_start3A_194 : memref<1x128xi32, #tpu.memory_space<vmem>> -> memref<128xi32, #tpu.memory_space<vmem>>
      %dma_start3A_196 = arith.constant 0 : i32
      %dma_start3A_197 = arith.constant 0 : i32
      %dma_start3A_198 = tpu.memref_slice %arg14[%dma_start3A_196, %dma_start3A_197] : memref<10112x16xf32, #tpu.memory_space<vmem_shared>> -> memref<10112x16xf32, #tpu.memory_space<vmem_shared>>
      tpu.enqueue_indirect_dma source(%dma_start3A_198 : memref<10112x16xf32, #tpu.memory_space<vmem_shared>>) target(%dma_start3A_192 : memref<128x16xf32, #tpu.memory_space<vmem>>) offsets(%dma_start3A_195 : memref<128xi32, #tpu.memory_space<vmem>>) semaphore(%arg15 : memref<!tpu.dma_semaphore, #tpu.memory_space<semaphore_mem>>)
      %dma_start3A_199 = arith.constant 9 : i32
      %dma_start3A_200 = arith.constant 1152 : i32
      %dma_start3A_201 = arith.constant 0 : i32
      %dma_start3A_202 = tpu.memref_slice %arg10[%dma_start3A_200, %dma_start3A_201] : memref<1280x16xf32, #tpu.memory_space<vmem>> -> memref<128x16xf32, #tpu.memory_space<vmem>>
      %dma_start3A_203 = arith.constant 0 : i32
      %dma_start3A_204 = tpu.memref_slice %arg8[%dma_start3A_199, %dma_start3A_203] : memref<10x128xi32, #tpu.memory_space<vmem>> -> memref<1x128xi32, #tpu.memory_space<vmem>>
      %dma_start3A_205 = tpu.memref_squeeze %dma_start3A_204 : memref<1x128xi32, #tpu.memory_space<vmem>> -> memref<128xi32, #tpu.memory_space<vmem>>
      %dma_start3A_206 = arith.constant 0 : i32
      %dma_start3A_207 = arith.constant 0 : i32
      %dma_start3A_208 = tpu.memref_slice %arg13[%dma_start3A_206, %dma_start3A_207] : memref<10112x16xf32, #tpu.memory_space<vmem_shared>> -> memref<10112x16xf32, #tpu.memory_space<vmem_shared>>
      tpu.enqueue_indirect_dma source(%dma_start3A_208 : memref<10112x16xf32, #tpu.memory_space<vmem_shared>>) target(%dma_start3A_202 : memref<128x16xf32, #tpu.memory_space<vmem>>) offsets(%dma_start3A_205 : memref<128xi32, #tpu.memory_space<vmem>>) semaphore(%arg15 : memref<!tpu.dma_semaphore, #tpu.memory_space<semaphore_mem>>)
      %dma_start3A_209 = arith.constant 9 : i32
      %dma_start3A_210 = arith.constant 1152 : i32
      %dma_start3A_211 = arith.constant 0 : i32
      %dma_start3A_212 = tpu.memref_slice %arg11[%dma_start3A_210, %dma_start3A_211] : memref<1280x16xf32, #tpu.memory_space<vmem>> -> memref<128x16xf32, #tpu.memory_space<vmem>>
      %dma_start3A_213 = arith.constant 0 : i32
      %dma_start3A_214 = tpu.memref_slice %arg9[%dma_start3A_209, %dma_start3A_213] : memref<10x128xi32, #tpu.memory_space<vmem>> -> memref<1x128xi32, #tpu.memory_space<vmem>>
      %dma_start3A_215 = tpu.memref_squeeze %dma_start3A_214 : memref<1x128xi32, #tpu.memory_space<vmem>> -> memref<128xi32, #tpu.memory_space<vmem>>
      %dma_start3A_216 = arith.constant 0 : i32
      %dma_start3A_217 = arith.constant 0 : i32
      %dma_start3A_218 = tpu.memref_slice %arg14[%dma_start3A_216, %dma_start3A_217] : memref<10112x16xf32, #tpu.memory_space<vmem_shared>> -> memref<10112x16xf32, #tpu.memory_space<vmem_shared>>
      tpu.enqueue_indirect_dma source(%dma_start3A_218 : memref<10112x16xf32, #tpu.memory_space<vmem_shared>>) target(%dma_start3A_212 : memref<128x16xf32, #tpu.memory_space<vmem>>) offsets(%dma_start3A_215 : memref<128xi32, #tpu.memory_space<vmem>>) semaphore(%arg15 : memref<!tpu.dma_semaphore, #tpu.memory_space<semaphore_mem>>)
      %mul3A_219 = arith.constant 5120 : i32
      %mul3A_220 = arith.muli %add3A, %mul3A_219 : i32
      %mul3A_221 = arith.constant 1280 : i32
      %mul3A_222 = arith.muli %scan3A_16, %mul3A_221 : i32
      %add3A_223 = arith.addi %mul3A_220, %mul3A_222 : i32
      "tpu.region"() ({
        %run_scoped3A = tpu.sem_alloc : memref<!tpu.dma_semaphore, #tpu.memory_space<semaphore_mem>>
        %dma_start3A_429 = arith.constant 0 : i32
        %dma_start3A_430 = tpu.memref_slice %arg6[%add3A_223, %dma_start3A_429] : memref<163840x16xf32, #tpu.memory_space<hbm>> -> memref<1280x16xf32, #tpu.memory_space<hbm>>
        %dma_start3A_431 = arith.constant 0 : i32
        %dma_start3A_432 = tpu.memref_slice %arg6[%add3A_223, %dma_start3A_431] : memref<163840x16xf32, #tpu.memory_space<hbm>> -> memref<1280x16xf32, #tpu.memory_space<hbm>>
        tpu.enqueue_dma source(%dma_start3A_432 : memref<1280x16xf32, #tpu.memory_space<hbm>>) target(%arg12 : memref<1280x16xf32, #tpu.memory_space<vmem>>) target_semaphore(%run_scoped3A : memref<!tpu.dma_semaphore, #tpu.memory_space<semaphore_mem>>)
        %dma_wait3A_433 = arith.constant 0 : i32
        %dma_wait3A_434 = tpu.memref_slice %arg6[%add3A_223, %dma_wait3A_433] : memref<163840x16xf32, #tpu.memory_space<hbm>> -> memref<1280x16xf32, #tpu.memory_space<hbm>>
        %dma_wait3A_435 = arith.constant 0 : i32
        %dma_wait3A_436 = tpu.memref_slice %arg6[%add3A_223, %dma_wait3A_435] : memref<163840x16xf32, #tpu.memory_space<hbm>> -> memref<1280x16xf32, #tpu.memory_space<hbm>>
        tpu.wait_dma2 semaphore(%run_scoped3A : memref<!tpu.dma_semaphore, #tpu.memory_space<semaphore_mem>>) src(%dma_wait3A_436 : memref<1280x16xf32, #tpu.memory_space<hbm>>) dst(%arg12 : memref<1280x16xf32, #tpu.memory_space<vmem>>)
        tpu.yield
      }) : () -> ()
      %dma_wait3A = arith.constant 0 : i32
      %dma_wait3A_224 = arith.constant 0 : i32
      %dma_wait3A_225 = arith.constant 0 : i32
      %dma_wait3A_226 = tpu.memref_slice %arg10[%dma_wait3A_224, %dma_wait3A_225] : memref<1280x16xf32, #tpu.memory_space<vmem>> -> memref<128x16xf32, #tpu.memory_space<vmem>>
      %dma_wait3A_227 = arith.constant 0 : i32
      %dma_wait3A_228 = tpu.memref_slice %arg8[%dma_wait3A, %dma_wait3A_227] : memref<10x128xi32, #tpu.memory_space<vmem>> -> memref<1x128xi32, #tpu.memory_space<vmem>>
      %dma_wait3A_229 = tpu.memref_squeeze %dma_wait3A_228 : memref<1x128xi32, #tpu.memory_space<vmem>> -> memref<128xi32, #tpu.memory_space<vmem>>
      %dma_wait3A_230 = arith.constant 0 : i32
      %dma_wait3A_231 = arith.constant 0 : i32
      %dma_wait3A_232 = tpu.memref_slice %arg13[%dma_wait3A_230, %dma_wait3A_231] : memref<10112x16xf32, #tpu.memory_space<vmem_shared>> -> memref<10112x16xf32, #tpu.memory_space<vmem_shared>>
      tpu.wait_indirect_dma semaphore(%arg15 : memref<!tpu.dma_semaphore, #tpu.memory_space<semaphore_mem>>) src(%dma_wait3A_232 : memref<10112x16xf32, #tpu.memory_space<vmem_shared>>) dst(%dma_wait3A_226 : memref<128x16xf32, #tpu.memory_space<vmem>>)
      %dma_wait3A_233 = arith.constant 0 : i32
      %dma_wait3A_234 = arith.constant 0 : i32
      %dma_wait3A_235 = arith.constant 0 : i32
      %dma_wait3A_236 = tpu.memref_slice %arg11[%dma_wait3A_234, %dma_wait3A_235] : memref<1280x16xf32, #tpu.memory_space<vmem>> -> memref<128x16xf32, #tpu.memory_space<vmem>>
      %dma_wait3A_237 = arith.constant 0 : i32
      %dma_wait3A_238 = tpu.memref_slice %arg9[%dma_wait3A_233, %dma_wait3A_237] : memref<10x128xi32, #tpu.memory_space<vmem>> -> memref<1x128xi32, #tpu.memory_space<vmem>>
      %dma_wait3A_239 = tpu.memref_squeeze %dma_wait3A_238 : memref<1x128xi32, #tpu.memory_space<vmem>> -> memref<128xi32, #tpu.memory_space<vmem>>
      %dma_wait3A_240 = arith.constant 0 : i32
      %dma_wait3A_241 = arith.constant 0 : i32
      %dma_wait3A_242 = tpu.memref_slice %arg14[%dma_wait3A_240, %dma_wait3A_241] : memref<10112x16xf32, #tpu.memory_space<vmem_shared>> -> memref<10112x16xf32, #tpu.memory_space<vmem_shared>>
      tpu.wait_indirect_dma semaphore(%arg15 : memref<!tpu.dma_semaphore, #tpu.memory_space<semaphore_mem>>) src(%dma_wait3A_242 : memref<10112x16xf32, #tpu.memory_space<vmem_shared>>) dst(%dma_wait3A_236 : memref<128x16xf32, #tpu.memory_space<vmem>>)
      %dma_wait3A_243 = arith.constant 1 : i32
      %dma_wait3A_244 = arith.constant 128 : i32
      %dma_wait3A_245 = arith.constant 0 : i32
      %dma_wait3A_246 = tpu.memref_slice %arg10[%dma_wait3A_244, %dma_wait3A_245] : memref<1280x16xf32, #tpu.memory_space<vmem>> -> memref<128x16xf32, #tpu.memory_space<vmem>>
      %dma_wait3A_247 = arith.constant 0 : i32
      %dma_wait3A_248 = tpu.memref_slice %arg8[%dma_wait3A_243, %dma_wait3A_247] : memref<10x128xi32, #tpu.memory_space<vmem>> -> memref<1x128xi32, #tpu.memory_space<vmem>>
      %dma_wait3A_249 = tpu.memref_squeeze %dma_wait3A_248 : memref<1x128xi32, #tpu.memory_space<vmem>> -> memref<128xi32, #tpu.memory_space<vmem>>
      %dma_wait3A_250 = arith.constant 0 : i32
      %dma_wait3A_251 = arith.constant 0 : i32
      %dma_wait3A_252 = tpu.memref_slice %arg13[%dma_wait3A_250, %dma_wait3A_251] : memref<10112x16xf32, #tpu.memory_space<vmem_shared>> -> memref<10112x16xf32, #tpu.memory_space<vmem_shared>>
      tpu.wait_indirect_dma semaphore(%arg15 : memref<!tpu.dma_semaphore, #tpu.memory_space<semaphore_mem>>) src(%dma_wait3A_252 : memref<10112x16xf32, #tpu.memory_space<vmem_shared>>) dst(%dma_wait3A_246 : memref<128x16xf32, #tpu.memory_space<vmem>>)
      %dma_wait3A_253 = arith.constant 1 : i32
      %dma_wait3A_254 = arith.constant 128 : i32
      %dma_wait3A_255 = arith.constant 0 : i32
      %dma_wait3A_256 = tpu.memref_slice %arg11[%dma_wait3A_254, %dma_wait3A_255] : memref<1280x16xf32, #tpu.memory_space<vmem>> -> memref<128x16xf32, #tpu.memory_space<vmem>>
      %dma_wait3A_257 = arith.constant 0 : i32
      %dma_wait3A_258 = tpu.memref_slice %arg9[%dma_wait3A_253, %dma_wait3A_257] : memref<10x128xi32, #tpu.memory_space<vmem>> -> memref<1x128xi32, #tpu.memory_space<vmem>>
      %dma_wait3A_259 = tpu.memref_squeeze %dma_wait3A_258 : memref<1x128xi32, #tpu.memory_space<vmem>> -> memref<128xi32, #tpu.memory_space<vmem>>
      %dma_wait3A_260 = arith.constant 0 : i32
      %dma_wait3A_261 = arith.constant 0 : i32
      %dma_wait3A_262 = tpu.memref_slice %arg14[%dma_wait3A_260, %dma_wait3A_261] : memref<10112x16xf32, #tpu.memory_space<vmem_shared>> -> memref<10112x16xf32, #tpu.memory_space<vmem_shared>>
      tpu.wait_indirect_dma semaphore(%arg15 : memref<!tpu.dma_semaphore, #tpu.memory_space<semaphore_mem>>) src(%dma_wait3A_262 : memref<10112x16xf32, #tpu.memory_space<vmem_shared>>) dst(%dma_wait3A_256 : memref<128x16xf32, #tpu.memory_space<vmem>>)
      %dma_wait3A_263 = arith.constant 2 : i32
      %dma_wait3A_264 = arith.constant 256 : i32
      %dma_wait3A_265 = arith.constant 0 : i32
      %dma_wait3A_266 = tpu.memref_slice %arg10[%dma_wait3A_264, %dma_wait3A_265] : memref<1280x16xf32, #tpu.memory_space<vmem>> -> memref<128x16xf32, #tpu.memory_space<vmem>>
      %dma_wait3A_267 = arith.constant 0 : i32
      %dma_wait3A_268 = tpu.memref_slice %arg8[%dma_wait3A_263, %dma_wait3A_267] : memref<10x128xi32, #tpu.memory_space<vmem>> -> memref<1x128xi32, #tpu.memory_space<vmem>>
      %dma_wait3A_269 = tpu.memref_squeeze %dma_wait3A_268 : memref<1x128xi32, #tpu.memory_space<vmem>> -> memref<128xi32, #tpu.memory_space<vmem>>
      %dma_wait3A_270 = arith.constant 0 : i32
      %dma_wait3A_271 = arith.constant 0 : i32
      %dma_wait3A_272 = tpu.memref_slice %arg13[%dma_wait3A_270, %dma_wait3A_271] : memref<10112x16xf32, #tpu.memory_space<vmem_shared>> -> memref<10112x16xf32, #tpu.memory_space<vmem_shared>>
      tpu.wait_indirect_dma semaphore(%arg15 : memref<!tpu.dma_semaphore, #tpu.memory_space<semaphore_mem>>) src(%dma_wait3A_272 : memref<10112x16xf32, #tpu.memory_space<vmem_shared>>) dst(%dma_wait3A_266 : memref<128x16xf32, #tpu.memory_space<vmem>>)
      %dma_wait3A_273 = arith.constant 2 : i32
      %dma_wait3A_274 = arith.constant 256 : i32
      %dma_wait3A_275 = arith.constant 0 : i32
      %dma_wait3A_276 = tpu.memref_slice %arg11[%dma_wait3A_274, %dma_wait3A_275] : memref<1280x16xf32, #tpu.memory_space<vmem>> -> memref<128x16xf32, #tpu.memory_space<vmem>>
      %dma_wait3A_277 = arith.constant 0 : i32
      %dma_wait3A_278 = tpu.memref_slice %arg9[%dma_wait3A_273, %dma_wait3A_277] : memref<10x128xi32, #tpu.memory_space<vmem>> -> memref<1x128xi32, #tpu.memory_space<vmem>>
      %dma_wait3A_279 = tpu.memref_squeeze %dma_wait3A_278 : memref<1x128xi32, #tpu.memory_space<vmem>> -> memref<128xi32, #tpu.memory_space<vmem>>
      %dma_wait3A_280 = arith.constant 0 : i32
      %dma_wait3A_281 = arith.constant 0 : i32
      %dma_wait3A_282 = tpu.memref_slice %arg14[%dma_wait3A_280, %dma_wait3A_281] : memref<10112x16xf32, #tpu.memory_space<vmem_shared>> -> memref<10112x16xf32, #tpu.memory_space<vmem_shared>>
      tpu.wait_indirect_dma semaphore(%arg15 : memref<!tpu.dma_semaphore, #tpu.memory_space<semaphore_mem>>) src(%dma_wait3A_282 : memref<10112x16xf32, #tpu.memory_space<vmem_shared>>) dst(%dma_wait3A_276 : memref<128x16xf32, #tpu.memory_space<vmem>>)
      %dma_wait3A_283 = arith.constant 3 : i32
      %dma_wait3A_284 = arith.constant 384 : i32
      %dma_wait3A_285 = arith.constant 0 : i32
      %dma_wait3A_286 = tpu.memref_slice %arg10[%dma_wait3A_284, %dma_wait3A_285] : memref<1280x16xf32, #tpu.memory_space<vmem>> -> memref<128x16xf32, #tpu.memory_space<vmem>>
      %dma_wait3A_287 = arith.constant 0 : i32
      %dma_wait3A_288 = tpu.memref_slice %arg8[%dma_wait3A_283, %dma_wait3A_287] : memref<10x128xi32, #tpu.memory_space<vmem>> -> memref<1x128xi32, #tpu.memory_space<vmem>>
      %dma_wait3A_289 = tpu.memref_squeeze %dma_wait3A_288 : memref<1x128xi32, #tpu.memory_space<vmem>> -> memref<128xi32, #tpu.memory_space<vmem>>
      %dma_wait3A_290 = arith.constant 0 : i32
      %dma_wait3A_291 = arith.constant 0 : i32
      %dma_wait3A_292 = tpu.memref_slice %arg13[%dma_wait3A_290, %dma_wait3A_291] : memref<10112x16xf32, #tpu.memory_space<vmem_shared>> -> memref<10112x16xf32, #tpu.memory_space<vmem_shared>>
      tpu.wait_indirect_dma semaphore(%arg15 : memref<!tpu.dma_semaphore, #tpu.memory_space<semaphore_mem>>) src(%dma_wait3A_292 : memref<10112x16xf32, #tpu.memory_space<vmem_shared>>) dst(%dma_wait3A_286 : memref<128x16xf32, #tpu.memory_space<vmem>>)
      %dma_wait3A_293 = arith.constant 3 : i32
      %dma_wait3A_294 = arith.constant 384 : i32
      %dma_wait3A_295 = arith.constant 0 : i32
      %dma_wait3A_296 = tpu.memref_slice %arg11[%dma_wait3A_294, %dma_wait3A_295] : memref<1280x16xf32, #tpu.memory_space<vmem>> -> memref<128x16xf32, #tpu.memory_space<vmem>>
      %dma_wait3A_297 = arith.constant 0 : i32
      %dma_wait3A_298 = tpu.memref_slice %arg9[%dma_wait3A_293, %dma_wait3A_297] : memref<10x128xi32, #tpu.memory_space<vmem>> -> memref<1x128xi32, #tpu.memory_space<vmem>>
      %dma_wait3A_299 = tpu.memref_squeeze %dma_wait3A_298 : memref<1x128xi32, #tpu.memory_space<vmem>> -> memref<128xi32, #tpu.memory_space<vmem>>
      %dma_wait3A_300 = arith.constant 0 : i32
      %dma_wait3A_301 = arith.constant 0 : i32
      %dma_wait3A_302 = tpu.memref_slice %arg14[%dma_wait3A_300, %dma_wait3A_301] : memref<10112x16xf32, #tpu.memory_space<vmem_shared>> -> memref<10112x16xf32, #tpu.memory_space<vmem_shared>>
      tpu.wait_indirect_dma semaphore(%arg15 : memref<!tpu.dma_semaphore, #tpu.memory_space<semaphore_mem>>) src(%dma_wait3A_302 : memref<10112x16xf32, #tpu.memory_space<vmem_shared>>) dst(%dma_wait3A_296 : memref<128x16xf32, #tpu.memory_space<vmem>>)
      %dma_wait3A_303 = arith.constant 4 : i32
      %dma_wait3A_304 = arith.constant 512 : i32
      %dma_wait3A_305 = arith.constant 0 : i32
      %dma_wait3A_306 = tpu.memref_slice %arg10[%dma_wait3A_304, %dma_wait3A_305] : memref<1280x16xf32, #tpu.memory_space<vmem>> -> memref<128x16xf32, #tpu.memory_space<vmem>>
      %dma_wait3A_307 = arith.constant 0 : i32
      %dma_wait3A_308 = tpu.memref_slice %arg8[%dma_wait3A_303, %dma_wait3A_307] : memref<10x128xi32, #tpu.memory_space<vmem>> -> memref<1x128xi32, #tpu.memory_space<vmem>>
      %dma_wait3A_309 = tpu.memref_squeeze %dma_wait3A_308 : memref<1x128xi32, #tpu.memory_space<vmem>> -> memref<128xi32, #tpu.memory_space<vmem>>
      %dma_wait3A_310 = arith.constant 0 : i32
      %dma_wait3A_311 = arith.constant 0 : i32
      %dma_wait3A_312 = tpu.memref_slice %arg13[%dma_wait3A_310, %dma_wait3A_311] : memref<10112x16xf32, #tpu.memory_space<vmem_shared>> -> memref<10112x16xf32, #tpu.memory_space<vmem_shared>>
      tpu.wait_indirect_dma semaphore(%arg15 : memref<!tpu.dma_semaphore, #tpu.memory_space<semaphore_mem>>) src(%dma_wait3A_312 : memref<10112x16xf32, #tpu.memory_space<vmem_shared>>) dst(%dma_wait3A_306 : memref<128x16xf32, #tpu.memory_space<vmem>>)
      %dma_wait3A_313 = arith.constant 4 : i32
      %dma_wait3A_314 = arith.constant 512 : i32
      %dma_wait3A_315 = arith.constant 0 : i32
      %dma_wait3A_316 = tpu.memref_slice %arg11[%dma_wait3A_314, %dma_wait3A_315] : memref<1280x16xf32, #tpu.memory_space<vmem>> -> memref<128x16xf32, #tpu.memory_space<vmem>>
      %dma_wait3A_317 = arith.constant 0 : i32
      %dma_wait3A_318 = tpu.memref_slice %arg9[%dma_wait3A_313, %dma_wait3A_317] : memref<10x128xi32, #tpu.memory_space<vmem>> -> memref<1x128xi32, #tpu.memory_space<vmem>>
      %dma_wait3A_319 = tpu.memref_squeeze %dma_wait3A_318 : memref<1x128xi32, #tpu.memory_space<vmem>> -> memref<128xi32, #tpu.memory_space<vmem>>
      %dma_wait3A_320 = arith.constant 0 : i32
      %dma_wait3A_321 = arith.constant 0 : i32
      %dma_wait3A_322 = tpu.memref_slice %arg14[%dma_wait3A_320, %dma_wait3A_321] : memref<10112x16xf32, #tpu.memory_space<vmem_shared>> -> memref<10112x16xf32, #tpu.memory_space<vmem_shared>>
      tpu.wait_indirect_dma semaphore(%arg15 : memref<!tpu.dma_semaphore, #tpu.memory_space<semaphore_mem>>) src(%dma_wait3A_322 : memref<10112x16xf32, #tpu.memory_space<vmem_shared>>) dst(%dma_wait3A_316 : memref<128x16xf32, #tpu.memory_space<vmem>>)
      %dma_wait3A_323 = arith.constant 5 : i32
      %dma_wait3A_324 = arith.constant 640 : i32
      %dma_wait3A_325 = arith.constant 0 : i32
      %dma_wait3A_326 = tpu.memref_slice %arg10[%dma_wait3A_324, %dma_wait3A_325] : memref<1280x16xf32, #tpu.memory_space<vmem>> -> memref<128x16xf32, #tpu.memory_space<vmem>>
      %dma_wait3A_327 = arith.constant 0 : i32
      %dma_wait3A_328 = tpu.memref_slice %arg8[%dma_wait3A_323, %dma_wait3A_327] : memref<10x128xi32, #tpu.memory_space<vmem>> -> memref<1x128xi32, #tpu.memory_space<vmem>>
      %dma_wait3A_329 = tpu.memref_squeeze %dma_wait3A_328 : memref<1x128xi32, #tpu.memory_space<vmem>> -> memref<128xi32, #tpu.memory_space<vmem>>
      %dma_wait3A_330 = arith.constant 0 : i32
      %dma_wait3A_331 = arith.constant 0 : i32
      %dma_wait3A_332 = tpu.memref_slice %arg13[%dma_wait3A_330, %dma_wait3A_331] : memref<10112x16xf32, #tpu.memory_space<vmem_shared>> -> memref<10112x16xf32, #tpu.memory_space<vmem_shared>>
      tpu.wait_indirect_dma semaphore(%arg15 : memref<!tpu.dma_semaphore, #tpu.memory_space<semaphore_mem>>) src(%dma_wait3A_332 : memref<10112x16xf32, #tpu.memory_space<vmem_shared>>) dst(%dma_wait3A_326 : memref<128x16xf32, #tpu.memory_space<vmem>>)
      %dma_wait3A_333 = arith.constant 5 : i32
      %dma_wait3A_334 = arith.constant 640 : i32
      %dma_wait3A_335 = arith.constant 0 : i32
      %dma_wait3A_336 = tpu.memref_slice %arg11[%dma_wait3A_334, %dma_wait3A_335] : memref<1280x16xf32, #tpu.memory_space<vmem>> -> memref<128x16xf32, #tpu.memory_space<vmem>>
      %dma_wait3A_337 = arith.constant 0 : i32
      %dma_wait3A_338 = tpu.memref_slice %arg9[%dma_wait3A_333, %dma_wait3A_337] : memref<10x128xi32, #tpu.memory_space<vmem>> -> memref<1x128xi32, #tpu.memory_space<vmem>>
      %dma_wait3A_339 = tpu.memref_squeeze %dma_wait3A_338 : memref<1x128xi32, #tpu.memory_space<vmem>> -> memref<128xi32, #tpu.memory_space<vmem>>
      %dma_wait3A_340 = arith.constant 0 : i32
      %dma_wait3A_341 = arith.constant 0 : i32
      %dma_wait3A_342 = tpu.memref_slice %arg14[%dma_wait3A_340, %dma_wait3A_341] : memref<10112x16xf32, #tpu.memory_space<vmem_shared>> -> memref<10112x16xf32, #tpu.memory_space<vmem_shared>>
      tpu.wait_indirect_dma semaphore(%arg15 : memref<!tpu.dma_semaphore, #tpu.memory_space<semaphore_mem>>) src(%dma_wait3A_342 : memref<10112x16xf32, #tpu.memory_space<vmem_shared>>) dst(%dma_wait3A_336 : memref<128x16xf32, #tpu.memory_space<vmem>>)
      %dma_wait3A_343 = arith.constant 6 : i32
      %dma_wait3A_344 = arith.constant 768 : i32
      %dma_wait3A_345 = arith.constant 0 : i32
      %dma_wait3A_346 = tpu.memref_slice %arg10[%dma_wait3A_344, %dma_wait3A_345] : memref<1280x16xf32, #tpu.memory_space<vmem>> -> memref<128x16xf32, #tpu.memory_space<vmem>>
      %dma_wait3A_347 = arith.constant 0 : i32
      %dma_wait3A_348 = tpu.memref_slice %arg8[%dma_wait3A_343, %dma_wait3A_347] : memref<10x128xi32, #tpu.memory_space<vmem>> -> memref<1x128xi32, #tpu.memory_space<vmem>>
      %dma_wait3A_349 = tpu.memref_squeeze %dma_wait3A_348 : memref<1x128xi32, #tpu.memory_space<vmem>> -> memref<128xi32, #tpu.memory_space<vmem>>
      %dma_wait3A_350 = arith.constant 0 : i32
      %dma_wait3A_351 = arith.constant 0 : i32
      %dma_wait3A_352 = tpu.memref_slice %arg13[%dma_wait3A_350, %dma_wait3A_351] : memref<10112x16xf32, #tpu.memory_space<vmem_shared>> -> memref<10112x16xf32, #tpu.memory_space<vmem_shared>>
      tpu.wait_indirect_dma semaphore(%arg15 : memref<!tpu.dma_semaphore, #tpu.memory_space<semaphore_mem>>) src(%dma_wait3A_352 : memref<10112x16xf32, #tpu.memory_space<vmem_shared>>) dst(%dma_wait3A_346 : memref<128x16xf32, #tpu.memory_space<vmem>>)
      %dma_wait3A_353 = arith.constant 6 : i32
      %dma_wait3A_354 = arith.constant 768 : i32
      %dma_wait3A_355 = arith.constant 0 : i32
      %dma_wait3A_356 = tpu.memref_slice %arg11[%dma_wait3A_354, %dma_wait3A_355] : memref<1280x16xf32, #tpu.memory_space<vmem>> -> memref<128x16xf32, #tpu.memory_space<vmem>>
      %dma_wait3A_357 = arith.constant 0 : i32
      %dma_wait3A_358 = tpu.memref_slice %arg9[%dma_wait3A_353, %dma_wait3A_357] : memref<10x128xi32, #tpu.memory_space<vmem>> -> memref<1x128xi32, #tpu.memory_space<vmem>>
      %dma_wait3A_359 = tpu.memref_squeeze %dma_wait3A_358 : memref<1x128xi32, #tpu.memory_space<vmem>> -> memref<128xi32, #tpu.memory_space<vmem>>
      %dma_wait3A_360 = arith.constant 0 : i32
      %dma_wait3A_361 = arith.constant 0 : i32
      %dma_wait3A_362 = tpu.memref_slice %arg14[%dma_wait3A_360, %dma_wait3A_361] : memref<10112x16xf32, #tpu.memory_space<vmem_shared>> -> memref<10112x16xf32, #tpu.memory_space<vmem_shared>>
      tpu.wait_indirect_dma semaphore(%arg15 : memref<!tpu.dma_semaphore, #tpu.memory_space<semaphore_mem>>) src(%dma_wait3A_362 : memref<10112x16xf32, #tpu.memory_space<vmem_shared>>) dst(%dma_wait3A_356 : memref<128x16xf32, #tpu.memory_space<vmem>>)
      %dma_wait3A_363 = arith.constant 7 : i32
      %dma_wait3A_364 = arith.constant 896 : i32
      %dma_wait3A_365 = arith.constant 0 : i32
      %dma_wait3A_366 = tpu.memref_slice %arg10[%dma_wait3A_364, %dma_wait3A_365] : memref<1280x16xf32, #tpu.memory_space<vmem>> -> memref<128x16xf32, #tpu.memory_space<vmem>>
      %dma_wait3A_367 = arith.constant 0 : i32
      %dma_wait3A_368 = tpu.memref_slice %arg8[%dma_wait3A_363, %dma_wait3A_367] : memref<10x128xi32, #tpu.memory_space<vmem>> -> memref<1x128xi32, #tpu.memory_space<vmem>>
      %dma_wait3A_369 = tpu.memref_squeeze %dma_wait3A_368 : memref<1x128xi32, #tpu.memory_space<vmem>> -> memref<128xi32, #tpu.memory_space<vmem>>
      %dma_wait3A_370 = arith.constant 0 : i32
      %dma_wait3A_371 = arith.constant 0 : i32
      %dma_wait3A_372 = tpu.memref_slice %arg13[%dma_wait3A_370, %dma_wait3A_371] : memref<10112x16xf32, #tpu.memory_space<vmem_shared>> -> memref<10112x16xf32, #tpu.memory_space<vmem_shared>>
      tpu.wait_indirect_dma semaphore(%arg15 : memref<!tpu.dma_semaphore, #tpu.memory_space<semaphore_mem>>) src(%dma_wait3A_372 : memref<10112x16xf32, #tpu.memory_space<vmem_shared>>) dst(%dma_wait3A_366 : memref<128x16xf32, #tpu.memory_space<vmem>>)
      %dma_wait3A_373 = arith.constant 7 : i32
      %dma_wait3A_374 = arith.constant 896 : i32
      %dma_wait3A_375 = arith.constant 0 : i32
      %dma_wait3A_376 = tpu.memref_slice %arg11[%dma_wait3A_374, %dma_wait3A_375] : memref<1280x16xf32, #tpu.memory_space<vmem>> -> memref<128x16xf32, #tpu.memory_space<vmem>>
      %dma_wait3A_377 = arith.constant 0 : i32
      %dma_wait3A_378 = tpu.memref_slice %arg9[%dma_wait3A_373, %dma_wait3A_377] : memref<10x128xi32, #tpu.memory_space<vmem>> -> memref<1x128xi32, #tpu.memory_space<vmem>>
      %dma_wait3A_379 = tpu.memref_squeeze %dma_wait3A_378 : memref<1x128xi32, #tpu.memory_space<vmem>> -> memref<128xi32, #tpu.memory_space<vmem>>
      %dma_wait3A_380 = arith.constant 0 : i32
      %dma_wait3A_381 = arith.constant 0 : i32
      %dma_wait3A_382 = tpu.memref_slice %arg14[%dma_wait3A_380, %dma_wait3A_381] : memref<10112x16xf32, #tpu.memory_space<vmem_shared>> -> memref<10112x16xf32, #tpu.memory_space<vmem_shared>>
      tpu.wait_indirect_dma semaphore(%arg15 : memref<!tpu.dma_semaphore, #tpu.memory_space<semaphore_mem>>) src(%dma_wait3A_382 : memref<10112x16xf32, #tpu.memory_space<vmem_shared>>) dst(%dma_wait3A_376 : memref<128x16xf32, #tpu.memory_space<vmem>>)
      %dma_wait3A_383 = arith.constant 8 : i32
      %dma_wait3A_384 = arith.constant 1024 : i32
      %dma_wait3A_385 = arith.constant 0 : i32
      %dma_wait3A_386 = tpu.memref_slice %arg10[%dma_wait3A_384, %dma_wait3A_385] : memref<1280x16xf32, #tpu.memory_space<vmem>> -> memref<128x16xf32, #tpu.memory_space<vmem>>
      %dma_wait3A_387 = arith.constant 0 : i32
      %dma_wait3A_388 = tpu.memref_slice %arg8[%dma_wait3A_383, %dma_wait3A_387] : memref<10x128xi32, #tpu.memory_space<vmem>> -> memref<1x128xi32, #tpu.memory_space<vmem>>
      %dma_wait3A_389 = tpu.memref_squeeze %dma_wait3A_388 : memref<1x128xi32, #tpu.memory_space<vmem>> -> memref<128xi32, #tpu.memory_space<vmem>>
      %dma_wait3A_390 = arith.constant 0 : i32
      %dma_wait3A_391 = arith.constant 0 : i32
      %dma_wait3A_392 = tpu.memref_slice %arg13[%dma_wait3A_390, %dma_wait3A_391] : memref<10112x16xf32, #tpu.memory_space<vmem_shared>> -> memref<10112x16xf32, #tpu.memory_space<vmem_shared>>
      tpu.wait_indirect_dma semaphore(%arg15 : memref<!tpu.dma_semaphore, #tpu.memory_space<semaphore_mem>>) src(%dma_wait3A_392 : memref<10112x16xf32, #tpu.memory_space<vmem_shared>>) dst(%dma_wait3A_386 : memref<128x16xf32, #tpu.memory_space<vmem>>)
      %dma_wait3A_393 = arith.constant 8 : i32
      %dma_wait3A_394 = arith.constant 1024 : i32
      %dma_wait3A_395 = arith.constant 0 : i32
      %dma_wait3A_396 = tpu.memref_slice %arg11[%dma_wait3A_394, %dma_wait3A_395] : memref<1280x16xf32, #tpu.memory_space<vmem>> -> memref<128x16xf32, #tpu.memory_space<vmem>>
      %dma_wait3A_397 = arith.constant 0 : i32
      %dma_wait3A_398 = tpu.memref_slice %arg9[%dma_wait3A_393, %dma_wait3A_397] : memref<10x128xi32, #tpu.memory_space<vmem>> -> memref<1x128xi32, #tpu.memory_space<vmem>>
      %dma_wait3A_399 = tpu.memref_squeeze %dma_wait3A_398 : memref<1x128xi32, #tpu.memory_space<vmem>> -> memref<128xi32, #tpu.memory_space<vmem>>
      %dma_wait3A_400 = arith.constant 0 : i32
      %dma_wait3A_401 = arith.constant 0 : i32
      %dma_wait3A_402 = tpu.memref_slice %arg14[%dma_wait3A_400, %dma_wait3A_401] : memref<10112x16xf32, #tpu.memory_space<vmem_shared>> -> memref<10112x16xf32, #tpu.memory_space<vmem_shared>>
      tpu.wait_indirect_dma semaphore(%arg15 : memref<!tpu.dma_semaphore, #tpu.memory_space<semaphore_mem>>) src(%dma_wait3A_402 : memref<10112x16xf32, #tpu.memory_space<vmem_shared>>) dst(%dma_wait3A_396 : memref<128x16xf32, #tpu.memory_space<vmem>>)
      %dma_wait3A_403 = arith.constant 9 : i32
      %dma_wait3A_404 = arith.constant 1152 : i32
      %dma_wait3A_405 = arith.constant 0 : i32
      %dma_wait3A_406 = tpu.memref_slice %arg10[%dma_wait3A_404, %dma_wait3A_405] : memref<1280x16xf32, #tpu.memory_space<vmem>> -> memref<128x16xf32, #tpu.memory_space<vmem>>
      %dma_wait3A_407 = arith.constant 0 : i32
      %dma_wait3A_408 = tpu.memref_slice %arg8[%dma_wait3A_403, %dma_wait3A_407] : memref<10x128xi32, #tpu.memory_space<vmem>> -> memref<1x128xi32, #tpu.memory_space<vmem>>
      %dma_wait3A_409 = tpu.memref_squeeze %dma_wait3A_408 : memref<1x128xi32, #tpu.memory_space<vmem>> -> memref<128xi32, #tpu.memory_space<vmem>>
      %dma_wait3A_410 = arith.constant 0 : i32
      %dma_wait3A_411 = arith.constant 0 : i32
      %dma_wait3A_412 = tpu.memref_slice %arg13[%dma_wait3A_410, %dma_wait3A_411] : memref<10112x16xf32, #tpu.memory_space<vmem_shared>> -> memref<10112x16xf32, #tpu.memory_space<vmem_shared>>
      tpu.wait_indirect_dma semaphore(%arg15 : memref<!tpu.dma_semaphore, #tpu.memory_space<semaphore_mem>>) src(%dma_wait3A_412 : memref<10112x16xf32, #tpu.memory_space<vmem_shared>>) dst(%dma_wait3A_406 : memref<128x16xf32, #tpu.memory_space<vmem>>)
      %dma_wait3A_413 = arith.constant 9 : i32
      %dma_wait3A_414 = arith.constant 1152 : i32
      %dma_wait3A_415 = arith.constant 0 : i32
      %dma_wait3A_416 = tpu.memref_slice %arg11[%dma_wait3A_414, %dma_wait3A_415] : memref<1280x16xf32, #tpu.memory_space<vmem>> -> memref<128x16xf32, #tpu.memory_space<vmem>>
      %dma_wait3A_417 = arith.constant 0 : i32
      %dma_wait3A_418 = tpu.memref_slice %arg9[%dma_wait3A_413, %dma_wait3A_417] : memref<10x128xi32, #tpu.memory_space<vmem>> -> memref<1x128xi32, #tpu.memory_space<vmem>>
      %dma_wait3A_419 = tpu.memref_squeeze %dma_wait3A_418 : memref<1x128xi32, #tpu.memory_space<vmem>> -> memref<128xi32, #tpu.memory_space<vmem>>
      %dma_wait3A_420 = arith.constant 0 : i32
      %dma_wait3A_421 = arith.constant 0 : i32
      %dma_wait3A_422 = tpu.memref_slice %arg14[%dma_wait3A_420, %dma_wait3A_421] : memref<10112x16xf32, #tpu.memory_space<vmem_shared>> -> memref<10112x16xf32, #tpu.memory_space<vmem_shared>>
      tpu.wait_indirect_dma semaphore(%arg15 : memref<!tpu.dma_semaphore, #tpu.memory_space<semaphore_mem>>) src(%dma_wait3A_422 : memref<10112x16xf32, #tpu.memory_space<vmem_shared>>) dst(%dma_wait3A_416 : memref<128x16xf32, #tpu.memory_space<vmem>>)
      %scan3A_423 = arith.constant 0 : i32
      %scan3A_424 = arith.constant 0 : i32
      %scan3A_425 = arith.constant 1280 : i32
      %scan3A_426 = arith.addi %scan3A_424, %scan3A_425 : i32
      %scan3A_427 = arith.constant 4 : i32
      scf.for %scan3A_429 = %scan3A_424 to %scan3A_426 step %scan3A_427  : i32 {
        %get3A = arith.index_cast %scan3A_429 : i32 to index
        %get3A_430 = arith.constant 0 : index
        %get3A_431 = tpu.vector_load %arg12[%get3A, %get3A_430] {strides = array<i32>} : memref<1280x16xf32, #tpu.memory_space<vmem>>, vector<1x16xf32>,
        %get3A_432 = vector.shape_cast %get3A_431 : vector<1x16xf32> to vector<16xf32>
        %get3A_433 = arith.index_cast %scan3A_429 : i32 to index
        %get3A_434 = arith.constant 0 : index
        %get3A_435 = tpu.vector_load %arg10[%get3A_433, %get3A_434] {strides = array<i32>} : memref<1280x16xf32, #tpu.memory_space<vmem>>, vector<1x16xf32>,
        %get3A_436 = vector.shape_cast %get3A_435 : vector<1x16xf32> to vector<16xf32>
        %add3A_437 = arith.addf %get3A_432, %get3A_436 : vector<16xf32>
        %get3A_438 = arith.index_cast %scan3A_429 : i32 to index
        %get3A_439 = arith.constant 0 : index
        %get3A_440 = tpu.vector_load %arg11[%get3A_438, %get3A_439] {strides = array<i32>} : memref<1280x16xf32, #tpu.memory_space<vmem>>, vector<1x16xf32>,
        %get3A_441 = vector.shape_cast %get3A_440 : vector<1x16xf32> to vector<16xf32>
        %add3A_442 = arith.addf %add3A_437, %get3A_441 : vector<16xf32>
        %max3A = arith.constant 0.000000e+00 : f32
        %max3A_443 = vector.broadcast %max3A : f32 to vector<16xf32>
        %max3A_444 = arith.maximumf %add3A_442, %max3A_443 : vector<16xf32>
        %swap3A = arith.index_cast %scan3A_429 : i32 to index
        %swap3A_445 = arith.constant 0 : index
        %swap3A_446 = tpu.vector_load %arg12[%swap3A, %swap3A_445] {strides = array<i32>} : memref<1280x16xf32, #tpu.memory_space<vmem>>, vector<1x16xf32>,
        %swap3A_447 = vector.shape_cast %swap3A_446 : vector<1x16xf32> to vector<16xf32>
        %swap3A_448 = vector.shape_cast %max3A_444 : vector<16xf32> to vector<1x16xf32>
        tpu.vector_store %arg12[%swap3A, %swap3A_445], %swap3A_448 {strides = array<i32>} : memref<1280x16xf32, #tpu.memory_space<vmem>>, vector<1x16xf32>,
        %scan3A_449 = arith.constant 1 : i32
        %scan3A_450 = arith.addi %scan3A_429, %scan3A_449 : i32
        %get3A_451 = arith.index_cast %scan3A_450 : i32 to index
        %get3A_452 = arith.constant 0 : index
        %get3A_453 = tpu.vector_load %arg12[%get3A_451, %get3A_452] {strides = array<i32>} : memref<1280x16xf32, #tpu.memory_space<vmem>>, vector<1x16xf32>,
        %get3A_454 = vector.shape_cast %get3A_453 : vector<1x16xf32> to vector<16xf32>
        %get3A_455 = arith.index_cast %scan3A_450 : i32 to index
        %get3A_456 = arith.constant 0 : index
        %get3A_457 = tpu.vector_load %arg10[%get3A_455, %get3A_456] {strides = array<i32>} : memref<1280x16xf32, #tpu.memory_space<vmem>>, vector<1x16xf32>,
        %get3A_458 = vector.shape_cast %get3A_457 : vector<1x16xf32> to vector<16xf32>
        %add3A_459 = arith.addf %get3A_454, %get3A_458 : vector<16xf32>
        %get3A_460 = arith.index_cast %scan3A_450 : i32 to index
        %get3A_461 = arith.constant 0 : index
        %get3A_462 = tpu.vector_load %arg11[%get3A_460, %get3A_461] {strides = array<i32>} : memref<1280x16xf32, #tpu.memory_space<vmem>>, vector<1x16xf32>,
        %get3A_463 = vector.shape_cast %get3A_462 : vector<1x16xf32> to vector<16xf32>
        %add3A_464 = arith.addf %add3A_459, %get3A_463 : vector<16xf32>
        %max3A_465 = arith.constant 0.000000e+00 : f32
        %max3A_466 = vector.broadcast %max3A_465 : f32 to vector<16xf32>
        %max3A_467 = arith.maximumf %add3A_464, %max3A_466 : vector<16xf32>
        %swap3A_468 = arith.index_cast %scan3A_450 : i32 to index
        %swap3A_469 = arith.constant 0 : index
        %swap3A_470 = tpu.vector_load %arg12[%swap3A_468, %swap3A_469] {strides = array<i32>} : memref<1280x16xf32, #tpu.memory_space<vmem>>, vector<1x16xf32>,
        %swap3A_471 = vector.shape_cast %swap3A_470 : vector<1x16xf32> to vector<16xf32>
        %swap3A_472 = vector.shape_cast %max3A_467 : vector<16xf32> to vector<1x16xf32>
        tpu.vector_store %arg12[%swap3A_468, %swap3A_469], %swap3A_472 {strides = array<i32>} : memref<1280x16xf32, #tpu.memory_space<vmem>>, vector<1x16xf32>,
        %scan3A_473 = arith.constant 2 : i32
        %scan3A_474 = arith.addi %scan3A_429, %scan3A_473 : i32
        %get3A_475 = arith.index_cast %scan3A_474 : i32 to index
        %get3A_476 = arith.constant 0 : index
        %get3A_477 = tpu.vector_load %arg12[%get3A_475, %get3A_476] {strides = array<i32>} : memref<1280x16xf32, #tpu.memory_space<vmem>>, vector<1x16xf32>,
        %get3A_478 = vector.shape_cast %get3A_477 : vector<1x16xf32> to vector<16xf32>
        %get3A_479 = arith.index_cast %scan3A_474 : i32 to index
        %get3A_480 = arith.constant 0 : index
        %get3A_481 = tpu.vector_load %arg10[%get3A_479, %get3A_480] {strides = array<i32>} : memref<1280x16xf32, #tpu.memory_space<vmem>>, vector<1x16xf32>,
        %get3A_482 = vector.shape_cast %get3A_481 : vector<1x16xf32> to vector<16xf32>
        %add3A_483 = arith.addf %get3A_478, %get3A_482 : vector<16xf32>
        %get3A_484 = arith.index_cast %scan3A_474 : i32 to index
        %get3A_485 = arith.constant 0 : index
        %get3A_486 = tpu.vector_load %arg11[%get3A_484, %get3A_485] {strides = array<i32>} : memref<1280x16xf32, #tpu.memory_space<vmem>>, vector<1x16xf32>,
        %get3A_487 = vector.shape_cast %get3A_486 : vector<1x16xf32> to vector<16xf32>
        %add3A_488 = arith.addf %add3A_483, %get3A_487 : vector<16xf32>
        %max3A_489 = arith.constant 0.000000e+00 : f32
        %max3A_490 = vector.broadcast %max3A_489 : f32 to vector<16xf32>
        %max3A_491 = arith.maximumf %add3A_488, %max3A_490 : vector<16xf32>
        %swap3A_492 = arith.index_cast %scan3A_474 : i32 to index
        %swap3A_493 = arith.constant 0 : index
        %swap3A_494 = tpu.vector_load %arg12[%swap3A_492, %swap3A_493] {strides = array<i32>} : memref<1280x16xf32, #tpu.memory_space<vmem>>, vector<1x16xf32>,
        %swap3A_495 = vector.shape_cast %swap3A_494 : vector<1x16xf32> to vector<16xf32>
        %swap3A_496 = vector.shape_cast %max3A_491 : vector<16xf32> to vector<1x16xf32>
        tpu.vector_store %arg12[%swap3A_492, %swap3A_493], %swap3A_496 {strides = array<i32>} : memref<1280x16xf32, #tpu.memory_space<vmem>>, vector<1x16xf32>,
        %scan3A_497 = arith.constant 3 : i32
        %scan3A_498 = arith.addi %scan3A_429, %scan3A_497 : i32
        %get3A_499 = arith.index_cast %scan3A_498 : i32 to index
        %get3A_500 = arith.constant 0 : index
        %get3A_501 = tpu.vector_load %arg12[%get3A_499, %get3A_500] {strides = array<i32>} : memref<1280x16xf32, #tpu.memory_space<vmem>>, vector<1x16xf32>,
        %get3A_502 = vector.shape_cast %get3A_501 : vector<1x16xf32> to vector<16xf32>
        %get3A_503 = arith.index_cast %scan3A_498 : i32 to index
        %get3A_504 = arith.constant 0 : index
        %get3A_505 = tpu.vector_load %arg10[%get3A_503, %get3A_504] {strides = array<i32>} : memref<1280x16xf32, #tpu.memory_space<vmem>>, vector<1x16xf32>,
        %get3A_506 = vector.shape_cast %get3A_505 : vector<1x16xf32> to vector<16xf32>
        %add3A_507 = arith.addf %get3A_502, %get3A_506 : vector<16xf32>
        %get3A_508 = arith.index_cast %scan3A_498 : i32 to index
        %get3A_509 = arith.constant 0 : index
        %get3A_510 = tpu.vector_load %arg11[%get3A_508, %get3A_509] {strides = array<i32>} : memref<1280x16xf32, #tpu.memory_space<vmem>>, vector<1x16xf32>,
        %get3A_511 = vector.shape_cast %get3A_510 : vector<1x16xf32> to vector<16xf32>
        %add3A_512 = arith.addf %add3A_507, %get3A_511 : vector<16xf32>
        %max3A_513 = arith.constant 0.000000e+00 : f32
        %max3A_514 = vector.broadcast %max3A_513 : f32 to vector<16xf32>
        %max3A_515 = arith.maximumf %add3A_512, %max3A_514 : vector<16xf32>
        %swap3A_516 = arith.index_cast %scan3A_498 : i32 to index
        %swap3A_517 = arith.constant 0 : index
        %swap3A_518 = tpu.vector_load %arg12[%swap3A_516, %swap3A_517] {strides = array<i32>} : memref<1280x16xf32, #tpu.memory_space<vmem>>, vector<1x16xf32>,
        %swap3A_519 = vector.shape_cast %swap3A_518 : vector<1x16xf32> to vector<16xf32>
        %swap3A_520 = vector.shape_cast %max3A_515 : vector<16xf32> to vector<1x16xf32>
        tpu.vector_store %arg12[%swap3A_516, %swap3A_517], %swap3A_520 {strides = array<i32>} : memref<1280x16xf32, #tpu.memory_space<vmem>>, vector<1x16xf32>,
      }
      %scan3A_428 = arith.constant 1280 : i32
      "tpu.region"() ({
        %run_scoped3A = tpu.sem_alloc : memref<!tpu.dma_semaphore, #tpu.memory_space<semaphore_mem>>
        %dma_start3A_429 = arith.constant 0 : i32
        %dma_start3A_430 = tpu.memref_slice %arg7[%add3A_223, %dma_start3A_429] : memref<163840x16xf32, #tpu.memory_space<hbm>> -> memref<1280x16xf32, #tpu.memory_space<hbm>>
        %dma_start3A_431 = arith.constant 0 : i32
        %dma_start3A_432 = tpu.memref_slice %arg7[%add3A_223, %dma_start3A_431] : memref<163840x16xf32, #tpu.memory_space<hbm>> -> memref<1280x16xf32, #tpu.memory_space<hbm>>
        tpu.enqueue_dma source(%arg12 : memref<1280x16xf32, #tpu.memory_space<vmem>>) target(%dma_start3A_432 : memref<1280x16xf32, #tpu.memory_space<hbm>>) target_semaphore(%run_scoped3A : memref<!tpu.dma_semaphore, #tpu.memory_space<semaphore_mem>>)
        %dma_wait3A_433 = arith.constant 0 : i32
        %dma_wait3A_434 = tpu.memref_slice %arg7[%add3A_223, %dma_wait3A_433] : memref<163840x16xf32, #tpu.memory_space<hbm>> -> memref<1280x16xf32, #tpu.memory_space<hbm>>
        %dma_wait3A_435 = arith.constant 0 : i32
        %dma_wait3A_436 = tpu.memref_slice %arg7[%add3A_223, %dma_wait3A_435] : memref<163840x16xf32, #tpu.memory_space<hbm>> -> memref<1280x16xf32, #tpu.memory_space<hbm>>
        tpu.wait_dma2 semaphore(%run_scoped3A : memref<!tpu.dma_semaphore, #tpu.memory_space<semaphore_mem>>) src(%arg12 : memref<1280x16xf32, #tpu.memory_space<vmem>>) dst(%dma_wait3A_436 : memref<1280x16xf32, #tpu.memory_space<hbm>>)
        tpu.yield
      }) : () -> ()
    }
    %scan3A_15 = arith.constant 4 : i32
    return
  }
}

#map = affine_map<(d0, d1) -> (0, 0)>
module attributes {stable_mosaic.version = 14 : i64} {
  func.func @_sc_phase2_body(%arg0: i32, %arg1: i32, %arg2: memref<1280x128xi32, #tpu.memory_space<hbm>>, %arg3: memref<1280x128xi32, #tpu.memory_space<hbm>>, %arg4: memref<10112x16xf32, #tpu.memory_space<hbm>>, %arg5: memref<10112x16xf32, #tpu.memory_space<hbm>>, %arg6: memref<163840x16xf32, #tpu.memory_space<hbm>>, %arg7: memref<163840x16xf32, #tpu.memory_space<hbm>>, %arg8: memref<10x128xi32, #tpu.memory_space<vmem>>, %arg9: memref<10x128xi32, #tpu.memory_space<vmem>>, %arg10: memref<1280x16xf32, #tpu.memory_space<vmem>>, %arg11: memref<1280x16xf32, #tpu.memory_space<vmem>>, %arg12: memref<1280x16xf32, #tpu.memory_space<vmem>>, %arg13: memref<10112x16xf32, #tpu.memory_space<vmem_shared>>, %arg14: memref<10112x16xf32, #tpu.memory_space<vmem_shared>>, %arg15: memref<!tpu.dma_semaphore, #tpu.memory_space<semaphore_mem>>) attributes {dimension_semantics = [#tpu.dimension_semantics<core_parallel>, #tpu.dimension_semantics<subcore_parallel>], iteration_bounds = array<i64: 2, 16>, scalar_prefetch = 0 : i64, scratch_operands = 8 : i64, tpu.core_type = #tpu.core_type<sc_vector_subcore>, window_params = [{transform_indices = #map}, {transform_indices = #map}, {transform_indices = #map}, {transform_indices = #map}, {transform_indices = #map}, {transform_indices = #map}]} {
    %mul3A = arith.constant 2 : i32
    %mul3A_0 = arith.muli %arg1, %mul3A : i32
    %add3A = arith.addi %mul3A_0, %arg0 : i32
    %mul3A_1 = arith.constant 632 : i32
    %mul3A_2 = arith.muli %arg1, %mul3A_1 : i32
    %mul3A_3 = arith.constant 632 : i32
    %mul3A_4 = arith.muli %arg1, %mul3A_3 : i32
    "tpu.region"() ({
      %run_scoped3A = tpu.sem_alloc : memref<!tpu.dma_semaphore, #tpu.memory_space<semaphore_mem>>
      %dma_start3A = arith.constant 0 : i32
      %dma_start3A_16 = tpu.memref_slice %arg13[%mul3A_4, %dma_start3A] : memref<10112x16xf32, #tpu.memory_space<vmem_shared>> -> memref<632x16xf32, #tpu.memory_space<vmem_shared>>
      %dma_start3A_17 = arith.constant 0 : i32
      %dma_start3A_18 = tpu.memref_slice %arg4[%mul3A_2, %dma_start3A_17] : memref<10112x16xf32, #tpu.memory_space<hbm>> -> memref<632x16xf32, #tpu.memory_space<hbm>>
      tpu.enqueue_dma source(%dma_start3A_18 : memref<632x16xf32, #tpu.memory_space<hbm>>) target(%dma_start3A_16 : memref<632x16xf32, #tpu.memory_space<vmem_shared>>) target_semaphore(%run_scoped3A : memref<!tpu.dma_semaphore, #tpu.memory_space<semaphore_mem>>)
      %dma_wait3A = arith.constant 0 : i32
      %dma_wait3A_19 = tpu.memref_slice %arg13[%mul3A_4, %dma_wait3A] : memref<10112x16xf32, #tpu.memory_space<vmem_shared>> -> memref<632x16xf32, #tpu.memory_space<vmem_shared>>
      %dma_wait3A_20 = arith.constant 0 : i32
      %dma_wait3A_21 = tpu.memref_slice %arg4[%mul3A_2, %dma_wait3A_20] : memref<10112x16xf32, #tpu.memory_space<hbm>> -> memref<632x16xf32, #tpu.memory_space<hbm>>
      tpu.wait_dma2 semaphore(%run_scoped3A : memref<!tpu.dma_semaphore, #tpu.memory_space<semaphore_mem>>) src(%dma_wait3A_21 : memref<632x16xf32, #tpu.memory_space<hbm>>) dst(%dma_wait3A_19 : memref<632x16xf32, #tpu.memory_space<vmem_shared>>)
      tpu.yield
    }) : () -> ()
    %mul3A_5 = arith.constant 632 : i32
    %mul3A_6 = arith.muli %arg1, %mul3A_5 : i32
    %mul3A_7 = arith.constant 632 : i32
    %mul3A_8 = arith.muli %arg1, %mul3A_7 : i32
    "tpu.region"() ({
      %run_scoped3A = tpu.sem_alloc : memref<!tpu.dma_semaphore, #tpu.memory_space<semaphore_mem>>
      %dma_start3A = arith.constant 0 : i32
      %dma_start3A_16 = tpu.memref_slice %arg14[%mul3A_8, %dma_start3A] : memref<10112x16xf32, #tpu.memory_space<vmem_shared>> -> memref<632x16xf32, #tpu.memory_space<vmem_shared>>
      %dma_start3A_17 = arith.constant 0 : i32
      %dma_start3A_18 = tpu.memref_slice %arg5[%mul3A_6, %dma_start3A_17] : memref<10112x16xf32, #tpu.memory_space<hbm>> -> memref<632x16xf32, #tpu.memory_space<hbm>>
      tpu.enqueue_dma source(%dma_start3A_18 : memref<632x16xf32, #tpu.memory_space<hbm>>) target(%dma_start3A_16 : memref<632x16xf32, #tpu.memory_space<vmem_shared>>) target_semaphore(%run_scoped3A : memref<!tpu.dma_semaphore, #tpu.memory_space<semaphore_mem>>)
      %dma_wait3A = arith.constant 0 : i32
      %dma_wait3A_19 = tpu.memref_slice %arg14[%mul3A_8, %dma_wait3A] : memref<10112x16xf32, #tpu.memory_space<vmem_shared>> -> memref<632x16xf32, #tpu.memory_space<vmem_shared>>
      %dma_wait3A_20 = arith.constant 0 : i32
      %dma_wait3A_21 = tpu.memref_slice %arg5[%mul3A_6, %dma_wait3A_20] : memref<10112x16xf32, #tpu.memory_space<hbm>> -> memref<632x16xf32, #tpu.memory_space<hbm>>
      tpu.wait_dma2 semaphore(%run_scoped3A : memref<!tpu.dma_semaphore, #tpu.memory_space<semaphore_mem>>) src(%dma_wait3A_21 : memref<632x16xf32, #tpu.memory_space<hbm>>) dst(%dma_wait3A_19 : memref<632x16xf32, #tpu.memory_space<vmem_shared>>)
      tpu.yield
    }) : () -> ()
    %barrier3A = arith.constant 0 : index
    tpu.barrier barrier_id(%barrier3A)
    %mul3A_9 = arith.constant 40 : i32
    %mul3A_10 = arith.muli %add3A, %mul3A_9 : i32
    %scan3A = arith.constant 0 : i32
    %scan3A_11 = arith.constant 0 : i32
    %scan3A_12 = arith.constant 4 : i32
    %scan3A_13 = arith.addi %scan3A_11, %scan3A_12 : i32
    %scan3A_14 = arith.constant 1 : i32
    scf.for %scan3A_16 = %scan3A_11 to %scan3A_13 step %scan3A_14  : i32 {
      %mul3A_17 = arith.constant 10 : i32
      %mul3A_18 = arith.muli %scan3A_16, %mul3A_17 : i32
      %add3A_19 = arith.addi %mul3A_10, %mul3A_18 : i32
      "tpu.region"() ({
        %run_scoped3A = tpu.sem_alloc : memref<!tpu.dma_semaphore, #tpu.memory_space<semaphore_mem>>
        %dma_start3A_429 = arith.constant 0 : i32
        %dma_start3A_430 = tpu.memref_slice %arg2[%add3A_19, %dma_start3A_429] : memref<1280x128xi32, #tpu.memory_space<hbm>> -> memref<10x128xi32, #tpu.memory_space<hbm>>
        %dma_start3A_431 = arith.constant 0 : i32
        %dma_start3A_432 = tpu.memref_slice %arg2[%add3A_19, %dma_start3A_431] : memref<1280x128xi32, #tpu.memory_space<hbm>> -> memref<10x128xi32, #tpu.memory_space<hbm>>
        tpu.enqueue_dma source(%dma_start3A_432 : memref<10x128xi32, #tpu.memory_space<hbm>>) target(%arg8 : memref<10x128xi32, #tpu.memory_space<vmem>>) target_semaphore(%run_scoped3A : memref<!tpu.dma_semaphore, #tpu.memory_space<semaphore_mem>>)
        %dma_wait3A_433 = arith.constant 0 : i32
        %dma_wait3A_434 = tpu.memref_slice %arg2[%add3A_19, %dma_wait3A_433] : memref<1280x128xi32, #tpu.memory_space<hbm>> -> memref<10x128xi32, #tpu.memory_space<hbm>>
        %dma_wait3A_435 = arith.constant 0 : i32
        %dma_wait3A_436 = tpu.memref_slice %arg2[%add3A_19, %dma_wait3A_435] : memref<1280x128xi32, #tpu.memory_space<hbm>> -> memref<10x128xi32, #tpu.memory_space<hbm>>
        tpu.wait_dma2 semaphore(%run_scoped3A : memref<!tpu.dma_semaphore, #tpu.memory_space<semaphore_mem>>) src(%dma_wait3A_436 : memref<10x128xi32, #tpu.memory_space<hbm>>) dst(%arg8 : memref<10x128xi32, #tpu.memory_space<vmem>>)
        tpu.yield
      }) : () -> ()
      "tpu.region"() ({
        %run_scoped3A = tpu.sem_alloc : memref<!tpu.dma_semaphore, #tpu.memory_space<semaphore_mem>>
        %dma_start3A_429 = arith.constant 0 : i32
        %dma_start3A_430 = tpu.memref_slice %arg3[%add3A_19, %dma_start3A_429] : memref<1280x128xi32, #tpu.memory_space<hbm>> -> memref<10x128xi32, #tpu.memory_space<hbm>>
        %dma_start3A_431 = arith.constant 0 : i32
        %dma_start3A_432 = tpu.memref_slice %arg3[%add3A_19, %dma_start3A_431] : memref<1280x128xi32, #tpu.memory_space<hbm>> -> memref<10x128xi32, #tpu.memory_space<hbm>>
        tpu.enqueue_dma source(%dma_start3A_432 : memref<10x128xi32, #tpu.memory_space<hbm>>) target(%arg9 : memref<10x128xi32, #tpu.memory_space<vmem>>) target_semaphore(%run_scoped3A : memref<!tpu.dma_semaphore, #tpu.memory_space<semaphore_mem>>)
        %dma_wait3A_433 = arith.constant 0 : i32
        %dma_wait3A_434 = tpu.memref_slice %arg3[%add3A_19, %dma_wait3A_433] : memref<1280x128xi32, #tpu.memory_space<hbm>> -> memref<10x128xi32, #tpu.memory_space<hbm>>
        %dma_wait3A_435 = arith.constant 0 : i32
        %dma_wait3A_436 = tpu.memref_slice %arg3[%add3A_19, %dma_wait3A_435] : memref<1280x128xi32, #tpu.memory_space<hbm>> -> memref<10x128xi32, #tpu.memory_space<hbm>>
        tpu.wait_dma2 semaphore(%run_scoped3A : memref<!tpu.dma_semaphore, #tpu.memory_space<semaphore_mem>>) src(%dma_wait3A_436 : memref<10x128xi32, #tpu.memory_space<hbm>>) dst(%arg9 : memref<10x128xi32, #tpu.memory_space<vmem>>)
        tpu.yield
      }) : () -> ()
      %dma_start3A = arith.constant 0 : i32
      %dma_start3A_20 = arith.constant 0 : i32
      %dma_start3A_21 = arith.constant 0 : i32
      %dma_start3A_22 = tpu.memref_slice %arg10[%dma_start3A_20, %dma_start3A_21] : memref<1280x16xf32, #tpu.memory_space<vmem>> -> memref<128x16xf32, #tpu.memory_space<vmem>>
      %dma_start3A_23 = arith.constant 0 : i32
      %dma_start3A_24 = tpu.memref_slice %arg8[%dma_start3A, %dma_start3A_23] : memref<10x128xi32, #tpu.memory_space<vmem>> -> memref<1x128xi32, #tpu.memory_space<vmem>>
      %dma_start3A_25 = tpu.memref_squeeze %dma_start3A_24 : memref<1x128xi32, #tpu.memory_space<vmem>> -> memref<128xi32, #tpu.memory_space<vmem>>
      %dma_start3A_26 = arith.constant 0 : i32
      %dma_start3A_27 = arith.constant 0 : i32
      %dma_start3A_28 = tpu.memref_slice %arg13[%dma_start3A_26, %dma_start3A_27] : memref<10112x16xf32, #tpu.memory_space<vmem_shared>> -> memref<10112x16xf32, #tpu.memory_space<vmem_shared>>
      tpu.enqueue_indirect_dma source(%dma_start3A_28 : memref<10112x16xf32, #tpu.memory_space<vmem_shared>>) target(%dma_start3A_22 : memref<128x16xf32, #tpu.memory_space<vmem>>) offsets(%dma_start3A_25 : memref<128xi32, #tpu.memory_space<vmem>>) semaphore(%arg15 : memref<!tpu.dma_semaphore, #tpu.memory_space<semaphore_mem>>)
      %dma_start3A_29 = arith.constant 0 : i32
      %dma_start3A_30 = arith.constant 0 : i32
      %dma_start3A_31 = arith.constant 0 : i32
      %dma_start3A_32 = tpu.memref_slice %arg11[%dma_start3A_30, %dma_start3A_31] : memref<1280x16xf32, #tpu.memory_space<vmem>> -> memref<128x16xf32, #tpu.memory_space<vmem>>
      %dma_start3A_33 = arith.constant 0 : i32
      %dma_start3A_34 = tpu.memref_slice %arg9[%dma_start3A_29, %dma_start3A_33] : memref<10x128xi32, #tpu.memory_space<vmem>> -> memref<1x128xi32, #tpu.memory_space<vmem>>
      %dma_start3A_35 = tpu.memref_squeeze %dma_start3A_34 : memref<1x128xi32, #tpu.memory_space<vmem>> -> memref<128xi32, #tpu.memory_space<vmem>>
      %dma_start3A_36 = arith.constant 0 : i32
      %dma_start3A_37 = arith.constant 0 : i32
      %dma_start3A_38 = tpu.memref_slice %arg14[%dma_start3A_36, %dma_start3A_37] : memref<10112x16xf32, #tpu.memory_space<vmem_shared>> -> memref<10112x16xf32, #tpu.memory_space<vmem_shared>>
      tpu.enqueue_indirect_dma source(%dma_start3A_38 : memref<10112x16xf32, #tpu.memory_space<vmem_shared>>) target(%dma_start3A_32 : memref<128x16xf32, #tpu.memory_space<vmem>>) offsets(%dma_start3A_35 : memref<128xi32, #tpu.memory_space<vmem>>) semaphore(%arg15 : memref<!tpu.dma_semaphore, #tpu.memory_space<semaphore_mem>>)
      %dma_start3A_39 = arith.constant 1 : i32
      %dma_start3A_40 = arith.constant 128 : i32
      %dma_start3A_41 = arith.constant 0 : i32
      %dma_start3A_42 = tpu.memref_slice %arg10[%dma_start3A_40, %dma_start3A_41] : memref<1280x16xf32, #tpu.memory_space<vmem>> -> memref<128x16xf32, #tpu.memory_space<vmem>>
      %dma_start3A_43 = arith.constant 0 : i32
      %dma_start3A_44 = tpu.memref_slice %arg8[%dma_start3A_39, %dma_start3A_43] : memref<10x128xi32, #tpu.memory_space<vmem>> -> memref<1x128xi32, #tpu.memory_space<vmem>>
      %dma_start3A_45 = tpu.memref_squeeze %dma_start3A_44 : memref<1x128xi32, #tpu.memory_space<vmem>> -> memref<128xi32, #tpu.memory_space<vmem>>
      %dma_start3A_46 = arith.constant 0 : i32
      %dma_start3A_47 = arith.constant 0 : i32
      %dma_start3A_48 = tpu.memref_slice %arg13[%dma_start3A_46, %dma_start3A_47] : memref<10112x16xf32, #tpu.memory_space<vmem_shared>> -> memref<10112x16xf32, #tpu.memory_space<vmem_shared>>
      tpu.enqueue_indirect_dma source(%dma_start3A_48 : memref<10112x16xf32, #tpu.memory_space<vmem_shared>>) target(%dma_start3A_42 : memref<128x16xf32, #tpu.memory_space<vmem>>) offsets(%dma_start3A_45 : memref<128xi32, #tpu.memory_space<vmem>>) semaphore(%arg15 : memref<!tpu.dma_semaphore, #tpu.memory_space<semaphore_mem>>)
      %dma_start3A_49 = arith.constant 1 : i32
      %dma_start3A_50 = arith.constant 128 : i32
      %dma_start3A_51 = arith.constant 0 : i32
      %dma_start3A_52 = tpu.memref_slice %arg11[%dma_start3A_50, %dma_start3A_51] : memref<1280x16xf32, #tpu.memory_space<vmem>> -> memref<128x16xf32, #tpu.memory_space<vmem>>
      %dma_start3A_53 = arith.constant 0 : i32
      %dma_start3A_54 = tpu.memref_slice %arg9[%dma_start3A_49, %dma_start3A_53] : memref<10x128xi32, #tpu.memory_space<vmem>> -> memref<1x128xi32, #tpu.memory_space<vmem>>
      %dma_start3A_55 = tpu.memref_squeeze %dma_start3A_54 : memref<1x128xi32, #tpu.memory_space<vmem>> -> memref<128xi32, #tpu.memory_space<vmem>>
      %dma_start3A_56 = arith.constant 0 : i32
      %dma_start3A_57 = arith.constant 0 : i32
      %dma_start3A_58 = tpu.memref_slice %arg14[%dma_start3A_56, %dma_start3A_57] : memref<10112x16xf32, #tpu.memory_space<vmem_shared>> -> memref<10112x16xf32, #tpu.memory_space<vmem_shared>>
      tpu.enqueue_indirect_dma source(%dma_start3A_58 : memref<10112x16xf32, #tpu.memory_space<vmem_shared>>) target(%dma_start3A_52 : memref<128x16xf32, #tpu.memory_space<vmem>>) offsets(%dma_start3A_55 : memref<128xi32, #tpu.memory_space<vmem>>) semaphore(%arg15 : memref<!tpu.dma_semaphore, #tpu.memory_space<semaphore_mem>>)
      %dma_start3A_59 = arith.constant 2 : i32
      %dma_start3A_60 = arith.constant 256 : i32
      %dma_start3A_61 = arith.constant 0 : i32
      %dma_start3A_62 = tpu.memref_slice %arg10[%dma_start3A_60, %dma_start3A_61] : memref<1280x16xf32, #tpu.memory_space<vmem>> -> memref<128x16xf32, #tpu.memory_space<vmem>>
      %dma_start3A_63 = arith.constant 0 : i32
      %dma_start3A_64 = tpu.memref_slice %arg8[%dma_start3A_59, %dma_start3A_63] : memref<10x128xi32, #tpu.memory_space<vmem>> -> memref<1x128xi32, #tpu.memory_space<vmem>>
      %dma_start3A_65 = tpu.memref_squeeze %dma_start3A_64 : memref<1x128xi32, #tpu.memory_space<vmem>> -> memref<128xi32, #tpu.memory_space<vmem>>
      %dma_start3A_66 = arith.constant 0 : i32
      %dma_start3A_67 = arith.constant 0 : i32
      %dma_start3A_68 = tpu.memref_slice %arg13[%dma_start3A_66, %dma_start3A_67] : memref<10112x16xf32, #tpu.memory_space<vmem_shared>> -> memref<10112x16xf32, #tpu.memory_space<vmem_shared>>
      tpu.enqueue_indirect_dma source(%dma_start3A_68 : memref<10112x16xf32, #tpu.memory_space<vmem_shared>>) target(%dma_start3A_62 : memref<128x16xf32, #tpu.memory_space<vmem>>) offsets(%dma_start3A_65 : memref<128xi32, #tpu.memory_space<vmem>>) semaphore(%arg15 : memref<!tpu.dma_semaphore, #tpu.memory_space<semaphore_mem>>)
      %dma_start3A_69 = arith.constant 2 : i32
      %dma_start3A_70 = arith.constant 256 : i32
      %dma_start3A_71 = arith.constant 0 : i32
      %dma_start3A_72 = tpu.memref_slice %arg11[%dma_start3A_70, %dma_start3A_71] : memref<1280x16xf32, #tpu.memory_space<vmem>> -> memref<128x16xf32, #tpu.memory_space<vmem>>
      %dma_start3A_73 = arith.constant 0 : i32
      %dma_start3A_74 = tpu.memref_slice %arg9[%dma_start3A_69, %dma_start3A_73] : memref<10x128xi32, #tpu.memory_space<vmem>> -> memref<1x128xi32, #tpu.memory_space<vmem>>
      %dma_start3A_75 = tpu.memref_squeeze %dma_start3A_74 : memref<1x128xi32, #tpu.memory_space<vmem>> -> memref<128xi32, #tpu.memory_space<vmem>>
      %dma_start3A_76 = arith.constant 0 : i32
      %dma_start3A_77 = arith.constant 0 : i32
      %dma_start3A_78 = tpu.memref_slice %arg14[%dma_start3A_76, %dma_start3A_77] : memref<10112x16xf32, #tpu.memory_space<vmem_shared>> -> memref<10112x16xf32, #tpu.memory_space<vmem_shared>>
      tpu.enqueue_indirect_dma source(%dma_start3A_78 : memref<10112x16xf32, #tpu.memory_space<vmem_shared>>) target(%dma_start3A_72 : memref<128x16xf32, #tpu.memory_space<vmem>>) offsets(%dma_start3A_75 : memref<128xi32, #tpu.memory_space<vmem>>) semaphore(%arg15 : memref<!tpu.dma_semaphore, #tpu.memory_space<semaphore_mem>>)
      %dma_start3A_79 = arith.constant 3 : i32
      %dma_start3A_80 = arith.constant 384 : i32
      %dma_start3A_81 = arith.constant 0 : i32
      %dma_start3A_82 = tpu.memref_slice %arg10[%dma_start3A_80, %dma_start3A_81] : memref<1280x16xf32, #tpu.memory_space<vmem>> -> memref<128x16xf32, #tpu.memory_space<vmem>>
      %dma_start3A_83 = arith.constant 0 : i32
      %dma_start3A_84 = tpu.memref_slice %arg8[%dma_start3A_79, %dma_start3A_83] : memref<10x128xi32, #tpu.memory_space<vmem>> -> memref<1x128xi32, #tpu.memory_space<vmem>>
      %dma_start3A_85 = tpu.memref_squeeze %dma_start3A_84 : memref<1x128xi32, #tpu.memory_space<vmem>> -> memref<128xi32, #tpu.memory_space<vmem>>
      %dma_start3A_86 = arith.constant 0 : i32
      %dma_start3A_87 = arith.constant 0 : i32
      %dma_start3A_88 = tpu.memref_slice %arg13[%dma_start3A_86, %dma_start3A_87] : memref<10112x16xf32, #tpu.memory_space<vmem_shared>> -> memref<10112x16xf32, #tpu.memory_space<vmem_shared>>
      tpu.enqueue_indirect_dma source(%dma_start3A_88 : memref<10112x16xf32, #tpu.memory_space<vmem_shared>>) target(%dma_start3A_82 : memref<128x16xf32, #tpu.memory_space<vmem>>) offsets(%dma_start3A_85 : memref<128xi32, #tpu.memory_space<vmem>>) semaphore(%arg15 : memref<!tpu.dma_semaphore, #tpu.memory_space<semaphore_mem>>)
      %dma_start3A_89 = arith.constant 3 : i32
      %dma_start3A_90 = arith.constant 384 : i32
      %dma_start3A_91 = arith.constant 0 : i32
      %dma_start3A_92 = tpu.memref_slice %arg11[%dma_start3A_90, %dma_start3A_91] : memref<1280x16xf32, #tpu.memory_space<vmem>> -> memref<128x16xf32, #tpu.memory_space<vmem>>
      %dma_start3A_93 = arith.constant 0 : i32
      %dma_start3A_94 = tpu.memref_slice %arg9[%dma_start3A_89, %dma_start3A_93] : memref<10x128xi32, #tpu.memory_space<vmem>> -> memref<1x128xi32, #tpu.memory_space<vmem>>
      %dma_start3A_95 = tpu.memref_squeeze %dma_start3A_94 : memref<1x128xi32, #tpu.memory_space<vmem>> -> memref<128xi32, #tpu.memory_space<vmem>>
      %dma_start3A_96 = arith.constant 0 : i32
      %dma_start3A_97 = arith.constant 0 : i32
      %dma_start3A_98 = tpu.memref_slice %arg14[%dma_start3A_96, %dma_start3A_97] : memref<10112x16xf32, #tpu.memory_space<vmem_shared>> -> memref<10112x16xf32, #tpu.memory_space<vmem_shared>>
      tpu.enqueue_indirect_dma source(%dma_start3A_98 : memref<10112x16xf32, #tpu.memory_space<vmem_shared>>) target(%dma_start3A_92 : memref<128x16xf32, #tpu.memory_space<vmem>>) offsets(%dma_start3A_95 : memref<128xi32, #tpu.memory_space<vmem>>) semaphore(%arg15 : memref<!tpu.dma_semaphore, #tpu.memory_space<semaphore_mem>>)
      %dma_start3A_99 = arith.constant 4 : i32
      %dma_start3A_100 = arith.constant 512 : i32
      %dma_start3A_101 = arith.constant 0 : i32
      %dma_start3A_102 = tpu.memref_slice %arg10[%dma_start3A_100, %dma_start3A_101] : memref<1280x16xf32, #tpu.memory_space<vmem>> -> memref<128x16xf32, #tpu.memory_space<vmem>>
      %dma_start3A_103 = arith.constant 0 : i32
      %dma_start3A_104 = tpu.memref_slice %arg8[%dma_start3A_99, %dma_start3A_103] : memref<10x128xi32, #tpu.memory_space<vmem>> -> memref<1x128xi32, #tpu.memory_space<vmem>>
      %dma_start3A_105 = tpu.memref_squeeze %dma_start3A_104 : memref<1x128xi32, #tpu.memory_space<vmem>> -> memref<128xi32, #tpu.memory_space<vmem>>
      %dma_start3A_106 = arith.constant 0 : i32
      %dma_start3A_107 = arith.constant 0 : i32
      %dma_start3A_108 = tpu.memref_slice %arg13[%dma_start3A_106, %dma_start3A_107] : memref<10112x16xf32, #tpu.memory_space<vmem_shared>> -> memref<10112x16xf32, #tpu.memory_space<vmem_shared>>
      tpu.enqueue_indirect_dma source(%dma_start3A_108 : memref<10112x16xf32, #tpu.memory_space<vmem_shared>>) target(%dma_start3A_102 : memref<128x16xf32, #tpu.memory_space<vmem>>) offsets(%dma_start3A_105 : memref<128xi32, #tpu.memory_space<vmem>>) semaphore(%arg15 : memref<!tpu.dma_semaphore, #tpu.memory_space<semaphore_mem>>)
      %dma_start3A_109 = arith.constant 4 : i32
      %dma_start3A_110 = arith.constant 512 : i32
      %dma_start3A_111 = arith.constant 0 : i32
      %dma_start3A_112 = tpu.memref_slice %arg11[%dma_start3A_110, %dma_start3A_111] : memref<1280x16xf32, #tpu.memory_space<vmem>> -> memref<128x16xf32, #tpu.memory_space<vmem>>
      %dma_start3A_113 = arith.constant 0 : i32
      %dma_start3A_114 = tpu.memref_slice %arg9[%dma_start3A_109, %dma_start3A_113] : memref<10x128xi32, #tpu.memory_space<vmem>> -> memref<1x128xi32, #tpu.memory_space<vmem>>
      %dma_start3A_115 = tpu.memref_squeeze %dma_start3A_114 : memref<1x128xi32, #tpu.memory_space<vmem>> -> memref<128xi32, #tpu.memory_space<vmem>>
      %dma_start3A_116 = arith.constant 0 : i32
      %dma_start3A_117 = arith.constant 0 : i32
      %dma_start3A_118 = tpu.memref_slice %arg14[%dma_start3A_116, %dma_start3A_117] : memref<10112x16xf32, #tpu.memory_space<vmem_shared>> -> memref<10112x16xf32, #tpu.memory_space<vmem_shared>>
      tpu.enqueue_indirect_dma source(%dma_start3A_118 : memref<10112x16xf32, #tpu.memory_space<vmem_shared>>) target(%dma_start3A_112 : memref<128x16xf32, #tpu.memory_space<vmem>>) offsets(%dma_start3A_115 : memref<128xi32, #tpu.memory_space<vmem>>) semaphore(%arg15 : memref<!tpu.dma_semaphore, #tpu.memory_space<semaphore_mem>>)
      %dma_start3A_119 = arith.constant 5 : i32
      %dma_start3A_120 = arith.constant 640 : i32
      %dma_start3A_121 = arith.constant 0 : i32
      %dma_start3A_122 = tpu.memref_slice %arg10[%dma_start3A_120, %dma_start3A_121] : memref<1280x16xf32, #tpu.memory_space<vmem>> -> memref<128x16xf32, #tpu.memory_space<vmem>>
      %dma_start3A_123 = arith.constant 0 : i32
      %dma_start3A_124 = tpu.memref_slice %arg8[%dma_start3A_119, %dma_start3A_123] : memref<10x128xi32, #tpu.memory_space<vmem>> -> memref<1x128xi32, #tpu.memory_space<vmem>>
      %dma_start3A_125 = tpu.memref_squeeze %dma_start3A_124 : memref<1x128xi32, #tpu.memory_space<vmem>> -> memref<128xi32, #tpu.memory_space<vmem>>
      %dma_start3A_126 = arith.constant 0 : i32
      %dma_start3A_127 = arith.constant 0 : i32
      %dma_start3A_128 = tpu.memref_slice %arg13[%dma_start3A_126, %dma_start3A_127] : memref<10112x16xf32, #tpu.memory_space<vmem_shared>> -> memref<10112x16xf32, #tpu.memory_space<vmem_shared>>
      tpu.enqueue_indirect_dma source(%dma_start3A_128 : memref<10112x16xf32, #tpu.memory_space<vmem_shared>>) target(%dma_start3A_122 : memref<128x16xf32, #tpu.memory_space<vmem>>) offsets(%dma_start3A_125 : memref<128xi32, #tpu.memory_space<vmem>>) semaphore(%arg15 : memref<!tpu.dma_semaphore, #tpu.memory_space<semaphore_mem>>)
      %dma_start3A_129 = arith.constant 5 : i32
      %dma_start3A_130 = arith.constant 640 : i32
      %dma_start3A_131 = arith.constant 0 : i32
      %dma_start3A_132 = tpu.memref_slice %arg11[%dma_start3A_130, %dma_start3A_131] : memref<1280x16xf32, #tpu.memory_space<vmem>> -> memref<128x16xf32, #tpu.memory_space<vmem>>
      %dma_start3A_133 = arith.constant 0 : i32
      %dma_start3A_134 = tpu.memref_slice %arg9[%dma_start3A_129, %dma_start3A_133] : memref<10x128xi32, #tpu.memory_space<vmem>> -> memref<1x128xi32, #tpu.memory_space<vmem>>
      %dma_start3A_135 = tpu.memref_squeeze %dma_start3A_134 : memref<1x128xi32, #tpu.memory_space<vmem>> -> memref<128xi32, #tpu.memory_space<vmem>>
      %dma_start3A_136 = arith.constant 0 : i32
      %dma_start3A_137 = arith.constant 0 : i32
      %dma_start3A_138 = tpu.memref_slice %arg14[%dma_start3A_136, %dma_start3A_137] : memref<10112x16xf32, #tpu.memory_space<vmem_shared>> -> memref<10112x16xf32, #tpu.memory_space<vmem_shared>>
      tpu.enqueue_indirect_dma source(%dma_start3A_138 : memref<10112x16xf32, #tpu.memory_space<vmem_shared>>) target(%dma_start3A_132 : memref<128x16xf32, #tpu.memory_space<vmem>>) offsets(%dma_start3A_135 : memref<128xi32, #tpu.memory_space<vmem>>) semaphore(%arg15 : memref<!tpu.dma_semaphore, #tpu.memory_space<semaphore_mem>>)
      %dma_start3A_139 = arith.constant 6 : i32
      %dma_start3A_140 = arith.constant 768 : i32
      %dma_start3A_141 = arith.constant 0 : i32
      %dma_start3A_142 = tpu.memref_slice %arg10[%dma_start3A_140, %dma_start3A_141] : memref<1280x16xf32, #tpu.memory_space<vmem>> -> memref<128x16xf32, #tpu.memory_space<vmem>>
      %dma_start3A_143 = arith.constant 0 : i32
      %dma_start3A_144 = tpu.memref_slice %arg8[%dma_start3A_139, %dma_start3A_143] : memref<10x128xi32, #tpu.memory_space<vmem>> -> memref<1x128xi32, #tpu.memory_space<vmem>>
      %dma_start3A_145 = tpu.memref_squeeze %dma_start3A_144 : memref<1x128xi32, #tpu.memory_space<vmem>> -> memref<128xi32, #tpu.memory_space<vmem>>
      %dma_start3A_146 = arith.constant 0 : i32
      %dma_start3A_147 = arith.constant 0 : i32
      %dma_start3A_148 = tpu.memref_slice %arg13[%dma_start3A_146, %dma_start3A_147] : memref<10112x16xf32, #tpu.memory_space<vmem_shared>> -> memref<10112x16xf32, #tpu.memory_space<vmem_shared>>
      tpu.enqueue_indirect_dma source(%dma_start3A_148 : memref<10112x16xf32, #tpu.memory_space<vmem_shared>>) target(%dma_start3A_142 : memref<128x16xf32, #tpu.memory_space<vmem>>) offsets(%dma_start3A_145 : memref<128xi32, #tpu.memory_space<vmem>>) semaphore(%arg15 : memref<!tpu.dma_semaphore, #tpu.memory_space<semaphore_mem>>)
      %dma_start3A_149 = arith.constant 6 : i32
      %dma_start3A_150 = arith.constant 768 : i32
      %dma_start3A_151 = arith.constant 0 : i32
      %dma_start3A_152 = tpu.memref_slice %arg11[%dma_start3A_150, %dma_start3A_151] : memref<1280x16xf32, #tpu.memory_space<vmem>> -> memref<128x16xf32, #tpu.memory_space<vmem>>
      %dma_start3A_153 = arith.constant 0 : i32
      %dma_start3A_154 = tpu.memref_slice %arg9[%dma_start3A_149, %dma_start3A_153] : memref<10x128xi32, #tpu.memory_space<vmem>> -> memref<1x128xi32, #tpu.memory_space<vmem>>
      %dma_start3A_155 = tpu.memref_squeeze %dma_start3A_154 : memref<1x128xi32, #tpu.memory_space<vmem>> -> memref<128xi32, #tpu.memory_space<vmem>>
      %dma_start3A_156 = arith.constant 0 : i32
      %dma_start3A_157 = arith.constant 0 : i32
      %dma_start3A_158 = tpu.memref_slice %arg14[%dma_start3A_156, %dma_start3A_157] : memref<10112x16xf32, #tpu.memory_space<vmem_shared>> -> memref<10112x16xf32, #tpu.memory_space<vmem_shared>>
      tpu.enqueue_indirect_dma source(%dma_start3A_158 : memref<10112x16xf32, #tpu.memory_space<vmem_shared>>) target(%dma_start3A_152 : memref<128x16xf32, #tpu.memory_space<vmem>>) offsets(%dma_start3A_155 : memref<128xi32, #tpu.memory_space<vmem>>) semaphore(%arg15 : memref<!tpu.dma_semaphore, #tpu.memory_space<semaphore_mem>>)
      %dma_start3A_159 = arith.constant 7 : i32
      %dma_start3A_160 = arith.constant 896 : i32
      %dma_start3A_161 = arith.constant 0 : i32
      %dma_start3A_162 = tpu.memref_slice %arg10[%dma_start3A_160, %dma_start3A_161] : memref<1280x16xf32, #tpu.memory_space<vmem>> -> memref<128x16xf32, #tpu.memory_space<vmem>>
      %dma_start3A_163 = arith.constant 0 : i32
      %dma_start3A_164 = tpu.memref_slice %arg8[%dma_start3A_159, %dma_start3A_163] : memref<10x128xi32, #tpu.memory_space<vmem>> -> memref<1x128xi32, #tpu.memory_space<vmem>>
      %dma_start3A_165 = tpu.memref_squeeze %dma_start3A_164 : memref<1x128xi32, #tpu.memory_space<vmem>> -> memref<128xi32, #tpu.memory_space<vmem>>
      %dma_start3A_166 = arith.constant 0 : i32
      %dma_start3A_167 = arith.constant 0 : i32
      %dma_start3A_168 = tpu.memref_slice %arg13[%dma_start3A_166, %dma_start3A_167] : memref<10112x16xf32, #tpu.memory_space<vmem_shared>> -> memref<10112x16xf32, #tpu.memory_space<vmem_shared>>
      tpu.enqueue_indirect_dma source(%dma_start3A_168 : memref<10112x16xf32, #tpu.memory_space<vmem_shared>>) target(%dma_start3A_162 : memref<128x16xf32, #tpu.memory_space<vmem>>) offsets(%dma_start3A_165 : memref<128xi32, #tpu.memory_space<vmem>>) semaphore(%arg15 : memref<!tpu.dma_semaphore, #tpu.memory_space<semaphore_mem>>)
      %dma_start3A_169 = arith.constant 7 : i32
      %dma_start3A_170 = arith.constant 896 : i32
      %dma_start3A_171 = arith.constant 0 : i32
      %dma_start3A_172 = tpu.memref_slice %arg11[%dma_start3A_170, %dma_start3A_171] : memref<1280x16xf32, #tpu.memory_space<vmem>> -> memref<128x16xf32, #tpu.memory_space<vmem>>
      %dma_start3A_173 = arith.constant 0 : i32
      %dma_start3A_174 = tpu.memref_slice %arg9[%dma_start3A_169, %dma_start3A_173] : memref<10x128xi32, #tpu.memory_space<vmem>> -> memref<1x128xi32, #tpu.memory_space<vmem>>
      %dma_start3A_175 = tpu.memref_squeeze %dma_start3A_174 : memref<1x128xi32, #tpu.memory_space<vmem>> -> memref<128xi32, #tpu.memory_space<vmem>>
      %dma_start3A_176 = arith.constant 0 : i32
      %dma_start3A_177 = arith.constant 0 : i32
      %dma_start3A_178 = tpu.memref_slice %arg14[%dma_start3A_176, %dma_start3A_177] : memref<10112x16xf32, #tpu.memory_space<vmem_shared>> -> memref<10112x16xf32, #tpu.memory_space<vmem_shared>>
      tpu.enqueue_indirect_dma source(%dma_start3A_178 : memref<10112x16xf32, #tpu.memory_space<vmem_shared>>) target(%dma_start3A_172 : memref<128x16xf32, #tpu.memory_space<vmem>>) offsets(%dma_start3A_175 : memref<128xi32, #tpu.memory_space<vmem>>) semaphore(%arg15 : memref<!tpu.dma_semaphore, #tpu.memory_space<semaphore_mem>>)
      %dma_start3A_179 = arith.constant 8 : i32
      %dma_start3A_180 = arith.constant 1024 : i32
      %dma_start3A_181 = arith.constant 0 : i32
      %dma_start3A_182 = tpu.memref_slice %arg10[%dma_start3A_180, %dma_start3A_181] : memref<1280x16xf32, #tpu.memory_space<vmem>> -> memref<128x16xf32, #tpu.memory_space<vmem>>
      %dma_start3A_183 = arith.constant 0 : i32
      %dma_start3A_184 = tpu.memref_slice %arg8[%dma_start3A_179, %dma_start3A_183] : memref<10x128xi32, #tpu.memory_space<vmem>> -> memref<1x128xi32, #tpu.memory_space<vmem>>
      %dma_start3A_185 = tpu.memref_squeeze %dma_start3A_184 : memref<1x128xi32, #tpu.memory_space<vmem>> -> memref<128xi32, #tpu.memory_space<vmem>>
      %dma_start3A_186 = arith.constant 0 : i32
      %dma_start3A_187 = arith.constant 0 : i32
      %dma_start3A_188 = tpu.memref_slice %arg13[%dma_start3A_186, %dma_start3A_187] : memref<10112x16xf32, #tpu.memory_space<vmem_shared>> -> memref<10112x16xf32, #tpu.memory_space<vmem_shared>>
      tpu.enqueue_indirect_dma source(%dma_start3A_188 : memref<10112x16xf32, #tpu.memory_space<vmem_shared>>) target(%dma_start3A_182 : memref<128x16xf32, #tpu.memory_space<vmem>>) offsets(%dma_start3A_185 : memref<128xi32, #tpu.memory_space<vmem>>) semaphore(%arg15 : memref<!tpu.dma_semaphore, #tpu.memory_space<semaphore_mem>>)
      %dma_start3A_189 = arith.constant 8 : i32
      %dma_start3A_190 = arith.constant 1024 : i32
      %dma_start3A_191 = arith.constant 0 : i32
      %dma_start3A_192 = tpu.memref_slice %arg11[%dma_start3A_190, %dma_start3A_191] : memref<1280x16xf32, #tpu.memory_space<vmem>> -> memref<128x16xf32, #tpu.memory_space<vmem>>
      %dma_start3A_193 = arith.constant 0 : i32
      %dma_start3A_194 = tpu.memref_slice %arg9[%dma_start3A_189, %dma_start3A_193] : memref<10x128xi32, #tpu.memory_space<vmem>> -> memref<1x128xi32, #tpu.memory_space<vmem>>
      %dma_start3A_195 = tpu.memref_squeeze %dma_start3A_194 : memref<1x128xi32, #tpu.memory_space<vmem>> -> memref<128xi32, #tpu.memory_space<vmem>>
      %dma_start3A_196 = arith.constant 0 : i32
      %dma_start3A_197 = arith.constant 0 : i32
      %dma_start3A_198 = tpu.memref_slice %arg14[%dma_start3A_196, %dma_start3A_197] : memref<10112x16xf32, #tpu.memory_space<vmem_shared>> -> memref<10112x16xf32, #tpu.memory_space<vmem_shared>>
      tpu.enqueue_indirect_dma source(%dma_start3A_198 : memref<10112x16xf32, #tpu.memory_space<vmem_shared>>) target(%dma_start3A_192 : memref<128x16xf32, #tpu.memory_space<vmem>>) offsets(%dma_start3A_195 : memref<128xi32, #tpu.memory_space<vmem>>) semaphore(%arg15 : memref<!tpu.dma_semaphore, #tpu.memory_space<semaphore_mem>>)
      %dma_start3A_199 = arith.constant 9 : i32
      %dma_start3A_200 = arith.constant 1152 : i32
      %dma_start3A_201 = arith.constant 0 : i32
      %dma_start3A_202 = tpu.memref_slice %arg10[%dma_start3A_200, %dma_start3A_201] : memref<1280x16xf32, #tpu.memory_space<vmem>> -> memref<128x16xf32, #tpu.memory_space<vmem>>
      %dma_start3A_203 = arith.constant 0 : i32
      %dma_start3A_204 = tpu.memref_slice %arg8[%dma_start3A_199, %dma_start3A_203] : memref<10x128xi32, #tpu.memory_space<vmem>> -> memref<1x128xi32, #tpu.memory_space<vmem>>
      %dma_start3A_205 = tpu.memref_squeeze %dma_start3A_204 : memref<1x128xi32, #tpu.memory_space<vmem>> -> memref<128xi32, #tpu.memory_space<vmem>>
      %dma_start3A_206 = arith.constant 0 : i32
      %dma_start3A_207 = arith.constant 0 : i32
      %dma_start3A_208 = tpu.memref_slice %arg13[%dma_start3A_206, %dma_start3A_207] : memref<10112x16xf32, #tpu.memory_space<vmem_shared>> -> memref<10112x16xf32, #tpu.memory_space<vmem_shared>>
      tpu.enqueue_indirect_dma source(%dma_start3A_208 : memref<10112x16xf32, #tpu.memory_space<vmem_shared>>) target(%dma_start3A_202 : memref<128x16xf32, #tpu.memory_space<vmem>>) offsets(%dma_start3A_205 : memref<128xi32, #tpu.memory_space<vmem>>) semaphore(%arg15 : memref<!tpu.dma_semaphore, #tpu.memory_space<semaphore_mem>>)
      %dma_start3A_209 = arith.constant 9 : i32
      %dma_start3A_210 = arith.constant 1152 : i32
      %dma_start3A_211 = arith.constant 0 : i32
      %dma_start3A_212 = tpu.memref_slice %arg11[%dma_start3A_210, %dma_start3A_211] : memref<1280x16xf32, #tpu.memory_space<vmem>> -> memref<128x16xf32, #tpu.memory_space<vmem>>
      %dma_start3A_213 = arith.constant 0 : i32
      %dma_start3A_214 = tpu.memref_slice %arg9[%dma_start3A_209, %dma_start3A_213] : memref<10x128xi32, #tpu.memory_space<vmem>> -> memref<1x128xi32, #tpu.memory_space<vmem>>
      %dma_start3A_215 = tpu.memref_squeeze %dma_start3A_214 : memref<1x128xi32, #tpu.memory_space<vmem>> -> memref<128xi32, #tpu.memory_space<vmem>>
      %dma_start3A_216 = arith.constant 0 : i32
      %dma_start3A_217 = arith.constant 0 : i32
      %dma_start3A_218 = tpu.memref_slice %arg14[%dma_start3A_216, %dma_start3A_217] : memref<10112x16xf32, #tpu.memory_space<vmem_shared>> -> memref<10112x16xf32, #tpu.memory_space<vmem_shared>>
      tpu.enqueue_indirect_dma source(%dma_start3A_218 : memref<10112x16xf32, #tpu.memory_space<vmem_shared>>) target(%dma_start3A_212 : memref<128x16xf32, #tpu.memory_space<vmem>>) offsets(%dma_start3A_215 : memref<128xi32, #tpu.memory_space<vmem>>) semaphore(%arg15 : memref<!tpu.dma_semaphore, #tpu.memory_space<semaphore_mem>>)
      %mul3A_219 = arith.constant 5120 : i32
      %mul3A_220 = arith.muli %add3A, %mul3A_219 : i32
      %mul3A_221 = arith.constant 1280 : i32
      %mul3A_222 = arith.muli %scan3A_16, %mul3A_221 : i32
      %add3A_223 = arith.addi %mul3A_220, %mul3A_222 : i32
      "tpu.region"() ({
        %run_scoped3A = tpu.sem_alloc : memref<!tpu.dma_semaphore, #tpu.memory_space<semaphore_mem>>
        %dma_start3A_429 = arith.constant 0 : i32
        %dma_start3A_430 = tpu.memref_slice %arg6[%add3A_223, %dma_start3A_429] : memref<163840x16xf32, #tpu.memory_space<hbm>> -> memref<1280x16xf32, #tpu.memory_space<hbm>>
        %dma_start3A_431 = arith.constant 0 : i32
        %dma_start3A_432 = tpu.memref_slice %arg6[%add3A_223, %dma_start3A_431] : memref<163840x16xf32, #tpu.memory_space<hbm>> -> memref<1280x16xf32, #tpu.memory_space<hbm>>
        tpu.enqueue_dma source(%dma_start3A_432 : memref<1280x16xf32, #tpu.memory_space<hbm>>) target(%arg12 : memref<1280x16xf32, #tpu.memory_space<vmem>>) target_semaphore(%run_scoped3A : memref<!tpu.dma_semaphore, #tpu.memory_space<semaphore_mem>>)
        %dma_wait3A_433 = arith.constant 0 : i32
        %dma_wait3A_434 = tpu.memref_slice %arg6[%add3A_223, %dma_wait3A_433] : memref<163840x16xf32, #tpu.memory_space<hbm>> -> memref<1280x16xf32, #tpu.memory_space<hbm>>
        %dma_wait3A_435 = arith.constant 0 : i32
        %dma_wait3A_436 = tpu.memref_slice %arg6[%add3A_223, %dma_wait3A_435] : memref<163840x16xf32, #tpu.memory_space<hbm>> -> memref<1280x16xf32, #tpu.memory_space<hbm>>
        tpu.wait_dma2 semaphore(%run_scoped3A : memref<!tpu.dma_semaphore, #tpu.memory_space<semaphore_mem>>) src(%dma_wait3A_436 : memref<1280x16xf32, #tpu.memory_space<hbm>>) dst(%arg12 : memref<1280x16xf32, #tpu.memory_space<vmem>>)
        tpu.yield
      }) : () -> ()
      %dma_wait3A = arith.constant 0 : i32
      %dma_wait3A_224 = arith.constant 0 : i32
      %dma_wait3A_225 = arith.constant 0 : i32
      %dma_wait3A_226 = tpu.memref_slice %arg10[%dma_wait3A_224, %dma_wait3A_225] : memref<1280x16xf32, #tpu.memory_space<vmem>> -> memref<128x16xf32, #tpu.memory_space<vmem>>
      %dma_wait3A_227 = arith.constant 0 : i32
      %dma_wait3A_228 = tpu.memref_slice %arg8[%dma_wait3A, %dma_wait3A_227] : memref<10x128xi32, #tpu.memory_space<vmem>> -> memref<1x128xi32, #tpu.memory_space<vmem>>
      %dma_wait3A_229 = tpu.memref_squeeze %dma_wait3A_228 : memref<1x128xi32, #tpu.memory_space<vmem>> -> memref<128xi32, #tpu.memory_space<vmem>>
      %dma_wait3A_230 = arith.constant 0 : i32
      %dma_wait3A_231 = arith.constant 0 : i32
      %dma_wait3A_232 = tpu.memref_slice %arg13[%dma_wait3A_230, %dma_wait3A_231] : memref<10112x16xf32, #tpu.memory_space<vmem_shared>> -> memref<10112x16xf32, #tpu.memory_space<vmem_shared>>
      tpu.wait_indirect_dma semaphore(%arg15 : memref<!tpu.dma_semaphore, #tpu.memory_space<semaphore_mem>>) src(%dma_wait3A_232 : memref<10112x16xf32, #tpu.memory_space<vmem_shared>>) dst(%dma_wait3A_226 : memref<128x16xf32, #tpu.memory_space<vmem>>)
      %dma_wait3A_233 = arith.constant 0 : i32
      %dma_wait3A_234 = arith.constant 0 : i32
      %dma_wait3A_235 = arith.constant 0 : i32
      %dma_wait3A_236 = tpu.memref_slice %arg11[%dma_wait3A_234, %dma_wait3A_235] : memref<1280x16xf32, #tpu.memory_space<vmem>> -> memref<128x16xf32, #tpu.memory_space<vmem>>
      %dma_wait3A_237 = arith.constant 0 : i32
      %dma_wait3A_238 = tpu.memref_slice %arg9[%dma_wait3A_233, %dma_wait3A_237] : memref<10x128xi32, #tpu.memory_space<vmem>> -> memref<1x128xi32, #tpu.memory_space<vmem>>
      %dma_wait3A_239 = tpu.memref_squeeze %dma_wait3A_238 : memref<1x128xi32, #tpu.memory_space<vmem>> -> memref<128xi32, #tpu.memory_space<vmem>>
      %dma_wait3A_240 = arith.constant 0 : i32
      %dma_wait3A_241 = arith.constant 0 : i32
      %dma_wait3A_242 = tpu.memref_slice %arg14[%dma_wait3A_240, %dma_wait3A_241] : memref<10112x16xf32, #tpu.memory_space<vmem_shared>> -> memref<10112x16xf32, #tpu.memory_space<vmem_shared>>
      tpu.wait_indirect_dma semaphore(%arg15 : memref<!tpu.dma_semaphore, #tpu.memory_space<semaphore_mem>>) src(%dma_wait3A_242 : memref<10112x16xf32, #tpu.memory_space<vmem_shared>>) dst(%dma_wait3A_236 : memref<128x16xf32, #tpu.memory_space<vmem>>)
      %dma_wait3A_243 = arith.constant 1 : i32
      %dma_wait3A_244 = arith.constant 128 : i32
      %dma_wait3A_245 = arith.constant 0 : i32
      %dma_wait3A_246 = tpu.memref_slice %arg10[%dma_wait3A_244, %dma_wait3A_245] : memref<1280x16xf32, #tpu.memory_space<vmem>> -> memref<128x16xf32, #tpu.memory_space<vmem>>
      %dma_wait3A_247 = arith.constant 0 : i32
      %dma_wait3A_248 = tpu.memref_slice %arg8[%dma_wait3A_243, %dma_wait3A_247] : memref<10x128xi32, #tpu.memory_space<vmem>> -> memref<1x128xi32, #tpu.memory_space<vmem>>
      %dma_wait3A_249 = tpu.memref_squeeze %dma_wait3A_248 : memref<1x128xi32, #tpu.memory_space<vmem>> -> memref<128xi32, #tpu.memory_space<vmem>>
      %dma_wait3A_250 = arith.constant 0 : i32
      %dma_wait3A_251 = arith.constant 0 : i32
      %dma_wait3A_252 = tpu.memref_slice %arg13[%dma_wait3A_250, %dma_wait3A_251] : memref<10112x16xf32, #tpu.memory_space<vmem_shared>> -> memref<10112x16xf32, #tpu.memory_space<vmem_shared>>
      tpu.wait_indirect_dma semaphore(%arg15 : memref<!tpu.dma_semaphore, #tpu.memory_space<semaphore_mem>>) src(%dma_wait3A_252 : memref<10112x16xf32, #tpu.memory_space<vmem_shared>>) dst(%dma_wait3A_246 : memref<128x16xf32, #tpu.memory_space<vmem>>)
      %dma_wait3A_253 = arith.constant 1 : i32
      %dma_wait3A_254 = arith.constant 128 : i32
      %dma_wait3A_255 = arith.constant 0 : i32
      %dma_wait3A_256 = tpu.memref_slice %arg11[%dma_wait3A_254, %dma_wait3A_255] : memref<1280x16xf32, #tpu.memory_space<vmem>> -> memref<128x16xf32, #tpu.memory_space<vmem>>
      %dma_wait3A_257 = arith.constant 0 : i32
      %dma_wait3A_258 = tpu.memref_slice %arg9[%dma_wait3A_253, %dma_wait3A_257] : memref<10x128xi32, #tpu.memory_space<vmem>> -> memref<1x128xi32, #tpu.memory_space<vmem>>
      %dma_wait3A_259 = tpu.memref_squeeze %dma_wait3A_258 : memref<1x128xi32, #tpu.memory_space<vmem>> -> memref<128xi32, #tpu.memory_space<vmem>>
      %dma_wait3A_260 = arith.constant 0 : i32
      %dma_wait3A_261 = arith.constant 0 : i32
      %dma_wait3A_262 = tpu.memref_slice %arg14[%dma_wait3A_260, %dma_wait3A_261] : memref<10112x16xf32, #tpu.memory_space<vmem_shared>> -> memref<10112x16xf32, #tpu.memory_space<vmem_shared>>
      tpu.wait_indirect_dma semaphore(%arg15 : memref<!tpu.dma_semaphore, #tpu.memory_space<semaphore_mem>>) src(%dma_wait3A_262 : memref<10112x16xf32, #tpu.memory_space<vmem_shared>>) dst(%dma_wait3A_256 : memref<128x16xf32, #tpu.memory_space<vmem>>)
      %dma_wait3A_263 = arith.constant 2 : i32
      %dma_wait3A_264 = arith.constant 256 : i32
      %dma_wait3A_265 = arith.constant 0 : i32
      %dma_wait3A_266 = tpu.memref_slice %arg10[%dma_wait3A_264, %dma_wait3A_265] : memref<1280x16xf32, #tpu.memory_space<vmem>> -> memref<128x16xf32, #tpu.memory_space<vmem>>
      %dma_wait3A_267 = arith.constant 0 : i32
      %dma_wait3A_268 = tpu.memref_slice %arg8[%dma_wait3A_263, %dma_wait3A_267] : memref<10x128xi32, #tpu.memory_space<vmem>> -> memref<1x128xi32, #tpu.memory_space<vmem>>
      %dma_wait3A_269 = tpu.memref_squeeze %dma_wait3A_268 : memref<1x128xi32, #tpu.memory_space<vmem>> -> memref<128xi32, #tpu.memory_space<vmem>>
      %dma_wait3A_270 = arith.constant 0 : i32
      %dma_wait3A_271 = arith.constant 0 : i32
      %dma_wait3A_272 = tpu.memref_slice %arg13[%dma_wait3A_270, %dma_wait3A_271] : memref<10112x16xf32, #tpu.memory_space<vmem_shared>> -> memref<10112x16xf32, #tpu.memory_space<vmem_shared>>
      tpu.wait_indirect_dma semaphore(%arg15 : memref<!tpu.dma_semaphore, #tpu.memory_space<semaphore_mem>>) src(%dma_wait3A_272 : memref<10112x16xf32, #tpu.memory_space<vmem_shared>>) dst(%dma_wait3A_266 : memref<128x16xf32, #tpu.memory_space<vmem>>)
      %dma_wait3A_273 = arith.constant 2 : i32
      %dma_wait3A_274 = arith.constant 256 : i32
      %dma_wait3A_275 = arith.constant 0 : i32
      %dma_wait3A_276 = tpu.memref_slice %arg11[%dma_wait3A_274, %dma_wait3A_275] : memref<1280x16xf32, #tpu.memory_space<vmem>> -> memref<128x16xf32, #tpu.memory_space<vmem>>
      %dma_wait3A_277 = arith.constant 0 : i32
      %dma_wait3A_278 = tpu.memref_slice %arg9[%dma_wait3A_273, %dma_wait3A_277] : memref<10x128xi32, #tpu.memory_space<vmem>> -> memref<1x128xi32, #tpu.memory_space<vmem>>
      %dma_wait3A_279 = tpu.memref_squeeze %dma_wait3A_278 : memref<1x128xi32, #tpu.memory_space<vmem>> -> memref<128xi32, #tpu.memory_space<vmem>>
      %dma_wait3A_280 = arith.constant 0 : i32
      %dma_wait3A_281 = arith.constant 0 : i32
      %dma_wait3A_282 = tpu.memref_slice %arg14[%dma_wait3A_280, %dma_wait3A_281] : memref<10112x16xf32, #tpu.memory_space<vmem_shared>> -> memref<10112x16xf32, #tpu.memory_space<vmem_shared>>
      tpu.wait_indirect_dma semaphore(%arg15 : memref<!tpu.dma_semaphore, #tpu.memory_space<semaphore_mem>>) src(%dma_wait3A_282 : memref<10112x16xf32, #tpu.memory_space<vmem_shared>>) dst(%dma_wait3A_276 : memref<128x16xf32, #tpu.memory_space<vmem>>)
      %dma_wait3A_283 = arith.constant 3 : i32
      %dma_wait3A_284 = arith.constant 384 : i32
      %dma_wait3A_285 = arith.constant 0 : i32
      %dma_wait3A_286 = tpu.memref_slice %arg10[%dma_wait3A_284, %dma_wait3A_285] : memref<1280x16xf32, #tpu.memory_space<vmem>> -> memref<128x16xf32, #tpu.memory_space<vmem>>
      %dma_wait3A_287 = arith.constant 0 : i32
      %dma_wait3A_288 = tpu.memref_slice %arg8[%dma_wait3A_283, %dma_wait3A_287] : memref<10x128xi32, #tpu.memory_space<vmem>> -> memref<1x128xi32, #tpu.memory_space<vmem>>
      %dma_wait3A_289 = tpu.memref_squeeze %dma_wait3A_288 : memref<1x128xi32, #tpu.memory_space<vmem>> -> memref<128xi32, #tpu.memory_space<vmem>>
      %dma_wait3A_290 = arith.constant 0 : i32
      %dma_wait3A_291 = arith.constant 0 : i32
      %dma_wait3A_292 = tpu.memref_slice %arg13[%dma_wait3A_290, %dma_wait3A_291] : memref<10112x16xf32, #tpu.memory_space<vmem_shared>> -> memref<10112x16xf32, #tpu.memory_space<vmem_shared>>
      tpu.wait_indirect_dma semaphore(%arg15 : memref<!tpu.dma_semaphore, #tpu.memory_space<semaphore_mem>>) src(%dma_wait3A_292 : memref<10112x16xf32, #tpu.memory_space<vmem_shared>>) dst(%dma_wait3A_286 : memref<128x16xf32, #tpu.memory_space<vmem>>)
      %dma_wait3A_293 = arith.constant 3 : i32
      %dma_wait3A_294 = arith.constant 384 : i32
      %dma_wait3A_295 = arith.constant 0 : i32
      %dma_wait3A_296 = tpu.memref_slice %arg11[%dma_wait3A_294, %dma_wait3A_295] : memref<1280x16xf32, #tpu.memory_space<vmem>> -> memref<128x16xf32, #tpu.memory_space<vmem>>
      %dma_wait3A_297 = arith.constant 0 : i32
      %dma_wait3A_298 = tpu.memref_slice %arg9[%dma_wait3A_293, %dma_wait3A_297] : memref<10x128xi32, #tpu.memory_space<vmem>> -> memref<1x128xi32, #tpu.memory_space<vmem>>
      %dma_wait3A_299 = tpu.memref_squeeze %dma_wait3A_298 : memref<1x128xi32, #tpu.memory_space<vmem>> -> memref<128xi32, #tpu.memory_space<vmem>>
      %dma_wait3A_300 = arith.constant 0 : i32
      %dma_wait3A_301 = arith.constant 0 : i32
      %dma_wait3A_302 = tpu.memref_slice %arg14[%dma_wait3A_300, %dma_wait3A_301] : memref<10112x16xf32, #tpu.memory_space<vmem_shared>> -> memref<10112x16xf32, #tpu.memory_space<vmem_shared>>
      tpu.wait_indirect_dma semaphore(%arg15 : memref<!tpu.dma_semaphore, #tpu.memory_space<semaphore_mem>>) src(%dma_wait3A_302 : memref<10112x16xf32, #tpu.memory_space<vmem_shared>>) dst(%dma_wait3A_296 : memref<128x16xf32, #tpu.memory_space<vmem>>)
      %dma_wait3A_303 = arith.constant 4 : i32
      %dma_wait3A_304 = arith.constant 512 : i32
      %dma_wait3A_305 = arith.constant 0 : i32
      %dma_wait3A_306 = tpu.memref_slice %arg10[%dma_wait3A_304, %dma_wait3A_305] : memref<1280x16xf32, #tpu.memory_space<vmem>> -> memref<128x16xf32, #tpu.memory_space<vmem>>
      %dma_wait3A_307 = arith.constant 0 : i32
      %dma_wait3A_308 = tpu.memref_slice %arg8[%dma_wait3A_303, %dma_wait3A_307] : memref<10x128xi32, #tpu.memory_space<vmem>> -> memref<1x128xi32, #tpu.memory_space<vmem>>
      %dma_wait3A_309 = tpu.memref_squeeze %dma_wait3A_308 : memref<1x128xi32, #tpu.memory_space<vmem>> -> memref<128xi32, #tpu.memory_space<vmem>>
      %dma_wait3A_310 = arith.constant 0 : i32
      %dma_wait3A_311 = arith.constant 0 : i32
      %dma_wait3A_312 = tpu.memref_slice %arg13[%dma_wait3A_310, %dma_wait3A_311] : memref<10112x16xf32, #tpu.memory_space<vmem_shared>> -> memref<10112x16xf32, #tpu.memory_space<vmem_shared>>
      tpu.wait_indirect_dma semaphore(%arg15 : memref<!tpu.dma_semaphore, #tpu.memory_space<semaphore_mem>>) src(%dma_wait3A_312 : memref<10112x16xf32, #tpu.memory_space<vmem_shared>>) dst(%dma_wait3A_306 : memref<128x16xf32, #tpu.memory_space<vmem>>)
      %dma_wait3A_313 = arith.constant 4 : i32
      %dma_wait3A_314 = arith.constant 512 : i32
      %dma_wait3A_315 = arith.constant 0 : i32
      %dma_wait3A_316 = tpu.memref_slice %arg11[%dma_wait3A_314, %dma_wait3A_315] : memref<1280x16xf32, #tpu.memory_space<vmem>> -> memref<128x16xf32, #tpu.memory_space<vmem>>
      %dma_wait3A_317 = arith.constant 0 : i32
      %dma_wait3A_318 = tpu.memref_slice %arg9[%dma_wait3A_313, %dma_wait3A_317] : memref<10x128xi32, #tpu.memory_space<vmem>> -> memref<1x128xi32, #tpu.memory_space<vmem>>
      %dma_wait3A_319 = tpu.memref_squeeze %dma_wait3A_318 : memref<1x128xi32, #tpu.memory_space<vmem>> -> memref<128xi32, #tpu.memory_space<vmem>>
      %dma_wait3A_320 = arith.constant 0 : i32
      %dma_wait3A_321 = arith.constant 0 : i32
      %dma_wait3A_322 = tpu.memref_slice %arg14[%dma_wait3A_320, %dma_wait3A_321] : memref<10112x16xf32, #tpu.memory_space<vmem_shared>> -> memref<10112x16xf32, #tpu.memory_space<vmem_shared>>
      tpu.wait_indirect_dma semaphore(%arg15 : memref<!tpu.dma_semaphore, #tpu.memory_space<semaphore_mem>>) src(%dma_wait3A_322 : memref<10112x16xf32, #tpu.memory_space<vmem_shared>>) dst(%dma_wait3A_316 : memref<128x16xf32, #tpu.memory_space<vmem>>)
      %dma_wait3A_323 = arith.constant 5 : i32
      %dma_wait3A_324 = arith.constant 640 : i32
      %dma_wait3A_325 = arith.constant 0 : i32
      %dma_wait3A_326 = tpu.memref_slice %arg10[%dma_wait3A_324, %dma_wait3A_325] : memref<1280x16xf32, #tpu.memory_space<vmem>> -> memref<128x16xf32, #tpu.memory_space<vmem>>
      %dma_wait3A_327 = arith.constant 0 : i32
      %dma_wait3A_328 = tpu.memref_slice %arg8[%dma_wait3A_323, %dma_wait3A_327] : memref<10x128xi32, #tpu.memory_space<vmem>> -> memref<1x128xi32, #tpu.memory_space<vmem>>
      %dma_wait3A_329 = tpu.memref_squeeze %dma_wait3A_328 : memref<1x128xi32, #tpu.memory_space<vmem>> -> memref<128xi32, #tpu.memory_space<vmem>>
      %dma_wait3A_330 = arith.constant 0 : i32
      %dma_wait3A_331 = arith.constant 0 : i32
      %dma_wait3A_332 = tpu.memref_slice %arg13[%dma_wait3A_330, %dma_wait3A_331] : memref<10112x16xf32, #tpu.memory_space<vmem_shared>> -> memref<10112x16xf32, #tpu.memory_space<vmem_shared>>
      tpu.wait_indirect_dma semaphore(%arg15 : memref<!tpu.dma_semaphore, #tpu.memory_space<semaphore_mem>>) src(%dma_wait3A_332 : memref<10112x16xf32, #tpu.memory_space<vmem_shared>>) dst(%dma_wait3A_326 : memref<128x16xf32, #tpu.memory_space<vmem>>)
      %dma_wait3A_333 = arith.constant 5 : i32
      %dma_wait3A_334 = arith.constant 640 : i32
      %dma_wait3A_335 = arith.constant 0 : i32
      %dma_wait3A_336 = tpu.memref_slice %arg11[%dma_wait3A_334, %dma_wait3A_335] : memref<1280x16xf32, #tpu.memory_space<vmem>> -> memref<128x16xf32, #tpu.memory_space<vmem>>
      %dma_wait3A_337 = arith.constant 0 : i32
      %dma_wait3A_338 = tpu.memref_slice %arg9[%dma_wait3A_333, %dma_wait3A_337] : memref<10x128xi32, #tpu.memory_space<vmem>> -> memref<1x128xi32, #tpu.memory_space<vmem>>
      %dma_wait3A_339 = tpu.memref_squeeze %dma_wait3A_338 : memref<1x128xi32, #tpu.memory_space<vmem>> -> memref<128xi32, #tpu.memory_space<vmem>>
      %dma_wait3A_340 = arith.constant 0 : i32
      %dma_wait3A_341 = arith.constant 0 : i32
      %dma_wait3A_342 = tpu.memref_slice %arg14[%dma_wait3A_340, %dma_wait3A_341] : memref<10112x16xf32, #tpu.memory_space<vmem_shared>> -> memref<10112x16xf32, #tpu.memory_space<vmem_shared>>
      tpu.wait_indirect_dma semaphore(%arg15 : memref<!tpu.dma_semaphore, #tpu.memory_space<semaphore_mem>>) src(%dma_wait3A_342 : memref<10112x16xf32, #tpu.memory_space<vmem_shared>>) dst(%dma_wait3A_336 : memref<128x16xf32, #tpu.memory_space<vmem>>)
      %dma_wait3A_343 = arith.constant 6 : i32
      %dma_wait3A_344 = arith.constant 768 : i32
      %dma_wait3A_345 = arith.constant 0 : i32
      %dma_wait3A_346 = tpu.memref_slice %arg10[%dma_wait3A_344, %dma_wait3A_345] : memref<1280x16xf32, #tpu.memory_space<vmem>> -> memref<128x16xf32, #tpu.memory_space<vmem>>
      %dma_wait3A_347 = arith.constant 0 : i32
      %dma_wait3A_348 = tpu.memref_slice %arg8[%dma_wait3A_343, %dma_wait3A_347] : memref<10x128xi32, #tpu.memory_space<vmem>> -> memref<1x128xi32, #tpu.memory_space<vmem>>
      %dma_wait3A_349 = tpu.memref_squeeze %dma_wait3A_348 : memref<1x128xi32, #tpu.memory_space<vmem>> -> memref<128xi32, #tpu.memory_space<vmem>>
      %dma_wait3A_350 = arith.constant 0 : i32
      %dma_wait3A_351 = arith.constant 0 : i32
      %dma_wait3A_352 = tpu.memref_slice %arg13[%dma_wait3A_350, %dma_wait3A_351] : memref<10112x16xf32, #tpu.memory_space<vmem_shared>> -> memref<10112x16xf32, #tpu.memory_space<vmem_shared>>
      tpu.wait_indirect_dma semaphore(%arg15 : memref<!tpu.dma_semaphore, #tpu.memory_space<semaphore_mem>>) src(%dma_wait3A_352 : memref<10112x16xf32, #tpu.memory_space<vmem_shared>>) dst(%dma_wait3A_346 : memref<128x16xf32, #tpu.memory_space<vmem>>)
      %dma_wait3A_353 = arith.constant 6 : i32
      %dma_wait3A_354 = arith.constant 768 : i32
      %dma_wait3A_355 = arith.constant 0 : i32
      %dma_wait3A_356 = tpu.memref_slice %arg11[%dma_wait3A_354, %dma_wait3A_355] : memref<1280x16xf32, #tpu.memory_space<vmem>> -> memref<128x16xf32, #tpu.memory_space<vmem>>
      %dma_wait3A_357 = arith.constant 0 : i32
      %dma_wait3A_358 = tpu.memref_slice %arg9[%dma_wait3A_353, %dma_wait3A_357] : memref<10x128xi32, #tpu.memory_space<vmem>> -> memref<1x128xi32, #tpu.memory_space<vmem>>
      %dma_wait3A_359 = tpu.memref_squeeze %dma_wait3A_358 : memref<1x128xi32, #tpu.memory_space<vmem>> -> memref<128xi32, #tpu.memory_space<vmem>>
      %dma_wait3A_360 = arith.constant 0 : i32
      %dma_wait3A_361 = arith.constant 0 : i32
      %dma_wait3A_362 = tpu.memref_slice %arg14[%dma_wait3A_360, %dma_wait3A_361] : memref<10112x16xf32, #tpu.memory_space<vmem_shared>> -> memref<10112x16xf32, #tpu.memory_space<vmem_shared>>
      tpu.wait_indirect_dma semaphore(%arg15 : memref<!tpu.dma_semaphore, #tpu.memory_space<semaphore_mem>>) src(%dma_wait3A_362 : memref<10112x16xf32, #tpu.memory_space<vmem_shared>>) dst(%dma_wait3A_356 : memref<128x16xf32, #tpu.memory_space<vmem>>)
      %dma_wait3A_363 = arith.constant 7 : i32
      %dma_wait3A_364 = arith.constant 896 : i32
      %dma_wait3A_365 = arith.constant 0 : i32
      %dma_wait3A_366 = tpu.memref_slice %arg10[%dma_wait3A_364, %dma_wait3A_365] : memref<1280x16xf32, #tpu.memory_space<vmem>> -> memref<128x16xf32, #tpu.memory_space<vmem>>
      %dma_wait3A_367 = arith.constant 0 : i32
      %dma_wait3A_368 = tpu.memref_slice %arg8[%dma_wait3A_363, %dma_wait3A_367] : memref<10x128xi32, #tpu.memory_space<vmem>> -> memref<1x128xi32, #tpu.memory_space<vmem>>
      %dma_wait3A_369 = tpu.memref_squeeze %dma_wait3A_368 : memref<1x128xi32, #tpu.memory_space<vmem>> -> memref<128xi32, #tpu.memory_space<vmem>>
      %dma_wait3A_370 = arith.constant 0 : i32
      %dma_wait3A_371 = arith.constant 0 : i32
      %dma_wait3A_372 = tpu.memref_slice %arg13[%dma_wait3A_370, %dma_wait3A_371] : memref<10112x16xf32, #tpu.memory_space<vmem_shared>> -> memref<10112x16xf32, #tpu.memory_space<vmem_shared>>
      tpu.wait_indirect_dma semaphore(%arg15 : memref<!tpu.dma_semaphore, #tpu.memory_space<semaphore_mem>>) src(%dma_wait3A_372 : memref<10112x16xf32, #tpu.memory_space<vmem_shared>>) dst(%dma_wait3A_366 : memref<128x16xf32, #tpu.memory_space<vmem>>)
      %dma_wait3A_373 = arith.constant 7 : i32
      %dma_wait3A_374 = arith.constant 896 : i32
      %dma_wait3A_375 = arith.constant 0 : i32
      %dma_wait3A_376 = tpu.memref_slice %arg11[%dma_wait3A_374, %dma_wait3A_375] : memref<1280x16xf32, #tpu.memory_space<vmem>> -> memref<128x16xf32, #tpu.memory_space<vmem>>
      %dma_wait3A_377 = arith.constant 0 : i32
      %dma_wait3A_378 = tpu.memref_slice %arg9[%dma_wait3A_373, %dma_wait3A_377] : memref<10x128xi32, #tpu.memory_space<vmem>> -> memref<1x128xi32, #tpu.memory_space<vmem>>
      %dma_wait3A_379 = tpu.memref_squeeze %dma_wait3A_378 : memref<1x128xi32, #tpu.memory_space<vmem>> -> memref<128xi32, #tpu.memory_space<vmem>>
      %dma_wait3A_380 = arith.constant 0 : i32
      %dma_wait3A_381 = arith.constant 0 : i32
      %dma_wait3A_382 = tpu.memref_slice %arg14[%dma_wait3A_380, %dma_wait3A_381] : memref<10112x16xf32, #tpu.memory_space<vmem_shared>> -> memref<10112x16xf32, #tpu.memory_space<vmem_shared>>
      tpu.wait_indirect_dma semaphore(%arg15 : memref<!tpu.dma_semaphore, #tpu.memory_space<semaphore_mem>>) src(%dma_wait3A_382 : memref<10112x16xf32, #tpu.memory_space<vmem_shared>>) dst(%dma_wait3A_376 : memref<128x16xf32, #tpu.memory_space<vmem>>)
      %dma_wait3A_383 = arith.constant 8 : i32
      %dma_wait3A_384 = arith.constant 1024 : i32
      %dma_wait3A_385 = arith.constant 0 : i32
      %dma_wait3A_386 = tpu.memref_slice %arg10[%dma_wait3A_384, %dma_wait3A_385] : memref<1280x16xf32, #tpu.memory_space<vmem>> -> memref<128x16xf32, #tpu.memory_space<vmem>>
      %dma_wait3A_387 = arith.constant 0 : i32
      %dma_wait3A_388 = tpu.memref_slice %arg8[%dma_wait3A_383, %dma_wait3A_387] : memref<10x128xi32, #tpu.memory_space<vmem>> -> memref<1x128xi32, #tpu.memory_space<vmem>>
      %dma_wait3A_389 = tpu.memref_squeeze %dma_wait3A_388 : memref<1x128xi32, #tpu.memory_space<vmem>> -> memref<128xi32, #tpu.memory_space<vmem>>
      %dma_wait3A_390 = arith.constant 0 : i32
      %dma_wait3A_391 = arith.constant 0 : i32
      %dma_wait3A_392 = tpu.memref_slice %arg13[%dma_wait3A_390, %dma_wait3A_391] : memref<10112x16xf32, #tpu.memory_space<vmem_shared>> -> memref<10112x16xf32, #tpu.memory_space<vmem_shared>>
      tpu.wait_indirect_dma semaphore(%arg15 : memref<!tpu.dma_semaphore, #tpu.memory_space<semaphore_mem>>) src(%dma_wait3A_392 : memref<10112x16xf32, #tpu.memory_space<vmem_shared>>) dst(%dma_wait3A_386 : memref<128x16xf32, #tpu.memory_space<vmem>>)
      %dma_wait3A_393 = arith.constant 8 : i32
      %dma_wait3A_394 = arith.constant 1024 : i32
      %dma_wait3A_395 = arith.constant 0 : i32
      %dma_wait3A_396 = tpu.memref_slice %arg11[%dma_wait3A_394, %dma_wait3A_395] : memref<1280x16xf32, #tpu.memory_space<vmem>> -> memref<128x16xf32, #tpu.memory_space<vmem>>
      %dma_wait3A_397 = arith.constant 0 : i32
      %dma_wait3A_398 = tpu.memref_slice %arg9[%dma_wait3A_393, %dma_wait3A_397] : memref<10x128xi32, #tpu.memory_space<vmem>> -> memref<1x128xi32, #tpu.memory_space<vmem>>
      %dma_wait3A_399 = tpu.memref_squeeze %dma_wait3A_398 : memref<1x128xi32, #tpu.memory_space<vmem>> -> memref<128xi32, #tpu.memory_space<vmem>>
      %dma_wait3A_400 = arith.constant 0 : i32
      %dma_wait3A_401 = arith.constant 0 : i32
      %dma_wait3A_402 = tpu.memref_slice %arg14[%dma_wait3A_400, %dma_wait3A_401] : memref<10112x16xf32, #tpu.memory_space<vmem_shared>> -> memref<10112x16xf32, #tpu.memory_space<vmem_shared>>
      tpu.wait_indirect_dma semaphore(%arg15 : memref<!tpu.dma_semaphore, #tpu.memory_space<semaphore_mem>>) src(%dma_wait3A_402 : memref<10112x16xf32, #tpu.memory_space<vmem_shared>>) dst(%dma_wait3A_396 : memref<128x16xf32, #tpu.memory_space<vmem>>)
      %dma_wait3A_403 = arith.constant 9 : i32
      %dma_wait3A_404 = arith.constant 1152 : i32
      %dma_wait3A_405 = arith.constant 0 : i32
      %dma_wait3A_406 = tpu.memref_slice %arg10[%dma_wait3A_404, %dma_wait3A_405] : memref<1280x16xf32, #tpu.memory_space<vmem>> -> memref<128x16xf32, #tpu.memory_space<vmem>>
      %dma_wait3A_407 = arith.constant 0 : i32
      %dma_wait3A_408 = tpu.memref_slice %arg8[%dma_wait3A_403, %dma_wait3A_407] : memref<10x128xi32, #tpu.memory_space<vmem>> -> memref<1x128xi32, #tpu.memory_space<vmem>>
      %dma_wait3A_409 = tpu.memref_squeeze %dma_wait3A_408 : memref<1x128xi32, #tpu.memory_space<vmem>> -> memref<128xi32, #tpu.memory_space<vmem>>
      %dma_wait3A_410 = arith.constant 0 : i32
      %dma_wait3A_411 = arith.constant 0 : i32
      %dma_wait3A_412 = tpu.memref_slice %arg13[%dma_wait3A_410, %dma_wait3A_411] : memref<10112x16xf32, #tpu.memory_space<vmem_shared>> -> memref<10112x16xf32, #tpu.memory_space<vmem_shared>>
      tpu.wait_indirect_dma semaphore(%arg15 : memref<!tpu.dma_semaphore, #tpu.memory_space<semaphore_mem>>) src(%dma_wait3A_412 : memref<10112x16xf32, #tpu.memory_space<vmem_shared>>) dst(%dma_wait3A_406 : memref<128x16xf32, #tpu.memory_space<vmem>>)
      %dma_wait3A_413 = arith.constant 9 : i32
      %dma_wait3A_414 = arith.constant 1152 : i32
      %dma_wait3A_415 = arith.constant 0 : i32
      %dma_wait3A_416 = tpu.memref_slice %arg11[%dma_wait3A_414, %dma_wait3A_415] : memref<1280x16xf32, #tpu.memory_space<vmem>> -> memref<128x16xf32, #tpu.memory_space<vmem>>
      %dma_wait3A_417 = arith.constant 0 : i32
      %dma_wait3A_418 = tpu.memref_slice %arg9[%dma_wait3A_413, %dma_wait3A_417] : memref<10x128xi32, #tpu.memory_space<vmem>> -> memref<1x128xi32, #tpu.memory_space<vmem>>
      %dma_wait3A_419 = tpu.memref_squeeze %dma_wait3A_418 : memref<1x128xi32, #tpu.memory_space<vmem>> -> memref<128xi32, #tpu.memory_space<vmem>>
      %dma_wait3A_420 = arith.constant 0 : i32
      %dma_wait3A_421 = arith.constant 0 : i32
      %dma_wait3A_422 = tpu.memref_slice %arg14[%dma_wait3A_420, %dma_wait3A_421] : memref<10112x16xf32, #tpu.memory_space<vmem_shared>> -> memref<10112x16xf32, #tpu.memory_space<vmem_shared>>
      tpu.wait_indirect_dma semaphore(%arg15 : memref<!tpu.dma_semaphore, #tpu.memory_space<semaphore_mem>>) src(%dma_wait3A_422 : memref<10112x16xf32, #tpu.memory_space<vmem_shared>>) dst(%dma_wait3A_416 : memref<128x16xf32, #tpu.memory_space<vmem>>)
      %scan3A_423 = arith.constant 0 : i32
      %scan3A_424 = arith.constant 0 : i32
      %scan3A_425 = arith.constant 1280 : i32
      %scan3A_426 = arith.addi %scan3A_424, %scan3A_425 : i32
      %scan3A_427 = arith.constant 4 : i32
      scf.for %scan3A_429 = %scan3A_424 to %scan3A_426 step %scan3A_427  : i32 {
        %get3A = arith.index_cast %scan3A_429 : i32 to index
        %get3A_430 = arith.constant 0 : index
        %get3A_431 = tpu.vector_load %arg12[%get3A, %get3A_430] {strides = array<i32>} : memref<1280x16xf32, #tpu.memory_space<vmem>>, vector<1x16xf32>,
        %get3A_432 = vector.shape_cast %get3A_431 : vector<1x16xf32> to vector<16xf32>
        %get3A_433 = arith.index_cast %scan3A_429 : i32 to index
        %get3A_434 = arith.constant 0 : index
        %get3A_435 = tpu.vector_load %arg10[%get3A_433, %get3A_434] {strides = array<i32>} : memref<1280x16xf32, #tpu.memory_space<vmem>>, vector<1x16xf32>,
        %get3A_436 = vector.shape_cast %get3A_435 : vector<1x16xf32> to vector<16xf32>
        %add3A_437 = arith.addf %get3A_432, %get3A_436 : vector<16xf32>
        %get3A_438 = arith.index_cast %scan3A_429 : i32 to index
        %get3A_439 = arith.constant 0 : index
        %get3A_440 = tpu.vector_load %arg11[%get3A_438, %get3A_439] {strides = array<i32>} : memref<1280x16xf32, #tpu.memory_space<vmem>>, vector<1x16xf32>,
        %get3A_441 = vector.shape_cast %get3A_440 : vector<1x16xf32> to vector<16xf32>
        %add3A_442 = arith.addf %add3A_437, %get3A_441 : vector<16xf32>
        %max3A = arith.constant 0.000000e+00 : f32
        %max3A_443 = vector.broadcast %max3A : f32 to vector<16xf32>
        %max3A_444 = arith.maximumf %add3A_442, %max3A_443 : vector<16xf32>
        %swap3A = arith.index_cast %scan3A_429 : i32 to index
        %swap3A_445 = arith.constant 0 : index
        %swap3A_446 = tpu.vector_load %arg12[%swap3A, %swap3A_445] {strides = array<i32>} : memref<1280x16xf32, #tpu.memory_space<vmem>>, vector<1x16xf32>,
        %swap3A_447 = vector.shape_cast %swap3A_446 : vector<1x16xf32> to vector<16xf32>
        %swap3A_448 = vector.shape_cast %max3A_444 : vector<16xf32> to vector<1x16xf32>
        tpu.vector_store %arg12[%swap3A, %swap3A_445], %swap3A_448 {strides = array<i32>} : memref<1280x16xf32, #tpu.memory_space<vmem>>, vector<1x16xf32>,
        %scan3A_449 = arith.constant 1 : i32
        %scan3A_450 = arith.addi %scan3A_429, %scan3A_449 : i32
        %get3A_451 = arith.index_cast %scan3A_450 : i32 to index
        %get3A_452 = arith.constant 0 : index
        %get3A_453 = tpu.vector_load %arg12[%get3A_451, %get3A_452] {strides = array<i32>} : memref<1280x16xf32, #tpu.memory_space<vmem>>, vector<1x16xf32>,
        %get3A_454 = vector.shape_cast %get3A_453 : vector<1x16xf32> to vector<16xf32>
        %get3A_455 = arith.index_cast %scan3A_450 : i32 to index
        %get3A_456 = arith.constant 0 : index
        %get3A_457 = tpu.vector_load %arg10[%get3A_455, %get3A_456] {strides = array<i32>} : memref<1280x16xf32, #tpu.memory_space<vmem>>, vector<1x16xf32>,
        %get3A_458 = vector.shape_cast %get3A_457 : vector<1x16xf32> to vector<16xf32>
        %add3A_459 = arith.addf %get3A_454, %get3A_458 : vector<16xf32>
        %get3A_460 = arith.index_cast %scan3A_450 : i32 to index
        %get3A_461 = arith.constant 0 : index
        %get3A_462 = tpu.vector_load %arg11[%get3A_460, %get3A_461] {strides = array<i32>} : memref<1280x16xf32, #tpu.memory_space<vmem>>, vector<1x16xf32>,
        %get3A_463 = vector.shape_cast %get3A_462 : vector<1x16xf32> to vector<16xf32>
        %add3A_464 = arith.addf %add3A_459, %get3A_463 : vector<16xf32>
        %max3A_465 = arith.constant 0.000000e+00 : f32
        %max3A_466 = vector.broadcast %max3A_465 : f32 to vector<16xf32>
        %max3A_467 = arith.maximumf %add3A_464, %max3A_466 : vector<16xf32>
        %swap3A_468 = arith.index_cast %scan3A_450 : i32 to index
        %swap3A_469 = arith.constant 0 : index
        %swap3A_470 = tpu.vector_load %arg12[%swap3A_468, %swap3A_469] {strides = array<i32>} : memref<1280x16xf32, #tpu.memory_space<vmem>>, vector<1x16xf32>,
        %swap3A_471 = vector.shape_cast %swap3A_470 : vector<1x16xf32> to vector<16xf32>
        %swap3A_472 = vector.shape_cast %max3A_467 : vector<16xf32> to vector<1x16xf32>
        tpu.vector_store %arg12[%swap3A_468, %swap3A_469], %swap3A_472 {strides = array<i32>} : memref<1280x16xf32, #tpu.memory_space<vmem>>, vector<1x16xf32>,
        %scan3A_473 = arith.constant 2 : i32
        %scan3A_474 = arith.addi %scan3A_429, %scan3A_473 : i32
        %get3A_475 = arith.index_cast %scan3A_474 : i32 to index
        %get3A_476 = arith.constant 0 : index
        %get3A_477 = tpu.vector_load %arg12[%get3A_475, %get3A_476] {strides = array<i32>} : memref<1280x16xf32, #tpu.memory_space<vmem>>, vector<1x16xf32>,
        %get3A_478 = vector.shape_cast %get3A_477 : vector<1x16xf32> to vector<16xf32>
        %get3A_479 = arith.index_cast %scan3A_474 : i32 to index
        %get3A_480 = arith.constant 0 : index
        %get3A_481 = tpu.vector_load %arg10[%get3A_479, %get3A_480] {strides = array<i32>} : memref<1280x16xf32, #tpu.memory_space<vmem>>, vector<1x16xf32>,
        %get3A_482 = vector.shape_cast %get3A_481 : vector<1x16xf32> to vector<16xf32>
        %add3A_483 = arith.addf %get3A_478, %get3A_482 : vector<16xf32>
        %get3A_484 = arith.index_cast %scan3A_474 : i32 to index
        %get3A_485 = arith.constant 0 : index
        %get3A_486 = tpu.vector_load %arg11[%get3A_484, %get3A_485] {strides = array<i32>} : memref<1280x16xf32, #tpu.memory_space<vmem>>, vector<1x16xf32>,
        %get3A_487 = vector.shape_cast %get3A_486 : vector<1x16xf32> to vector<16xf32>
        %add3A_488 = arith.addf %add3A_483, %get3A_487 : vector<16xf32>
        %max3A_489 = arith.constant 0.000000e+00 : f32
        %max3A_490 = vector.broadcast %max3A_489 : f32 to vector<16xf32>
        %max3A_491 = arith.maximumf %add3A_488, %max3A_490 : vector<16xf32>
        %swap3A_492 = arith.index_cast %scan3A_474 : i32 to index
        %swap3A_493 = arith.constant 0 : index
        %swap3A_494 = tpu.vector_load %arg12[%swap3A_492, %swap3A_493] {strides = array<i32>} : memref<1280x16xf32, #tpu.memory_space<vmem>>, vector<1x16xf32>,
        %swap3A_495 = vector.shape_cast %swap3A_494 : vector<1x16xf32> to vector<16xf32>
        %swap3A_496 = vector.shape_cast %max3A_491 : vector<16xf32> to vector<1x16xf32>
        tpu.vector_store %arg12[%swap3A_492, %swap3A_493], %swap3A_496 {strides = array<i32>} : memref<1280x16xf32, #tpu.memory_space<vmem>>, vector<1x16xf32>,
        %scan3A_497 = arith.constant 3 : i32
        %scan3A_498 = arith.addi %scan3A_429, %scan3A_497 : i32
        %get3A_499 = arith.index_cast %scan3A_498 : i32 to index
        %get3A_500 = arith.constant 0 : index
        %get3A_501 = tpu.vector_load %arg12[%get3A_499, %get3A_500] {strides = array<i32>} : memref<1280x16xf32, #tpu.memory_space<vmem>>, vector<1x16xf32>,
        %get3A_502 = vector.shape_cast %get3A_501 : vector<1x16xf32> to vector<16xf32>
        %get3A_503 = arith.index_cast %scan3A_498 : i32 to index
        %get3A_504 = arith.constant 0 : index
        %get3A_505 = tpu.vector_load %arg10[%get3A_503, %get3A_504] {strides = array<i32>} : memref<1280x16xf32, #tpu.memory_space<vmem>>, vector<1x16xf32>,
        %get3A_506 = vector.shape_cast %get3A_505 : vector<1x16xf32> to vector<16xf32>
        %add3A_507 = arith.addf %get3A_502, %get3A_506 : vector<16xf32>
        %get3A_508 = arith.index_cast %scan3A_498 : i32 to index
        %get3A_509 = arith.constant 0 : index
        %get3A_510 = tpu.vector_load %arg11[%get3A_508, %get3A_509] {strides = array<i32>} : memref<1280x16xf32, #tpu.memory_space<vmem>>, vector<1x16xf32>,
        %get3A_511 = vector.shape_cast %get3A_510 : vector<1x16xf32> to vector<16xf32>
        %add3A_512 = arith.addf %add3A_507, %get3A_511 : vector<16xf32>
        %max3A_513 = arith.constant 0.000000e+00 : f32
        %max3A_514 = vector.broadcast %max3A_513 : f32 to vector<16xf32>
        %max3A_515 = arith.maximumf %add3A_512, %max3A_514 : vector<16xf32>
        %swap3A_516 = arith.index_cast %scan3A_498 : i32 to index
        %swap3A_517 = arith.constant 0 : index
        %swap3A_518 = tpu.vector_load %arg12[%swap3A_516, %swap3A_517] {strides = array<i32>} : memref<1280x16xf32, #tpu.memory_space<vmem>>, vector<1x16xf32>,
        %swap3A_519 = vector.shape_cast %swap3A_518 : vector<1x16xf32> to vector<16xf32>
        %swap3A_520 = vector.shape_cast %max3A_515 : vector<16xf32> to vector<1x16xf32>
        tpu.vector_store %arg12[%swap3A_516, %swap3A_517], %swap3A_520 {strides = array<i32>} : memref<1280x16xf32, #tpu.memory_space<vmem>>, vector<1x16xf32>,
      }
      %scan3A_428 = arith.constant 1280 : i32
      "tpu.region"() ({
        %run_scoped3A = tpu.sem_alloc : memref<!tpu.dma_semaphore, #tpu.memory_space<semaphore_mem>>
        %dma_start3A_429 = arith.constant 0 : i32
        %dma_start3A_430 = tpu.memref_slice %arg7[%add3A_223, %dma_start3A_429] : memref<163840x16xf32, #tpu.memory_space<hbm>> -> memref<1280x16xf32, #tpu.memory_space<hbm>>
        %dma_start3A_431 = arith.constant 0 : i32
        %dma_start3A_432 = tpu.memref_slice %arg7[%add3A_223, %dma_start3A_431] : memref<163840x16xf32, #tpu.memory_space<hbm>> -> memref<1280x16xf32, #tpu.memory_space<hbm>>
        tpu.enqueue_dma source(%arg12 : memref<1280x16xf32, #tpu.memory_space<vmem>>) target(%dma_start3A_432 : memref<1280x16xf32, #tpu.memory_space<hbm>>) target_semaphore(%run_scoped3A : memref<!tpu.dma_semaphore, #tpu.memory_space<semaphore_mem>>)
        %dma_wait3A_433 = arith.constant 0 : i32
        %dma_wait3A_434 = tpu.memref_slice %arg7[%add3A_223, %dma_wait3A_433] : memref<163840x16xf32, #tpu.memory_space<hbm>> -> memref<1280x16xf32, #tpu.memory_space<hbm>>
        %dma_wait3A_435 = arith.constant 0 : i32
        %dma_wait3A_436 = tpu.memref_slice %arg7[%add3A_223, %dma_wait3A_435] : memref<163840x16xf32, #tpu.memory_space<hbm>> -> memref<1280x16xf32, #tpu.memory_space<hbm>>
        tpu.wait_dma2 semaphore(%run_scoped3A : memref<!tpu.dma_semaphore, #tpu.memory_space<semaphore_mem>>) src(%arg12 : memref<1280x16xf32, #tpu.memory_space<vmem>>) dst(%dma_wait3A_436 : memref<1280x16xf32, #tpu.memory_space<hbm>>)
        tpu.yield
      }) : () -> ()
    }
    %scan3A_15 = arith.constant 4 : i32
    return
  }
}

module attributes {stable_mosaic.version = 14 : i64} {
  func.func @_node_proj_body(%arg0: memref<10112x128xf32, #tpu.memory_space<vmem>>, %arg1: memref<128x32xf32, #tpu.memory_space<vmem>>, %arg2: memref<10112x16xf32, #tpu.memory_space<vmem>>, %arg3: memref<10112x16xf32, #tpu.memory_space<vmem>>) attributes {dimension_semantics = [], scalar_prefetch = 0 : i64, scratch_operands = 0 : i64, tpu.core_type = #tpu.core_type<tc>} {
    %get3A = arith.constant 0 : index
    %get3A_0 = arith.constant 0 : index
    %get3A_1 = vector.load %arg0[%get3A, %get3A_0] : memref<10112x128xf32, #tpu.memory_space<vmem>>, vector<10112x128xf32>
    %get3A_2 = arith.constant 0 : index
    %get3A_3 = arith.constant 0 : index
    %get3A_4 = vector.load %arg1[%get3A_2, %get3A_3] : memref<128x32xf32, #tpu.memory_space<vmem>>, vector<128x32xf32>
    %dot_general3A = arith.constant dense<0.000000e+00> : vector<10112x32xf32>
    %dot_general3A_5 = tpu.matmul %get3A_1, %get3A_4, %dot_general3A {dimension_numbers = #tpu.dot_dimension_numbers<[1], [0], [0], [1], [0, 0, 1, 1], [], []>, transpose_lhs_hint = false} : vector<10112x128xf32>, vector<128x32xf32>, vector<10112x32xf32> -> vector<10112x32xf32>
    %slice3A = vector.extract_strided_slice %dot_general3A_5 {offsets = [0, 0], sizes = [10112, 16], strides = [1, 1]} : vector<10112x32xf32> to vector<10112x16xf32>
    %swap3A = arith.constant 0 : index
    %swap3A_6 = arith.constant 0 : index
    %swap3A_7 = vector.load %arg2[%swap3A, %swap3A_6] : memref<10112x16xf32, #tpu.memory_space<vmem>>, vector<10112x16xf32>
    tpu.vector_store %arg2[%swap3A, %swap3A_6], %slice3A {strides = array<i32>} : memref<10112x16xf32, #tpu.memory_space<vmem>>, vector<10112x16xf32>,
    %slice3A_8 = vector.extract_strided_slice %dot_general3A_5 {offsets = [0, 16], sizes = [10112, 16], strides = [1, 1]} : vector<10112x32xf32> to vector<10112x16xf32>
    %swap3A_9 = arith.constant 0 : index
    %swap3A_10 = arith.constant 0 : index
    %swap3A_11 = vector.load %arg3[%swap3A_9, %swap3A_10] : memref<10112x16xf32, #tpu.memory_space<vmem>>, vector<10112x16xf32>
    tpu.vector_store %arg3[%swap3A_9, %swap3A_10], %slice3A_8 {strides = array<i32>} : memref<10112x16xf32, #tpu.memory_space<vmem>>, vector<10112x16xf32>,
    return
  }
}

module attributes {stable_mosaic.version = 14 : i64} {
  func.func @_edge_proj_packed_body(%arg0: i32, %arg1: memref<1024x128xf32, #tpu.memory_space<vmem>>, %arg2: memref<128x128xf32, #tpu.memory_space<vmem>>, %arg3: memref<1x128xf32, #tpu.memory_space<vmem>>, %arg4: memref<1024x128xf32, #tpu.memory_space<vmem>>) attributes {dimension_semantics = [#tpu.dimension_semantics<arbitrary>], iteration_bounds = array<i64: 20>, scalar_prefetch = 0 : i64, scratch_operands = 0 : i64, tpu.core_type = #tpu.core_type<tc>, window_params = [{transform_indices = @transform_0, window_bounds = array<i64: 1024, 128>}, {pipeline_mode = #tpu.pipeline_mode<synchronous>, transform_indices = @transform_1, window_bounds = array<i64: 128, 128>}, {pipeline_mode = #tpu.pipeline_mode<synchronous>, transform_indices = @transform_2, window_bounds = array<i64: 1, 128>}, {transform_indices = @transform_3, window_bounds = array<i64: 1024, 128>}]} {
    %get3A = arith.constant 0 : index
    %get3A_0 = arith.constant 0 : index
    %get3A_1 = vector.load %arg1[%get3A, %get3A_0] : memref<1024x128xf32, #tpu.memory_space<vmem>>, vector<1024x128xf32>
    %get3A_2 = arith.constant 0 : index
    %get3A_3 = arith.constant 0 : index
    %get3A_4 = vector.load %arg2[%get3A_2, %get3A_3] : memref<128x128xf32, #tpu.memory_space<vmem>>, vector<128x128xf32>
    %dot_general3A = arith.constant dense<0.000000e+00> : vector<1024x128xf32>
    %dot_general3A_5 = tpu.matmul %get3A_1, %get3A_4, %dot_general3A {dimension_numbers = #tpu.dot_dimension_numbers<[1], [0], [0], [1], [0, 0, 1, 1], [], []>, transpose_lhs_hint = false} : vector<1024x128xf32>, vector<128x128xf32>, vector<1024x128xf32> -> vector<1024x128xf32>
    %get3A_6 = arith.constant 0 : index
    %get3A_7 = arith.constant 0 : index
    %get3A_8 = vector.load %arg3[%get3A_6, %get3A_7] : memref<1x128xf32, #tpu.memory_space<vmem>>, vector<1x128xf32>
    %add3A = vector.broadcast %get3A_8 : vector<1x128xf32> to vector<1024x128xf32>
    %add3A_9 = arith.addf %dot_general3A_5, %add3A : vector<1024x128xf32>
    %swap3A = arith.constant 0 : index
    %swap3A_10 = arith.constant 0 : index
    %swap3A_11 = vector.load %arg4[%swap3A, %swap3A_10] : memref<1024x128xf32, #tpu.memory_space<vmem>>, vector<1024x128xf32>
    tpu.vector_store %arg4[%swap3A, %swap3A_10], %add3A_9 {strides = array<i32>} : memref<1024x128xf32, #tpu.memory_space<vmem>>, vector<1024x128xf32>,
    return
  }
  func.func @transform_0(%arg0: i32) -> (i32, i32) {
    %c0_i32 = arith.constant 0 : i32
    %c0_i32_0 = arith.constant 0 : i32
    return %arg0, %c0_i32 : i32, i32
  }
  func.func @transform_1(%arg0: i32) -> (i32, i32) {
    %c0_i32 = arith.constant 0 : i32
    %c0_i32_0 = arith.constant 0 : i32
    %c0_i32_1 = arith.constant 0 : i32
    return %c0_i32, %c0_i32_0 : i32, i32
  }
  func.func @transform_2(%arg0: i32) -> (i32, i32) {
    %c0_i32 = arith.constant 0 : i32
    %c0_i32_0 = arith.constant 0 : i32
    %c0_i32_1 = arith.constant 0 : i32
    return %c0_i32, %c0_i32_0 : i32, i32
  }
  func.func @transform_3(%arg0: i32) -> (i32, i32) {
    %c0_i32 = arith.constant 0 : i32
    %c0_i32_0 = arith.constant 0 : i32
    return %arg0, %c0_i32 : i32, i32
  }
}

module attributes {stable_mosaic.version = 14 : i64} {
  func.func @_layer1_prep_body(%arg0: memref<2x10112x16xf32, #tpu.memory_space<vmem>>, %arg1: memref<2x10112x16xf32, #tpu.memory_space<vmem>>, %arg2: memref<10112x128xf32, #tpu.memory_space<vmem>>, %arg3: memref<128x128xf32, #tpu.memory_space<vmem>>, %arg4: memref<16x128xf32, #tpu.memory_space<vmem>>, %arg5: memref<1x128xf32, #tpu.memory_space<vmem>>, %arg6: memref<128x32xf32, #tpu.memory_space<vmem>>, %arg7: memref<10112x16xf32, #tpu.memory_space<vmem>>, %arg8: memref<10112x16xf32, #tpu.memory_space<vmem>>) attributes {dimension_semantics = [], scalar_prefetch = 0 : i64, scratch_operands = 0 : i64, tpu.core_type = #tpu.core_type<tc>} {
    %get3A = arith.constant 0 : index
    %get3A_0 = arith.constant 0 : index
    %get3A_1 = arith.constant 0 : index
    %get3A_2 = vector.load %arg0[%get3A, %get3A_0, %get3A_1] : memref<2x10112x16xf32, #tpu.memory_space<vmem>>, vector<1x10112x16xf32>
    %get3A_3 = vector.shape_cast %get3A_2 : vector<1x10112x16xf32> to vector<10112x16xf32>
    %get3A_4 = arith.constant 1 : index
    %get3A_5 = arith.constant 0 : index
    %get3A_6 = arith.constant 0 : index
    %get3A_7 = vector.load %arg0[%get3A_4, %get3A_5, %get3A_6] : memref<2x10112x16xf32, #tpu.memory_space<vmem>>, vector<1x10112x16xf32>
    %get3A_8 = vector.shape_cast %get3A_7 : vector<1x10112x16xf32> to vector<10112x16xf32>
    %add3A = arith.addf %get3A_3, %get3A_8 : vector<10112x16xf32>
    %add3A_9 = arith.constant 0.000000e+00 : f32
    %add3A_10 = vector.broadcast %add3A_9 : f32 to vector<10112x16xf32>
    %add3A_11 = arith.addf %add3A_10, %add3A : vector<10112x16xf32>
    %get3A_12 = arith.constant 0 : index
    %get3A_13 = arith.constant 0 : index
    %get3A_14 = arith.constant 0 : index
    %get3A_15 = vector.load %arg1[%get3A_12, %get3A_13, %get3A_14] : memref<2x10112x16xf32, #tpu.memory_space<vmem>>, vector<1x10112x16xf32>
    %get3A_16 = vector.shape_cast %get3A_15 : vector<1x10112x16xf32> to vector<10112x16xf32>
    %get3A_17 = arith.constant 1 : index
    %get3A_18 = arith.constant 0 : index
    %get3A_19 = arith.constant 0 : index
    %get3A_20 = vector.load %arg1[%get3A_17, %get3A_18, %get3A_19] : memref<2x10112x16xf32, #tpu.memory_space<vmem>>, vector<1x10112x16xf32>
    %get3A_21 = vector.shape_cast %get3A_20 : vector<1x10112x16xf32> to vector<10112x16xf32>
    %add3A_22 = arith.addf %get3A_16, %get3A_21 : vector<10112x16xf32>
    %add3A_23 = arith.addf %add3A_11, %add3A_22 : vector<10112x16xf32>
    %get3A_24 = arith.constant 0 : index
    %get3A_25 = arith.constant 0 : index
    %get3A_26 = vector.load %arg2[%get3A_24, %get3A_25] : memref<10112x128xf32, #tpu.memory_space<vmem>>, vector<10112x128xf32>
    %get3A_27 = arith.constant 0 : index
    %get3A_28 = arith.constant 0 : index
    %get3A_29 = vector.load %arg3[%get3A_27, %get3A_28] : memref<128x128xf32, #tpu.memory_space<vmem>>, vector<128x128xf32>
    %dot_general3A = arith.constant dense<0.000000e+00> : vector<10112x128xf32>
    %dot_general3A_30 = tpu.matmul %get3A_26, %get3A_29, %dot_general3A {dimension_numbers = #tpu.dot_dimension_numbers<[1], [0], [0], [1], [0, 0, 1, 1], [], []>, transpose_lhs_hint = false} : vector<10112x128xf32>, vector<128x128xf32>, vector<10112x128xf32> -> vector<10112x128xf32>
    %get3A_31 = arith.constant 0 : index
    %get3A_32 = arith.constant 0 : index
    %get3A_33 = vector.load %arg4[%get3A_31, %get3A_32] : memref<16x128xf32, #tpu.memory_space<vmem>>, vector<16x128xf32>
    %dot_general3A_34 = arith.constant dense<0.000000e+00> : vector<10112x128xf32>
    %dot_general3A_35 = tpu.matmul %add3A_23, %get3A_33, %dot_general3A_34 {dimension_numbers = #tpu.dot_dimension_numbers<[1], [0], [0], [1], [0, 0, 1, 1], [], []>, transpose_lhs_hint = false} : vector<10112x16xf32>, vector<16x128xf32>, vector<10112x128xf32> -> vector<10112x128xf32>
    %add3A_36 = arith.addf %dot_general3A_30, %dot_general3A_35 : vector<10112x128xf32>
    %get3A_37 = arith.constant 0 : index
    %get3A_38 = arith.constant 0 : index
    %get3A_39 = vector.load %arg5[%get3A_37, %get3A_38] : memref<1x128xf32, #tpu.memory_space<vmem>>, vector<1x128xf32>
    %add3A_40 = vector.broadcast %get3A_39 : vector<1x128xf32> to vector<10112x128xf32>
    %add3A_41 = arith.addf %add3A_36, %add3A_40 : vector<10112x128xf32>
    %max3A = arith.constant 0.000000e+00 : f32
    %max3A_42 = vector.broadcast %max3A : f32 to vector<10112x128xf32>
    %max3A_43 = arith.maximumf %add3A_41, %max3A_42 : vector<10112x128xf32>
    %get3A_44 = arith.constant 0 : index
    %get3A_45 = arith.constant 0 : index
    %get3A_46 = vector.load %arg6[%get3A_44, %get3A_45] : memref<128x32xf32, #tpu.memory_space<vmem>>, vector<128x32xf32>
    %dot_general3A_47 = arith.constant dense<0.000000e+00> : vector<10112x32xf32>
    %dot_general3A_48 = tpu.matmul %max3A_43, %get3A_46, %dot_general3A_47 {dimension_numbers = #tpu.dot_dimension_numbers<[1], [0], [0], [1], [0, 0, 1, 1], [], []>, transpose_lhs_hint = false} : vector<10112x128xf32>, vector<128x32xf32>, vector<10112x32xf32> -> vector<10112x32xf32>
    %slice3A = vector.extract_strided_slice %dot_general3A_48 {offsets = [0, 0], sizes = [10112, 16], strides = [1, 1]} : vector<10112x32xf32> to vector<10112x16xf32>
    %swap3A = arith.constant 0 : index
    %swap3A_49 = arith.constant 0 : index
    %swap3A_50 = vector.load %arg7[%swap3A, %swap3A_49] : memref<10112x16xf32, #tpu.memory_space<vmem>>, vector<10112x16xf32>
    tpu.vector_store %arg7[%swap3A, %swap3A_49], %slice3A {strides = array<i32>} : memref<10112x16xf32, #tpu.memory_space<vmem>>, vector<10112x16xf32>,
    %slice3A_51 = vector.extract_strided_slice %dot_general3A_48 {offsets = [0, 16], sizes = [10112, 16], strides = [1, 1]} : vector<10112x32xf32> to vector<10112x16xf32>
    %swap3A_52 = arith.constant 0 : index
    %swap3A_53 = arith.constant 0 : index
    %swap3A_54 = vector.load %arg8[%swap3A_52, %swap3A_53] : memref<10112x16xf32, #tpu.memory_space<vmem>>, vector<10112x16xf32>
    tpu.vector_store %arg8[%swap3A_52, %swap3A_53], %slice3A_51 {strides = array<i32>} : memref<10112x16xf32, #tpu.memory_space<vmem>>, vector<10112x16xf32>,
    return
  }
}

module attributes {stable_mosaic.version = 14 : i64} {
  func.func @_mlp_body(%arg0: i32, %arg1: memref<1024x128xf32, #tpu.memory_space<vmem>>, %arg2: memref<128x128xf32, #tpu.memory_space<vmem>>, %arg3: memref<1x128xf32, #tpu.memory_space<vmem>>, %arg4: memref<128x128xf32, #tpu.memory_space<vmem>>, %arg5: memref<1x128xf32, #tpu.memory_space<vmem>>, %arg6: memref<128x8xf32, #tpu.memory_space<vmem>>, %arg7: memref<1x8xf32, #tpu.memory_space<vmem>>, %arg8: memref<1024x8xf32, #tpu.memory_space<vmem>>) attributes {dimension_semantics = [#tpu.dimension_semantics<arbitrary>], iteration_bounds = array<i64: 20>, scalar_prefetch = 0 : i64, scratch_operands = 0 : i64, tpu.core_type = #tpu.core_type<tc>, window_params = [{transform_indices = @transform_0, window_bounds = array<i64: 1024, 128>}, {pipeline_mode = #tpu.pipeline_mode<synchronous>, transform_indices = @transform_1, window_bounds = array<i64: 128, 128>}, {pipeline_mode = #tpu.pipeline_mode<synchronous>, transform_indices = @transform_2, window_bounds = array<i64: 1, 128>}, {pipeline_mode = #tpu.pipeline_mode<synchronous>, transform_indices = @transform_3, window_bounds = array<i64: 128, 128>}, {pipeline_mode = #tpu.pipeline_mode<synchronous>, transform_indices = @transform_4, window_bounds = array<i64: 1, 128>}, {pipeline_mode = #tpu.pipeline_mode<synchronous>, transform_indices = @transform_5, window_bounds = array<i64: 128, 8>}, {pipeline_mode = #tpu.pipeline_mode<synchronous>, transform_indices = @transform_6, window_bounds = array<i64: 1, 8>}, {transform_indices = @transform_7, window_bounds = array<i64: 1024, 8>}]} {
    %get3A = arith.constant 0 : index
    %get3A_0 = arith.constant 0 : index
    %get3A_1 = vector.load %arg1[%get3A, %get3A_0] : memref<1024x128xf32, #tpu.memory_space<vmem>>, vector<1024x128xf32>
    %get3A_2 = arith.constant 0 : index
    %get3A_3 = arith.constant 0 : index
    %get3A_4 = vector.load %arg2[%get3A_2, %get3A_3] : memref<128x128xf32, #tpu.memory_space<vmem>>, vector<128x128xf32>
    %dot_general3A = arith.constant dense<0.000000e+00> : vector<1024x128xf32>
    %dot_general3A_5 = tpu.matmul %get3A_1, %get3A_4, %dot_general3A {dimension_numbers = #tpu.dot_dimension_numbers<[1], [0], [0], [1], [0, 0, 1, 1], [], []>, transpose_lhs_hint = false} : vector<1024x128xf32>, vector<128x128xf32>, vector<1024x128xf32> -> vector<1024x128xf32>
    %get3A_6 = arith.constant 0 : index
    %get3A_7 = arith.constant 0 : index
    %get3A_8 = vector.load %arg3[%get3A_6, %get3A_7] : memref<1x128xf32, #tpu.memory_space<vmem>>, vector<1x128xf32>
    %add3A = vector.broadcast %get3A_8 : vector<1x128xf32> to vector<1024x128xf32>
    %add3A_9 = arith.addf %dot_general3A_5, %add3A : vector<1024x128xf32>
    %max3A = arith.constant 0.000000e+00 : f32
    %max3A_10 = vector.broadcast %max3A : f32 to vector<1024x128xf32>
    %max3A_11 = arith.maximumf %add3A_9, %max3A_10 : vector<1024x128xf32>
    %get3A_12 = arith.constant 0 : index
    %get3A_13 = arith.constant 0 : index
    %get3A_14 = vector.load %arg4[%get3A_12, %get3A_13] : memref<128x128xf32, #tpu.memory_space<vmem>>, vector<128x128xf32>
    %dot_general3A_15 = arith.constant dense<0.000000e+00> : vector<1024x128xf32>
    %dot_general3A_16 = tpu.matmul %max3A_11, %get3A_14, %dot_general3A_15 {dimension_numbers = #tpu.dot_dimension_numbers<[1], [0], [0], [1], [0, 0, 1, 1], [], []>, transpose_lhs_hint = false} : vector<1024x128xf32>, vector<128x128xf32>, vector<1024x128xf32> -> vector<1024x128xf32>
    %get3A_17 = arith.constant 0 : index
    %get3A_18 = arith.constant 0 : index
    %get3A_19 = vector.load %arg5[%get3A_17, %get3A_18] : memref<1x128xf32, #tpu.memory_space<vmem>>, vector<1x128xf32>
    %add3A_20 = vector.broadcast %get3A_19 : vector<1x128xf32> to vector<1024x128xf32>
    %add3A_21 = arith.addf %dot_general3A_16, %add3A_20 : vector<1024x128xf32>
    %max3A_22 = arith.constant 0.000000e+00 : f32
    %max3A_23 = vector.broadcast %max3A_22 : f32 to vector<1024x128xf32>
    %max3A_24 = arith.maximumf %add3A_21, %max3A_23 : vector<1024x128xf32>
    %get3A_25 = arith.constant 0 : index
    %get3A_26 = arith.constant 0 : index
    %get3A_27 = vector.load %arg6[%get3A_25, %get3A_26] : memref<128x8xf32, #tpu.memory_space<vmem>>, vector<128x8xf32>
    %dot_general3A_28 = arith.constant dense<0.000000e+00> : vector<1024x8xf32>
    %dot_general3A_29 = tpu.matmul %max3A_24, %get3A_27, %dot_general3A_28 {dimension_numbers = #tpu.dot_dimension_numbers<[1], [0], [0], [1], [0, 0, 1, 1], [], []>, transpose_lhs_hint = false} : vector<1024x128xf32>, vector<128x8xf32>, vector<1024x8xf32> -> vector<1024x8xf32>
    %get3A_30 = arith.constant 0 : index
    %get3A_31 = arith.constant 0 : index
    %get3A_32 = vector.load %arg7[%get3A_30, %get3A_31] : memref<1x8xf32, #tpu.memory_space<vmem>>, vector<1x8xf32>
    %add3A_33 = vector.broadcast %get3A_32 : vector<1x8xf32> to vector<1024x8xf32>
    %add3A_34 = arith.addf %dot_general3A_29, %add3A_33 : vector<1024x8xf32>
    %swap3A = arith.constant 0 : index
    %swap3A_35 = arith.constant 0 : index
    %swap3A_36 = vector.load %arg8[%swap3A, %swap3A_35] : memref<1024x8xf32, #tpu.memory_space<vmem>>, vector<1024x8xf32>
    tpu.vector_store %arg8[%swap3A, %swap3A_35], %add3A_34 {strides = array<i32>} : memref<1024x8xf32, #tpu.memory_space<vmem>>, vector<1024x8xf32>,
    return
  }
  func.func @transform_0(%arg0: i32) -> (i32, i32) {
    %c0_i32 = arith.constant 0 : i32
    %c0_i32_0 = arith.constant 0 : i32
    return %arg0, %c0_i32 : i32, i32
  }
  func.func @transform_1(%arg0: i32) -> (i32, i32) {
    %c0_i32 = arith.constant 0 : i32
    %c0_i32_0 = arith.constant 0 : i32
    %c0_i32_1 = arith.constant 0 : i32
    return %c0_i32, %c0_i32_0 : i32, i32
  }
  func.func @transform_2(%arg0: i32) -> (i32, i32) {
    %c0_i32 = arith.constant 0 : i32
    %c0_i32_0 = arith.constant 0 : i32
    %c0_i32_1 = arith.constant 0 : i32
    return %c0_i32, %c0_i32_0 : i32, i32
  }
  func.func @transform_3(%arg0: i32) -> (i32, i32) {
    %c0_i32 = arith.constant 0 : i32
    %c0_i32_0 = arith.constant 0 : i32
    %c0_i32_1 = arith.constant 0 : i32
    return %c0_i32, %c0_i32_0 : i32, i32
  }
  func.func @transform_4(%arg0: i32) -> (i32, i32) {
    %c0_i32 = arith.constant 0 : i32
    %c0_i32_0 = arith.constant 0 : i32
    %c0_i32_1 = arith.constant 0 : i32
    return %c0_i32, %c0_i32_0 : i32, i32
  }
  func.func @transform_5(%arg0: i32) -> (i32, i32) {
    %c0_i32 = arith.constant 0 : i32
    %c0_i32_0 = arith.constant 0 : i32
    %c0_i32_1 = arith.constant 0 : i32
    return %c0_i32, %c0_i32_0 : i32, i32
  }
  func.func @transform_6(%arg0: i32) -> (i32, i32) {
    %c0_i32 = arith.constant 0 : i32
    %c0_i32_0 = arith.constant 0 : i32
    %c0_i32_1 = arith.constant 0 : i32
    return %c0_i32, %c0_i32_0 : i32, i32
  }
  func.func @transform_7(%arg0: i32) -> (i32, i32) {
    %c0_i32 = arith.constant 0 : i32
    %c0_i32_0 = arith.constant 0 : i32
    return %arg0, %c0_i32 : i32, i32
  }
}

</mosaic_0001>

<sc_bundles>
// kernel: kernel.14.cloned.1.call-start
scs
__scs_entry_jumppad:
0x0: {  	(pc) =	sbr.rel $0x88, $3  }
0x1: {  	(tag) =	ssettag $0x0;
	lr =	simm.s32 $0x1  }
0x2: {  	[smem:$0x3F92] =	sst lr;
	_ =	strace $0xD0000000  }
0x3: {  	_ = 	snop  }
0x4: {  	_ = 	snop  }
0x5: {  	_ = 	snop  }
0x6: {  	_ = 	snop  }
0x7: {  	_ = 	snop  }
__scs_overlays_trampoline_lowered:
0x8: {  	[smem:$0x3FA1] =	sst s0  }
0x9: {  	[smem:$0x3FA2] =	sst s1  }
0xa: {  	[smem:$0x3FA3] =	sst s2  }
0xb: {  	[smem:$0x3FA4] =	sst s3  }
0xc: {  	[smem:$0x3FA5] =	sst s4  }
0xd: {  	[smem:$0x3FA6] =	sst s5  }
0xe: {  	[smem:$0x3FA7] =	sst s6  }
0xf: {  	[smem:$0x3FA8] =	sst s7  }
0x10: {  	[smem:$0x3FA9] =	sst s8  }
0x11: {  	[smem:$0x3FAA] =	sst s9;
	s0 =	simm.s32 @!p0 $0x0  }
0x12: {  	s1 =	sld [smem:$0x3F90];
	s0 =	simm.s32 @p0 $0x1  }
0x13: {  	[smem:$0x3FAB] =	sst s0;
	s0 =	simm.s32 @!p1 $0x0  }
0x14: {  	s2 =	sld [smem:$0x3F8F];
	s0 =	simm.s32 @p1 $0x1  }
0x15: {  	[smem:$0x3FAC] =	sst s0;
	s0 =	simm.s32 @!p2 $0x0  }
0x16: {  	s3 =	sld [smem:$0x3FDB];
	s0 =	simm.s32 @p2 $0x1  }
0x17: {  	s4 =	simm.s32 $0x1BF5;
	[smem:$0x3FAE] =	sst s0  }
0x18: {  	s0 =	sld [smem:$0x3F91];
	_ =	swait.ge [sflag:s4], $0x0  }
0x19: {  	s7 =	sld [smem:$0x3F92]  }
0x1a: {  	s8 =	sadd.s32 $0xFFFFE003, lr  }
0x1b: {  	s9 =	sadd.s32 $0xFFFFFEF7, lr;
	s5 =	simm.s32 $0xFFFFFFFF;
	p2 =	slt.u32 s8, $0xFFFFF086  }
0x1c: {  	p1 =	slt.u32 s9, $0xF7A;
	s5 =	simm.s32 @!p2 $0x0  }
0x1d: {  	s5 =	simm.s32 @p1 $0x1;
	p0 =	seq.s32 s7, s2  }
0x1e: {  	s7 =	smul.u32 @!p0 $0xF7A, s2;
	p2 =	seq.s32 @!p0 s5, $0x0  }
0x1f: {  	s9 =	smul.u32 $0xF7A, s1;
	s8 =	simm.s32 @!p0 $0x1BF5;
	p2 =	por !p2, p0  }
0x20: {  	[sflag:s8] =	ssyncset.s32 @!p0 $0xFFFFF086;
	s6 =	sadd.s32 @!p0 s3, s7;
	s7 =	simm.s32 @!p0 $0x108  }
0x21: {  	s3 =	sadd.s32 s3, s9;
	s6 =	sadd.s32 @!p0 $0x88, s6;
	s7 =	simm.s32 @p2 $0x1082  }
0x22: {  	[simem:s7], [sflag:s8] =	dma.local @!p0 [hbm:s6], $0xF7A  }
0x23: {  	s9 =	sor.u32 $0xD0000000, s2;
	s6 =	simm.s32 $0x108;
	_ =	swait.ge @!p0 [sflag:s8], $0x0  }
0x24: {  	s3 =	sadd.s32 $0x88, s3;
	s6 =	simm.s32 @!p1 $0x1082;
	[sflag:s4] =	ssyncset.s32 $0xFFFFF086  }
0x25: {  	[simem:s6], [sflag:s4] =	dma.local [hbm:s3], $0xF7A  }
0x26: {  	[smem:$0x3F92] =	sst s1;
	(tag) =	ssettag s2;
	_ =	strace s9  }
0x27: {  	s1 =	sld [smem:$0x3FA2]  }
0x28: {  	s2 =	sld [smem:$0x3FA3]  }
0x29: {  	s4 =	sld [smem:$0x3FA5]  }
0x2a: {  	p0 =	seq.s32 s5, $0x0;
	s5 =	sld [smem:$0x3FA6]  }
0x2b: {  	s6 =	sld [smem:$0x3FA7]  }
0x2c: {  	s7 =	sld [smem:$0x3FA8]  }
0x2d: {  	s3 =	simm.s32 $0x108;
	s8 =	sld [smem:$0x3FA9]  }
0x2e: {  	s3 =	simm.s32 @!p0 $0x1082;
	s9 =	sld [smem:$0x3FAA]  }
0x2f: {  	lr =	sadd.s32 s0, s3;
	s0 =	sld [smem:$0x3FA1]  }
0x30: {  	s3 =	sld [smem:$0x3FA4]  }
0x31: {  	[smem:$0x3FAD] =	sst s10  }
0x32: {  	s10 =	sld [smem:$0x3FAB];
	_ =	sdelay $0x3  }
0x33: {  	p0 =	seq.s32 s10, $0x1;
	s10 =	sld [smem:$0x3FAD];
	_ =	sdelay $0x3  }
0x34: {  	[smem:$0x3FAD] =	sst s10  }
0x35: {  	s10 =	sld [smem:$0x3FAC];
	_ =	sdelay $0x3  }
0x36: {  	p1 =	seq.s32 s10, $0x1;
	s10 =	sld [smem:$0x3FAD];
	_ =	sdelay $0x3  }
0x37: {  	[smem:$0x3FAD] =	sst s10  }
0x38: {  	s10 =	sld [smem:$0x3FAE]  }
0x39: {  	_ = 	snop;
	(pc) =	sbr.ind lr, $3  }
0x3a: {  	_ = 	snop  }
0x3b: {  	_ = 	snop  }
0x3c: {  	p2 =	seq.s32 s10, $0x1;
	s10 =	sld [smem:$0x3FAD]  }
0x3d: {  	_ =	shalt  }
0x3e: {  	_ =	shalt  }
0x3f: {  	_ =	shalt  }
0x40: {  	_ =	shalt  }
0x41: {  	_ =	shalt  }
0x42: {  	_ =	shalt  }
0x43: {  	_ =	shalt  }
0x44: {  	_ =	shalt  }
0x45: {  	_ =	shalt  }
0x46: {  	_ =	shalt  }
0x47: {  	_ =	shalt  }
0x48: {  	_ =	shalt  }
0x49: {  	_ =	shalt  }
0x4a: {  	_ =	shalt  }
0x4b: {  	_ =	shalt  }
0x4c: {  	_ =	shalt  }
0x4d: {  	_ =	shalt  }
0x4e: {  	_ =	shalt  }
0x4f: {  	_ =	shalt  }
0x50: {  	_ =	shalt  }
0x51: {  	_ =	shalt  }
0x52: {  	_ =	shalt  }
0x53: {  	_ =	shalt  }
0x54: {  	_ =	shalt  }
0x55: {  	_ =	shalt  }
0x56: {  	_ =	shalt  }
0x57: {  	_ =	shalt  }
0x58: {  	_ =	shalt  }
0x59: {  	_ =	shalt  }
0x5a: {  	_ =	shalt  }
0x5b: {  	_ =	shalt  }
0x5c: {  	_ =	shalt  }
0x5d: {  	_ =	shalt  }
0x5e: {  	_ =	shalt  }
0x5f: {  	_ =	shalt  }
0x60: {  	_ =	shalt  }
0x61: {  	_ =	shalt  }
0x62: {  	_ =	shalt  }
0x63: {  	_ =	shalt  }
0x64: {  	_ =	shalt  }
0x65: {  	_ =	shalt  }
0x66: {  	_ =	shalt  }
0x67: {  	_ =	shalt  }
0x68: {  	_ =	shalt  }
0x69: {  	_ =	shalt  }
0x6a: {  	_ =	shalt  }
0x6b: {  	_ =	shalt  }
0x6c: {  	_ =	shalt  }
0x6d: {  	_ =	shalt  }
0x6e: {  	_ =	shalt  }
0x6f: {  	_ =	shalt  }
0x70: {  	_ =	shalt  }
0x71: {  	_ =	shalt  }
0x72: {  	_ =	shalt  }
0x73: {  	_ =	shalt  }
0x74: {  	_ =	shalt  }
0x75: {  	_ =	shalt  }
0x76: {  	_ =	shalt  }
0x77: {  	_ =	shalt  }
0x78: {  	_ =	shalt  }
0x79: {  	_ =	shalt  }
0x7a: {  	_ =	shalt  }
0x7b: {  	_ =	shalt  }
0x7c: {  	_ =	shalt  }
0x7d: {  	_ =	shalt  }
0x7e: {  	_ =	shalt  }
0x7f: {  	_ =	shalt  }
0x80: {  	_ =	shalt  }
0x81: {  	_ =	shalt  }
0x82: {  	_ =	shalt  }
0x83: {  	_ =	shalt  }
0x84: {  	_ =	shalt  }
0x85: {  	_ =	shalt  }
0x86: {  	_ =	shalt  }
0x87: {  	_ =	shalt  }
.Lfunc_end0:
.L_simem_size_0:
called_computation_lowered:
.L_overlay_start_0:
0x88: {  	s2 =	sld [smem:$0x3FD9]  }
0x89: {  	s3 =	sld [smem:$0x3FFE];
	_ =	sdelay $0x1  }
0x8a: {  	s1 =	srdreg.scid  }
0x8b: {  	s0 =	sand.u32 $0x1, s1  }
0x8c: {  	s16 =	sshll.u32 s0, $0xA;
	s2 =	sadd.s32 s3, s2  }
0x8d: {  	s2 =	sadd.s32 s2, s16  }
0x8e: {  	[smem:$0x3FB9] =	sst s2  }
0x8f: {  	_ = 	snop  }
0x90: {  	(tm) =	ssettm $0x1  }
0x91: {  	s17 =	sld [smem:$0x3FFB];
	_ =	sdelay $0x3  }
0x92: {  	_ =	strace s17  }
0x93: {  	s2 =	sld [smem:$0x3FFC];
	_ =	sdelay $0x3  }
0x94: {  	_ =	strace s2  }
0x95: {  	s2 =	sld [smem:$0x3FFD];
	_ =	sdelay $0x3  }
0x96: {  	_ =	strace s2  }
0x97: {  	_ =	strace $0x8FFFFFFF  }
0x98: {  	s18 =	sld [smem:$0x3FDB];
	_ =	sdelay $0x1  }
0x99: {  	s19 =	simm.s32 $_scs_section_size  }
0x9a: {  	s4 =	simm.s32 $_size__tile_overlayer_lowered;
	s5 =	simm.s32 $_tile_overlayer_lowered  }
0x9b: {  	s22 =	simm.s32 $0x1BFF;
	s21 =	sshll.u32 s5, $0x1;
	s2 =	sadd.s32 s19, s18  }
0x9c: {  	s6 =	simm.s32 $0x0;
	s20 =	sshll.u32 s4, $0x1;
	s4 =	sadd.s32 s21, s2  }
0x9d: {  	[timem:s6], [sflag:s22] =	dma.local [hbm:s4], s20  }
0x9e: {  	_ =	swait.ge [sflag:s22], s20  }
0x9f: {  	s3 =	ssub.s32 $0x0, s20;
	[sflag:s22] =	ssyncset.done $0x0  }
0xa0: {  	[sflag:s22] =	ssyncadd.s32 s3;
	_ =	sdelay $0x1  }
0xa1: {  	s23 =	simm.s32 $0x1B8B  }
0xa2: {  	_ =	swait.ge [sflag:s23], $0x1  }
0xa3: {  	[sflag:s23] =	ssyncset.done $0x0  }
0xa4: {  	s25 =	simm.s32 $0x1B8E;
	s24 =	sld [smem:$0x3FFE];
	[sflag:s23] =	ssyncadd.s32 $0xFFFFFFFF  }
0xa5: {  	s26 =	simm.s32 $execute0_lowered;
	[smem:$0x3FD2] =	sst s25  }
0xa6: {  	s4 =	sshll.u32 s26, $0x1;
	_ =	strace $0x80000046;
	[dreg:$0x1] =	wrdreg $0xFFFFFFFF  }
0xa7: {  	s28 =	simm.s32 $_size_execute0_lowered;
	s2 =	sadd.s32 s2, s4;
	[dreg:$0x0] =	wrdreg $0x0  }
0xa8: {  	s4 =	sshll.u32 s28, $0x1;
	[dreg:$0x2] =	wrdreg s2  }
0xa9: {  	[dreg:$0x3] =	wrdreg s4  }
0xaa: {  	[dreg:$0x4] =	wrdreg $0xC0  }
0xab: {  	_ =	task [dreg:s6], $0x5FFFF  }
0xac: {  	[dreg:$0x1] =	wrdreg $0xFFFFFFFF  }
0xad: {  	[dreg:$0x0] =	wrdreg $0x60  }
0xae: {  	[dreg:$0x2] =	wrdreg s24  }
0xaf: {  	[dreg:$0x3] =	wrdreg $0xFA000  }
0xb0: {  	[dreg:$0x4] =	wrdreg $0x121800  }
0xb1: {  	[dreg:$0x5] =	wrdreg $0x149000  }
0xb2: {  	[dreg:$0x6] =	wrdreg $0x9  }
0xb3: {  	_ =	task.clear_ibuf [dreg:s6], $0x7FFFF;
	_ =	strace $0x90000046  }
0xb4: {  	s29 =	simm.s32 $0x9;
	_ =	strace $0x80000048  }
0xb5: {  	_ =	swait.ge [sflag:s29], $0x1  }
0xb6: {  	[sflag:s29] =	ssyncadd.s32 $0xFFFFFFFF  }
0xb7: {  	_ =	strace $0x90000048  }
0xb8: {  	_ =	sfence  }
0xb9: {  	s30 =	sld [smem:$0x0];
	_ =	sdelay $0x2  }
0xba: {  	s31 =	sshll.u32 s1, $0xD;
	s1 =	sshrl.u32 s1, $0x2  }
0xbb: {  	s3 =	sand.u32 $0x4000, s31;
	s1 =	sadd.s32 s1, s30  }
0xbc: {  	s0 =	sor.u32 s3, s0;
	s1 =	sshll.u32 s1, $0x11  }
0xbd: {  	s0 =	sor.u32 s1, s0  }
0xbe: {  	s0 =	sadd.s32 $0x8F2B, s0  }
0xbf: {  	[sflag:s0] =	ssyncadd.remote.s32 $0x1  }
0xc0: {  	_ =	sfence.sel $0xFFFF  }
0xc1: {  	[dreg:$0x0] =	wrdreg $0xFFFFFFFF;
	(pc) =	sbr.abs _section_cstart, $3  }
0xc2: {  	[dreg:$0x1] =	wrdreg $0xFFFFFFFF  }
0xc3: {  	_ =	task.clear_ibuf [dreg:s6], $0x2FFFF;
	_ =	strace $0x9FFFFFFF  }
0xc4: {  	(tm) =	ssettm $0x7FFFFFFF  }
0xc5: {  	_ =	shalt  }
tec
execute0_lowered:
.L_overlay_start_1:
0x0: {  	(tag) =	ssettag $0x1  }
0x1: {  	s0 =	rddreg [dreg:$0x0]  }
0x2: {  	s2 =	rddreg [dreg:$0x1]  }
0x3: {  	s3 =	rddreg [dreg:$0x2]  }
0x4: {  	s4 =	rddreg [dreg:$0x3];
	s15 =	stileid.u32  }
0x5: {  	s5 =	simm.s32 $0x0;
	s6 =	srdreg.scid;
	s19 =	simm.s32 $0x2  }
0x6: {  	s21 =	simm.s32 $0xAA00;
	s28 =	simm.s32 $0x580;
	s18 =	simm.s32 $0x880  }
0x7: {  	s17 =	simm.s32 $0x1;
	s1 =	smul.u32 $0x2780, s15;
	[smem:$0x7FF] =	sst s5  }
0x8: {  	s10 =	sand.u32 $0x1, s6;
	s6 =	sadd.s32 $0xB800, s0;
	s7 =	sadd.s32 $0x6800, s0  }
0x9: {  	s23 =	sshll.u32 s15, $0x1;
	s25 =	sshll.u32 s15, $0x6;
	_ =	strace $0x80000047  }
0xa: {  	s9 =	smul.u32 $0x27800, s10;
	s13 =	ssub.s32 $0x2, s10;
	s10 =	sor.u32 s10, s23  }
0xb: {  	s23 =	simm.s32 $0x80;
	s8 =	sshrl.u32 s1, $0x3;
	s14 =	sshrl.u32 s13, $0x1  }
0xc: {  	s24 =	sadd.s32 s1, s2;
	s16 =	sadd.s32 s1, s3;
	s20 =	sadd.s32 s1, s4  }
0xd: {  	s15 =	smul.u32 $0x1400, s10;
	s11 =	sadd.s32 s8, s0;
	s8 =	sadd.s32 $0x4A000, s0  }
0xe: {  	s12 =	sadd.s32 s1, s9;
	s9 =	sadd.s32 $0xA3E00, s0;
	s22 =	ssub.s32 s13, s14  }
0xf: {  	s14 =	sor.u32 $0x1C02, s25;
	s30 =	sshrl.u32 s24, $0x3;
	s31 =	sshrl.u32 s16, $0x3  }
0x10: {  	s16 =	simm.s32 $0x680;
	s1 =	simm.s32 $0x800;
	[dreg:$0x8] =	wrdreg s20  }
0x11: {  	s25 =	simm.s32 $0x900;
	s13 =	simm.s32 $0x0;
	[dreg:$0x6] =	wrdreg s14  }
0x12: {  	s12 =	sshrl.u32 s12, $0x3;
	s26 =	sadd.s32 $0x38000, s11;
	[dreg:$0xb] =	wrdreg s30  }
0x13: {  	s11 =	sadd.s32 $0x3D000, s11;
	s14 =	smul.u32 $0x28, s10;
	[dreg:$0xc] =	wrdreg s31  }
0x14: {  	s29 =	smax.u32 s22, $0x1;
	s22 =	simm.s32 $0x500;
	[dreg:$0x5] =	wrdreg s26  }
0x15: {  	s10 =	simm.s32 $0x980;
	s0 =	sadd.s32 s12, s0;
	[dreg:$0x7] =	wrdreg s11  }
0x16: {  	[dreg:$0xa] =	wrdreg s29;
	s11 =	simm.s32 $0x700;
	s0 =	sadd.s32 $0x9A000, s0  }
0x17: {  	v0 =	vimm.f32 $0.0e+00;
	s26 =	simm.s32 $0x780;
	[dreg:$0x9] =	wrdreg s0;
	s0 =	simm.s32 $0x600  }
.LBB2_1:
0x18: {  	[dreg:$0xd] =	wrdreg s13  }
0x19: {  	s12 =	rddreg [dreg:$0x5]  }
0x1a: {  	s29 =	rddreg [dreg:$0x6]  }
0x1b: {  	s24 =	rddreg [dreg:$0xb]  }
0x1c: {  	[spmem:s24], [sflag:s29] =	dma.local [hbm:s12], $0x4F0  }
0x1d: {  	_ =	swait.ge [sflag:s19], $0x4F0  }
0x1e: {  	[sflag:s19] =	ssyncset.done $0x0;
	s30 =	rddreg [dreg:$0x7]  }
0x1f: {  	s31 =	rddreg [dreg:$0xc];
	[sflag:s19] =	ssyncadd.s32 $0xFFFFFB10  }
0x20: {  	[spmem:s31], [sflag:s29] =	dma.local [hbm:s30], $0x4F0  }
0x21: {  	_ =	swait.ge [sflag:s19], $0x4F0  }
0x22: {  	[sflag:s19] =	ssyncset.done $0x0  }
0x23: {  	s12 =	simm.s32 $0xAA20;
	[sflag:s19] =	ssyncadd.s32 $0xFFFFFB10  }
0x24: {  	[tilespmem:s12+$0xFFFFFFE0] =	vst v0  }
0x25: {  	[tilespmem:s12+$0x10] =	vst v0  }
0x26: {  	s13 =	simm.s32 $0x0;
	[tilespmem:s12+$0x0] =	vst v0  }
.LBB2_2:
0x27: {  	s13 =	sadd.s32 $0x4, s13  }
0x28: {  	[tilespmem:s12+$0xFFFFFFF0] =	vst v0;
	s12 =	sadd.s32 $0x40, s12;
	p0 =	slt.u32 s13, $0x274  }
.Ltmp0:
0x29: {  	[tilespmem:s12+$0xFFFFFFE0] =	vst v0;
	(pc) =	sbr.rel @p0 .LBB2_2-.Ltmp0, $3  }
0x2a: {  	_ =	sdelay $0x1  }
0x2b: {  	[tilespmem:s12+$0x10] =	vst v0  }
0x2c: {  	[tilespmem:s12+$0x0] =	vst v0  }
0x2d: {  	[tilespmem:s12+$0xFFFFFFF0] =	vst v0  }
0x2e: {  	[spmem:s20] =	stream.linear.scatter [tilespmem:s21], [sflag:$0x2], $0x2780, $0x38;
	[tilespmem:$0x17080] =	vst v63  }
0x2f: {  	_ =	swait.ge [sflag:s19], $0x2780  }
0x30: {  	[sflag:s19] =	ssyncset.done $0x0  }
0x31: {  	[sflag:s19] =	ssyncadd.s32 $0xFFFFD880  }
0x32: {  	s24 =	simm.s32 $0x0;
	[bflag:$0x0] =	sbarrier.arrive $0xFFFF  }
.LBB2_4:
0x33: {  	s12 =	smul.u32 $0xA, s24;
	_ =	sdelay $0x1  }
0x34: {  	s12 =	sadd.s32 s14, s12  }
0x35: {  	s12 =	sshll.u32 s12, $0x4  }
0x36: {  	s13 =	sadd.s32 s6, s12  }
0x37: {  	[tilespmem:s5], [sflag:$0x2] =	stream.linear.gather [hbm4b:s13+s5], $0x500, $0x38;
	[tilespmem:$0x17080] =	vst v63  }
0x38: {  	_ =	swait.ge [sflag:s19], $0x500  }
0x39: {  	[sflag:s19] =	ssyncset.done $0x0  }
0x3a: {  	s12 =	sadd.s32 s7, s12;
	[sflag:s19] =	ssyncadd.s32 $0xFFFFFB00  }
0x3b: {  	[tilespmem:s22], [sflag:$0x2] =	stream.linear.gather [hbm4b:s12+s5], $0x500, $0x38;
	[tilespmem:$0x17080] =	vst v63  }
0x3c: {  	_ =	swait.ge [sflag:s19], $0x500  }
0x3d: {  	[sflag:s19] =	ssyncset.done $0x0  }
0x3e: {  	s13 =	simm.s32 $0xA00;
	[sflag:s19] =	ssyncadd.s32 $0xFFFFFB00  }
0x3f: {  	[tilespmem:s13], [sflag:$0x1] =	stream.indirect.gather [spmem:s2], $0x10, s5, s23, $0xb8;
	[tilespmem:$0x17080] =	vst v63  }
0x40: {  	s20 =	simm.s32 $0x5A00  }
0x41: {  	[tilespmem:s20], [sflag:$0x1] =	stream.indirect.gather [spmem:s3], $0x10, s22, s23, $0xb8;
	[tilespmem:$0x17080] =	vst v63  }
0x42: {  	s13 =	simm.s32 $0x1200  }
0x43: {  	[tilespmem:s13], [sflag:$0x1] =	stream.indirect.gather [spmem:s2], $0x10, s23, s23, $0xb8;
	[tilespmem:$0x17080] =	vst v63  }
0x44: {  	s20 =	simm.s32 $0x6200  }
0x45: {  	[tilespmem:s20], [sflag:$0x1] =	stream.indirect.gather [spmem:s3], $0x10, s28, s23, $0xb8;
	[tilespmem:$0x17080] =	vst v63  }
0x46: {  	s13 =	simm.s32 $0x100;
	s20 =	simm.s32 $0x1A00  }
0x47: {  	[tilespmem:s20], [sflag:$0x1] =	stream.indirect.gather [spmem:s2], $0x10, s13, s23, $0xb8;
	[tilespmem:$0x17080] =	vst v63  }
0x48: {  	s20 =	simm.s32 $0x6A00  }
0x49: {  	[tilespmem:s20], [sflag:$0x1] =	stream.indirect.gather [spmem:s3], $0x10, s0, s23, $0xb8;
	[tilespmem:$0x17080] =	vst v63  }
0x4a: {  	s13 =	simm.s32 $0x180;
	s20 =	simm.s32 $0x2200  }
0x4b: {  	[tilespmem:s20], [sflag:$0x1] =	stream.indirect.gather [spmem:s2], $0x10, s13, s23, $0xb8;
	[tilespmem:$0x17080] =	vst v63  }
0x4c: {  	s20 =	simm.s32 $0x7200  }
0x4d: {  	[tilespmem:s20], [sflag:$0x1] =	stream.indirect.gather [spmem:s3], $0x10, s16, s23, $0xb8;
	[tilespmem:$0x17080] =	vst v63  }
0x4e: {  	s13 =	simm.s32 $0x200;
	s20 =	simm.s32 $0x2A00  }
0x4f: {  	[tilespmem:s20], [sflag:$0x1] =	stream.indirect.gather [spmem:s2], $0x10, s13, s23, $0xb8;
	[tilespmem:$0x17080] =	vst v63  }
0x50: {  	s20 =	simm.s32 $0x7A00  }
0x51: {  	[tilespmem:s20], [sflag:$0x1] =	stream.indirect.gather [spmem:s3], $0x10, s11, s23, $0xb8;
	[tilespmem:$0x17080] =	vst v63  }
0x52: {  	s13 =	simm.s32 $0x280;
	s20 =	simm.s32 $0x3200  }
0x53: {  	[tilespmem:s20], [sflag:$0x1] =	stream.indirect.gather [spmem:s2], $0x10, s13, s23, $0xb8;
	[tilespmem:$0x17080] =	vst v63  }
0x54: {  	s20 =	simm.s32 $0x8200  }
0x55: {  	[tilespmem:s20], [sflag:$0x1] =	stream.indirect.gather [spmem:s3], $0x10, s26, s23, $0xb8;
	[tilespmem:$0x17080] =	vst v63  }
0x56: {  	s13 =	simm.s32 $0x300;
	s20 =	simm.s32 $0x3A00  }
0x57: {  	[tilespmem:s20], [sflag:$0x1] =	stream.indirect.gather [spmem:s2], $0x10, s13, s23, $0xb8;
	[tilespmem:$0x17080] =	vst v63  }
0x58: {  	s20 =	simm.s32 $0x8A00  }
0x59: {  	[tilespmem:s20], [sflag:$0x1] =	stream.indirect.gather [spmem:s3], $0x10, s1, s23, $0xb8;
	[tilespmem:$0x17080] =	vst v63  }
0x5a: {  	s13 =	simm.s32 $0x380;
	s20 =	simm.s32 $0x4200  }
0x5b: {  	[tilespmem:s20], [sflag:$0x1] =	stream.indirect.gather [spmem:s2], $0x10, s13, s23, $0xb8;
	[tilespmem:$0x17080] =	vst v63  }
0x5c: {  	s20 =	simm.s32 $0x9200  }
0x5d: {  	[tilespmem:s20], [sflag:$0x1] =	stream.indirect.gather [spmem:s3], $0x10, s18, s23, $0xb8;
	[tilespmem:$0x17080] =	vst v63  }
0x5e: {  	s13 =	simm.s32 $0x400;
	s20 =	simm.s32 $0x4A00  }
0x5f: {  	[tilespmem:s20], [sflag:$0x1] =	stream.indirect.gather [spmem:s2], $0x10, s13, s23, $0xb8;
	[tilespmem:$0x17080] =	vst v63  }
0x60: {  	s12 =	smul.u32 $0x500, s24;
	s20 =	simm.s32 $0x9A00  }
0x61: {  	[tilespmem:s20], [sflag:$0x1] =	stream.indirect.gather [spmem:s3], $0x10, s25, s23, $0xb8;
	[tilespmem:$0x17080] =	vst v63  }
0x62: {  	s12 =	sadd.s32 s15, s12;
	s13 =	simm.s32 $0x480;
	s20 =	simm.s32 $0x5200  }
0x63: {  	[tilespmem:s20], [sflag:$0x1] =	stream.indirect.gather [spmem:s2], $0x10, s13, s23, $0xb8;
	[tilespmem:$0x17080] =	vst v63  }
0x64: {  	s29 =	sshll.u32 s12, $0x1;
	s20 =	simm.s32 $0xA200  }
0x65: {  	[tilespmem:s20], [sflag:$0x1] =	stream.indirect.gather [spmem:s3], $0x10, s10, s23, $0xb8;
	[tilespmem:$0x17080] =	vst v63  }
0x66: {  	s12 =	sadd.s32 s8, s29  }
0x67: {  	[tilespmem:s21], [sflag:$0x2] =	stream.linear.gather [hbm4b:s12+s5], $0x5000, $0x38;
	[tilespmem:$0x17080] =	vst v63  }
0x68: {  	_ =	swait.ge [sflag:s19], $0x5000  }
0x69: {  	[sflag:s19] =	ssyncset.done $0x0  }
0x6a: {  	[sflag:s19] =	ssyncadd.s32 $0xFFFFB000  }
0x6b: {  	_ =	swait.ge [sflag:s17], $0x800  }
0x6c: {  	[sflag:s17] =	ssyncset.done $0x0  }
0x6d: {  	[sflag:s17] =	ssyncadd.s32 $0xFFFFF800  }
0x6e: {  	_ =	swait.ge [sflag:s17], $0x800  }
0x6f: {  	[sflag:s17] =	ssyncset.done $0x0  }
0x70: {  	[sflag:s17] =	ssyncadd.s32 $0xFFFFF800  }
0x71: {  	_ =	swait.ge [sflag:s17], $0x800  }
0x72: {  	[sflag:s17] =	ssyncset.done $0x0  }
0x73: {  	[sflag:s17] =	ssyncadd.s32 $0xFFFFF800  }
0x74: {  	_ =	swait.ge [sflag:s17], $0x800  }
0x75: {  	[sflag:s17] =	ssyncset.done $0x0  }
0x76: {  	[sflag:s17] =	ssyncadd.s32 $0xFFFFF800  }
0x77: {  	_ =	swait.ge [sflag:s17], $0x800  }
0x78: {  	[sflag:s17] =	ssyncset.done $0x0  }
0x79: {  	[sflag:s17] =	ssyncadd.s32 $0xFFFFF800  }
0x7a: {  	_ =	swait.ge [sflag:s17], $0x800  }
0x7b: {  	[sflag:s17] =	ssyncset.done $0x0  }
0x7c: {  	[sflag:s17] =	ssyncadd.s32 $0xFFFFF800  }
0x7d: {  	_ =	swait.ge [sflag:s17], $0x800  }
0x7e: {  	[sflag:s17] =	ssyncset.done $0x0  }
0x7f: {  	[sflag:s17] =	ssyncadd.s32 $0xFFFFF800  }
0x80: {  	_ =	swait.ge [sflag:s17], $0x800  }
0x81: {  	[sflag:s17] =	ssyncset.done $0x0  }
0x82: {  	[sflag:s17] =	ssyncadd.s32 $0xFFFFF800  }
0x83: {  	_ =	swait.ge [sflag:s17], $0x800  }
0x84: {  	[sflag:s17] =	ssyncset.done $0x0  }
0x85: {  	[sflag:s17] =	ssyncadd.s32 $0xFFFFF800  }
0x86: {  	_ =	swait.ge [sflag:s17], $0x800  }
0x87: {  	[sflag:s17] =	ssyncset.done $0x0  }
0x88: {  	[sflag:s17] =	ssyncadd.s32 $0xFFFFF800  }
0x89: {  	_ =	swait.ge [sflag:s17], $0x800  }
0x8a: {  	[sflag:s17] =	ssyncset.done $0x0  }
0x8b: {  	[sflag:s17] =	ssyncadd.s32 $0xFFFFF800  }
0x8c: {  	_ =	swait.ge [sflag:s17], $0x800  }
0x8d: {  	[sflag:s17] =	ssyncset.done $0x0  }
0x8e: {  	[sflag:s17] =	ssyncadd.s32 $0xFFFFF800  }
0x8f: {  	_ =	swait.ge [sflag:s17], $0x800  }
0x90: {  	[sflag:s17] =	ssyncset.done $0x0  }
0x91: {  	[sflag:s17] =	ssyncadd.s32 $0xFFFFF800  }
0x92: {  	_ =	swait.ge [sflag:s17], $0x800  }
0x93: {  	[sflag:s17] =	ssyncset.done $0x0  }
0x94: {  	[sflag:s17] =	ssyncadd.s32 $0xFFFFF800  }
0x95: {  	_ =	swait.ge [sflag:s17], $0x800  }
0x96: {  	[sflag:s17] =	ssyncset.done $0x0  }
0x97: {  	[sflag:s17] =	ssyncadd.s32 $0xFFFFF800  }
0x98: {  	_ =	swait.ge [sflag:s17], $0x800  }
0x99: {  	[sflag:s17] =	ssyncset.done $0x0  }
0x9a: {  	[sflag:s17] =	ssyncadd.s32 $0xFFFFF800  }
0x9b: {  	_ =	swait.ge [sflag:s17], $0x800  }
0x9c: {  	[sflag:s17] =	ssyncset.done $0x0  }
0x9d: {  	[sflag:s17] =	ssyncadd.s32 $0xFFFFF800  }
0x9e: {  	_ =	swait.ge [sflag:s17], $0x800  }
0x9f: {  	[sflag:s17] =	ssyncset.done $0x0  }
0xa0: {  	[sflag:s17] =	ssyncadd.s32 $0xFFFFF800  }
0xa1: {  	_ =	swait.ge [sflag:s17], $0x800  }
0xa2: {  	[sflag:s17] =	ssyncset.done $0x0  }
0xa3: {  	[sflag:s17] =	ssyncadd.s32 $0xFFFFF800  }
0xa4: {  	_ =	swait.ge [sflag:s17], $0x800  }
0xa5: {  	[sflag:s17] =	ssyncset.done $0x0  }
0xa6: {  	s30 =	simm.s32 $0xAA20;
	[sflag:s17] =	ssyncadd.s32 $0xFFFFF800  }
0xa7: {  	s31 =	simm.s32 $0xA20;
	v1 =	vld [tilespmem:s30+$0xFFFFFFE0]  }
0xa8: {  	v2 =	vld [tilespmem:s31+$0xFFFFFFE0]  }
0xa9: {  	s12 =	simm.s32 $0x5A20  }
0xaa: {  	v3 =	vld [tilespmem:s12+$0xFFFFFFE0];
	_ =	sdelay $0x2  }
0xab: {  	v1 =	vadd.f32 v2, v1;
	_ =	sdelay $0x1  }
0xac: {  	v1 =	vadd.f32 v3, v1;
	_ =	sdelay $0x1  }
0xad: {  	v1 =	vmax.f32 v1, $0.0e+00  }
0xae: {  	[tilespmem:s30+$0xFFFFFFE0] =	vst v1;
	v1 =	vld [tilespmem:s30+$0xFFFFFFF0]  }
0xaf: {  	v2 =	vld [tilespmem:s31+$0xFFFFFFF0];
	_ =	sdelay $0x1  }
0xb0: {  	v3 =	vld [tilespmem:s12+$0xFFFFFFF0];
	_ =	sdelay $0x2  }
0xb1: {  	v1 =	vadd.f32 v2, v1;
	_ =	sdelay $0x1  }
0xb2: {  	v1 =	vadd.f32 v3, v1;
	_ =	sdelay $0x1  }
0xb3: {  	v1 =	vmax.f32 v1, $0.0e+00  }
0xb4: {  	[tilespmem:s30+$0xFFFFFFF0] =	vst v1;
	v1 =	vld [tilespmem:s30+$0x0]  }
0xb5: {  	v2 =	vld [tilespmem:s31+$0x0];
	_ =	sdelay $0x1  }
0xb6: {  	v3 =	vld [tilespmem:s12+$0x0];
	_ =	sdelay $0x2  }
0xb7: {  	v1 =	vadd.f32 v2, v1;
	_ =	sdelay $0x1  }
0xb8: {  	v1 =	vadd.f32 v3, v1;
	_ =	sdelay $0x1  }
0xb9: {  	v1 =	vmax.f32 v1, $0.0e+00  }
0xba: {  	[tilespmem:s30+$0x0] =	vst v1;
	v1 =	vld [tilespmem:s30+$0x10]  }
0xbb: {  	v2 =	vld [tilespmem:s31+$0x10];
	_ =	sdelay $0x1  }
0xbc: {  	v3 =	vld [tilespmem:s12+$0x10];
	_ =	sdelay $0x2  }
0xbd: {  	v1 =	vadd.f32 v2, v1;
	_ =	sdelay $0x1  }
0xbe: {  	v1 =	vadd.f32 v3, v1;
	_ =	sdelay $0x1  }
0xbf: {  	s13 =	simm.s32 $0xAA60;
	s20 =	simm.s32 $0x0;
	v1 =	vmax.f32 v1, $0.0e+00  }
.LBB2_5:
0xc0: {  	v2 =	vld [tilespmem:s13+$0xFFFFFFE0];
	[tilespmem:s30+$0x10] =	vst v1;
	s31 =	sadd.s32 $0x40, s31;
	s30 =	smov.u32 s13  }
0xc1: {  	s20 =	sadd.s32 $0x4, s20;
	s12 =	sadd.s32 $0x40, s12;
	v1 =	vld [tilespmem:s31+$0xFFFFFFE0]  }
0xc2: {  	p0 =	slt.u32 s20, $0x4FC;
	v3 =	vld [tilespmem:s12+$0xFFFFFFE0];
	_ =	sdelay $0x3  }
0xc3: {  	v1 =	vadd.f32 v1, v2;
	_ =	sdelay $0x1  }
0xc4: {  	v1 =	vadd.f32 v3, v1;
	_ =	sdelay $0x1  }
0xc5: {  	v1 =	vmax.f32 v1, $0.0e+00  }
0xc6: {  	[tilespmem:s13+$0xFFFFFFE0] =	vst v1;
	v1 =	vld [tilespmem:s13+$0xFFFFFFF0]  }
0xc7: {  	v2 =	vld [tilespmem:s31+$0xFFFFFFF0];
	_ =	sdelay $0x1  }
0xc8: {  	v3 =	vld [tilespmem:s12+$0xFFFFFFF0];
	_ =	sdelay $0x2  }
0xc9: {  	v1 =	vadd.f32 v2, v1;
	_ =	sdelay $0x1  }
0xca: {  	v1 =	vadd.f32 v3, v1;
	_ =	sdelay $0x1  }
0xcb: {  	v1 =	vmax.f32 v1, $0.0e+00  }
0xcc: {  	[tilespmem:s13+$0xFFFFFFF0] =	vst v1;
	v1 =	vld [tilespmem:s13+$0x0]  }
0xcd: {  	v2 =	vld [tilespmem:s31+$0x0];
	_ =	sdelay $0x1  }
0xce: {  	v3 =	vld [tilespmem:s12+$0x0];
	_ =	sdelay $0x2  }
0xcf: {  	v1 =	vadd.f32 v2, v1;
	_ =	sdelay $0x1  }
0xd0: {  	v1 =	vadd.f32 v3, v1;
	_ =	sdelay $0x1  }
0xd1: {  	v1 =	vmax.f32 v1, $0.0e+00  }
0xd2: {  	[tilespmem:s13+$0x0] =	vst v1;
	v1 =	vld [tilespmem:s13+$0x10]  }
0xd3: {  	v2 =	vld [tilespmem:s31+$0x10]  }
0xd4: {  	v3 =	vld [tilespmem:s12+$0x10];
	_ =	sdelay $0x3  }
.Ltmp1:
0xd5: {  	v1 =	vadd.f32 v2, v1;
	(pc) =	sbr.rel @p0 .LBB2_5-.Ltmp1, $3  }
0xd6: {  	_ = 	snop  }
0xd7: {  	v1 =	vadd.f32 v3, v1;
	_ =	sdelay $0x1  }
0xd8: {  	s13 =	sadd.s32 $0x40, s13;
	v1 =	vmax.f32 v1, $0.0e+00  }
0xd9: {  	[tilespmem:s30+$0x10] =	vst v1;
	s12 =	sadd.s32 s9, s29  }
0xda: {  	[hbm4b:s12+s5] =	stream.linear.scatter [tilespmem:s21], [sflag:$0x2], $0x5000, $0x38;
	[tilespmem:$0x17080] =	vst v63  }
0xdb: {  	_ =	swait.ge [sflag:s19], $0x5000  }
0xdc: {  	[sflag:s19] =	ssyncset.done $0x0  }
0xdd: {  	[sflag:s19] =	ssyncadd.s32 $0xFFFFB000  }
0xde: {  	[spmem:s4] =	stream.indirect.scatter.add.f32 [tilespmem:s21], [sflag:$0x1], $0x10, s22, s23, $0xb8;
	[tilespmem:$0x17080] =	vst v63  }
0xdf: {  	s20 =	simm.s32 $0xB200  }
0xe0: {  	[spmem:s4] =	stream.indirect.scatter.add.f32 [tilespmem:s20], [sflag:$0x1], $0x10, s28, s23, $0xb8;
	[tilespmem:$0x17080] =	vst v63  }
0xe1: {  	s29 =	simm.s32 $0xBA00  }
0xe2: {  	[spmem:s4] =	stream.indirect.scatter.add.f32 [tilespmem:s29], [sflag:$0x1], $0x10, s0, s23, $0xb8;
	[tilespmem:$0x17080] =	vst v63  }
0xe3: {  	s30 =	simm.s32 $0xC200  }
0xe4: {  	[spmem:s4] =	stream.indirect.scatter.add.f32 [tilespmem:s30], [sflag:$0x1], $0x10, s16, s23, $0xb8;
	[tilespmem:$0x17080] =	vst v63  }
0xe5: {  	s31 =	simm.s32 $0xCA00  }
0xe6: {  	[spmem:s4] =	stream.indirect.scatter.add.f32 [tilespmem:s31], [sflag:$0x1], $0x10, s11, s23, $0xb8;
	[tilespmem:$0x17080] =	vst v63  }
0xe7: {  	s13 =	simm.s32 $0xD200  }
0xe8: {  	[spmem:s4] =	stream.indirect.scatter.add.f32 [tilespmem:s13], [sflag:$0x1], $0x10, s26, s23, $0xb8;
	[tilespmem:$0x17080] =	vst v63  }
0xe9: {  	s20 =	simm.s32 $0xDA00  }
0xea: {  	[spmem:s4] =	stream.indirect.scatter.add.f32 [tilespmem:s20], [sflag:$0x1], $0x10, s1, s23, $0xb8;
	[tilespmem:$0x17080] =	vst v63  }
0xeb: {  	s29 =	simm.s32 $0xE200  }
0xec: {  	[spmem:s4] =	stream.indirect.scatter.add.f32 [tilespmem:s29], [sflag:$0x1], $0x10, s18, s23, $0xb8;
	[tilespmem:$0x17080] =	vst v63  }
0xed: {  	s30 =	simm.s32 $0xEA00  }
0xee: {  	[spmem:s4] =	stream.indirect.scatter.add.f32 [tilespmem:s30], [sflag:$0x1], $0x10, s25, s23, $0xb8;
	[tilespmem:$0x17080] =	vst v63  }
0xef: {  	s31 =	simm.s32 $0xF200  }
0xf0: {  	[spmem:s4] =	stream.indirect.scatter.add.f32 [tilespmem:s31], [sflag:$0x1], $0x10, s10, s23, $0xb8;
	[tilespmem:$0x17080] =	vst v63  }
0xf1: {  	_ =	swait.ge [sflag:s17], $0x800  }
0xf2: {  	[sflag:s17] =	ssyncset.done $0x0  }
0xf3: {  	[sflag:s17] =	ssyncadd.s32 $0xFFFFF800  }
0xf4: {  	_ =	swait.ge [sflag:s17], $0x800  }
0xf5: {  	[sflag:s17] =	ssyncset.done $0x0  }
0xf6: {  	[sflag:s17] =	ssyncadd.s32 $0xFFFFF800  }
0xf7: {  	_ =	swait.ge [sflag:s17], $0x800  }
0xf8: {  	[sflag:s17] =	ssyncset.done $0x0  }
0xf9: {  	[sflag:s17] =	ssyncadd.s32 $0xFFFFF800  }
0xfa: {  	_ =	swait.ge [sflag:s17], $0x800  }
0xfb: {  	[sflag:s17] =	ssyncset.done $0x0  }
0xfc: {  	[sflag:s17] =	ssyncadd.s32 $0xFFFFF800  }
0xfd: {  	_ =	swait.ge [sflag:s17], $0x800  }
0xfe: {  	[sflag:s17] =	ssyncset.done $0x0  }
0xff: {  	[sflag:s17] =	ssyncadd.s32 $0xFFFFF800  }
0x100: {  	_ =	swait.ge [sflag:s17], $0x800  }
0x101: {  	[sflag:s17] =	ssyncset.done $0x0  }
0x102: {  	[sflag:s17] =	ssyncadd.s32 $0xFFFFF800  }
0x103: {  	_ =	swait.ge [sflag:s17], $0x800  }
0x104: {  	[sflag:s17] =	ssyncset.done $0x0  }
0x105: {  	[sflag:s17] =	ssyncadd.s32 $0xFFFFF800  }
0x106: {  	_ =	swait.ge [sflag:s17], $0x800  }
0x107: {  	[sflag:s17] =	ssyncset.done $0x0  }
0x108: {  	s24 =	sadd.s32 $0x1, s24;
	[sflag:s17] =	ssyncadd.s32 $0xFFFFF800  }
0x109: {  	p0 =	sne.s32 s24, $0x4;
	_ =	swait.ge [sflag:s17], $0x800  }
.Ltmp2:
0x10a: {  	[sflag:s17] =	ssyncset.done $0x0;
	(pc) =	sbr.rel @p0 .LBB2_4-.Ltmp2, $4  }
0x10b: {  	[sflag:s17] =	ssyncadd.s32 $0xFFFFF800  }
0x10c: {  	_ =	swait.ge [sflag:s17], $0x800  }
0x10d: {  	[sflag:s17] =	ssyncset.done $0x0  }
0x10e: {  	[sflag:s17] =	ssyncadd.s32 $0xFFFFF800  }
0x10f: {  	[bflag:$0x0] =	sbarrier.arrive $0xFFFF  }
0x110: {  	s20 =	rddreg [dreg:$0x8]  }
0x111: {  	[tilespmem:s21], [sflag:$0x2] =	stream.linear.gather [spmem:s20], $0x2780, $0x38;
	[tilespmem:$0x17080] =	vst v63  }
0x112: {  	_ =	swait.ge [sflag:s19], $0x2780  }
0x113: {  	[sflag:s19] =	ssyncset.done $0x0  }
0x114: {  	s12 =	rddreg [dreg:$0x9];
	[sflag:s19] =	ssyncadd.s32 $0xFFFFD880  }
0x115: {  	[hbm4b:s12+s5] =	stream.linear.scatter [tilespmem:s21], [sflag:$0x2], $0x2780, $0x38;
	[tilespmem:$0x17080] =	vst v63  }
0x116: {  	_ =	swait.ge [sflag:s19], $0x2780  }
0x117: {  	s13 =	rddreg [dreg:$0xd]  }
0x118: {  	s31 =	rddreg [dreg:$0xa];
	s13 =	sadd.s32 $0x1, s13  }
0x119: {  	p0 =	sne.s32 s13, s31  }
.Ltmp3:
0x11a: {  	_ = 	snop;
	(pc) =	sbr.rel @p0 .LBB2_1-.Ltmp3, $3  }
0x11b: {  	_ =	sdelay $0x1  }
0x11c: {  	[sflag:s19] =	ssyncset.done $0x0  }
0x11d: {  	[sflag:s19] =	ssyncadd.s32 $0xFFFFD880  }
0x11e: {  	_ =	sfence.sel $0x180000  }
0x11f: {  	[bflag:$0x0] =	sbarrier.arrive $0xFFFF  }
0x120: {  	_ =	strace $0x90000047  }
0x121: {  	s0 =	stileid.u32;
	[bflag:$0x2] =	sbarrier.arrive $0xFFFF  }
0x122: {  	p0 =	sne.s32 s0, $0x0;
	s0 =	rddreg [dreg:$0x4]  }
0x123: {  	s0 =	sadd.s32 @!p0 $0x100000, s0  }
0x124: {  	[sflag:s0] =	ssyncadd.tile.s32 @!p0 $0x1;
	_ =	shalt  }
.Lfunc_end2:
_tile_overlayer_lowered:
.L_overlay_start_2:
0x125: {  	(tag) =	ssettag $0x2  }
0x126: {  	s0 =	rddreg [dreg:$0x0];
	s2 =	stileid.u32  }
0x127: {  	s1 =	rddreg [dreg:$0x1];
	p0 =	sne.s32 s2, $0x0  }
0x128: {  	s3 =	rddreg [dreg:$0x2];
	[bflag:$0x3] =	sbarrier.arrive $0xFFFF;
	s2 =	simm.s32 @!p0 $0x1C02  }
0x129: {  	[timem:s3], [sflag:s2] =	dma.local @!p0 [hbm:s0], s1  }
0x12a: {  	s0 =	simm.s32 @!p0 $0x2  }
0x12b: {  	_ =	swait.ge @!p0 [sflag:s0], s1  }
0x12c: {  	s1 =	ssub.s32 @!p0 $0x0, s1;
	[sflag:s0] =	ssyncset.done @!p0 $0x0  }
0x12d: {  	[sflag:s0] =	ssyncadd.s32 @!p0 s1  }
0x12e: {  	[bflag:$0x3] =	sbarrier.arrive $0xFFFF  }
0x12f: {  	_ =	shalt  }

// kernel: kernel.17.cloned.1.call-start
scs
__scs_entry_jumppad:
0x0: {  	(pc) =	sbr.rel $0x88, $3  }
0x1: {  	(tag) =	ssettag $0x0;
	lr =	simm.s32 $0x1  }
0x2: {  	[smem:$0x3F92] =	sst lr;
	_ =	strace $0xD0000000  }
0x3: {  	_ = 	snop  }
0x4: {  	_ = 	snop  }
0x5: {  	_ = 	snop  }
0x6: {  	_ = 	snop  }
0x7: {  	_ = 	snop  }
__scs_overlays_trampoline_lowered:
0x8: {  	[smem:$0x3FA1] =	sst s0  }
0x9: {  	[smem:$0x3FA2] =	sst s1  }
0xa: {  	[smem:$0x3FA3] =	sst s2  }
0xb: {  	[smem:$0x3FA4] =	sst s3  }
0xc: {  	[smem:$0x3FA5] =	sst s4  }
0xd: {  	[smem:$0x3FA6] =	sst s5  }
0xe: {  	[smem:$0x3FA7] =	sst s6  }
0xf: {  	[smem:$0x3FA8] =	sst s7  }
0x10: {  	[smem:$0x3FA9] =	sst s8  }
0x11: {  	[smem:$0x3FAA] =	sst s9;
	s0 =	simm.s32 @!p0 $0x0  }
0x12: {  	s1 =	sld [smem:$0x3F90];
	s0 =	simm.s32 @p0 $0x1  }
0x13: {  	[smem:$0x3FAB] =	sst s0;
	s0 =	simm.s32 @!p1 $0x0  }
0x14: {  	s2 =	sld [smem:$0x3F8F];
	s0 =	simm.s32 @p1 $0x1  }
0x15: {  	[smem:$0x3FAC] =	sst s0;
	s0 =	simm.s32 @!p2 $0x0  }
0x16: {  	s3 =	sld [smem:$0x3FDB];
	s0 =	simm.s32 @p2 $0x1  }
0x17: {  	s4 =	simm.s32 $0x1BF5;
	[smem:$0x3FAE] =	sst s0  }
0x18: {  	s0 =	sld [smem:$0x3F91];
	_ =	swait.ge [sflag:s4], $0x0  }
0x19: {  	s7 =	sld [smem:$0x3F92]  }
0x1a: {  	s8 =	sadd.s32 $0xFFFFE003, lr  }
0x1b: {  	s9 =	sadd.s32 $0xFFFFFEF7, lr;
	s5 =	simm.s32 $0xFFFFFFFF;
	p2 =	slt.u32 s8, $0xFFFFF086  }
0x1c: {  	p1 =	slt.u32 s9, $0xF7A;
	s5 =	simm.s32 @!p2 $0x0  }
0x1d: {  	s5 =	simm.s32 @p1 $0x1;
	p0 =	seq.s32 s7, s2  }
0x1e: {  	s7 =	smul.u32 @!p0 $0xF7A, s2;
	p2 =	seq.s32 @!p0 s5, $0x0  }
0x1f: {  	s9 =	smul.u32 $0xF7A, s1;
	s8 =	simm.s32 @!p0 $0x1BF5;
	p2 =	por !p2, p0  }
0x20: {  	[sflag:s8] =	ssyncset.s32 @!p0 $0xFFFFF086;
	s6 =	sadd.s32 @!p0 s3, s7;
	s7 =	simm.s32 @!p0 $0x108  }
0x21: {  	s3 =	sadd.s32 s3, s9;
	s6 =	sadd.s32 @!p0 $0x88, s6;
	s7 =	simm.s32 @p2 $0x1082  }
0x22: {  	[simem:s7], [sflag:s8] =	dma.local @!p0 [hbm:s6], $0xF7A  }
0x23: {  	s9 =	sor.u32 $0xD0000000, s2;
	s6 =	simm.s32 $0x108;
	_ =	swait.ge @!p0 [sflag:s8], $0x0  }
0x24: {  	s3 =	sadd.s32 $0x88, s3;
	s6 =	simm.s32 @!p1 $0x1082;
	[sflag:s4] =	ssyncset.s32 $0xFFFFF086  }
0x25: {  	[simem:s6], [sflag:s4] =	dma.local [hbm:s3], $0xF7A  }
0x26: {  	[smem:$0x3F92] =	sst s1;
	(tag) =	ssettag s2;
	_ =	strace s9  }
0x27: {  	s1 =	sld [smem:$0x3FA2]  }
0x28: {  	s2 =	sld [smem:$0x3FA3]  }
0x29: {  	s4 =	sld [smem:$0x3FA5]  }
0x2a: {  	p0 =	seq.s32 s5, $0x0;
	s5 =	sld [smem:$0x3FA6]  }
0x2b: {  	s6 =	sld [smem:$0x3FA7]  }
0x2c: {  	s7 =	sld [smem:$0x3FA8]  }
0x2d: {  	s3 =	simm.s32 $0x108;
	s8 =	sld [smem:$0x3FA9]  }
0x2e: {  	s3 =	simm.s32 @!p0 $0x1082;
	s9 =	sld [smem:$0x3FAA]  }
0x2f: {  	lr =	sadd.s32 s0, s3;
	s0 =	sld [smem:$0x3FA1]  }
0x30: {  	s3 =	sld [smem:$0x3FA4]  }
0x31: {  	[smem:$0x3FAD] =	sst s10  }
0x32: {  	s10 =	sld [smem:$0x3FAB];
	_ =	sdelay $0x3  }
0x33: {  	p0 =	seq.s32 s10, $0x1;
	s10 =	sld [smem:$0x3FAD];
	_ =	sdelay $0x3  }
0x34: {  	[smem:$0x3FAD] =	sst s10  }
0x35: {  	s10 =	sld [smem:$0x3FAC];
	_ =	sdelay $0x3  }
0x36: {  	p1 =	seq.s32 s10, $0x1;
	s10 =	sld [smem:$0x3FAD];
	_ =	sdelay $0x3  }
0x37: {  	[smem:$0x3FAD] =	sst s10  }
0x38: {  	s10 =	sld [smem:$0x3FAE]  }
0x39: {  	_ = 	snop;
	(pc) =	sbr.ind lr, $3  }
0x3a: {  	_ = 	snop  }
0x3b: {  	_ = 	snop  }
0x3c: {  	p2 =	seq.s32 s10, $0x1;
	s10 =	sld [smem:$0x3FAD]  }
0x3d: {  	_ =	shalt  }
0x3e: {  	_ =	shalt  }
0x3f: {  	_ =	shalt  }
0x40: {  	_ =	shalt  }
0x41: {  	_ =	shalt  }
0x42: {  	_ =	shalt  }
0x43: {  	_ =	shalt  }
0x44: {  	_ =	shalt  }
0x45: {  	_ =	shalt  }
0x46: {  	_ =	shalt  }
0x47: {  	_ =	shalt  }
0x48: {  	_ =	shalt  }
0x49: {  	_ =	shalt  }
0x4a: {  	_ =	shalt  }
0x4b: {  	_ =	shalt  }
0x4c: {  	_ =	shalt  }
0x4d: {  	_ =	shalt  }
0x4e: {  	_ =	shalt  }
0x4f: {  	_ =	shalt  }
0x50: {  	_ =	shalt  }
0x51: {  	_ =	shalt  }
0x52: {  	_ =	shalt  }
0x53: {  	_ =	shalt  }
0x54: {  	_ =	shalt  }
0x55: {  	_ =	shalt  }
0x56: {  	_ =	shalt  }
0x57: {  	_ =	shalt  }
0x58: {  	_ =	shalt  }
0x59: {  	_ =	shalt  }
0x5a: {  	_ =	shalt  }
0x5b: {  	_ =	shalt  }
0x5c: {  	_ =	shalt  }
0x5d: {  	_ =	shalt  }
0x5e: {  	_ =	shalt  }
0x5f: {  	_ =	shalt  }
0x60: {  	_ =	shalt  }
0x61: {  	_ =	shalt  }
0x62: {  	_ =	shalt  }
0x63: {  	_ =	shalt  }
0x64: {  	_ =	shalt  }
0x65: {  	_ =	shalt  }
0x66: {  	_ =	shalt  }
0x67: {  	_ =	shalt  }
0x68: {  	_ =	shalt  }
0x69: {  	_ =	shalt  }
0x6a: {  	_ =	shalt  }
0x6b: {  	_ =	shalt  }
0x6c: {  	_ =	shalt  }
0x6d: {  	_ =	shalt  }
0x6e: {  	_ =	shalt  }
0x6f: {  	_ =	shalt  }
0x70: {  	_ =	shalt  }
0x71: {  	_ =	shalt  }
0x72: {  	_ =	shalt  }
0x73: {  	_ =	shalt  }
0x74: {  	_ =	shalt  }
0x75: {  	_ =	shalt  }
0x76: {  	_ =	shalt  }
0x77: {  	_ =	shalt  }
0x78: {  	_ =	shalt  }
0x79: {  	_ =	shalt  }
0x7a: {  	_ =	shalt  }
0x7b: {  	_ =	shalt  }
0x7c: {  	_ =	shalt  }
0x7d: {  	_ =	shalt  }
0x7e: {  	_ =	shalt  }
0x7f: {  	_ =	shalt  }
0x80: {  	_ =	shalt  }
0x81: {  	_ =	shalt  }
0x82: {  	_ =	shalt  }
0x83: {  	_ =	shalt  }
0x84: {  	_ =	shalt  }
0x85: {  	_ =	shalt  }
0x86: {  	_ =	shalt  }
0x87: {  	_ =	shalt  }
.Lfunc_end0:
.L_simem_size_0:
called_computation.1_lowered:
.L_overlay_start_0:
0x88: {  	s2 =	sld [smem:$0x3FD9]  }
0x89: {  	s3 =	sld [smem:$0x3FFE];
	_ =	sdelay $0x1  }
0x8a: {  	s1 =	srdreg.scid  }
0x8b: {  	s0 =	sand.u32 $0x1, s1  }
0x8c: {  	s17 =	sshll.u32 s0, $0xA;
	s2 =	sadd.s32 s3, s2  }
0x8d: {  	s2 =	sadd.s32 s2, s17  }
0x8e: {  	[smem:$0x3FB9] =	sst s2  }
0x8f: {  	_ = 	snop  }
0x90: {  	s18 =	sld [smem:$0x3FD0];
	(tm) =	ssettm $0x1  }
0x91: {  	s19 =	sld [smem:$0x3FFB];
	_ =	sdelay $0x3  }
0x92: {  	_ =	strace s19  }
0x93: {  	s2 =	sld [smem:$0x3FFC];
	_ =	sdelay $0x3  }
0x94: {  	_ =	strace s2  }
0x95: {  	s2 =	sld [smem:$0x3FFD];
	_ =	sdelay $0x3  }
0x96: {  	_ =	strace s2  }
0x97: {  	_ =	strace $0x8FFFFFFF  }
0x98: {  	s20 =	sld [smem:$0x3FDB];
	_ =	sdelay $0x1  }
0x99: {  	s4 =	simm.s32 $_scs_section_size  }
0x9a: {  	s5 =	simm.s32 $_size__tile_overlayer_lowered;
	s6 =	simm.s32 $_tile_overlayer_lowered  }
0x9b: {  	s7 =	simm.s32 $0x1BFF;
	s21 =	sshll.u32 s6, $0x1;
	s4 =	sadd.s32 s4, s20  }
0x9c: {  	s22 =	simm.s32 $0x0;
	s5 =	sshll.u32 s5, $0x1;
	s6 =	sadd.s32 s21, s4  }
0x9d: {  	[timem:s22], [sflag:s7] =	dma.local [hbm:s6], s5  }
0x9e: {  	_ =	swait.ge [sflag:s7], s5  }
0x9f: {  	s5 =	ssub.s32 $0x0, s5;
	[sflag:s7] =	ssyncset.done $0x0  }
0xa0: {  	[sflag:s7] =	ssyncadd.s32 s5;
	_ =	sdelay $0x1  }
0xa1: {  	s23 =	simm.s32 $0x1B8B  }
0xa2: {  	_ =	swait.ge [sflag:s23], $0x1  }
0xa3: {  	[sflag:s23] =	ssyncset.done $0x0  }
0xa4: {  	[sflag:s23] =	ssyncadd.s32 $0xFFFFFFFF  }
0xa5: {  	s5 =	sld [smem:$0x0]  }
0xa6: {  	s6 =	sand.u32 $0xFFFFFFFE, s1  }
0xa7: {  	p0 =	sne.s32 s1, s6  }
0xa8: {  	s6 =	sshll.u32 @p0 s6, $0xE  }
0xa9: {  	s6 =	sadd.s32 @p0 $0x11B8D, s6;
	s7 =	sshll.u32 @p0 s5, $0x11  }
0xaa: {  	s6 =	sor.u32 @p0 s7, s6  }
0xab: {  	[sflag:s6] =	ssyncadd.remote.s32 @p0 $0x1;
	_ =	sdelay $0x1  }
0xac: {  	s6 =	simm.s32 @p0 $0x1B8D  }
0xad: {  	_ =	swait.eq @p0 [sflag:s6], $0x1  }
0xae: {  	[sflag:s6] =	ssyncadd.s32 @p0 $0xFFFFFFFF  }
0xaf: {  	s7 =	sshll.u32 @!p0 s1, $0xE  }
0xb0: {  	s7 =	sor.u32 @!p0 $0x4000, s7;
	s6 =	simm.s32 @!p0 $0x1B8D  }
0xb1: {  	s5 =	sshll.u32 @!p0 s5, $0x11;
	s7 =	sadd.s32 @!p0 $0x11B8D, s7;
	_ =	swait.eq @!p0 [sflag:s6], $0x1  }
0xb2: {  	s5 =	sor.u32 @!p0 s5, s7;
	[sflag:s6] =	ssyncadd.s32 @!p0 $0xFFFFFFFF  }
0xb3: {  	s25 =	simm.s32 $0x1B8E;
	s24 =	sld [smem:$0x3FFE];
	[sflag:s5] =	ssyncadd.remote.s32 @!p0 $0x1  }
0xb4: {  	s26 =	simm.s32 $execute0_lowered;
	[smem:$0x3FD2] =	sst s25  }
0xb5: {  	s6 =	sshll.u32 s26, $0x1;
	_ =	strace $0x80000049;
	[dreg:$0x1] =	wrdreg $0xFFFFFFFF  }
0xb6: {  	s28 =	simm.s32 $_size_execute0_lowered;
	s4 =	sadd.s32 s4, s6;
	[dreg:$0x0] =	wrdreg $0x0  }
0xb7: {  	s6 =	sshll.u32 s28, $0x1;
	[dreg:$0x2] =	wrdreg s4  }
0xb8: {  	[dreg:$0x3] =	wrdreg s6  }
0xb9: {  	[dreg:$0x4] =	wrdreg $0xC0  }
0xba: {  	_ =	task [dreg:s22], $0x5FFFF  }
0xbb: {  	[dreg:$0x1] =	wrdreg $0xFFFFFFFF  }
0xbc: {  	[dreg:$0x0] =	wrdreg $0x60  }
0xbd: {  	[dreg:$0x2] =	wrdreg s18  }
0xbe: {  	[dreg:$0x3] =	wrdreg s24  }
0xbf: {  	[dreg:$0x4] =	wrdreg $0xFA000  }
0xc0: {  	[dreg:$0x5] =	wrdreg $0x121800  }
0xc1: {  	[dreg:$0x6] =	wrdreg $0x149000  }
0xc2: {  	[dreg:$0x7] =	wrdreg $0xA  }
0xc3: {  	_ =	task.clear_ibuf [dreg:s22], $0x8FFFF;
	_ =	strace $0x90000049  }
0xc4: {  	s29 =	simm.s32 $0xA;
	_ =	strace $0x8000004B  }
0xc5: {  	_ =	swait.ge [sflag:s29], $0x1  }
0xc6: {  	[sflag:s29] =	ssyncadd.s32 $0xFFFFFFFF  }
0xc7: {  	_ =	strace $0x9000004B  }
0xc8: {  	_ =	sfence  }
0xc9: {  	s30 =	sld [smem:$0x0];
	_ =	sdelay $0x2  }
0xca: {  	s31 =	sshll.u32 s1, $0xD;
	s1 =	sshrl.u32 s1, $0x2  }
0xcb: {  	s4 =	sand.u32 $0x4000, s31;
	s1 =	sadd.s32 s1, s30  }
0xcc: {  	s0 =	sor.u32 s4, s0;
	s1 =	sshll.u32 s1, $0x11  }
0xcd: {  	s0 =	sor.u32 s1, s0  }
0xce: {  	s0 =	sadd.s32 $0x8F2B, s0  }
0xcf: {  	[sflag:s0] =	ssyncadd.remote.s32 $0x1  }
0xd0: {  	_ =	sfence.sel $0xFFFF  }
0xd1: {  	[dreg:$0x0] =	wrdreg $0xFFFFFFFF;
	(pc) =	sbr.abs _section_cstart, $3  }
0xd2: {  	[dreg:$0x1] =	wrdreg $0xFFFFFFFF  }
0xd3: {  	_ =	task.clear_ibuf [dreg:s22], $0x2FFFF;
	_ =	strace $0x9FFFFFFF  }
0xd4: {  	(tm) =	ssettm $0x7FFFFFFF  }
0xd5: {  	_ =	shalt  }
tec
execute0_lowered:
.L_overlay_start_1:
0x0: {  	(tag) =	ssettag $0x1  }
0x1: {  	s0 =	rddreg [dreg:$0x1]  }
0x2: {  	s3 =	rddreg [dreg:$0x2]  }
0x3: {  	s4 =	rddreg [dreg:$0x3]  }
0x4: {  	s5 =	rddreg [dreg:$0x4];
	s14 =	stileid.u32  }
0x5: {  	s2 =	srdreg.scid;
	s6 =	simm.s32 $0x0;
	s28 =	simm.s32 $0x580  }
0x6: {  	s16 =	simm.s32 $0x680;
	s31 =	simm.s32 $0x800;
	s17 =	simm.s32 $0x880  }
0x7: {  	s30 =	simm.s32 $0x980;
	s1 =	smul.u32 $0x2780, s14;
	s2 =	sand.u32 $0x1, s2  }
0x8: {  	[smem:$0x7FF] =	sst s6;
	s7 =	sadd.s32 $0xF3E00, s0;
	s20 =	sshll.u32 s14, $0x1  }
0x9: {  	s22 =	sshll.u32 s14, $0x6;
	s9 =	smul.u32 $0x27800, s2;
	_ =	strace $0x8000004A  }
0xa: {  	s12 =	ssub.s32 $0x2, s2;
	s2 =	sor.u32 s2, s20;
	s8 =	sshrl.u32 s1, $0x3  }
0xb: {  	s13 =	sshrl.u32 s12, $0x1;
	s21 =	sadd.s32 s1, s3;
	s14 =	smul.u32 $0x28, s2  }
0xc: {  	s24 =	sadd.s32 s1, s4;
	s18 =	sadd.s32 s1, s5;
	s15 =	smul.u32 $0x1400, s2  }
0xd: {  	s2 =	simm.s32 $0x600;
	s10 =	sadd.s32 s8, s0;
	s8 =	sadd.s32 $0xF8E00, s0  }
0xe: {  	s11 =	sadd.s32 s1, s9;
	s9 =	sadd.s32 $0x152C00, s0;
	s19 =	ssub.s32 s12, s13  }
0xf: {  	s13 =	sor.u32 $0x1C02, s22;
	s26 =	sshrl.u32 s21, $0x3;
	[dreg:$0x9] =	wrdreg s18  }
0x10: {  	s29 =	sshrl.u32 s24, $0x3;
	s21 =	simm.s32 $0xAA00;
	[dreg:$0x7] =	wrdreg s13  }
0x11: {  	s22 =	simm.s32 $0x500;
	s12 =	simm.s32 $0xF200;
	[dreg:$0xc] =	wrdreg s26  }
0x12: {  	s11 =	sshrl.u32 s11, $0x3;
	s23 =	sadd.s32 $0x38000, s10;
	[dreg:$0xd] =	wrdreg s29  }
0x13: {  	s10 =	sadd.s32 $0x3D000, s10;
	s25 =	smax.u32 s19, $0x1;
	[dreg:$0x6] =	wrdreg s23  }
0x14: {  	s19 =	simm.s32 $0x2;
	s13 =	simm.s32 $0x0;
	[dreg:$0x8] =	wrdreg s10  }
0x15: {  	s0 =	sadd.s32 s11, s0;
	[dreg:$0xb] =	wrdreg s25;
	s23 =	simm.s32 $0x80  }
0x16: {  	s11 =	simm.s32 $0x700;
	s25 =	simm.s32 $0x780;
	s0 =	sadd.s32 $0x148E00, s0  }
0x17: {  	v0 =	vimm.f32 $0.0e+00;
	s10 =	simm.s32 $0x1;
	[dreg:$0xa] =	wrdreg s0;
	s0 =	simm.s32 $0x900  }
.LBB2_1:
0x18: {  	[dreg:$0xe] =	wrdreg s13  }
0x19: {  	s1 =	rddreg [dreg:$0x6]  }
0x1a: {  	s24 =	rddreg [dreg:$0x7]  }
0x1b: {  	s20 =	rddreg [dreg:$0xc]  }
0x1c: {  	[spmem:s20], [sflag:s24] =	dma.local [hbm:s1], $0x4F0  }
0x1d: {  	_ =	swait.ge [sflag:s19], $0x4F0  }
0x1e: {  	[sflag:s19] =	ssyncset.done $0x0;
	s26 =	rddreg [dreg:$0x8]  }
0x1f: {  	s29 =	rddreg [dreg:$0xd];
	[sflag:s19] =	ssyncadd.s32 $0xFFFFFB10  }
0x20: {  	[spmem:s29], [sflag:s24] =	dma.local [hbm:s26], $0x4F0  }
0x21: {  	_ =	swait.ge [sflag:s19], $0x4F0  }
0x22: {  	[sflag:s19] =	ssyncset.done $0x0  }
0x23: {  	s1 =	simm.s32 $0xAA20;
	[sflag:s19] =	ssyncadd.s32 $0xFFFFFB10  }
0x24: {  	[tilespmem:s1+$0xFFFFFFE0] =	vst v0  }
0x25: {  	[tilespmem:s1+$0x10] =	vst v0  }
0x26: {  	s13 =	simm.s32 $0x0;
	[tilespmem:s1+$0x0] =	vst v0  }
.LBB2_2:
0x27: {  	s13 =	sadd.s32 $0x4, s13  }
0x28: {  	[tilespmem:s1+$0xFFFFFFF0] =	vst v0;
	s1 =	sadd.s32 $0x40, s1;
	p0 =	slt.u32 s13, $0x274  }
.Ltmp0:
0x29: {  	[tilespmem:s1+$0xFFFFFFE0] =	vst v0;
	(pc) =	sbr.rel @p0 .LBB2_2-.Ltmp0, $3  }
0x2a: {  	_ =	sdelay $0x1  }
0x2b: {  	[tilespmem:s1+$0x10] =	vst v0  }
0x2c: {  	[tilespmem:s1+$0x0] =	vst v0  }
0x2d: {  	[tilespmem:s1+$0xFFFFFFF0] =	vst v0  }
0x2e: {  	[spmem:s18] =	stream.linear.scatter [tilespmem:s21], [sflag:$0x2], $0x2780, $0x38;
	[tilespmem:$0x17080] =	vst v63  }
0x2f: {  	_ =	swait.ge [sflag:s19], $0x2780  }
0x30: {  	[sflag:s19] =	ssyncset.done $0x0  }
0x31: {  	[sflag:s19] =	ssyncadd.s32 $0xFFFFD880  }
0x32: {  	s18 =	simm.s32 $0x0;
	[bflag:$0x0] =	sbarrier.arrive $0xFFFF  }
.LBB2_4:
0x33: {  	s1 =	smul.u32 $0xA, s18;
	_ =	sdelay $0x1  }
0x34: {  	s1 =	sadd.s32 s14, s1  }
0x35: {  	s13 =	rddreg [dreg:$0x0];
	s1 =	sshll.u32 s1, $0x4  }
0x36: {  	s13 =	sadd.s32 s13, s1  }
0x37: {  	[tilespmem:s6], [sflag:$0x2] =	stream.linear.gather [hbm4b:s13+s6], $0x500, $0x38;
	[tilespmem:$0x17080] =	vst v63  }
0x38: {  	_ =	swait.ge [sflag:s19], $0x500  }
0x39: {  	[sflag:s19] =	ssyncset.done $0x0  }
0x3a: {  	s1 =	sadd.s32 s7, s1;
	[sflag:s19] =	ssyncadd.s32 $0xFFFFFB00  }
0x3b: {  	[tilespmem:s22], [sflag:$0x2] =	stream.linear.gather [hbm4b:s1+s6], $0x500, $0x38;
	[tilespmem:$0x17080] =	vst v63  }
0x3c: {  	_ =	swait.ge [sflag:s19], $0x500  }
0x3d: {  	[sflag:s19] =	ssyncset.done $0x0  }
0x3e: {  	s24 =	simm.s32 $0xA00;
	[sflag:s19] =	ssyncadd.s32 $0xFFFFFB00  }
0x3f: {  	[tilespmem:s24], [sflag:$0x1] =	stream.indirect.gather [spmem:s3], $0x10, s6, s23, $0xb8;
	[tilespmem:$0x17080] =	vst v63  }
0x40: {  	s26 =	simm.s32 $0x5A00  }
0x41: {  	[tilespmem:s26], [sflag:$0x1] =	stream.indirect.gather [spmem:s4], $0x10, s22, s23, $0xb8;
	[tilespmem:$0x17080] =	vst v63  }
0x42: {  	s13 =	simm.s32 $0x1200  }
0x43: {  	[tilespmem:s13], [sflag:$0x1] =	stream.indirect.gather [spmem:s3], $0x10, s23, s23, $0xb8;
	[tilespmem:$0x17080] =	vst v63  }
0x44: {  	s20 =	simm.s32 $0x6200  }
0x45: {  	[tilespmem:s20], [sflag:$0x1] =	stream.indirect.gather [spmem:s4], $0x10, s28, s23, $0xb8;
	[tilespmem:$0x17080] =	vst v63  }
0x46: {  	s24 =	simm.s32 $0x100;
	s26 =	simm.s32 $0x1A00  }
0x47: {  	[tilespmem:s26], [sflag:$0x1] =	stream.indirect.gather [spmem:s3], $0x10, s24, s23, $0xb8;
	[tilespmem:$0x17080] =	vst v63  }
0x48: {  	s20 =	simm.s32 $0x6A00  }
0x49: {  	[tilespmem:s20], [sflag:$0x1] =	stream.indirect.gather [spmem:s4], $0x10, s2, s23, $0xb8;
	[tilespmem:$0x17080] =	vst v63  }
0x4a: {  	s24 =	simm.s32 $0x180;
	s26 =	simm.s32 $0x2200  }
0x4b: {  	[tilespmem:s26], [sflag:$0x1] =	stream.indirect.gather [spmem:s3], $0x10, s24, s23, $0xb8;
	[tilespmem:$0x17080] =	vst v63  }
0x4c: {  	s20 =	simm.s32 $0x7200  }
0x4d: {  	[tilespmem:s20], [sflag:$0x1] =	stream.indirect.gather [spmem:s4], $0x10, s16, s23, $0xb8;
	[tilespmem:$0x17080] =	vst v63  }
0x4e: {  	s24 =	simm.s32 $0x200;
	s26 =	simm.s32 $0x2A00  }
0x4f: {  	[tilespmem:s26], [sflag:$0x1] =	stream.indirect.gather [spmem:s3], $0x10, s24, s23, $0xb8;
	[tilespmem:$0x17080] =	vst v63  }
0x50: {  	s20 =	simm.s32 $0x7A00  }
0x51: {  	[tilespmem:s20], [sflag:$0x1] =	stream.indirect.gather [spmem:s4], $0x10, s11, s23, $0xb8;
	[tilespmem:$0x17080] =	vst v63  }
0x52: {  	s24 =	simm.s32 $0x280;
	s26 =	simm.s32 $0x3200  }
0x53: {  	[tilespmem:s26], [sflag:$0x1] =	stream.indirect.gather [spmem:s3], $0x10, s24, s23, $0xb8;
	[tilespmem:$0x17080] =	vst v63  }
0x54: {  	s20 =	simm.s32 $0x8200  }
0x55: {  	[tilespmem:s20], [sflag:$0x1] =	stream.indirect.gather [spmem:s4], $0x10, s25, s23, $0xb8;
	[tilespmem:$0x17080] =	vst v63  }
0x56: {  	s24 =	simm.s32 $0x300;
	s26 =	simm.s32 $0x3A00  }
0x57: {  	[tilespmem:s26], [sflag:$0x1] =	stream.indirect.gather [spmem:s3], $0x10, s24, s23, $0xb8;
	[tilespmem:$0x17080] =	vst v63  }
0x58: {  	s20 =	simm.s32 $0x8A00  }
0x59: {  	[tilespmem:s20], [sflag:$0x1] =	stream.indirect.gather [spmem:s4], $0x10, s31, s23, $0xb8;
	[tilespmem:$0x17080] =	vst v63  }
0x5a: {  	s24 =	simm.s32 $0x380;
	s26 =	simm.s32 $0x4200  }
0x5b: {  	[tilespmem:s26], [sflag:$0x1] =	stream.indirect.gather [spmem:s3], $0x10, s24, s23, $0xb8;
	[tilespmem:$0x17080] =	vst v63  }
0x5c: {  	s13 =	simm.s32 $0x9200  }
0x5d: {  	[tilespmem:s13], [sflag:$0x1] =	stream.indirect.gather [spmem:s4], $0x10, s17, s23, $0xb8;
	[tilespmem:$0x17080] =	vst v63  }
0x5e: {  	s20 =	simm.s32 $0x400;
	s24 =	simm.s32 $0x4A00  }
0x5f: {  	[tilespmem:s24], [sflag:$0x1] =	stream.indirect.gather [spmem:s3], $0x10, s20, s23, $0xb8;
	[tilespmem:$0x17080] =	vst v63  }
0x60: {  	s26 =	simm.s32 $0x9A00;
	s24 =	smul.u32 $0x500, s18  }
0x61: {  	[tilespmem:s26], [sflag:$0x1] =	stream.indirect.gather [spmem:s4], $0x10, s0, s23, $0xb8;
	[tilespmem:$0x17080] =	vst v63  }
0x62: {  	s13 =	simm.s32 $0x480;
	s20 =	simm.s32 $0x5200;
	s1 =	sadd.s32 s15, s24  }
0x63: {  	[tilespmem:s20], [sflag:$0x1] =	stream.indirect.gather [spmem:s3], $0x10, s13, s23, $0xb8;
	[tilespmem:$0x17080] =	vst v63  }
0x64: {  	s26 =	simm.s32 $0xA200;
	s20 =	sshll.u32 s1, $0x1  }
0x65: {  	[tilespmem:s26], [sflag:$0x1] =	stream.indirect.gather [spmem:s4], $0x10, s30, s23, $0xb8;
	[tilespmem:$0x17080] =	vst v63  }
0x66: {  	s1 =	sadd.s32 s8, s20  }
0x67: {  	[tilespmem:s21], [sflag:$0x2] =	stream.linear.gather [hbm4b:s1+s6], $0x5000, $0x38;
	[tilespmem:$0x17080] =	vst v63  }
0x68: {  	_ =	swait.ge [sflag:s19], $0x5000  }
0x69: {  	[sflag:s19] =	ssyncset.done $0x0  }
0x6a: {  	[sflag:s19] =	ssyncadd.s32 $0xFFFFB000  }
0x6b: {  	_ =	swait.ge [sflag:s10], $0x800  }
0x6c: {  	[sflag:s10] =	ssyncset.done $0x0  }
0x6d: {  	[sflag:s10] =	ssyncadd.s32 $0xFFFFF800  }
0x6e: {  	_ =	swait.ge [sflag:s10], $0x800  }
0x6f: {  	[sflag:s10] =	ssyncset.done $0x0  }
0x70: {  	[sflag:s10] =	ssyncadd.s32 $0xFFFFF800  }
0x71: {  	_ =	swait.ge [sflag:s10], $0x800  }
0x72: {  	[sflag:s10] =	ssyncset.done $0x0  }
0x73: {  	[sflag:s10] =	ssyncadd.s32 $0xFFFFF800  }
0x74: {  	_ =	swait.ge [sflag:s10], $0x800  }
0x75: {  	[sflag:s10] =	ssyncset.done $0x0  }
0x76: {  	[sflag:s10] =	ssyncadd.s32 $0xFFFFF800  }
0x77: {  	_ =	swait.ge [sflag:s10], $0x800  }
0x78: {  	[sflag:s10] =	ssyncset.done $0x0  }
0x79: {  	[sflag:s10] =	ssyncadd.s32 $0xFFFFF800  }
0x7a: {  	_ =	swait.ge [sflag:s10], $0x800  }
0x7b: {  	[sflag:s10] =	ssyncset.done $0x0  }
0x7c: {  	[sflag:s10] =	ssyncadd.s32 $0xFFFFF800  }
0x7d: {  	_ =	swait.ge [sflag:s10], $0x800  }
0x7e: {  	[sflag:s10] =	ssyncset.done $0x0  }
0x7f: {  	[sflag:s10] =	ssyncadd.s32 $0xFFFFF800  }
0x80: {  	_ =	swait.ge [sflag:s10], $0x800  }
0x81: {  	[sflag:s10] =	ssyncset.done $0x0  }
0x82: {  	[sflag:s10] =	ssyncadd.s32 $0xFFFFF800  }
0x83: {  	_ =	swait.ge [sflag:s10], $0x800  }
0x84: {  	[sflag:s10] =	ssyncset.done $0x0  }
0x85: {  	[sflag:s10] =	ssyncadd.s32 $0xFFFFF800  }
0x86: {  	_ =	swait.ge [sflag:s10], $0x800  }
0x87: {  	[sflag:s10] =	ssyncset.done $0x0  }
0x88: {  	[sflag:s10] =	ssyncadd.s32 $0xFFFFF800  }
0x89: {  	_ =	swait.ge [sflag:s10], $0x800  }
0x8a: {  	[sflag:s10] =	ssyncset.done $0x0  }
0x8b: {  	[sflag:s10] =	ssyncadd.s32 $0xFFFFF800  }
0x8c: {  	_ =	swait.ge [sflag:s10], $0x800  }
0x8d: {  	[sflag:s10] =	ssyncset.done $0x0  }
0x8e: {  	[sflag:s10] =	ssyncadd.s32 $0xFFFFF800  }
0x8f: {  	_ =	swait.ge [sflag:s10], $0x800  }
0x90: {  	[sflag:s10] =	ssyncset.done $0x0  }
0x91: {  	[sflag:s10] =	ssyncadd.s32 $0xFFFFF800  }
0x92: {  	_ =	swait.ge [sflag:s10], $0x800  }
0x93: {  	[sflag:s10] =	ssyncset.done $0x0  }
0x94: {  	[sflag:s10] =	ssyncadd.s32 $0xFFFFF800  }
0x95: {  	_ =	swait.ge [sflag:s10], $0x800  }
0x96: {  	[sflag:s10] =	ssyncset.done $0x0  }
0x97: {  	[sflag:s10] =	ssyncadd.s32 $0xFFFFF800  }
0x98: {  	_ =	swait.ge [sflag:s10], $0x800  }
0x99: {  	[sflag:s10] =	ssyncset.done $0x0  }
0x9a: {  	[sflag:s10] =	ssyncadd.s32 $0xFFFFF800  }
0x9b: {  	_ =	swait.ge [sflag:s10], $0x800  }
0x9c: {  	[sflag:s10] =	ssyncset.done $0x0  }
0x9d: {  	[sflag:s10] =	ssyncadd.s32 $0xFFFFF800  }
0x9e: {  	_ =	swait.ge [sflag:s10], $0x800  }
0x9f: {  	[sflag:s10] =	ssyncset.done $0x0  }
0xa0: {  	[sflag:s10] =	ssyncadd.s32 $0xFFFFF800  }
0xa1: {  	_ =	swait.ge [sflag:s10], $0x800  }
0xa2: {  	[sflag:s10] =	ssyncset.done $0x0  }
0xa3: {  	[sflag:s10] =	ssyncadd.s32 $0xFFFFF800  }
0xa4: {  	_ =	swait.ge [sflag:s10], $0x800  }
0xa5: {  	[sflag:s10] =	ssyncset.done $0x0  }
0xa6: {  	s13 =	simm.s32 $0xAA20;
	[sflag:s10] =	ssyncadd.s32 $0xFFFFF800  }
0xa7: {  	s24 =	simm.s32 $0xA20;
	v1 =	vld [tilespmem:s13+$0xFFFFFFE0]  }
0xa8: {  	v2 =	vld [tilespmem:s24+$0xFFFFFFE0]  }
0xa9: {  	s26 =	simm.s32 $0x5A20  }
0xaa: {  	v3 =	vld [tilespmem:s26+$0xFFFFFFE0];
	_ =	sdelay $0x2  }
0xab: {  	v1 =	vadd.f32 v2, v1;
	_ =	sdelay $0x1  }
0xac: {  	v1 =	vadd.f32 v3, v1;
	_ =	sdelay $0x1  }
0xad: {  	v1 =	vmax.f32 v1, $0.0e+00  }
0xae: {  	[tilespmem:s13+$0xFFFFFFE0] =	vst v1;
	v1 =	vld [tilespmem:s13+$0xFFFFFFF0]  }
0xaf: {  	v2 =	vld [tilespmem:s24+$0xFFFFFFF0];
	_ =	sdelay $0x1  }
0xb0: {  	v3 =	vld [tilespmem:s26+$0xFFFFFFF0];
	_ =	sdelay $0x2  }
0xb1: {  	v1 =	vadd.f32 v2, v1;
	_ =	sdelay $0x1  }
0xb2: {  	v1 =	vadd.f32 v3, v1;
	_ =	sdelay $0x1  }
0xb3: {  	v1 =	vmax.f32 v1, $0.0e+00  }
0xb4: {  	[tilespmem:s13+$0xFFFFFFF0] =	vst v1;
	v1 =	vld [tilespmem:s13+$0x0]  }
0xb5: {  	v2 =	vld [tilespmem:s24+$0x0];
	_ =	sdelay $0x1  }
0xb6: {  	v3 =	vld [tilespmem:s26+$0x0];
	_ =	sdelay $0x2  }
0xb7: {  	v1 =	vadd.f32 v2, v1;
	_ =	sdelay $0x1  }
0xb8: {  	v1 =	vadd.f32 v3, v1;
	_ =	sdelay $0x1  }
0xb9: {  	v1 =	vmax.f32 v1, $0.0e+00  }
0xba: {  	[tilespmem:s13+$0x0] =	vst v1;
	v1 =	vld [tilespmem:s13+$0x10]  }
0xbb: {  	v2 =	vld [tilespmem:s24+$0x10];
	_ =	sdelay $0x1  }
0xbc: {  	v3 =	vld [tilespmem:s26+$0x10];
	_ =	sdelay $0x2  }
0xbd: {  	v1 =	vadd.f32 v2, v1;
	_ =	sdelay $0x1  }
0xbe: {  	v1 =	vadd.f32 v3, v1;
	_ =	sdelay $0x1  }
0xbf: {  	s29 =	simm.s32 $0x0;
	s1 =	simm.s32 $0xAA60;
	v1 =	vmax.f32 v1, $0.0e+00  }
.LBB2_5:
0xc0: {  	v2 =	vld [tilespmem:s1+$0xFFFFFFE0];
	[tilespmem:s13+$0x10] =	vst v1;
	s24 =	sadd.s32 $0x40, s24;
	s13 =	smov.u32 s1  }
0xc1: {  	s29 =	sadd.s32 $0x4, s29;
	s26 =	sadd.s32 $0x40, s26;
	v1 =	vld [tilespmem:s24+$0xFFFFFFE0]  }
0xc2: {  	p0 =	slt.u32 s29, $0x4FC;
	v3 =	vld [tilespmem:s26+$0xFFFFFFE0];
	_ =	sdelay $0x3  }
0xc3: {  	v1 =	vadd.f32 v1, v2;
	_ =	sdelay $0x1  }
0xc4: {  	v1 =	vadd.f32 v3, v1;
	_ =	sdelay $0x1  }
0xc5: {  	v1 =	vmax.f32 v1, $0.0e+00  }
0xc6: {  	[tilespmem:s1+$0xFFFFFFE0] =	vst v1;
	v1 =	vld [tilespmem:s1+$0xFFFFFFF0]  }
0xc7: {  	v2 =	vld [tilespmem:s24+$0xFFFFFFF0];
	_ =	sdelay $0x1  }
0xc8: {  	v3 =	vld [tilespmem:s26+$0xFFFFFFF0];
	_ =	sdelay $0x2  }
0xc9: {  	v1 =	vadd.f32 v2, v1;
	_ =	sdelay $0x1  }
0xca: {  	v1 =	vadd.f32 v3, v1;
	_ =	sdelay $0x1  }
0xcb: {  	v1 =	vmax.f32 v1, $0.0e+00  }
0xcc: {  	[tilespmem:s1+$0xFFFFFFF0] =	vst v1;
	v1 =	vld [tilespmem:s1+$0x0]  }
0xcd: {  	v2 =	vld [tilespmem:s24+$0x0];
	_ =	sdelay $0x1  }
0xce: {  	v3 =	vld [tilespmem:s26+$0x0];
	_ =	sdelay $0x2  }
0xcf: {  	v1 =	vadd.f32 v2, v1;
	_ =	sdelay $0x1  }
0xd0: {  	v1 =	vadd.f32 v3, v1;
	_ =	sdelay $0x1  }
0xd1: {  	v1 =	vmax.f32 v1, $0.0e+00  }
0xd2: {  	[tilespmem:s1+$0x0] =	vst v1;
	v1 =	vld [tilespmem:s1+$0x10]  }
0xd3: {  	v2 =	vld [tilespmem:s24+$0x10]  }
0xd4: {  	v3 =	vld [tilespmem:s26+$0x10];
	_ =	sdelay $0x3  }
.Ltmp1:
0xd5: {  	v1 =	vadd.f32 v2, v1;
	(pc) =	sbr.rel @p0 .LBB2_5-.Ltmp1, $3  }
0xd6: {  	_ = 	snop  }
0xd7: {  	v1 =	vadd.f32 v3, v1;
	_ =	sdelay $0x1  }
0xd8: {  	s1 =	sadd.s32 $0x40, s1;
	v1 =	vmax.f32 v1, $0.0e+00  }
0xd9: {  	[tilespmem:s13+$0x10] =	vst v1;
	s1 =	sadd.s32 s9, s20  }
0xda: {  	[hbm4b:s1+s6] =	stream.linear.scatter [tilespmem:s21], [sflag:$0x2], $0x5000, $0x38;
	[tilespmem:$0x17080] =	vst v63  }
0xdb: {  	_ =	swait.ge [sflag:s19], $0x5000  }
0xdc: {  	[sflag:s19] =	ssyncset.done $0x0  }
0xdd: {  	[sflag:s19] =	ssyncadd.s32 $0xFFFFB000  }
0xde: {  	[spmem:s5] =	stream.indirect.scatter.add.f32 [tilespmem:s21], [sflag:$0x1], $0x10, s22, s23, $0xb8;
	[tilespmem:$0x17080] =	vst v63  }
0xdf: {  	s24 =	simm.s32 $0xB200  }
0xe0: {  	[spmem:s5] =	stream.indirect.scatter.add.f32 [tilespmem:s24], [sflag:$0x1], $0x10, s28, s23, $0xb8;
	[tilespmem:$0x17080] =	vst v63  }
0xe1: {  	s26 =	simm.s32 $0xBA00  }
0xe2: {  	[spmem:s5] =	stream.indirect.scatter.add.f32 [tilespmem:s26], [sflag:$0x1], $0x10, s2, s23, $0xb8;
	[tilespmem:$0x17080] =	vst v63  }
0xe3: {  	s29 =	simm.s32 $0xC200  }
0xe4: {  	[spmem:s5] =	stream.indirect.scatter.add.f32 [tilespmem:s29], [sflag:$0x1], $0x10, s16, s23, $0xb8;
	[tilespmem:$0x17080] =	vst v63  }
0xe5: {  	s13 =	simm.s32 $0xCA00  }
0xe6: {  	[spmem:s5] =	stream.indirect.scatter.add.f32 [tilespmem:s13], [sflag:$0x1], $0x10, s11, s23, $0xb8;
	[tilespmem:$0x17080] =	vst v63  }
0xe7: {  	s20 =	simm.s32 $0xD200  }
0xe8: {  	[spmem:s5] =	stream.indirect.scatter.add.f32 [tilespmem:s20], [sflag:$0x1], $0x10, s25, s23, $0xb8;
	[tilespmem:$0x17080] =	vst v63  }
0xe9: {  	s24 =	simm.s32 $0xDA00  }
0xea: {  	[spmem:s5] =	stream.indirect.scatter.add.f32 [tilespmem:s24], [sflag:$0x1], $0x10, s31, s23, $0xb8;
	[tilespmem:$0x17080] =	vst v63  }
0xeb: {  	s26 =	simm.s32 $0xE200  }
0xec: {  	[spmem:s5] =	stream.indirect.scatter.add.f32 [tilespmem:s26], [sflag:$0x1], $0x10, s17, s23, $0xb8;
	[tilespmem:$0x17080] =	vst v63  }
0xed: {  	s29 =	simm.s32 $0xEA00  }
0xee: {  	[spmem:s5] =	stream.indirect.scatter.add.f32 [tilespmem:s29], [sflag:$0x1], $0x10, s0, s23, $0xb8;
	[tilespmem:$0x17080] =	vst v63  }
0xef: {  	_ = 	snop  }
0xf0: {  	[spmem:s5] =	stream.indirect.scatter.add.f32 [tilespmem:s12], [sflag:$0x1], $0x10, s30, s23, $0xb8;
	[tilespmem:$0x17080] =	vst v63  }
0xf1: {  	_ =	swait.ge [sflag:s10], $0x800  }
0xf2: {  	[sflag:s10] =	ssyncset.done $0x0  }
0xf3: {  	[sflag:s10] =	ssyncadd.s32 $0xFFFFF800  }
0xf4: {  	_ =	swait.ge [sflag:s10], $0x800  }
0xf5: {  	[sflag:s10] =	ssyncset.done $0x0  }
0xf6: {  	[sflag:s10] =	ssyncadd.s32 $0xFFFFF800  }
0xf7: {  	_ =	swait.ge [sflag:s10], $0x800  }
0xf8: {  	[sflag:s10] =	ssyncset.done $0x0  }
0xf9: {  	[sflag:s10] =	ssyncadd.s32 $0xFFFFF800  }
0xfa: {  	_ =	swait.ge [sflag:s10], $0x800  }
0xfb: {  	[sflag:s10] =	ssyncset.done $0x0  }
0xfc: {  	[sflag:s10] =	ssyncadd.s32 $0xFFFFF800  }
0xfd: {  	_ =	swait.ge [sflag:s10], $0x800  }
0xfe: {  	[sflag:s10] =	ssyncset.done $0x0  }
0xff: {  	[sflag:s10] =	ssyncadd.s32 $0xFFFFF800  }
0x100: {  	_ =	swait.ge [sflag:s10], $0x800  }
0x101: {  	[sflag:s10] =	ssyncset.done $0x0  }
0x102: {  	[sflag:s10] =	ssyncadd.s32 $0xFFFFF800  }
0x103: {  	_ =	swait.ge [sflag:s10], $0x800  }
0x104: {  	[sflag:s10] =	ssyncset.done $0x0  }
0x105: {  	[sflag:s10] =	ssyncadd.s32 $0xFFFFF800  }
0x106: {  	_ =	swait.ge [sflag:s10], $0x800  }
0x107: {  	[sflag:s10] =	ssyncset.done $0x0  }
0x108: {  	s18 =	sadd.s32 $0x1, s18;
	[sflag:s10] =	ssyncadd.s32 $0xFFFFF800  }
0x109: {  	p0 =	sne.s32 s18, $0x4;
	_ =	swait.ge [sflag:s10], $0x800  }
.Ltmp2:
0x10a: {  	[sflag:s10] =	ssyncset.done $0x0;
	(pc) =	sbr.rel @p0 .LBB2_4-.Ltmp2, $4  }
0x10b: {  	[sflag:s10] =	ssyncadd.s32 $0xFFFFF800  }
0x10c: {  	_ =	swait.ge [sflag:s10], $0x800  }
0x10d: {  	[sflag:s10] =	ssyncset.done $0x0  }
0x10e: {  	[sflag:s10] =	ssyncadd.s32 $0xFFFFF800  }
0x10f: {  	[bflag:$0x0] =	sbarrier.arrive $0xFFFF  }
0x110: {  	s18 =	rddreg [dreg:$0x9]  }
0x111: {  	[tilespmem:s21], [sflag:$0x2] =	stream.linear.gather [spmem:s18], $0x2780, $0x38;
	[tilespmem:$0x17080] =	vst v63  }
0x112: {  	_ =	swait.ge [sflag:s19], $0x2780  }
0x113: {  	[sflag:s19] =	ssyncset.done $0x0  }
0x114: {  	s1 =	rddreg [dreg:$0xa];
	[sflag:s19] =	ssyncadd.s32 $0xFFFFD880  }
0x115: {  	[hbm4b:s1+s6] =	stream.linear.scatter [tilespmem:s21], [sflag:$0x2], $0x2780, $0x38;
	[tilespmem:$0x17080] =	vst v63  }
0x116: {  	_ =	swait.ge [sflag:s19], $0x2780  }
0x117: {  	s13 =	rddreg [dreg:$0xe]  }
0x118: {  	s29 =	rddreg [dreg:$0xb];
	s13 =	sadd.s32 $0x1, s13  }
0x119: {  	p0 =	sne.s32 s13, s29  }
.Ltmp3:
0x11a: {  	_ = 	snop;
	(pc) =	sbr.rel @p0 .LBB2_1-.Ltmp3, $3  }
0x11b: {  	_ =	sdelay $0x1  }
0x11c: {  	[sflag:s19] =	ssyncset.done $0x0  }
0x11d: {  	[sflag:s19] =	ssyncadd.s32 $0xFFFFD880  }
0x11e: {  	_ =	sfence.sel $0x180000  }
0x11f: {  	[bflag:$0x0] =	sbarrier.arrive $0xFFFF  }
0x120: {  	_ =	strace $0x9000004A  }
0x121: {  	s0 =	stileid.u32;
	[bflag:$0x2] =	sbarrier.arrive $0xFFFF  }
0x122: {  	p0 =	sne.s32 s0, $0x0;
	s0 =	rddreg [dreg:$0x5]  }
0x123: {  	s0 =	sadd.s32 @!p0 $0x100000, s0  }
0x124: {  	[sflag:s0] =	ssyncadd.tile.s32 @!p0 $0x1;
	_ =	shalt  }
.Lfunc_end2:
_tile_overlayer_lowered:
.L_overlay_start_2:
0x125: {  	(tag) =	ssettag $0x2  }
0x126: {  	s0 =	rddreg [dreg:$0x0];
	s2 =	stileid.u32  }
0x127: {  	s1 =	rddreg [dreg:$0x1];
	p0 =	sne.s32 s2, $0x0  }
0x128: {  	s3 =	rddreg [dreg:$0x2];
	[bflag:$0x3] =	sbarrier.arrive $0xFFFF;
	s2 =	simm.s32 @!p0 $0x1C02  }
0x129: {  	[timem:s3], [sflag:s2] =	dma.local @!p0 [hbm:s0], s1  }
0x12a: {  	s0 =	simm.s32 @!p0 $0x2  }
0x12b: {  	_ =	swait.ge @!p0 [sflag:s0], s1  }
0x12c: {  	s1 =	ssub.s32 @!p0 $0x0, s1;
	[sflag:s0] =	ssyncset.done @!p0 $0x0  }
0x12d: {  	[sflag:s0] =	ssyncadd.s32 @!p0 s1  }
0x12e: {  	[bflag:$0x3] =	sbarrier.arrive $0xFFFF  }
0x12f: {  	_ =	shalt  }

// kernel: kernel.20.cloned.1.call-start
scs
__scs_entry_jumppad:
0x0: {  	(pc) =	sbr.rel $0x88, $3  }
0x1: {  	(tag) =	ssettag $0x0;
	lr =	simm.s32 $0x1  }
0x2: {  	[smem:$0x3F92] =	sst lr;
	_ =	strace $0xD0000000  }
0x3: {  	_ = 	snop  }
0x4: {  	_ = 	snop  }
0x5: {  	_ = 	snop  }
0x6: {  	_ = 	snop  }
0x7: {  	_ = 	snop  }
__scs_overlays_trampoline_lowered:
0x8: {  	[smem:$0x3FA1] =	sst s0  }
0x9: {  	[smem:$0x3FA2] =	sst s1  }
0xa: {  	[smem:$0x3FA3] =	sst s2  }
0xb: {  	[smem:$0x3FA4] =	sst s3  }
0xc: {  	[smem:$0x3FA5] =	sst s4  }
0xd: {  	[smem:$0x3FA6] =	sst s5  }
0xe: {  	[smem:$0x3FA7] =	sst s6  }
0xf: {  	[smem:$0x3FA8] =	sst s7  }
0x10: {  	[smem:$0x3FA9] =	sst s8  }
0x11: {  	[smem:$0x3FAA] =	sst s9;
	s0 =	simm.s32 @!p0 $0x0  }
0x12: {  	s1 =	sld [smem:$0x3F90];
	s0 =	simm.s32 @p0 $0x1  }
0x13: {  	[smem:$0x3FAB] =	sst s0;
	s0 =	simm.s32 @!p1 $0x0  }
0x14: {  	s2 =	sld [smem:$0x3F8F];
	s0 =	simm.s32 @p1 $0x1  }
0x15: {  	[smem:$0x3FAC] =	sst s0;
	s0 =	simm.s32 @!p2 $0x0  }
0x16: {  	s3 =	sld [smem:$0x3FDB];
	s0 =	simm.s32 @p2 $0x1  }
0x17: {  	s4 =	simm.s32 $0x1BF5;
	[smem:$0x3FAE] =	sst s0  }
0x18: {  	s0 =	sld [smem:$0x3F91];
	_ =	swait.ge [sflag:s4], $0x0  }
0x19: {  	s7 =	sld [smem:$0x3F92]  }
0x1a: {  	s8 =	sadd.s32 $0xFFFFE003, lr  }
0x1b: {  	s9 =	sadd.s32 $0xFFFFFEF7, lr;
	s5 =	simm.s32 $0xFFFFFFFF;
	p2 =	slt.u32 s8, $0xFFFFF086  }
0x1c: {  	p1 =	slt.u32 s9, $0xF7A;
	s5 =	simm.s32 @!p2 $0x0  }
0x1d: {  	s5 =	simm.s32 @p1 $0x1;
	p0 =	seq.s32 s7, s2  }
0x1e: {  	s7 =	smul.u32 @!p0 $0xF7A, s2;
	p2 =	seq.s32 @!p0 s5, $0x0  }
0x1f: {  	s9 =	smul.u32 $0xF7A, s1;
	s8 =	simm.s32 @!p0 $0x1BF5;
	p2 =	por !p2, p0  }
0x20: {  	[sflag:s8] =	ssyncset.s32 @!p0 $0xFFFFF086;
	s6 =	sadd.s32 @!p0 s3, s7;
	s7 =	simm.s32 @!p0 $0x108  }
0x21: {  	s3 =	sadd.s32 s3, s9;
	s6 =	sadd.s32 @!p0 $0x88, s6;
	s7 =	simm.s32 @p2 $0x1082  }
0x22: {  	[simem:s7], [sflag:s8] =	dma.local @!p0 [hbm:s6], $0xF7A  }
0x23: {  	s9 =	sor.u32 $0xD0000000, s2;
	s6 =	simm.s32 $0x108;
	_ =	swait.ge @!p0 [sflag:s8], $0x0  }
0x24: {  	s3 =	sadd.s32 $0x88, s3;
	s6 =	simm.s32 @!p1 $0x1082;
	[sflag:s4] =	ssyncset.s32 $0xFFFFF086  }
0x25: {  	[simem:s6], [sflag:s4] =	dma.local [hbm:s3], $0xF7A  }
0x26: {  	[smem:$0x3F92] =	sst s1;
	(tag) =	ssettag s2;
	_ =	strace s9  }
0x27: {  	s1 =	sld [smem:$0x3FA2]  }
0x28: {  	s2 =	sld [smem:$0x3FA3]  }
0x29: {  	s4 =	sld [smem:$0x3FA5]  }
0x2a: {  	p0 =	seq.s32 s5, $0x0;
	s5 =	sld [smem:$0x3FA6]  }
0x2b: {  	s6 =	sld [smem:$0x3FA7]  }
0x2c: {  	s7 =	sld [smem:$0x3FA8]  }
0x2d: {  	s3 =	simm.s32 $0x108;
	s8 =	sld [smem:$0x3FA9]  }
0x2e: {  	s3 =	simm.s32 @!p0 $0x1082;
	s9 =	sld [smem:$0x3FAA]  }
0x2f: {  	lr =	sadd.s32 s0, s3;
	s0 =	sld [smem:$0x3FA1]  }
0x30: {  	s3 =	sld [smem:$0x3FA4]  }
0x31: {  	[smem:$0x3FAD] =	sst s10  }
0x32: {  	s10 =	sld [smem:$0x3FAB];
	_ =	sdelay $0x3  }
0x33: {  	p0 =	seq.s32 s10, $0x1;
	s10 =	sld [smem:$0x3FAD];
	_ =	sdelay $0x3  }
0x34: {  	[smem:$0x3FAD] =	sst s10  }
0x35: {  	s10 =	sld [smem:$0x3FAC];
	_ =	sdelay $0x3  }
0x36: {  	p1 =	seq.s32 s10, $0x1;
	s10 =	sld [smem:$0x3FAD];
	_ =	sdelay $0x3  }
0x37: {  	[smem:$0x3FAD] =	sst s10  }
0x38: {  	s10 =	sld [smem:$0x3FAE]  }
0x39: {  	_ = 	snop;
	(pc) =	sbr.ind lr, $3  }
0x3a: {  	_ = 	snop  }
0x3b: {  	_ = 	snop  }
0x3c: {  	p2 =	seq.s32 s10, $0x1;
	s10 =	sld [smem:$0x3FAD]  }
0x3d: {  	_ =	shalt  }
0x3e: {  	_ =	shalt  }
0x3f: {  	_ =	shalt  }
0x40: {  	_ =	shalt  }
0x41: {  	_ =	shalt  }
0x42: {  	_ =	shalt  }
0x43: {  	_ =	shalt  }
0x44: {  	_ =	shalt  }
0x45: {  	_ =	shalt  }
0x46: {  	_ =	shalt  }
0x47: {  	_ =	shalt  }
0x48: {  	_ =	shalt  }
0x49: {  	_ =	shalt  }
0x4a: {  	_ =	shalt  }
0x4b: {  	_ =	shalt  }
0x4c: {  	_ =	shalt  }
0x4d: {  	_ =	shalt  }
0x4e: {  	_ =	shalt  }
0x4f: {  	_ =	shalt  }
0x50: {  	_ =	shalt  }
0x51: {  	_ =	shalt  }
0x52: {  	_ =	shalt  }
0x53: {  	_ =	shalt  }
0x54: {  	_ =	shalt  }
0x55: {  	_ =	shalt  }
0x56: {  	_ =	shalt  }
0x57: {  	_ =	shalt  }
0x58: {  	_ =	shalt  }
0x59: {  	_ =	shalt  }
0x5a: {  	_ =	shalt  }
0x5b: {  	_ =	shalt  }
0x5c: {  	_ =	shalt  }
0x5d: {  	_ =	shalt  }
0x5e: {  	_ =	shalt  }
0x5f: {  	_ =	shalt  }
0x60: {  	_ =	shalt  }
0x61: {  	_ =	shalt  }
0x62: {  	_ =	shalt  }
0x63: {  	_ =	shalt  }
0x64: {  	_ =	shalt  }
0x65: {  	_ =	shalt  }
0x66: {  	_ =	shalt  }
0x67: {  	_ =	shalt  }
0x68: {  	_ =	shalt  }
0x69: {  	_ =	shalt  }
0x6a: {  	_ =	shalt  }
0x6b: {  	_ =	shalt  }
0x6c: {  	_ =	shalt  }
0x6d: {  	_ =	shalt  }
0x6e: {  	_ =	shalt  }
0x6f: {  	_ =	shalt  }
0x70: {  	_ =	shalt  }
0x71: {  	_ =	shalt  }
0x72: {  	_ =	shalt  }
0x73: {  	_ =	shalt  }
0x74: {  	_ =	shalt  }
0x75: {  	_ =	shalt  }
0x76: {  	_ =	shalt  }
0x77: {  	_ =	shalt  }
0x78: {  	_ =	shalt  }
0x79: {  	_ =	shalt  }
0x7a: {  	_ =	shalt  }
0x7b: {  	_ =	shalt  }
0x7c: {  	_ =	shalt  }
0x7d: {  	_ =	shalt  }
0x7e: {  	_ =	shalt  }
0x7f: {  	_ =	shalt  }
0x80: {  	_ =	shalt  }
0x81: {  	_ =	shalt  }
0x82: {  	_ =	shalt  }
0x83: {  	_ =	shalt  }
0x84: {  	_ =	shalt  }
0x85: {  	_ =	shalt  }
0x86: {  	_ =	shalt  }
0x87: {  	_ =	shalt  }
.Lfunc_end0:
.L_simem_size_0:
called_computation.2_lowered:
.L_overlay_start_0:
0x88: {  	s2 =	sld [smem:$0x3FD9]  }
0x89: {  	s3 =	sld [smem:$0x3FFE];
	_ =	sdelay $0x1  }
0x8a: {  	s1 =	srdreg.scid  }
0x8b: {  	s0 =	sand.u32 $0x1, s1  }
0x8c: {  	s17 =	sshll.u32 s0, $0xA;
	s2 =	sadd.s32 s3, s2  }
0x8d: {  	s2 =	sadd.s32 s2, s17  }
0x8e: {  	[smem:$0x3FB9] =	sst s2  }
0x8f: {  	_ = 	snop  }
0x90: {  	(tm) =	ssettm $0x1  }
0x91: {  	s18 =	sld [smem:$0x3FFB];
	_ =	sdelay $0x3  }
0x92: {  	_ =	strace s18  }
0x93: {  	s2 =	sld [smem:$0x3FFC];
	_ =	sdelay $0x3  }
0x94: {  	_ =	strace s2  }
0x95: {  	s2 =	sld [smem:$0x3FFD];
	_ =	sdelay $0x3  }
0x96: {  	_ =	strace s2  }
0x97: {  	_ =	strace $0x8FFFFFFF  }
0x98: {  	s19 =	sld [smem:$0x3FDB];
	_ =	sdelay $0x1  }
0x99: {  	s20 =	simm.s32 $_scs_section_size  }
0x9a: {  	s4 =	simm.s32 $_size__tile_overlayer_lowered;
	s5 =	simm.s32 $_tile_overlayer_lowered  }
0x9b: {  	s6 =	simm.s32 $0x1BFF;
	s21 =	sshll.u32 s5, $0x1;
	s3 =	sadd.s32 s20, s19  }
0x9c: {  	s22 =	simm.s32 $0x0;
	s4 =	sshll.u32 s4, $0x1;
	s5 =	sadd.s32 s21, s3  }
0x9d: {  	[timem:s22], [sflag:s6] =	dma.local [hbm:s5], s4  }
0x9e: {  	_ =	swait.ge [sflag:s6], s4  }
0x9f: {  	s4 =	ssub.s32 $0x0, s4;
	[sflag:s6] =	ssyncset.done $0x0  }
0xa0: {  	[sflag:s6] =	ssyncadd.s32 s4;
	_ =	sdelay $0x1  }
0xa1: {  	s23 =	simm.s32 $0x1B8B  }
0xa2: {  	_ =	swait.ge [sflag:s23], $0x1  }
0xa3: {  	[sflag:s23] =	ssyncset.done $0x0  }
0xa4: {  	[sflag:s23] =	ssyncadd.s32 $0xFFFFFFFF  }
0xa5: {  	s4 =	sld [smem:$0x0]  }
0xa6: {  	s5 =	sand.u32 $0xFFFFFFFE, s1  }
0xa7: {  	p0 =	sne.s32 s1, s5  }
0xa8: {  	s5 =	sshll.u32 @p0 s5, $0xE  }
0xa9: {  	s5 =	sadd.s32 @p0 $0x11B8D, s5;
	s6 =	sshll.u32 @p0 s4, $0x11  }
0xaa: {  	s5 =	sor.u32 @p0 s6, s5  }
0xab: {  	[sflag:s5] =	ssyncadd.remote.s32 @p0 $0x1;
	_ =	sdelay $0x1  }
0xac: {  	s5 =	simm.s32 @p0 $0x1B8D  }
0xad: {  	_ =	swait.eq @p0 [sflag:s5], $0x1  }
0xae: {  	[sflag:s5] =	ssyncadd.s32 @p0 $0xFFFFFFFF  }
0xaf: {  	s6 =	sshll.u32 @!p0 s1, $0xE  }
0xb0: {  	s6 =	sor.u32 @!p0 $0x4000, s6;
	s5 =	simm.s32 @!p0 $0x1B8D  }
0xb1: {  	s4 =	sshll.u32 @!p0 s4, $0x11;
	s6 =	sadd.s32 @!p0 $0x11B8D, s6;
	_ =	swait.eq @!p0 [sflag:s5], $0x1  }
0xb2: {  	s4 =	sor.u32 @!p0 s4, s6;
	[sflag:s5] =	ssyncadd.s32 @!p0 $0xFFFFFFFF  }
0xb3: {  	s25 =	simm.s32 $0x1B8E;
	s24 =	sld [smem:$0x3FFE];
	[sflag:s4] =	ssyncadd.remote.s32 @!p0 $0x1  }
0xb4: {  	s26 =	simm.s32 $execute0_lowered;
	[smem:$0x3FD2] =	sst s25  }
0xb5: {  	s5 =	sshll.u32 s26, $0x1;
	_ =	strace $0x8000004F;
	[dreg:$0x1] =	wrdreg $0xFFFFFFFF  }
0xb6: {  	s28 =	simm.s32 $_size_execute0_lowered;
	s3 =	sadd.s32 s3, s5;
	[dreg:$0x0] =	wrdreg $0x0  }
0xb7: {  	s5 =	sshll.u32 s28, $0x1;
	[dreg:$0x2] =	wrdreg s3  }
0xb8: {  	[dreg:$0x3] =	wrdreg s5  }
0xb9: {  	[dreg:$0x4] =	wrdreg $0xC0  }
0xba: {  	_ =	task [dreg:s22], $0x5FFFF  }
0xbb: {  	[dreg:$0x1] =	wrdreg $0xFFFFFFFF  }
0xbc: {  	[dreg:$0x0] =	wrdreg $0x60  }
0xbd: {  	[dreg:$0x2] =	wrdreg s24  }
0xbe: {  	[dreg:$0x3] =	wrdreg $0xFA000  }
0xbf: {  	[dreg:$0x4] =	wrdreg $0x121800  }
0xc0: {  	[dreg:$0x5] =	wrdreg $0x9  }
0xc1: {  	_ =	task.clear_ibuf [dreg:s22], $0x6FFFF;
	_ =	strace $0x9000004F  }
0xc2: {  	s29 =	simm.s32 $0x9;
	_ =	strace $0x80000051  }
0xc3: {  	_ =	swait.ge [sflag:s29], $0x1  }
0xc4: {  	[sflag:s29] =	ssyncadd.s32 $0xFFFFFFFF  }
0xc5: {  	_ =	strace $0x90000051  }
0xc6: {  	_ =	sfence  }
0xc7: {  	s30 =	sld [smem:$0x0];
	_ =	sdelay $0x2  }
0xc8: {  	s31 =	sshll.u32 s1, $0xD;
	s1 =	sshrl.u32 s1, $0x2  }
0xc9: {  	s4 =	sand.u32 $0x4000, s31;
	s1 =	sadd.s32 s1, s30  }
0xca: {  	s0 =	sor.u32 s4, s0;
	s1 =	sshll.u32 s1, $0x11  }
0xcb: {  	s0 =	sor.u32 s1, s0  }
0xcc: {  	s0 =	sadd.s32 $0x8F2B, s0  }
0xcd: {  	[sflag:s0] =	ssyncadd.remote.s32 $0x1  }
0xce: {  	_ =	sfence.sel $0xFFFF  }
0xcf: {  	[dreg:$0x0] =	wrdreg $0xFFFFFFFF;
	(pc) =	sbr.abs _section_cstart, $3  }
0xd0: {  	[dreg:$0x1] =	wrdreg $0xFFFFFFFF  }
0xd1: {  	_ =	task.clear_ibuf [dreg:s22], $0x2FFFF;
	_ =	strace $0x9FFFFFFF  }
0xd2: {  	(tm) =	ssettm $0x7FFFFFFF  }
0xd3: {  	_ =	shalt  }
tec
execute0_lowered:
.L_overlay_start_1:
0x0: {  	(tag) =	ssettag $0x1  }
0x1: {  	s0 =	rddreg [dreg:$0x0]  }
0x2: {  	s2 =	rddreg [dreg:$0x1]  }
0x3: {  	s3 =	rddreg [dreg:$0x2]  }
0x4: {  	s4 =	simm.s32 $0x0;
	s14 =	stileid.u32;
	s6 =	srdreg.scid  }
0x5: {  	s16 =	simm.s32 $0x2;
	s18 =	simm.s32 $0x500;
	s19 =	simm.s32 $0x80  }
0x6: {  	s29 =	simm.s32 $0x880;
	s30 =	simm.s32 $0x9200;
	s31 =	simm.s32 $0x400  }
0x7: {  	s15 =	simm.s32 $0x980;
	s17 =	simm.s32 $0xA200;
	s20 =	simm.s32 $0x1  }
0x8: {  	[smem:$0x7FF] =	sst s4;
	s1 =	smul.u32 $0x2780, s14;
	s5 =	sadd.s32 $0xB800, s0  }
0x9: {  	s9 =	sand.u32 $0x1, s6;
	s6 =	sadd.s32 $0x6800, s0;
	s13 =	sshll.u32 s14, $0x1  }
0xa: {  	s8 =	sadd.s32 $0x148E00, s0;
	s25 =	sshll.u32 s14, $0x6;
	s14 =	simm.s32 $0x5200  }
0xb: {  	_ =	strace $0x80000050;
	s11 =	ssub.s32 $0x2, s9;
	s9 =	sor.u32 s9, s13  }
0xc: {  	s7 =	sshrl.u32 s1, $0x3;
	s12 =	sshrl.u32 s11, $0x1;
	s23 =	sadd.s32 s1, s2  }
0xd: {  	s1 =	sadd.s32 s1, s3;
	s13 =	smul.u32 $0x1400, s9;
	s10 =	sadd.s32 s7, s0  }
0xe: {  	s7 =	sadd.s32 $0x9A000, s0;
	s22 =	ssub.s32 s11, s12;
	s11 =	sor.u32 $0x1C02, s25  }
0xf: {  	s26 =	sshrl.u32 s23, $0x3;
	s28 =	sshrl.u32 s1, $0x3;
	[dreg:$0x5] =	wrdreg s11  }
0x10: {  	s1 =	simm.s32 $0x900;
	s12 =	simm.s32 $0x480;
	[dreg:$0x8] =	wrdreg s26  }
0x11: {  	s24 =	sadd.s32 $0x10800, s10;
	s11 =	smul.u32 $0x28, s9;
	[dreg:$0x9] =	wrdreg s28  }
0x12: {  	s10 =	sadd.s32 $0x15800, s10;
	s0 =	smax.u32 s22, $0x1;
	[dreg:$0x4] =	wrdreg s24  }
0x13: {  	s9 =	simm.s32 $0x9A00;
	s22 =	simm.s32 $0x0;
	[dreg:$0x6] =	wrdreg s10  }
0x14: {  	[dreg:$0x7] =	wrdreg s0;
	s0 =	simm.s32 $0x4A00;
	s10 =	simm.s32 $0xAA00  }
.LBB2_1:
0x15: {  	[dreg:$0xa] =	wrdreg s22  }
0x16: {  	s21 =	rddreg [dreg:$0x4]  }
0x17: {  	s25 =	rddreg [dreg:$0x5]  }
0x18: {  	s23 =	rddreg [dreg:$0x8]  }
0x19: {  	[spmem:s23], [sflag:s25] =	dma.local [hbm:s21], $0x4F0  }
0x1a: {  	_ =	swait.ge [sflag:s16], $0x4F0  }
0x1b: {  	[sflag:s16] =	ssyncset.done $0x0;
	s26 =	rddreg [dreg:$0x6]  }
0x1c: {  	s28 =	rddreg [dreg:$0x9];
	[sflag:s16] =	ssyncadd.s32 $0xFFFFFB10  }
0x1d: {  	[spmem:s28], [sflag:s25] =	dma.local [hbm:s26], $0x4F0  }
0x1e: {  	_ =	swait.ge [sflag:s16], $0x4F0  }
0x1f: {  	[sflag:s16] =	ssyncset.done $0x0  }
0x20: {  	[sflag:s16] =	ssyncadd.s32 $0xFFFFFB10  }
0x21: {  	s21 =	simm.s32 $0x0;
	[bflag:$0x0] =	sbarrier.arrive $0xFFFF  }
.LBB2_2:
0x22: {  	s22 =	smul.u32 $0xA, s21;
	_ =	sdelay $0x1  }
0x23: {  	s22 =	sadd.s32 s11, s22  }
0x24: {  	s22 =	sshll.u32 s22, $0x4  }
0x25: {  	s23 =	sadd.s32 s5, s22  }
0x26: {  	[tilespmem:s4], [sflag:$0x2] =	stream.linear.gather [hbm4b:s23+s4], $0x500, $0x38;
	[tilespmem:$0x14900] =	vst v63  }
0x27: {  	_ =	swait.ge [sflag:s16], $0x500  }
0x28: {  	[sflag:s16] =	ssyncset.done $0x0  }
0x29: {  	s22 =	sadd.s32 s6, s22;
	[sflag:s16] =	ssyncadd.s32 $0xFFFFFB00  }
0x2a: {  	[tilespmem:s18], [sflag:$0x2] =	stream.linear.gather [hbm4b:s22+s4], $0x500, $0x38;
	[tilespmem:$0x14900] =	vst v63  }
0x2b: {  	_ =	swait.ge [sflag:s16], $0x500  }
0x2c: {  	[sflag:s16] =	ssyncset.done $0x0  }
0x2d: {  	s26 =	simm.s32 $0xA00;
	[sflag:s16] =	ssyncadd.s32 $0xFFFFFB00  }
0x2e: {  	[tilespmem:s26], [sflag:$0x1] =	stream.indirect.gather [spmem:s2], $0x10, s4, s19, $0xb8;
	[tilespmem:$0x14900] =	vst v63  }
0x2f: {  	s23 =	simm.s32 $0x5A00  }
0x30: {  	[tilespmem:s23], [sflag:$0x1] =	stream.indirect.gather [spmem:s3], $0x10, s18, s19, $0xb8;
	[tilespmem:$0x14900] =	vst v63  }
0x31: {  	s24 =	simm.s32 $0x1200  }
0x32: {  	[tilespmem:s24], [sflag:$0x1] =	stream.indirect.gather [spmem:s2], $0x10, s19, s19, $0xb8;
	[tilespmem:$0x14900] =	vst v63  }
0x33: {  	s25 =	simm.s32 $0x580;
	s26 =	simm.s32 $0x6200  }
0x34: {  	[tilespmem:s26], [sflag:$0x1] =	stream.indirect.gather [spmem:s3], $0x10, s25, s19, $0xb8;
	[tilespmem:$0x14900] =	vst v63  }
0x35: {  	s23 =	simm.s32 $0x100;
	s24 =	simm.s32 $0x1A00  }
0x36: {  	[tilespmem:s24], [sflag:$0x1] =	stream.indirect.gather [spmem:s2], $0x10, s23, s19, $0xb8;
	[tilespmem:$0x14900] =	vst v63  }
0x37: {  	s25 =	simm.s32 $0x600;
	s26 =	simm.s32 $0x6A00  }
0x38: {  	[tilespmem:s26], [sflag:$0x1] =	stream.indirect.gather [spmem:s3], $0x10, s25, s19, $0xb8;
	[tilespmem:$0x14900] =	vst v63  }
0x39: {  	s23 =	simm.s32 $0x180;
	s24 =	simm.s32 $0x2200  }
0x3a: {  	[tilespmem:s24], [sflag:$0x1] =	stream.indirect.gather [spmem:s2], $0x10, s23, s19, $0xb8;
	[tilespmem:$0x14900] =	vst v63  }
0x3b: {  	s25 =	simm.s32 $0x680;
	s26 =	simm.s32 $0x7200  }
0x3c: {  	[tilespmem:s26], [sflag:$0x1] =	stream.indirect.gather [spmem:s3], $0x10, s25, s19, $0xb8;
	[tilespmem:$0x14900] =	vst v63  }
0x3d: {  	s23 =	simm.s32 $0x200;
	s24 =	simm.s32 $0x2A00  }
0x3e: {  	[tilespmem:s24], [sflag:$0x1] =	stream.indirect.gather [spmem:s2], $0x10, s23, s19, $0xb8;
	[tilespmem:$0x14900] =	vst v63  }
0x3f: {  	s25 =	simm.s32 $0x700;
	s26 =	simm.s32 $0x7A00  }
0x40: {  	[tilespmem:s26], [sflag:$0x1] =	stream.indirect.gather [spmem:s3], $0x10, s25, s19, $0xb8;
	[tilespmem:$0x14900] =	vst v63  }
0x41: {  	s23 =	simm.s32 $0x280;
	s24 =	simm.s32 $0x3200  }
0x42: {  	[tilespmem:s24], [sflag:$0x1] =	stream.indirect.gather [spmem:s2], $0x10, s23, s19, $0xb8;
	[tilespmem:$0x14900] =	vst v63  }
0x43: {  	s25 =	simm.s32 $0x780;
	s26 =	simm.s32 $0x8200  }
0x44: {  	[tilespmem:s26], [sflag:$0x1] =	stream.indirect.gather [spmem:s3], $0x10, s25, s19, $0xb8;
	[tilespmem:$0x14900] =	vst v63  }
0x45: {  	s23 =	simm.s32 $0x300;
	s24 =	simm.s32 $0x3A00  }
0x46: {  	[tilespmem:s24], [sflag:$0x1] =	stream.indirect.gather [spmem:s2], $0x10, s23, s19, $0xb8;
	[tilespmem:$0x14900] =	vst v63  }
0x47: {  	s25 =	simm.s32 $0x800;
	s26 =	simm.s32 $0x8A00  }
0x48: {  	[tilespmem:s26], [sflag:$0x1] =	stream.indirect.gather [spmem:s3], $0x10, s25, s19, $0xb8;
	[tilespmem:$0x14900] =	vst v63  }
0x49: {  	s23 =	simm.s32 $0x380;
	s24 =	simm.s32 $0x4200  }
0x4a: {  	[tilespmem:s24], [sflag:$0x1] =	stream.indirect.gather [spmem:s2], $0x10, s23, s19, $0xb8;
	[tilespmem:$0x14900] =	vst v63  }
0x4b: {  	_ = 	snop  }
0x4c: {  	[tilespmem:s30], [sflag:$0x1] =	stream.indirect.gather [spmem:s3], $0x10, s29, s19, $0xb8;
	[tilespmem:$0x14900] =	vst v63  }
0x4d: {  	_ = 	snop  }
0x4e: {  	[tilespmem:s0], [sflag:$0x1] =	stream.indirect.gather [spmem:s2], $0x10, s31, s19, $0xb8;
	[tilespmem:$0x14900] =	vst v63  }
0x4f: {  	s25 =	smul.u32 $0x500, s21  }
0x50: {  	[tilespmem:s9], [sflag:$0x1] =	stream.indirect.gather [spmem:s3], $0x10, s1, s19, $0xb8;
	[tilespmem:$0x14900] =	vst v63  }
0x51: {  	s22 =	sadd.s32 s13, s25  }
0x52: {  	[tilespmem:s14], [sflag:$0x1] =	stream.indirect.gather [spmem:s2], $0x10, s12, s19, $0xb8;
	[tilespmem:$0x14900] =	vst v63  }
0x53: {  	s22 =	sshll.u32 s22, $0x1  }
0x54: {  	[tilespmem:s17], [sflag:$0x1] =	stream.indirect.gather [spmem:s3], $0x10, s15, s19, $0xb8;
	[tilespmem:$0x14900] =	vst v63  }
0x55: {  	s26 =	sadd.s32 s7, s22  }
0x56: {  	[tilespmem:s10], [sflag:$0x2] =	stream.linear.gather [hbm4b:s26+s4], $0x5000, $0x38;
	[tilespmem:$0x14900] =	vst v63  }
0x57: {  	_ =	swait.ge [sflag:s16], $0x5000  }
0x58: {  	[sflag:s16] =	ssyncset.done $0x0  }
0x59: {  	[sflag:s16] =	ssyncadd.s32 $0xFFFFB000  }
0x5a: {  	_ =	swait.ge [sflag:s20], $0x800  }
0x5b: {  	[sflag:s20] =	ssyncset.done $0x0  }
0x5c: {  	[sflag:s20] =	ssyncadd.s32 $0xFFFFF800  }
0x5d: {  	_ =	swait.ge [sflag:s20], $0x800  }
0x5e: {  	[sflag:s20] =	ssyncset.done $0x0  }
0x5f: {  	[sflag:s20] =	ssyncadd.s32 $0xFFFFF800  }
0x60: {  	_ =	swait.ge [sflag:s20], $0x800  }
0x61: {  	[sflag:s20] =	ssyncset.done $0x0  }
0x62: {  	[sflag:s20] =	ssyncadd.s32 $0xFFFFF800  }
0x63: {  	_ =	swait.ge [sflag:s20], $0x800  }
0x64: {  	[sflag:s20] =	ssyncset.done $0x0  }
0x65: {  	[sflag:s20] =	ssyncadd.s32 $0xFFFFF800  }
0x66: {  	_ =	swait.ge [sflag:s20], $0x800  }
0x67: {  	[sflag:s20] =	ssyncset.done $0x0  }
0x68: {  	[sflag:s20] =	ssyncadd.s32 $0xFFFFF800  }
0x69: {  	_ =	swait.ge [sflag:s20], $0x800  }
0x6a: {  	[sflag:s20] =	ssyncset.done $0x0  }
0x6b: {  	[sflag:s20] =	ssyncadd.s32 $0xFFFFF800  }
0x6c: {  	_ =	swait.ge [sflag:s20], $0x800  }
0x6d: {  	[sflag:s20] =	ssyncset.done $0x0  }
0x6e: {  	[sflag:s20] =	ssyncadd.s32 $0xFFFFF800  }
0x6f: {  	_ =	swait.ge [sflag:s20], $0x800  }
0x70: {  	[sflag:s20] =	ssyncset.done $0x0  }
0x71: {  	[sflag:s20] =	ssyncadd.s32 $0xFFFFF800  }
0x72: {  	_ =	swait.ge [sflag:s20], $0x800  }
0x73: {  	[sflag:s20] =	ssyncset.done $0x0  }
0x74: {  	[sflag:s20] =	ssyncadd.s32 $0xFFFFF800  }
0x75: {  	_ =	swait.ge [sflag:s20], $0x800  }
0x76: {  	[sflag:s20] =	ssyncset.done $0x0  }
0x77: {  	[sflag:s20] =	ssyncadd.s32 $0xFFFFF800  }
0x78: {  	_ =	swait.ge [sflag:s20], $0x800  }
0x79: {  	[sflag:s20] =	ssyncset.done $0x0  }
0x7a: {  	[sflag:s20] =	ssyncadd.s32 $0xFFFFF800  }
0x7b: {  	_ =	swait.ge [sflag:s20], $0x800  }
0x7c: {  	[sflag:s20] =	ssyncset.done $0x0  }
0x7d: {  	[sflag:s20] =	ssyncadd.s32 $0xFFFFF800  }
0x7e: {  	_ =	swait.ge [sflag:s20], $0x800  }
0x7f: {  	[sflag:s20] =	ssyncset.done $0x0  }
0x80: {  	[sflag:s20] =	ssyncadd.s32 $0xFFFFF800  }
0x81: {  	_ =	swait.ge [sflag:s20], $0x800  }
0x82: {  	[sflag:s20] =	ssyncset.done $0x0  }
0x83: {  	[sflag:s20] =	ssyncadd.s32 $0xFFFFF800  }
0x84: {  	_ =	swait.ge [sflag:s20], $0x800  }
0x85: {  	[sflag:s20] =	ssyncset.done $0x0  }
0x86: {  	[sflag:s20] =	ssyncadd.s32 $0xFFFFF800  }
0x87: {  	_ =	swait.ge [sflag:s20], $0x800  }
0x88: {  	[sflag:s20] =	ssyncset.done $0x0  }
0x89: {  	[sflag:s20] =	ssyncadd.s32 $0xFFFFF800  }
0x8a: {  	_ =	swait.ge [sflag:s20], $0x800  }
0x8b: {  	[sflag:s20] =	ssyncset.done $0x0  }
0x8c: {  	[sflag:s20] =	ssyncadd.s32 $0xFFFFF800  }
0x8d: {  	_ =	swait.ge [sflag:s20], $0x800  }
0x8e: {  	[sflag:s20] =	ssyncset.done $0x0  }
0x8f: {  	[sflag:s20] =	ssyncadd.s32 $0xFFFFF800  }
0x90: {  	_ =	swait.ge [sflag:s20], $0x800  }
0x91: {  	[sflag:s20] =	ssyncset.done $0x0  }
0x92: {  	[sflag:s20] =	ssyncadd.s32 $0xFFFFF800  }
0x93: {  	_ =	swait.ge [sflag:s20], $0x800  }
0x94: {  	[sflag:s20] =	ssyncset.done $0x0  }
0x95: {  	s23 =	simm.s32 $0xAA20;
	[sflag:s20] =	ssyncadd.s32 $0xFFFFF800  }
0x96: {  	s24 =	simm.s32 $0xA20;
	v0 =	vld [tilespmem:s23+$0xFFFFFFE0]  }
0x97: {  	v1 =	vld [tilespmem:s24+$0xFFFFFFE0]  }
0x98: {  	s25 =	simm.s32 $0x5A20  }
0x99: {  	v2 =	vld [tilespmem:s25+$0xFFFFFFE0];
	_ =	sdelay $0x2  }
0x9a: {  	v0 =	vadd.f32 v1, v0;
	_ =	sdelay $0x1  }
0x9b: {  	v0 =	vadd.f32 v2, v0;
	_ =	sdelay $0x1  }
0x9c: {  	v0 =	vmax.f32 v0, $0.0e+00  }
0x9d: {  	[tilespmem:s23+$0xFFFFFFE0] =	vst v0;
	v0 =	vld [tilespmem:s23+$0xFFFFFFF0]  }
0x9e: {  	v1 =	vld [tilespmem:s24+$0xFFFFFFF0];
	_ =	sdelay $0x1  }
0x9f: {  	v2 =	vld [tilespmem:s25+$0xFFFFFFF0];
	_ =	sdelay $0x2  }
0xa0: {  	v0 =	vadd.f32 v1, v0;
	_ =	sdelay $0x1  }
0xa1: {  	v0 =	vadd.f32 v2, v0;
	_ =	sdelay $0x1  }
0xa2: {  	v0 =	vmax.f32 v0, $0.0e+00  }
0xa3: {  	[tilespmem:s23+$0xFFFFFFF0] =	vst v0;
	v0 =	vld [tilespmem:s23+$0x0]  }
0xa4: {  	v1 =	vld [tilespmem:s24+$0x0];
	_ =	sdelay $0x1  }
0xa5: {  	v2 =	vld [tilespmem:s25+$0x0];
	_ =	sdelay $0x2  }
0xa6: {  	v0 =	vadd.f32 v1, v0;
	_ =	sdelay $0x1  }
0xa7: {  	v0 =	vadd.f32 v2, v0;
	_ =	sdelay $0x1  }
0xa8: {  	v0 =	vmax.f32 v0, $0.0e+00  }
0xa9: {  	[tilespmem:s23+$0x0] =	vst v0;
	v0 =	vld [tilespmem:s23+$0x10]  }
0xaa: {  	v1 =	vld [tilespmem:s24+$0x10];
	_ =	sdelay $0x1  }
0xab: {  	v2 =	vld [tilespmem:s25+$0x10];
	_ =	sdelay $0x2  }
0xac: {  	v0 =	vadd.f32 v1, v0;
	_ =	sdelay $0x1  }
0xad: {  	v0 =	vadd.f32 v2, v0;
	_ =	sdelay $0x1  }
0xae: {  	s28 =	simm.s32 $0xAA60;
	s26 =	simm.s32 $0x0;
	v0 =	vmax.f32 v0, $0.0e+00  }
.LBB2_3:
0xaf: {  	v1 =	vld [tilespmem:s28+$0xFFFFFFE0];
	[tilespmem:s23+$0x10] =	vst v0;
	s24 =	sadd.s32 $0x40, s24;
	s23 =	smov.u32 s28  }
0xb0: {  	s26 =	sadd.s32 $0x4, s26;
	s25 =	sadd.s32 $0x40, s25;
	v0 =	vld [tilespmem:s24+$0xFFFFFFE0]  }
0xb1: {  	p0 =	slt.u32 s26, $0x4FC;
	v2 =	vld [tilespmem:s25+$0xFFFFFFE0];
	_ =	sdelay $0x3  }
0xb2: {  	v0 =	vadd.f32 v0, v1;
	_ =	sdelay $0x1  }
0xb3: {  	v0 =	vadd.f32 v2, v0;
	_ =	sdelay $0x1  }
0xb4: {  	v0 =	vmax.f32 v0, $0.0e+00  }
0xb5: {  	[tilespmem:s28+$0xFFFFFFE0] =	vst v0;
	v0 =	vld [tilespmem:s28+$0xFFFFFFF0]  }
0xb6: {  	v1 =	vld [tilespmem:s24+$0xFFFFFFF0];
	_ =	sdelay $0x1  }
0xb7: {  	v2 =	vld [tilespmem:s25+$0xFFFFFFF0];
	_ =	sdelay $0x2  }
0xb8: {  	v0 =	vadd.f32 v1, v0;
	_ =	sdelay $0x1  }
0xb9: {  	v0 =	vadd.f32 v2, v0;
	_ =	sdelay $0x1  }
0xba: {  	v0 =	vmax.f32 v0, $0.0e+00  }
0xbb: {  	[tilespmem:s28+$0xFFFFFFF0] =	vst v0;
	v0 =	vld [tilespmem:s28+$0x0]  }
0xbc: {  	v1 =	vld [tilespmem:s24+$0x0];
	_ =	sdelay $0x1  }
0xbd: {  	v2 =	vld [tilespmem:s25+$0x0];
	_ =	sdelay $0x2  }
0xbe: {  	v0 =	vadd.f32 v1, v0;
	_ =	sdelay $0x1  }
0xbf: {  	v0 =	vadd.f32 v2, v0;
	_ =	sdelay $0x1  }
0xc0: {  	v0 =	vmax.f32 v0, $0.0e+00  }
0xc1: {  	[tilespmem:s28+$0x0] =	vst v0;
	v0 =	vld [tilespmem:s28+$0x10]  }
0xc2: {  	v1 =	vld [tilespmem:s24+$0x10]  }
0xc3: {  	v2 =	vld [tilespmem:s25+$0x10];
	_ =	sdelay $0x3  }
.Ltmp0:
0xc4: {  	v0 =	vadd.f32 v1, v0;
	(pc) =	sbr.rel @p0 .LBB2_3-.Ltmp0, $3  }
0xc5: {  	_ = 	snop  }
0xc6: {  	v0 =	vadd.f32 v2, v0;
	_ =	sdelay $0x1  }
0xc7: {  	s28 =	sadd.s32 $0x40, s28;
	v0 =	vmax.f32 v0, $0.0e+00  }
0xc8: {  	s21 =	sadd.s32 $0x1, s21  }
0xc9: {  	p0 =	sne.s32 s21, $0x4  }
.Ltmp1:
0xca: {  	[tilespmem:s23+$0x10] =	vst v0;
	s22 =	sadd.s32 s8, s22;
	(pc) =	sbr.rel @p0 .LBB2_2-.Ltmp1, $4  }
0xcb: {  	[hbm4b:s22+s4] =	stream.linear.scatter [tilespmem:s10], [sflag:$0x2], $0x5000, $0x38;
	[tilespmem:$0x14900] =	vst v63  }
0xcc: {  	_ =	swait.ge [sflag:s16], $0x5000  }
0xcd: {  	[sflag:s16] =	ssyncset.done $0x0  }
0xce: {  	[sflag:s16] =	ssyncadd.s32 $0xFFFFB000  }
0xcf: {  	s22 =	rddreg [dreg:$0xa]  }
0xd0: {  	s21 =	rddreg [dreg:$0x7];
	s22 =	sadd.s32 $0x1, s22  }
0xd1: {  	p0 =	sne.s32 s22, s21  }
.Ltmp2:
0xd2: {  	_ = 	snop;
	(pc) =	sbr.rel @p0 .LBB2_1-.Ltmp2, $1  }
0xd3: {  	_ =	sdelay $0x3  }
0xd4: {  	_ =	sfence.sel $0x180000  }
0xd5: {  	[bflag:$0x0] =	sbarrier.arrive $0xFFFF  }
0xd6: {  	_ =	strace $0x90000050  }
0xd7: {  	s0 =	stileid.u32;
	[bflag:$0x2] =	sbarrier.arrive $0xFFFF  }
0xd8: {  	p0 =	sne.s32 s0, $0x0;
	s0 =	rddreg [dreg:$0x3]  }
0xd9: {  	s0 =	sadd.s32 @!p0 $0x100000, s0  }
0xda: {  	[sflag:s0] =	ssyncadd.tile.s32 @!p0 $0x1;
	_ =	shalt  }
.Lfunc_end2:
_tile_overlayer_lowered:
.L_overlay_start_2:
0xdb: {  	(tag) =	ssettag $0x2  }
0xdc: {  	s0 =	rddreg [dreg:$0x0];
	s2 =	stileid.u32  }
0xdd: {  	s1 =	rddreg [dreg:$0x1];
	p0 =	sne.s32 s2, $0x0  }
0xde: {  	s3 =	rddreg [dreg:$0x2];
	[bflag:$0x3] =	sbarrier.arrive $0xFFFF;
	s2 =	simm.s32 @!p0 $0x1C02  }
0xdf: {  	[timem:s3], [sflag:s2] =	dma.local @!p0 [hbm:s0], s1  }
0xe0: {  	s0 =	simm.s32 @!p0 $0x2  }
0xe1: {  	_ =	swait.ge @!p0 [sflag:s0], s1  }
0xe2: {  	s1 =	ssub.s32 @!p0 $0x0, s1;
	[sflag:s0] =	ssyncset.done @!p0 $0x0  }
0xe3: {  	[sflag:s0] =	ssyncadd.s32 @!p0 s1  }
0xe4: {  	[bflag:$0x3] =	sbarrier.arrive $0xFFFF  }
0xe5: {  	_ =	shalt  }

// kernel: kernel.23.cloned.1.call-start
scs
__scs_entry_jumppad:
0x0: {  	(pc) =	sbr.rel $0x88, $3  }
0x1: {  	(tag) =	ssettag $0x0;
	lr =	simm.s32 $0x1  }
0x2: {  	[smem:$0x3F92] =	sst lr;
	_ =	strace $0xD0000000  }
0x3: {  	_ = 	snop  }
0x4: {  	_ = 	snop  }
0x5: {  	_ = 	snop  }
0x6: {  	_ = 	snop  }
0x7: {  	_ = 	snop  }
__scs_overlays_trampoline_lowered:
0x8: {  	[smem:$0x3FA1] =	sst s0  }
0x9: {  	[smem:$0x3FA2] =	sst s1  }
0xa: {  	[smem:$0x3FA3] =	sst s2  }
0xb: {  	[smem:$0x3FA4] =	sst s3  }
0xc: {  	[smem:$0x3FA5] =	sst s4  }
0xd: {  	[smem:$0x3FA6] =	sst s5  }
0xe: {  	[smem:$0x3FA7] =	sst s6  }
0xf: {  	[smem:$0x3FA8] =	sst s7  }
0x10: {  	[smem:$0x3FA9] =	sst s8  }
0x11: {  	[smem:$0x3FAA] =	sst s9;
	s0 =	simm.s32 @!p0 $0x0  }
0x12: {  	s1 =	sld [smem:$0x3F90];
	s0 =	simm.s32 @p0 $0x1  }
0x13: {  	[smem:$0x3FAB] =	sst s0;
	s0 =	simm.s32 @!p1 $0x0  }
0x14: {  	s2 =	sld [smem:$0x3F8F];
	s0 =	simm.s32 @p1 $0x1  }
0x15: {  	[smem:$0x3FAC] =	sst s0;
	s0 =	simm.s32 @!p2 $0x0  }
0x16: {  	s3 =	sld [smem:$0x3FDB];
	s0 =	simm.s32 @p2 $0x1  }
0x17: {  	s4 =	simm.s32 $0x1BF5;
	[smem:$0x3FAE] =	sst s0  }
0x18: {  	s0 =	sld [smem:$0x3F91];
	_ =	swait.ge [sflag:s4], $0x0  }
0x19: {  	s7 =	sld [smem:$0x3F92]  }
0x1a: {  	s8 =	sadd.s32 $0xFFFFE003, lr  }
0x1b: {  	s9 =	sadd.s32 $0xFFFFFEF7, lr;
	s5 =	simm.s32 $0xFFFFFFFF;
	p2 =	slt.u32 s8, $0xFFFFF086  }
0x1c: {  	p1 =	slt.u32 s9, $0xF7A;
	s5 =	simm.s32 @!p2 $0x0  }
0x1d: {  	s5 =	simm.s32 @p1 $0x1;
	p0 =	seq.s32 s7, s2  }
0x1e: {  	s7 =	smul.u32 @!p0 $0xF7A, s2;
	p2 =	seq.s32 @!p0 s5, $0x0  }
0x1f: {  	s9 =	smul.u32 $0xF7A, s1;
	s8 =	simm.s32 @!p0 $0x1BF5;
	p2 =	por !p2, p0  }
0x20: {  	[sflag:s8] =	ssyncset.s32 @!p0 $0xFFFFF086;
	s6 =	sadd.s32 @!p0 s3, s7;
	s7 =	simm.s32 @!p0 $0x108  }
0x21: {  	s3 =	sadd.s32 s3, s9;
	s6 =	sadd.s32 @!p0 $0x88, s6;
	s7 =	simm.s32 @p2 $0x1082  }
0x22: {  	[simem:s7], [sflag:s8] =	dma.local @!p0 [hbm:s6], $0xF7A  }
0x23: {  	s9 =	sor.u32 $0xD0000000, s2;
	s6 =	simm.s32 $0x108;
	_ =	swait.ge @!p0 [sflag:s8], $0x0  }
0x24: {  	s3 =	sadd.s32 $0x88, s3;
	s6 =	simm.s32 @!p1 $0x1082;
	[sflag:s4] =	ssyncset.s32 $0xFFFFF086  }
0x25: {  	[simem:s6], [sflag:s4] =	dma.local [hbm:s3], $0xF7A  }
0x26: {  	[smem:$0x3F92] =	sst s1;
	(tag) =	ssettag s2;
	_ =	strace s9  }
0x27: {  	s1 =	sld [smem:$0x3FA2]  }
0x28: {  	s2 =	sld [smem:$0x3FA3]  }
0x29: {  	s4 =	sld [smem:$0x3FA5]  }
0x2a: {  	p0 =	seq.s32 s5, $0x0;
	s5 =	sld [smem:$0x3FA6]  }
0x2b: {  	s6 =	sld [smem:$0x3FA7]  }
0x2c: {  	s7 =	sld [smem:$0x3FA8]  }
0x2d: {  	s3 =	simm.s32 $0x108;
	s8 =	sld [smem:$0x3FA9]  }
0x2e: {  	s3 =	simm.s32 @!p0 $0x1082;
	s9 =	sld [smem:$0x3FAA]  }
0x2f: {  	lr =	sadd.s32 s0, s3;
	s0 =	sld [smem:$0x3FA1]  }
0x30: {  	s3 =	sld [smem:$0x3FA4]  }
0x31: {  	[smem:$0x3FAD] =	sst s10  }
0x32: {  	s10 =	sld [smem:$0x3FAB];
	_ =	sdelay $0x3  }
0x33: {  	p0 =	seq.s32 s10, $0x1;
	s10 =	sld [smem:$0x3FAD];
	_ =	sdelay $0x3  }
0x34: {  	[smem:$0x3FAD] =	sst s10  }
0x35: {  	s10 =	sld [smem:$0x3FAC];
	_ =	sdelay $0x3  }
0x36: {  	p1 =	seq.s32 s10, $0x1;
	s10 =	sld [smem:$0x3FAD];
	_ =	sdelay $0x3  }
0x37: {  	[smem:$0x3FAD] =	sst s10  }
0x38: {  	s10 =	sld [smem:$0x3FAE]  }
0x39: {  	_ = 	snop;
	(pc) =	sbr.ind lr, $3  }
0x3a: {  	_ = 	snop  }
0x3b: {  	_ = 	snop  }
0x3c: {  	p2 =	seq.s32 s10, $0x1;
	s10 =	sld [smem:$0x3FAD]  }
0x3d: {  	_ =	shalt  }
0x3e: {  	_ =	shalt  }
0x3f: {  	_ =	shalt  }
0x40: {  	_ =	shalt  }
0x41: {  	_ =	shalt  }
0x42: {  	_ =	shalt  }
0x43: {  	_ =	shalt  }
0x44: {  	_ =	shalt  }
0x45: {  	_ =	shalt  }
0x46: {  	_ =	shalt  }
0x47: {  	_ =	shalt  }
0x48: {  	_ =	shalt  }
0x49: {  	_ =	shalt  }
0x4a: {  	_ =	shalt  }
0x4b: {  	_ =	shalt  }
0x4c: {  	_ =	shalt  }
0x4d: {  	_ =	shalt  }
0x4e: {  	_ =	shalt  }
0x4f: {  	_ =	shalt  }
0x50: {  	_ =	shalt  }
0x51: {  	_ =	shalt  }
0x52: {  	_ =	shalt  }
0x53: {  	_ =	shalt  }
0x54: {  	_ =	shalt  }
0x55: {  	_ =	shalt  }
0x56: {  	_ =	shalt  }
0x57: {  	_ =	shalt  }
0x58: {  	_ =	shalt  }
0x59: {  	_ =	shalt  }
0x5a: {  	_ =	shalt  }
0x5b: {  	_ =	shalt  }
0x5c: {  	_ =	shalt  }
0x5d: {  	_ =	shalt  }
0x5e: {  	_ =	shalt  }
0x5f: {  	_ =	shalt  }
0x60: {  	_ =	shalt  }
0x61: {  	_ =	shalt  }
0x62: {  	_ =	shalt  }
0x63: {  	_ =	shalt  }
0x64: {  	_ =	shalt  }
0x65: {  	_ =	shalt  }
0x66: {  	_ =	shalt  }
0x67: {  	_ =	shalt  }
0x68: {  	_ =	shalt  }
0x69: {  	_ =	shalt  }
0x6a: {  	_ =	shalt  }
0x6b: {  	_ =	shalt  }
0x6c: {  	_ =	shalt  }
0x6d: {  	_ =	shalt  }
0x6e: {  	_ =	shalt  }
0x6f: {  	_ =	shalt  }
0x70: {  	_ =	shalt  }
0x71: {  	_ =	shalt  }
0x72: {  	_ =	shalt  }
0x73: {  	_ =	shalt  }
0x74: {  	_ =	shalt  }
0x75: {  	_ =	shalt  }
0x76: {  	_ =	shalt  }
0x77: {  	_ =	shalt  }
0x78: {  	_ =	shalt  }
0x79: {  	_ =	shalt  }
0x7a: {  	_ =	shalt  }
0x7b: {  	_ =	shalt  }
0x7c: {  	_ =	shalt  }
0x7d: {  	_ =	shalt  }
0x7e: {  	_ =	shalt  }
0x7f: {  	_ =	shalt  }
0x80: {  	_ =	shalt  }
0x81: {  	_ =	shalt  }
0x82: {  	_ =	shalt  }
0x83: {  	_ =	shalt  }
0x84: {  	_ =	shalt  }
0x85: {  	_ =	shalt  }
0x86: {  	_ =	shalt  }
0x87: {  	_ =	shalt  }
.Lfunc_end0:
.L_simem_size_0:
called_computation.3_lowered:
.L_overlay_start_0:
0x88: {  	s2 =	sld [smem:$0x3FD9]  }
0x89: {  	s3 =	sld [smem:$0x3FFE];
	_ =	sdelay $0x1  }
0x8a: {  	s1 =	srdreg.scid  }
0x8b: {  	s0 =	sand.u32 $0x1, s1  }
0x8c: {  	s17 =	sshll.u32 s0, $0xA;
	s2 =	sadd.s32 s3, s2  }
0x8d: {  	s2 =	sadd.s32 s2, s17  }
0x8e: {  	[smem:$0x3FB9] =	sst s2  }
0x8f: {  	_ = 	snop  }
0x90: {  	s2 =	sld [smem:$0x3FD0];
	(tm) =	ssettm $0x1  }
0x91: {  	s18 =	sld [smem:$0x3FFB];
	_ =	sdelay $0x3  }
0x92: {  	_ =	strace s18  }
0x93: {  	s3 =	sld [smem:$0x3FFC];
	_ =	sdelay $0x3  }
0x94: {  	_ =	strace s3  }
0x95: {  	s3 =	sld [smem:$0x3FFD];
	_ =	sdelay $0x3  }
0x96: {  	_ =	strace s3  }
0x97: {  	_ =	strace $0x8FFFFFFF  }
0x98: {  	s19 =	sld [smem:$0x3FDB];
	_ =	sdelay $0x1  }
0x99: {  	s4 =	simm.s32 $_scs_section_size  }
0x9a: {  	s5 =	simm.s32 $_size__tile_overlayer_lowered;
	s6 =	simm.s32 $_tile_overlayer_lowered  }
0x9b: {  	s22 =	simm.s32 $0x1BFF;
	s21 =	sshll.u32 s6, $0x1;
	s3 =	sadd.s32 s4, s19  }
0x9c: {  	s7 =	simm.s32 $0x0;
	s20 =	sshll.u32 s5, $0x1;
	s5 =	sadd.s32 s21, s3  }
0x9d: {  	[timem:s7], [sflag:s22] =	dma.local [hbm:s5], s20  }
0x9e: {  	_ =	swait.ge [sflag:s22], s20  }
0x9f: {  	s4 =	ssub.s32 $0x0, s20;
	[sflag:s22] =	ssyncset.done $0x0  }
0xa0: {  	[sflag:s22] =	ssyncadd.s32 s4;
	_ =	sdelay $0x1  }
0xa1: {  	s23 =	simm.s32 $0x1B8B  }
0xa2: {  	_ =	swait.ge [sflag:s23], $0x1  }
0xa3: {  	[sflag:s23] =	ssyncset.done $0x0  }
0xa4: {  	s25 =	simm.s32 $0x1B8E;
	s24 =	sld [smem:$0x3FFE];
	[sflag:s23] =	ssyncadd.s32 $0xFFFFFFFF  }
0xa5: {  	s26 =	simm.s32 $execute0_lowered;
	[smem:$0x3FD2] =	sst s25  }
0xa6: {  	s5 =	sshll.u32 s26, $0x1;
	_ =	strace $0x8000004C;
	[dreg:$0x1] =	wrdreg $0xFFFFFFFF  }
0xa7: {  	s28 =	simm.s32 $_size_execute0_lowered;
	s3 =	sadd.s32 s3, s5;
	[dreg:$0x0] =	wrdreg $0x0  }
0xa8: {  	s5 =	sshll.u32 s28, $0x1;
	[dreg:$0x2] =	wrdreg s3  }
0xa9: {  	[dreg:$0x3] =	wrdreg s5  }
0xaa: {  	[dreg:$0x4] =	wrdreg $0xC0  }
0xab: {  	_ =	task [dreg:s7], $0x5FFFF  }
0xac: {  	[dreg:$0x1] =	wrdreg $0xFFFFFFFF  }
0xad: {  	[dreg:$0x0] =	wrdreg $0x60  }
0xae: {  	[dreg:$0x2] =	wrdreg s2  }
0xaf: {  	[dreg:$0x3] =	wrdreg s24  }
0xb0: {  	[dreg:$0x4] =	wrdreg $0xFA000  }
0xb1: {  	[dreg:$0x5] =	wrdreg $0x121800  }
0xb2: {  	[dreg:$0x6] =	wrdreg $0xA  }
0xb3: {  	_ =	task.clear_ibuf [dreg:s7], $0x7FFFF;
	_ =	strace $0x9000004C  }
0xb4: {  	s29 =	simm.s32 $0xA;
	_ =	strace $0x8000004E  }
0xb5: {  	_ =	swait.ge [sflag:s29], $0x1  }
0xb6: {  	[sflag:s29] =	ssyncadd.s32 $0xFFFFFFFF  }
0xb7: {  	_ =	strace $0x9000004E  }
0xb8: {  	_ =	sfence  }
0xb9: {  	s30 =	sld [smem:$0x0];
	_ =	sdelay $0x2  }
0xba: {  	s31 =	sshll.u32 s1, $0xD;
	s1 =	sshrl.u32 s1, $0x2  }
0xbb: {  	s3 =	sand.u32 $0x4000, s31;
	s1 =	sadd.s32 s1, s30  }
0xbc: {  	s0 =	sor.u32 s3, s0;
	s1 =	sshll.u32 s1, $0x11  }
0xbd: {  	s0 =	sor.u32 s1, s0  }
0xbe: {  	s0 =	sadd.s32 $0x8F2B, s0  }
0xbf: {  	[sflag:s0] =	ssyncadd.remote.s32 $0x1  }
0xc0: {  	_ =	sfence.sel $0xFFFF  }
0xc1: {  	[dreg:$0x0] =	wrdreg $0xFFFFFFFF;
	(pc) =	sbr.abs _section_cstart, $3  }
0xc2: {  	[dreg:$0x1] =	wrdreg $0xFFFFFFFF  }
0xc3: {  	_ =	task.clear_ibuf [dreg:s7], $0x2FFFF;
	_ =	strace $0x9FFFFFFF  }
0xc4: {  	(tm) =	ssettm $0x7FFFFFFF  }
0xc5: {  	_ =	shalt  }
tec
execute0_lowered:
.L_overlay_start_1:
0x0: {  	(tag) =	ssettag $0x1  }
0x1: {  	s0 =	rddreg [dreg:$0x1]  }
0x2: {  	s3 =	rddreg [dreg:$0x2]  }
0x3: {  	s4 =	rddreg [dreg:$0x3]  }
0x4: {  	s13 =	stileid.u32;
	s5 =	simm.s32 $0x0;
	s2 =	srdreg.scid  }
0x5: {  	s16 =	simm.s32 $0x2;
	s18 =	simm.s32 $0x500;
	s19 =	simm.s32 $0x80  }
0x6: {  	s28 =	simm.s32 $0x880;
	s29 =	simm.s32 $0x9200;
	s30 =	simm.s32 $0x400  }
0x7: {  	s31 =	simm.s32 $0x4A00;
	s14 =	simm.s32 $0x980;
	s15 =	simm.s32 $0xA200  }
0x8: {  	s17 =	simm.s32 $0xAA00;
	s20 =	simm.s32 $0x0;
	s1 =	smul.u32 $0x2780, s13  }
0x9: {  	[smem:$0x7FF] =	sst s5;
	s2 =	sand.u32 $0x1, s2;
	s6 =	sadd.s32 $0xF3E00, s0  }
0xa: {  	s12 =	sshll.u32 s13, $0x1;
	s8 =	sadd.s32 $0xF8E00, s0;
	s24 =	sshll.u32 s13, $0x6  }
0xb: {  	_ =	strace $0x8000004D;
	s10 =	ssub.s32 $0x2, s2;
	s2 =	sor.u32 s2, s12  }
0xc: {  	s12 =	simm.s32 $0x5200;
	s7 =	sshrl.u32 s1, $0x3;
	s11 =	sshrl.u32 s10, $0x1  }
0xd: {  	s22 =	sadd.s32 s1, s3;
	s1 =	sadd.s32 s1, s4;
	s13 =	smul.u32 $0x1400, s2  }
0xe: {  	s9 =	sadd.s32 s7, s0;
	s21 =	ssub.s32 s10, s11;
	s11 =	sor.u32 $0x1C02, s24  }
0xf: {  	s7 =	sadd.s32 $0x4A000, s0;
	s25 =	sshrl.u32 s22, $0x3;
	[dreg:$0x6] =	wrdreg s11  }
0x10: {  	s26 =	sshrl.u32 s1, $0x3;
	s1 =	simm.s32 $0x9A00;
	[dreg:$0x9] =	wrdreg s25  }
0x11: {  	s10 =	simm.s32 $0x1;
	s23 =	sadd.s32 $0x10800, s9;
	[dreg:$0xa] =	wrdreg s26  }
0x12: {  	s11 =	smul.u32 $0x28, s2;
	s9 =	sadd.s32 $0x15800, s9;
	[dreg:$0x5] =	wrdreg s23  }
0x13: {  	s0 =	smax.u32 s21, $0x1;
	s26 =	simm.s32 $0x4200;
	[dreg:$0x7] =	wrdreg s9  }
0x14: {  	[dreg:$0x8] =	wrdreg s0;
	s0 =	simm.s32 $0x900;
	s9 =	simm.s32 $0x480  }
.LBB2_1:
0x15: {  	[dreg:$0xb] =	wrdreg s20  }
0x16: {  	s2 =	rddreg [dreg:$0x5]  }
0x17: {  	s23 =	rddreg [dreg:$0x6]  }
0x18: {  	s21 =	rddreg [dreg:$0x9]  }
0x19: {  	[spmem:s21], [sflag:s23] =	dma.local [hbm:s2], $0x4F0  }
0x1a: {  	_ =	swait.ge [sflag:s16], $0x4F0  }
0x1b: {  	[sflag:s16] =	ssyncset.done $0x0;
	s24 =	rddreg [dreg:$0x7]  }
0x1c: {  	s25 =	rddreg [dreg:$0xa];
	[sflag:s16] =	ssyncadd.s32 $0xFFFFFB10  }
0x1d: {  	[spmem:s25], [sflag:s23] =	dma.local [hbm:s24], $0x4F0  }
0x1e: {  	_ =	swait.ge [sflag:s16], $0x4F0  }
0x1f: {  	[sflag:s16] =	ssyncset.done $0x0  }
0x20: {  	[sflag:s16] =	ssyncadd.s32 $0xFFFFFB10  }
0x21: {  	s2 =	simm.s32 $0x0;
	[bflag:$0x0] =	sbarrier.arrive $0xFFFF  }
.LBB2_2:
0x22: {  	s20 =	smul.u32 $0xA, s2;
	_ =	sdelay $0x1  }
0x23: {  	s20 =	sadd.s32 s11, s20  }
0x24: {  	s21 =	rddreg [dreg:$0x0];
	s20 =	sshll.u32 s20, $0x4  }
0x25: {  	s21 =	sadd.s32 s21, s20  }
0x26: {  	[tilespmem:s5], [sflag:$0x2] =	stream.linear.gather [hbm4b:s21+s5], $0x500, $0x38;
	[tilespmem:$0x14900] =	vst v63  }
0x27: {  	_ =	swait.ge [sflag:s16], $0x500  }
0x28: {  	[sflag:s16] =	ssyncset.done $0x0  }
0x29: {  	s20 =	sadd.s32 s6, s20;
	[sflag:s16] =	ssyncadd.s32 $0xFFFFFB00  }
0x2a: {  	[tilespmem:s18], [sflag:$0x2] =	stream.linear.gather [hbm4b:s20+s5], $0x500, $0x38;
	[tilespmem:$0x14900] =	vst v63  }
0x2b: {  	_ =	swait.ge [sflag:s16], $0x500  }
0x2c: {  	[sflag:s16] =	ssyncset.done $0x0  }
0x2d: {  	s24 =	simm.s32 $0xA00;
	[sflag:s16] =	ssyncadd.s32 $0xFFFFFB00  }
0x2e: {  	[tilespmem:s24], [sflag:$0x1] =	stream.indirect.gather [spmem:s3], $0x10, s5, s19, $0xb8;
	[tilespmem:$0x14900] =	vst v63  }
0x2f: {  	s25 =	simm.s32 $0x5A00  }
0x30: {  	[tilespmem:s25], [sflag:$0x1] =	stream.indirect.gather [spmem:s4], $0x10, s18, s19, $0xb8;
	[tilespmem:$0x14900] =	vst v63  }
0x31: {  	s21 =	simm.s32 $0x1200  }
0x32: {  	[tilespmem:s21], [sflag:$0x1] =	stream.indirect.gather [spmem:s3], $0x10, s19, s19, $0xb8;
	[tilespmem:$0x14900] =	vst v63  }
0x33: {  	s22 =	simm.s32 $0x580;
	s23 =	simm.s32 $0x6200  }
0x34: {  	[tilespmem:s23], [sflag:$0x1] =	stream.indirect.gather [spmem:s4], $0x10, s22, s19, $0xb8;
	[tilespmem:$0x14900] =	vst v63  }
0x35: {  	s24 =	simm.s32 $0x100;
	s25 =	simm.s32 $0x1A00  }
0x36: {  	[tilespmem:s25], [sflag:$0x1] =	stream.indirect.gather [spmem:s3], $0x10, s24, s19, $0xb8;
	[tilespmem:$0x14900] =	vst v63  }
0x37: {  	s22 =	simm.s32 $0x600;
	s23 =	simm.s32 $0x6A00  }
0x38: {  	[tilespmem:s23], [sflag:$0x1] =	stream.indirect.gather [spmem:s4], $0x10, s22, s19, $0xb8;
	[tilespmem:$0x14900] =	vst v63  }
0x39: {  	s24 =	simm.s32 $0x180;
	s25 =	simm.s32 $0x2200  }
0x3a: {  	[tilespmem:s25], [sflag:$0x1] =	stream.indirect.gather [spmem:s3], $0x10, s24, s19, $0xb8;
	[tilespmem:$0x14900] =	vst v63  }
0x3b: {  	s22 =	simm.s32 $0x680;
	s23 =	simm.s32 $0x7200  }
0x3c: {  	[tilespmem:s23], [sflag:$0x1] =	stream.indirect.gather [spmem:s4], $0x10, s22, s19, $0xb8;
	[tilespmem:$0x14900] =	vst v63  }
0x3d: {  	s24 =	simm.s32 $0x200;
	s25 =	simm.s32 $0x2A00  }
0x3e: {  	[tilespmem:s25], [sflag:$0x1] =	stream.indirect.gather [spmem:s3], $0x10, s24, s19, $0xb8;
	[tilespmem:$0x14900] =	vst v63  }
0x3f: {  	s22 =	simm.s32 $0x700;
	s23 =	simm.s32 $0x7A00  }
0x40: {  	[tilespmem:s23], [sflag:$0x1] =	stream.indirect.gather [spmem:s4], $0x10, s22, s19, $0xb8;
	[tilespmem:$0x14900] =	vst v63  }
0x41: {  	s24 =	simm.s32 $0x280;
	s25 =	simm.s32 $0x3200  }
0x42: {  	[tilespmem:s25], [sflag:$0x1] =	stream.indirect.gather [spmem:s3], $0x10, s24, s19, $0xb8;
	[tilespmem:$0x14900] =	vst v63  }
0x43: {  	s22 =	simm.s32 $0x780;
	s23 =	simm.s32 $0x8200  }
0x44: {  	[tilespmem:s23], [sflag:$0x1] =	stream.indirect.gather [spmem:s4], $0x10, s22, s19, $0xb8;
	[tilespmem:$0x14900] =	vst v63  }
0x45: {  	s24 =	simm.s32 $0x300;
	s25 =	simm.s32 $0x3A00  }
0x46: {  	[tilespmem:s25], [sflag:$0x1] =	stream.indirect.gather [spmem:s3], $0x10, s24, s19, $0xb8;
	[tilespmem:$0x14900] =	vst v63  }
0x47: {  	s21 =	simm.s32 $0x800;
	s22 =	simm.s32 $0x8A00  }
0x48: {  	[tilespmem:s22], [sflag:$0x1] =	stream.indirect.gather [spmem:s4], $0x10, s21, s19, $0xb8;
	[tilespmem:$0x14900] =	vst v63  }
0x49: {  	s23 =	simm.s32 $0x380  }
0x4a: {  	[tilespmem:s26], [sflag:$0x1] =	stream.indirect.gather [spmem:s3], $0x10, s23, s19, $0xb8;
	[tilespmem:$0x14900] =	vst v63  }
0x4b: {  	_ = 	snop  }
0x4c: {  	[tilespmem:s29], [sflag:$0x1] =	stream.indirect.gather [spmem:s4], $0x10, s28, s19, $0xb8;
	[tilespmem:$0x14900] =	vst v63  }
0x4d: {  	_ = 	snop  }
0x4e: {  	[tilespmem:s31], [sflag:$0x1] =	stream.indirect.gather [spmem:s3], $0x10, s30, s19, $0xb8;
	[tilespmem:$0x14900] =	vst v63  }
0x4f: {  	s24 =	smul.u32 $0x500, s2  }
0x50: {  	[tilespmem:s1], [sflag:$0x1] =	stream.indirect.gather [spmem:s4], $0x10, s0, s19, $0xb8;
	[tilespmem:$0x14900] =	vst v63  }
0x51: {  	s20 =	sadd.s32 s13, s24  }
0x52: {  	[tilespmem:s12], [sflag:$0x1] =	stream.indirect.gather [spmem:s3], $0x10, s9, s19, $0xb8;
	[tilespmem:$0x14900] =	vst v63  }
0x53: {  	s20 =	sshll.u32 s20, $0x1  }
0x54: {  	[tilespmem:s15], [sflag:$0x1] =	stream.indirect.gather [spmem:s4], $0x10, s14, s19, $0xb8;
	[tilespmem:$0x14900] =	vst v63  }
0x55: {  	s25 =	sadd.s32 s7, s20  }
0x56: {  	[tilespmem:s17], [sflag:$0x2] =	stream.linear.gather [hbm4b:s25+s5], $0x5000, $0x38;
	[tilespmem:$0x14900] =	vst v63  }
0x57: {  	_ =	swait.ge [sflag:s16], $0x5000  }
0x58: {  	[sflag:s16] =	ssyncset.done $0x0  }
0x59: {  	[sflag:s16] =	ssyncadd.s32 $0xFFFFB000  }
0x5a: {  	_ =	swait.ge [sflag:s10], $0x800  }
0x5b: {  	[sflag:s10] =	ssyncset.done $0x0  }
0x5c: {  	[sflag:s10] =	ssyncadd.s32 $0xFFFFF800  }
0x5d: {  	_ =	swait.ge [sflag:s10], $0x800  }
0x5e: {  	[sflag:s10] =	ssyncset.done $0x0  }
0x5f: {  	[sflag:s10] =	ssyncadd.s32 $0xFFFFF800  }
0x60: {  	_ =	swait.ge [sflag:s10], $0x800  }
0x61: {  	[sflag:s10] =	ssyncset.done $0x0  }
0x62: {  	[sflag:s10] =	ssyncadd.s32 $0xFFFFF800  }
0x63: {  	_ =	swait.ge [sflag:s10], $0x800  }
0x64: {  	[sflag:s10] =	ssyncset.done $0x0  }
0x65: {  	[sflag:s10] =	ssyncadd.s32 $0xFFFFF800  }
0x66: {  	_ =	swait.ge [sflag:s10], $0x800  }
0x67: {  	[sflag:s10] =	ssyncset.done $0x0  }
0x68: {  	[sflag:s10] =	ssyncadd.s32 $0xFFFFF800  }
0x69: {  	_ =	swait.ge [sflag:s10], $0x800  }
0x6a: {  	[sflag:s10] =	ssyncset.done $0x0  }
0x6b: {  	[sflag:s10] =	ssyncadd.s32 $0xFFFFF800  }
0x6c: {  	_ =	swait.ge [sflag:s10], $0x800  }
0x6d: {  	[sflag:s10] =	ssyncset.done $0x0  }
0x6e: {  	[sflag:s10] =	ssyncadd.s32 $0xFFFFF800  }
0x6f: {  	_ =	swait.ge [sflag:s10], $0x800  }
0x70: {  	[sflag:s10] =	ssyncset.done $0x0  }
0x71: {  	[sflag:s10] =	ssyncadd.s32 $0xFFFFF800  }
0x72: {  	_ =	swait.ge [sflag:s10], $0x800  }
0x73: {  	[sflag:s10] =	ssyncset.done $0x0  }
0x74: {  	[sflag:s10] =	ssyncadd.s32 $0xFFFFF800  }
0x75: {  	_ =	swait.ge [sflag:s10], $0x800  }
0x76: {  	[sflag:s10] =	ssyncset.done $0x0  }
0x77: {  	[sflag:s10] =	ssyncadd.s32 $0xFFFFF800  }
0x78: {  	_ =	swait.ge [sflag:s10], $0x800  }
0x79: {  	[sflag:s10] =	ssyncset.done $0x0  }
0x7a: {  	[sflag:s10] =	ssyncadd.s32 $0xFFFFF800  }
0x7b: {  	_ =	swait.ge [sflag:s10], $0x800  }
0x7c: {  	[sflag:s10] =	ssyncset.done $0x0  }
0x7d: {  	[sflag:s10] =	ssyncadd.s32 $0xFFFFF800  }
0x7e: {  	_ =	swait.ge [sflag:s10], $0x800  }
0x7f: {  	[sflag:s10] =	ssyncset.done $0x0  }
0x80: {  	[sflag:s10] =	ssyncadd.s32 $0xFFFFF800  }
0x81: {  	_ =	swait.ge [sflag:s10], $0x800  }
0x82: {  	[sflag:s10] =	ssyncset.done $0x0  }
0x83: {  	[sflag:s10] =	ssyncadd.s32 $0xFFFFF800  }
0x84: {  	_ =	swait.ge [sflag:s10], $0x800  }
0x85: {  	[sflag:s10] =	ssyncset.done $0x0  }
0x86: {  	[sflag:s10] =	ssyncadd.s32 $0xFFFFF800  }
0x87: {  	_ =	swait.ge [sflag:s10], $0x800  }
0x88: {  	[sflag:s10] =	ssyncset.done $0x0  }
0x89: {  	[sflag:s10] =	ssyncadd.s32 $0xFFFFF800  }
0x8a: {  	_ =	swait.ge [sflag:s10], $0x800  }
0x8b: {  	[sflag:s10] =	ssyncset.done $0x0  }
0x8c: {  	[sflag:s10] =	ssyncadd.s32 $0xFFFFF800  }
0x8d: {  	_ =	swait.ge [sflag:s10], $0x800  }
0x8e: {  	[sflag:s10] =	ssyncset.done $0x0  }
0x8f: {  	[sflag:s10] =	ssyncadd.s32 $0xFFFFF800  }
0x90: {  	_ =	swait.ge [sflag:s10], $0x800  }
0x91: {  	[sflag:s10] =	ssyncset.done $0x0  }
0x92: {  	[sflag:s10] =	ssyncadd.s32 $0xFFFFF800  }
0x93: {  	_ =	swait.ge [sflag:s10], $0x800  }
0x94: {  	[sflag:s10] =	ssyncset.done $0x0  }
0x95: {  	s21 =	simm.s32 $0xAA20;
	[sflag:s10] =	ssyncadd.s32 $0xFFFFF800  }
0x96: {  	s22 =	simm.s32 $0xA20;
	v0 =	vld [tilespmem:s21+$0xFFFFFFE0]  }
0x97: {  	v1 =	vld [tilespmem:s22+$0xFFFFFFE0]  }
0x98: {  	s23 =	simm.s32 $0x5A20  }
0x99: {  	v2 =	vld [tilespmem:s23+$0xFFFFFFE0];
	_ =	sdelay $0x2  }
0x9a: {  	v0 =	vadd.f32 v1, v0;
	_ =	sdelay $0x1  }
0x9b: {  	v0 =	vadd.f32 v2, v0;
	_ =	sdelay $0x1  }
0x9c: {  	v0 =	vmax.f32 v0, $0.0e+00  }
0x9d: {  	[tilespmem:s21+$0xFFFFFFE0] =	vst v0;
	v0 =	vld [tilespmem:s21+$0xFFFFFFF0]  }
0x9e: {  	v1 =	vld [tilespmem:s22+$0xFFFFFFF0];
	_ =	sdelay $0x1  }
0x9f: {  	v2 =	vld [tilespmem:s23+$0xFFFFFFF0];
	_ =	sdelay $0x2  }
0xa0: {  	v0 =	vadd.f32 v1, v0;
	_ =	sdelay $0x1  }
0xa1: {  	v0 =	vadd.f32 v2, v0;
	_ =	sdelay $0x1  }
0xa2: {  	v0 =	vmax.f32 v0, $0.0e+00  }
0xa3: {  	[tilespmem:s21+$0xFFFFFFF0] =	vst v0;
	v0 =	vld [tilespmem:s21+$0x0]  }
0xa4: {  	v1 =	vld [tilespmem:s22+$0x0];
	_ =	sdelay $0x1  }
0xa5: {  	v2 =	vld [tilespmem:s23+$0x0];
	_ =	sdelay $0x2  }
0xa6: {  	v0 =	vadd.f32 v1, v0;
	_ =	sdelay $0x1  }
0xa7: {  	v0 =	vadd.f32 v2, v0;
	_ =	sdelay $0x1  }
0xa8: {  	v0 =	vmax.f32 v0, $0.0e+00  }
0xa9: {  	[tilespmem:s21+$0x0] =	vst v0;
	v0 =	vld [tilespmem:s21+$0x10]  }
0xaa: {  	v1 =	vld [tilespmem:s22+$0x10];
	_ =	sdelay $0x1  }
0xab: {  	v2 =	vld [tilespmem:s23+$0x10];
	_ =	sdelay $0x2  }
0xac: {  	v0 =	vadd.f32 v1, v0;
	_ =	sdelay $0x1  }
0xad: {  	v0 =	vadd.f32 v2, v0;
	_ =	sdelay $0x1  }
0xae: {  	s24 =	simm.s32 $0x0;
	s25 =	simm.s32 $0xAA60;
	v0 =	vmax.f32 v0, $0.0e+00  }
.LBB2_3:
0xaf: {  	v1 =	vld [tilespmem:s25+$0xFFFFFFE0];
	[tilespmem:s21+$0x10] =	vst v0;
	s22 =	sadd.s32 $0x40, s22;
	s21 =	smov.u32 s25  }
0xb0: {  	s24 =	sadd.s32 $0x4, s24;
	s23 =	sadd.s32 $0x40, s23;
	v0 =	vld [tilespmem:s22+$0xFFFFFFE0]  }
0xb1: {  	p0 =	slt.u32 s24, $0x4FC;
	v2 =	vld [tilespmem:s23+$0xFFFFFFE0];
	_ =	sdelay $0x3  }
0xb2: {  	v0 =	vadd.f32 v0, v1;
	_ =	sdelay $0x1  }
0xb3: {  	v0 =	vadd.f32 v2, v0;
	_ =	sdelay $0x1  }
0xb4: {  	v0 =	vmax.f32 v0, $0.0e+00  }
0xb5: {  	[tilespmem:s25+$0xFFFFFFE0] =	vst v0;
	v0 =	vld [tilespmem:s25+$0xFFFFFFF0]  }
0xb6: {  	v1 =	vld [tilespmem:s22+$0xFFFFFFF0];
	_ =	sdelay $0x1  }
0xb7: {  	v2 =	vld [tilespmem:s23+$0xFFFFFFF0];
	_ =	sdelay $0x2  }
0xb8: {  	v0 =	vadd.f32 v1, v0;
	_ =	sdelay $0x1  }
0xb9: {  	v0 =	vadd.f32 v2, v0;
	_ =	sdelay $0x1  }
0xba: {  	v0 =	vmax.f32 v0, $0.0e+00  }
0xbb: {  	[tilespmem:s25+$0xFFFFFFF0] =	vst v0;
	v0 =	vld [tilespmem:s25+$0x0]  }
0xbc: {  	v1 =	vld [tilespmem:s22+$0x0];
	_ =	sdelay $0x1  }
0xbd: {  	v2 =	vld [tilespmem:s23+$0x0];
	_ =	sdelay $0x2  }
0xbe: {  	v0 =	vadd.f32 v1, v0;
	_ =	sdelay $0x1  }
0xbf: {  	v0 =	vadd.f32 v2, v0;
	_ =	sdelay $0x1  }
0xc0: {  	v0 =	vmax.f32 v0, $0.0e+00  }
0xc1: {  	[tilespmem:s25+$0x0] =	vst v0;
	v0 =	vld [tilespmem:s25+$0x10]  }
0xc2: {  	v1 =	vld [tilespmem:s22+$0x10]  }
0xc3: {  	v2 =	vld [tilespmem:s23+$0x10];
	_ =	sdelay $0x3  }
.Ltmp0:
0xc4: {  	v0 =	vadd.f32 v1, v0;
	(pc) =	sbr.rel @p0 .LBB2_3-.Ltmp0, $3  }
0xc5: {  	_ = 	snop  }
0xc6: {  	v0 =	vadd.f32 v2, v0;
	_ =	sdelay $0x1  }
0xc7: {  	s25 =	sadd.s32 $0x40, s25;
	v0 =	vmax.f32 v0, $0.0e+00  }
0xc8: {  	s2 =	sadd.s32 $0x1, s2  }
0xc9: {  	p0 =	sne.s32 s2, $0x4  }
.Ltmp1:
0xca: {  	[tilespmem:s21+$0x10] =	vst v0;
	s20 =	sadd.s32 s8, s20;
	(pc) =	sbr.rel @p0 .LBB2_2-.Ltmp1, $4  }
0xcb: {  	[hbm4b:s20+s5] =	stream.linear.scatter [tilespmem:s17], [sflag:$0x2], $0x5000, $0x38;
	[tilespmem:$0x14900] =	vst v63  }
0xcc: {  	_ =	swait.ge [sflag:s16], $0x5000  }
0xcd: {  	[sflag:s16] =	ssyncset.done $0x0  }
0xce: {  	[sflag:s16] =	ssyncadd.s32 $0xFFFFB000  }
0xcf: {  	s20 =	rddreg [dreg:$0xb]  }
0xd0: {  	s2 =	rddreg [dreg:$0x8];
	s20 =	sadd.s32 $0x1, s20  }
0xd1: {  	p0 =	sne.s32 s20, s2  }
.Ltmp2:
0xd2: {  	_ = 	snop;
	(pc) =	sbr.rel @p0 .LBB2_1-.Ltmp2, $1  }
0xd3: {  	_ =	sdelay $0x3  }
0xd4: {  	_ =	sfence.sel $0x180000  }
0xd5: {  	[bflag:$0x0] =	sbarrier.arrive $0xFFFF  }
0xd6: {  	_ =	strace $0x9000004D  }
0xd7: {  	s0 =	stileid.u32;
	[bflag:$0x2] =	sbarrier.arrive $0xFFFF  }
0xd8: {  	p0 =	sne.s32 s0, $0x0;
	s0 =	rddreg [dreg:$0x4]  }
0xd9: {  	s0 =	sadd.s32 @!p0 $0x100000, s0  }
0xda: {  	[sflag:s0] =	ssyncadd.tile.s32 @!p0 $0x1;
	_ =	shalt  }
.Lfunc_end2:
_tile_overlayer_lowered:
.L_overlay_start_2:
0xdb: {  	(tag) =	ssettag $0x2  }
0xdc: {  	s0 =	rddreg [dreg:$0x0];
	s2 =	stileid.u32  }
0xdd: {  	s1 =	rddreg [dreg:$0x1];
	p0 =	sne.s32 s2, $0x0  }
0xde: {  	s3 =	rddreg [dreg:$0x2];
	[bflag:$0x3] =	sbarrier.arrive $0xFFFF;
	s2 =	simm.s32 @!p0 $0x1C02  }
0xdf: {  	[timem:s3], [sflag:s2] =	dma.local @!p0 [hbm:s0], s1  }
0xe0: {  	s0 =	simm.s32 @!p0 $0x2  }
0xe1: {  	_ =	swait.ge @!p0 [sflag:s0], s1  }
0xe2: {  	s1 =	ssub.s32 @!p0 $0x0, s1;
	[sflag:s0] =	ssyncset.done @!p0 $0x0  }
0xe3: {  	[sflag:s0] =	ssyncadd.s32 @!p0 s1  }
0xe4: {  	[bflag:$0x3] =	sbarrier.arrive $0xFFFF  }
0xe5: {  	_ =	shalt  }

</sc_bundles>
